<compile_context>
chip_gen: v7x
topology: tpu7x:2x2x1
jax: 0.10.2.dev20260603
libtpu: 0.0.44.dev20260713+nightly
codegen_flags: <defaults>
</compile_context>

<pallas_src>
import functools

import jax
import jax.numpy as jnp
from jax import lax
from jax.experimental import pallas as pl
from jax.experimental.pallas import tpu as pltpu
from jax.experimental.pallas import tpu_sc as plsc

N = 10000
NP = 10240
E = 320000
D = 128

NC = 2
NS = 16
NW = NC * NS

EPT = E // NW
CH = 64
NCHUNK = E // CH

RPT = NP // NS
ZR = 128

_sc_mesh = plsc.VectorSubcoreMesh(
    core_axis_name="c", subcore_axis_name="s", num_cores=NC, num_subcores=NS)


def _fill_const(ref, nrows, ncols, value):
    vals = jnp.full((16,), value, jnp.float32)

    def body(i, _):
        for j in range(ncols // 16):
            ref[i, pl.ds(16 * j, 16)] = vals
        return 0

    lax.fori_loop(0, nrows, body, 0)


KC = 6
CCH = 128
CNHI = 79
CNLO = 78
CSPLIT = 4
CGROUPS = 15


@functools.partial(
    pl.kernel,
    out_type=jax.ShapeDtypeStruct((NC, NP, 16), jnp.float32),
    mesh=_sc_mesh,
    scratch_types=dict(
        cnt_sh=pltpu.VMEM_SHARED((NP, 16), jnp.float32),
        ones_v=pltpu.VMEM((CCH, 16), jnp.float32),
        didx0=pltpu.VMEM((CCH,), jnp.int32),
        didx1=pltpu.VMEM((CCH,), jnp.int32),
        didx2=pltpu.VMEM((CCH,), jnp.int32),
        didx3=pltpu.VMEM((CCH,), jnp.int32),
        didx4=pltpu.VMEM((CCH,), jnp.int32),
        didx5=pltpu.VMEM((CCH,), jnp.int32),
        zrow_v=pltpu.VMEM((RPT, 16), jnp.float32),
        isems=pltpu.SemaphoreType.DMA((KC,)),
        ssems=pltpu.SemaphoreType.DMA((KC,)),
    ),
)
def _sc_count(dst_hbm, out_hbm, cnt_sh, ones_v, didx0, didx1, didx2, didx3,
              didx4, didx5, zrow_v, isems, ssems):
    didx = [didx0, didx1, didx2, didx3, didx4, didx5]
    c = lax.axis_index("c")
    sub = lax.axis_index("s")
    wid = c * NS + sub
    nch = jnp.where(wid < CSPLIT, CNHI, CNLO)
    _fill_const(ones_v, CCH, 16, 1.0)
    _fill_const(zrow_v, RPT, 16, 0.0)
    row0 = sub * RPT
    pltpu.sync_copy(zrow_v, cnt_sh.at[pl.ds(row0, RPT)])
    plsc.subcore_barrier()

    def group(g, _):
        for k in range(KC):
            st = g * KC + k
            ks = (k + KC - 2) % KC

            @pl.when(jnp.logical_and(st >= KC, st - KC < nch))
            def _():
                pltpu.make_async_copy(
                    ones_v, cnt_sh.at[didx[k]], ssems.at[k]).wait()

            @pl.when(st < nch)
            def _():
                b = (st * NW + wid) * CCH
                pltpu.async_copy(dst_hbm.at[pl.ds(b, CCH)], didx[k],
                                 isems.at[k])

            @pl.when(jnp.logical_and(st >= 2, st - 2 < nch))
            def _():
                b = ((st - 2) * NW + wid) * CCH
                pltpu.make_async_copy(dst_hbm.at[pl.ds(b, CCH)],
                                      didx[ks], isems.at[ks]).wait()
                pltpu.async_copy(ones_v, cnt_sh.at[didx[ks]],
                                 ssems.at[ks], add=True)
        return 0

    lax.fori_loop(0, CGROUPS, group, 0)
    plsc.subcore_barrier()
    pltpu.sync_copy(cnt_sh.at[pl.ds(row0, RPT)], out_hbm.at[c, pl.ds(row0, RPT)])


K = 5
NCHHI = 157
NCHLO = 156
NCHSPLIT = 8
GROUPS = 33


def _zero_rows(ref, k, nrows, ncols):
    z = jnp.zeros((16,), jnp.float32)

    def body(i, _):
        for j in range(ncols // 16):
            ref[k, i, pl.ds(16 * j, 16)] = z
        return 0

    lax.fori_loop(0, nrows, body, 0)


@functools.partial(
    pl.kernel,
    out_type=jax.ShapeDtypeStruct((NC, NP, D), jnp.float32),
    mesh=_sc_mesh,
    scratch_types=dict(
        acc_sh=pltpu.VMEM_SHARED((NP, D), jnp.float32),
        rows_v=pltpu.VMEM((K, CH, D), jnp.float32),
        sidx0=pltpu.VMEM((CH,), jnp.int32),
        sidx1=pltpu.VMEM((CH,), jnp.int32),
        sidx2=pltpu.VMEM((CH,), jnp.int32),
        sidx3=pltpu.VMEM((CH,), jnp.int32),
        sidx4=pltpu.VMEM((CH,), jnp.int32),
        didx0=pltpu.VMEM((CH,), jnp.int32),
        didx1=pltpu.VMEM((CH,), jnp.int32),
        didx2=pltpu.VMEM((CH,), jnp.int32),
        didx3=pltpu.VMEM((CH,), jnp.int32),
        didx4=pltpu.VMEM((CH,), jnp.int32),
        isems=pltpu.SemaphoreType.DMA((K,)),
        idems=pltpu.SemaphoreType.DMA((K,)),
        gsems=pltpu.SemaphoreType.DMA((K,)),
        ssems=pltpu.SemaphoreType.DMA((K,)),
    ),
)
def _sc_scatter(g_hbm, src_hbm, dst_hbm, out_hbm, acc_sh, rows_v,
                sidx0, sidx1, sidx2, sidx3, sidx4,
                didx0, didx1, didx2, didx3, didx4,
                isems, idems, gsems, ssems):
    sidx = [sidx0, sidx1, sidx2, sidx3, sidx4]
    didx = [didx0, didx1, didx2, didx3, didx4]
    c = lax.axis_index("c")
    sub = lax.axis_index("s")
    wid = c * NS + sub
    nch = jnp.where(wid < NCHSPLIT, NCHHI, NCHLO)
    _zero_rows(rows_v, 0, CH, D)
    row0 = sub * RPT
    for j in range(RPT // CH):
        pltpu.async_copy(rows_v.at[0], acc_sh.at[pl.ds(row0 + j * CH, CH)],
                         ssems.at[0])
    for j in range(RPT // CH):
        pltpu.make_async_copy(rows_v.at[0],
                              acc_sh.at[pl.ds(row0 + j * CH, CH)],
                              ssems.at[0]).wait()
    plsc.subcore_barrier()

    def group(g, _):
        for k in range(K):
            st = g * K + k
            kg = (k + K - 1) % K
            ks = (k + K - 4) % K

            @pl.when(jnp.logical_and(st >= K, st - K < nch))
            def _():
                pltpu.make_async_copy(
                    rows_v.at[k], acc_sh.at[didx[k]], ssems.at[k]).wait()

            @pl.when(st < nch)
            def _():
                b = (st * NW + wid) * CH
                pltpu.async_copy(src_hbm.at[pl.ds(b, CH)], sidx[k],
                                 isems.at[k])
                pltpu.async_copy(dst_hbm.at[pl.ds(b, CH)], didx[k],
                                 idems.at[k])

            @pl.when(jnp.logical_and(st >= 1, st - 1 < nch))
            def _():
                b = ((st - 1) * NW + wid) * CH
                pltpu.make_async_copy(src_hbm.at[pl.ds(b, CH)],
                                      sidx[kg], isems.at[kg]).wait()
                pltpu.make_async_copy(dst_hbm.at[pl.ds(b, CH)],
                                      didx[kg], idems.at[kg]).wait()
                pltpu.async_copy(g_hbm.at[sidx[kg]], rows_v.at[kg],
                                 gsems.at[kg])

            @pl.when(jnp.logical_and(st >= 4, st - 4 < nch))
            def _():
                pltpu.make_async_copy(g_hbm.at[sidx[ks]],
                                      rows_v.at[ks], gsems.at[ks]).wait()
                pltpu.async_copy(rows_v.at[ks], acc_sh.at[didx[ks]],
                                 ssems.at[ks], add=True)
        return 0

    lax.fori_loop(0, GROUPS, group, 0)
    plsc.subcore_barrier()
    pltpu.sync_copy(acc_sh.at[pl.ds(row0, RPT)], out_hbm.at[c, pl.ds(row0, RPT)])



_BM = 2048
_GRID = NP // _BM


def _scale0_body(x_ref, degp_ref, g_ref, dinv_ref):
    dinv = lax.rsqrt(degp_ref[0] + degp_ref[1] + 1.0)
    dinv_ref[...] = dinv
    g_ref[...] = x_ref[...] * dinv[:, 0:1]


def _tc_scale0(x, degp):
    return pl.pallas_call(
        _scale0_body,
        grid=(_GRID,),
        in_specs=[
            pl.BlockSpec((_BM, D), lambda i: (i, 0)),
            pl.BlockSpec((NC, _BM, 16), lambda i: (0, i, 0)),
        ],
        out_specs=[
            pl.BlockSpec((_BM, D), lambda i: (i, 0)),
            pl.BlockSpec((_BM, 16), lambda i: (i, 0)),
        ],
        out_shape=[
            jax.ShapeDtypeStruct((NP, D), jnp.float32),
            jax.ShapeDtypeStruct((NP, 16), jnp.float32),
        ],
    )(x, degp)


def _mid_body(s_ref, g_ref, dinv_ref, b_ref, w_ref, out_ref):
    di = dinv_ref[:, 0:1]
    agg = s_ref[0] + s_ref[1] + g_ref[...]
    pre = jnp.dot(agg, w_ref[...], preferred_element_type=jnp.float32)
    h = jnp.maximum(pre * di + b_ref[...], 0.0)
    out_ref[...] = h * di


def _tc_mid(S, gt, dinv16, b, W):
    return pl.pallas_call(
        _mid_body,
        grid=(_GRID,),
        in_specs=[
            pl.BlockSpec((NC, _BM, D), lambda i: (0, i, 0)),
            pl.BlockSpec((_BM, D), lambda i: (i, 0)),
            pl.BlockSpec((_BM, 16), lambda i: (i, 0)),
            pl.BlockSpec((1, D), lambda i: (0, 0)),
            pl.BlockSpec((D, D), lambda i: (0, 0)),
        ],
        out_specs=pl.BlockSpec((_BM, D), lambda i: (i, 0)),
        out_shape=jax.ShapeDtypeStruct((NP, D), jnp.float32),
    )(S, gt, dinv16, b, W)


def _fin_body(s_ref, g_ref, dinv_ref, b_ref, w_ref, wfc_ref, bfc_ref, out_ref):
    di = dinv_ref[:, 0:1]
    agg = s_ref[0] + s_ref[1] + g_ref[...]
    pre = jnp.dot(agg, w_ref[...], preferred_element_type=jnp.float32)
    h = jnp.maximum(pre * di + b_ref[...], 0.0)
    z = jnp.dot(h, wfc_ref[...], preferred_element_type=jnp.float32)
    out_ref[...] = jax.nn.sigmoid(z + bfc_ref[...])


def _tc_fin(S, gt, dinv16, b, W, Wfc, bfc):
    return pl.pallas_call(
        _fin_body,
        grid=(_GRID,),
        in_specs=[
            pl.BlockSpec((NC, _BM, D), lambda i: (0, i, 0)),
            pl.BlockSpec((_BM, D), lambda i: (i, 0)),
            pl.BlockSpec((_BM, 16), lambda i: (i, 0)),
            pl.BlockSpec((1, D), lambda i: (0, 0)),
            pl.BlockSpec((D, D), lambda i: (0, 0)),
            pl.BlockSpec((D, 1), lambda i: (0, 0)),
            pl.BlockSpec((1, 1), lambda i: (0, 0)),
        ],
        out_specs=pl.BlockSpec((_BM, 1), lambda i: (i, 0)),
        out_shape=jax.ShapeDtypeStruct((NP, 1), jnp.float32),
    )(S, gt, dinv16, b, W, Wfc, bfc)


def kernel(x, edge_index, W1, b1, W2, b2, Wfc, bfc):
    ei = edge_index.astype(jnp.int32)
    src = ei[0]
    dst = ei[1]
    xp = jnp.pad(x, ((0, NP - N), (0, 0)))
    degp = _sc_count(dst)
    gt1, dinv16 = _tc_scale0(xp, degp)
    S1 = _sc_scatter(gt1, src, dst)
    gt2 = _tc_mid(S1, gt1, dinv16, b1.reshape(1, D), W1)
    S2 = _sc_scatter(gt2, src, dst)
    out = _tc_fin(S2, gt2, dinv16, b2.reshape(1, D), W2, Wfc, bfc.reshape(1, 1))
    return out[:N]

# --- scband reference (transcript-rebuilt; emitter-appended) ---
"""Pipeline reference for scband-flow-matching-gnn-41644002902519 (READ-ONLY COPY).

The authoritative reference and input builder live on the scoring server;
editing this copy changes nothing except your own understanding.
"""

import jax, jax.numpy as jnp
import numpy as np

N_NODES = 10000
N_EDGES = 320000
D_IN = 128
D_HID = 128


def gcn_conv(x, edge_index, W, b):
    n = x.shape[0]
    src = edge_index[0]
    dst = edge_index[1]
    # add self loops (PyG GCNConv default)
    loops = jnp.arange(n, dtype=src.dtype)
    src = jnp.concatenate([src, loops])
    dst = jnp.concatenate([dst, loops])
    # symmetric normalization D^{-1/2} (A+I) D^{-1/2}
    deg = jax.ops.segment_sum(jnp.ones(src.shape[0], dtype=x.dtype), dst, num_segments=n)
    dinv = jnp.where(deg > 0, deg ** -0.5, 0.0)
    norm = dinv[src] * dinv[dst]
    h = x @ W
    msg = h[src] * norm[:, None]
    out = jax.ops.segment_sum(msg, dst, num_segments=n)
    return out + b


def setup_inputs(seed: int = 0) -> dict:
    key = jax.random.key(seed)
    k = [jax.random.fold_in(key, i) for i in range(10)]
    x = jax.random.normal(k[0], (N_NODES, D_IN), dtype=jnp.float32)
    edge_index = jax.random.randint(k[1], (2, N_EDGES), 0, N_NODES, dtype=jnp.int64)
    W1 = jax.random.normal(k[2], (D_IN, D_HID), dtype=jnp.float32) * (1.0 / np.sqrt(D_IN))
    b1 = jnp.zeros((D_HID,), dtype=jnp.float32)
    W2 = jax.random.normal(k[3], (D_HID, D_HID), dtype=jnp.float32) * (1.0 / np.sqrt(D_HID))
    b2 = jnp.zeros((D_HID,), dtype=jnp.float32)
    Wfc = jax.random.normal(k[4], (D_HID, 1), dtype=jnp.float32) * (1.0 / np.sqrt(D_HID))
    bfc = jnp.zeros((1,), dtype=jnp.float32)
    return {"x": x, "edge_index": edge_index, "W1": W1, "b1": b1, "W2": W2, "b2": b2, "Wfc": Wfc, "bfc": bfc}


def reference(x, edge_index, W1, b1, W2, b2, Wfc, bfc):
    h = jax.nn.relu(gcn_conv(x, edge_index, W1, b1))
    h = jax.nn.relu(gcn_conv(h, edge_index, W2, b2))
    return jax.nn.sigmoid(h @ Wfc + bfc)

if __name__ == "__main__":
    import jax
    _d = setup_inputs()
    print(jax.jit(kernel)(*tuple(_d.values())))

</pallas_src>

<mosaic_0001>
#map = affine_map<(d0, d1) -> (0)>
#map1 = affine_map<(d0, d1) -> (0, 0, 0)>
module attributes {stable_mosaic.version = 14 : i64} {
  func.func @_sc_count(%arg0: i32, %arg1: i32, %arg2: memref<320000xi32, #tpu.memory_space<hbm>>, %arg3: memref<2x10240x16xf32, #tpu.memory_space<hbm>>, %arg4: memref<10240x16xf32, #tpu.memory_space<vmem_shared>>, %arg5: memref<128xi32, #tpu.memory_space<vmem>>, %arg6: memref<128xi32, #tpu.memory_space<vmem>>, %arg7: memref<128xi32, #tpu.memory_space<vmem>>, %arg8: memref<128xi32, #tpu.memory_space<vmem>>, %arg9: memref<128xi32, #tpu.memory_space<vmem>>, %arg10: memref<128xi32, #tpu.memory_space<vmem>>, %arg11: memref<6x!tpu.dma_semaphore, #tpu.memory_space<semaphore_mem>>, %arg12: memref<128x16xf32, #tpu.memory_space<vmem>>, %arg13: memref<6x!tpu.dma_semaphore, #tpu.memory_space<semaphore_mem>>, %arg14: memref<640x16xf32, #tpu.memory_space<vmem>>) attributes {dimension_semantics = [#tpu.dimension_semantics<core_parallel>, #tpu.dimension_semantics<subcore_parallel>], iteration_bounds = array<i64: 2, 16>, scalar_prefetch = 0 : i64, scratch_operands = 11 : i64, tpu.core_type = #tpu.core_type<sc_vector_subcore>, window_params = [{transform_indices = #map}, {transform_indices = #map1}]} {
    %mul3A = arith.constant 16 : i32
    %mul3A_0 = arith.muli %arg0, %mul3A : i32
    %add3A = arith.addi %mul3A_0, %arg1 : i32
    %lt3A = arith.constant 4 : i32
    %lt3A_1 = arith.cmpi slt, %add3A, %lt3A : i32
    %jit3A = arith.constant 79 : i32
    %jit3A_2 = arith.constant 78 : i32
    %select_n3A = arith.select %lt3A_1, %jit3A, %jit3A_2 : i32
    %broadcast_in_dim3A = arith.constant 1.000000e+00 : f32
    %broadcast_in_dim3A_3 = vector.broadcast %broadcast_in_dim3A : f32 to vector<16xf32>
    %scan3A = arith.constant 0 : i32
    %scan3A_4 = arith.constant 0 : i32
    %scan3A_5 = arith.constant 128 : i32
    %scan3A_6 = arith.addi %scan3A_4, %scan3A_5 : i32
    %scan3A_7 = arith.constant 1 : i32
    %scan3A_8 = scf.for %scan3A_29 = %scan3A_4 to %scan3A_6 step %scan3A_7 iter_args(%scan3A_30 = %scan3A) -> (i32)  : i32 {
      %swap3A = arith.index_cast %scan3A_29 : i32 to index
      %swap3A_31 = arith.constant 0 : index
      %swap3A_32 = tpu.vector_load %arg12[%swap3A, %swap3A_31] {strides = array<i32>} : memref<128x16xf32, #tpu.memory_space<vmem>>, vector<1x16xf32>,
      %swap3A_33 = vector.shape_cast %swap3A_32 : vector<1x16xf32> to vector<16xf32>
      %swap3A_34 = vector.shape_cast %broadcast_in_dim3A_3 : vector<16xf32> to vector<1x16xf32>
      tpu.vector_store %arg12[%swap3A, %swap3A_31], %swap3A_34 {strides = array<i32>} : memref<128x16xf32, #tpu.memory_space<vmem>>, vector<1x16xf32>,
      %scan3A_35 = arith.constant 0 : i32
      scf.yield %scan3A_35 : i32
    }
    %scan3A_9 = arith.constant 128 : i32
    %broadcast_in_dim3A_10 = arith.constant 0.000000e+00 : f32
    %broadcast_in_dim3A_11 = vector.broadcast %broadcast_in_dim3A_10 : f32 to vector<16xf32>
    %scan3A_12 = arith.constant 0 : i32
    %scan3A_13 = arith.constant 0 : i32
    %scan3A_14 = arith.constant 640 : i32
    %scan3A_15 = arith.addi %scan3A_13, %scan3A_14 : i32
    %scan3A_16 = arith.constant 1 : i32
    %scan3A_17 = scf.for %scan3A_29 = %scan3A_13 to %scan3A_15 step %scan3A_16 iter_args(%scan3A_30 = %scan3A_12) -> (i32)  : i32 {
      %swap3A = arith.index_cast %scan3A_29 : i32 to index
      %swap3A_31 = arith.constant 0 : index
      %swap3A_32 = tpu.vector_load %arg14[%swap3A, %swap3A_31] {strides = array<i32>} : memref<640x16xf32, #tpu.memory_space<vmem>>, vector<1x16xf32>,
      %swap3A_33 = vector.shape_cast %swap3A_32 : vector<1x16xf32> to vector<16xf32>
      %swap3A_34 = vector.shape_cast %broadcast_in_dim3A_11 : vector<16xf32> to vector<1x16xf32>
      tpu.vector_store %arg14[%swap3A, %swap3A_31], %swap3A_34 {strides = array<i32>} : memref<640x16xf32, #tpu.memory_space<vmem>>, vector<1x16xf32>,
      %scan3A_35 = arith.constant 0 : i32
      scf.yield %scan3A_35 : i32
    }
    %scan3A_18 = arith.constant 640 : i32
    %mul3A_19 = arith.constant 640 : i32
    %mul3A_20 = arith.muli %arg1, %mul3A_19 : i32
    "tpu.region"() ({
      %run_scoped3A = tpu.sem_alloc : memref<!tpu.dma_semaphore, #tpu.memory_space<semaphore_mem>>
      %dma_start3A = arith.constant 0 : i32
      %dma_start3A_29 = tpu.memref_slice %arg4[%mul3A_20, %dma_start3A] : memref<10240x16xf32, #tpu.memory_space<vmem_shared>> -> memref<640x16xf32, #tpu.memory_space<vmem_shared>>
      %dma_start3A_30 = arith.constant 0 : i32
      %dma_start3A_31 = tpu.memref_slice %arg4[%mul3A_20, %dma_start3A_30] : memref<10240x16xf32, #tpu.memory_space<vmem_shared>> -> memref<640x16xf32, #tpu.memory_space<vmem_shared>>
      tpu.enqueue_dma source(%arg14 : memref<640x16xf32, #tpu.memory_space<vmem>>) target(%dma_start3A_31 : memref<640x16xf32, #tpu.memory_space<vmem_shared>>) target_semaphore(%run_scoped3A : memref<!tpu.dma_semaphore, #tpu.memory_space<semaphore_mem>>)
      %dma_wait3A = arith.constant 0 : i32
      %dma_wait3A_32 = tpu.memref_slice %arg4[%mul3A_20, %dma_wait3A] : memref<10240x16xf32, #tpu.memory_space<vmem_shared>> -> memref<640x16xf32, #tpu.memory_space<vmem_shared>>
      %dma_wait3A_33 = arith.constant 0 : i32
      %dma_wait3A_34 = tpu.memref_slice %arg4[%mul3A_20, %dma_wait3A_33] : memref<10240x16xf32, #tpu.memory_space<vmem_shared>> -> memref<640x16xf32, #tpu.memory_space<vmem_shared>>
      tpu.wait_dma2 semaphore(%run_scoped3A : memref<!tpu.dma_semaphore, #tpu.memory_space<semaphore_mem>>) src(%arg14 : memref<640x16xf32, #tpu.memory_space<vmem>>) dst(%dma_wait3A_34 : memref<640x16xf32, #tpu.memory_space<vmem_shared>>)
      tpu.yield
    }) : () -> ()
    %barrier3A = arith.constant 0 : index
    tpu.barrier barrier_id(%barrier3A)
    %scan3A_21 = arith.constant 0 : i32
    %scan3A_22 = arith.constant 0 : i32
    %scan3A_23 = arith.constant 15 : i32
    %scan3A_24 = arith.addi %scan3A_22, %scan3A_23 : i32
    %scan3A_25 = arith.constant 1 : i32
    %scan3A_26 = scf.for %scan3A_29 = %scan3A_22 to %scan3A_24 step %scan3A_25 iter_args(%scan3A_30 = %scan3A_21) -> (i32)  : i32 {
      %mul3A_31 = arith.constant 6 : i32
      %mul3A_32 = arith.muli %scan3A_29, %mul3A_31 : i32
      %add3A_33 = arith.constant 0 : i32
      %add3A_34 = arith.addi %mul3A_32, %add3A_33 : i32
      %ge3A = arith.constant 6 : i32
      %ge3A_35 = arith.cmpi sge, %add3A_34, %ge3A : i32
      %sub3A = arith.constant 6 : i32
      %sub3A_36 = arith.subi %add3A_34, %sub3A : i32
      %lt3A_37 = arith.cmpi slt, %sub3A_36, %select_n3A : i32
      %and3A = arith.andi %ge3A_35, %lt3A_37 : i1
      %convert_element_type3A = arith.extui %and3A : i1 to i32
      %cond3A = arith.constant 0 : i32
      %cond3A_38 = arith.cmpi ne, %convert_element_type3A, %cond3A : i32
      scf.if %cond3A_38 {
        %dma_wait3A = arith.constant 0 : i32
        %dma_wait3A_183 = arith.constant 0 : i32
        %dma_wait3A_184 = arith.constant 0 : i32
        %dma_wait3A_185 = tpu.memref_slice %arg4[%dma_wait3A_183, %dma_wait3A_184] : memref<10240x16xf32, #tpu.memory_space<vmem_shared>> -> memref<10240x16xf32, #tpu.memory_space<vmem_shared>>
        %dma_wait3A_186 = tpu.memref_slice %arg13[%dma_wait3A] : memref<6x!tpu.dma_semaphore, #tpu.memory_space<semaphore_mem>> -> memref<1x!tpu.dma_semaphore, #tpu.memory_space<semaphore_mem>>
        %dma_wait3A_187 = tpu.memref_squeeze %dma_wait3A_186 : memref<1x!tpu.dma_semaphore, #tpu.memory_space<semaphore_mem>> -> memref<!tpu.dma_semaphore, #tpu.memory_space<semaphore_mem>>
        tpu.wait_indirect_dma semaphore(%dma_wait3A_187 : memref<!tpu.dma_semaphore, #tpu.memory_space<semaphore_mem>>) src(%arg12 : memref<128x16xf32, #tpu.memory_space<vmem>>) dst(%dma_wait3A_185 : memref<10240x16xf32, #tpu.memory_space<vmem_shared>>)
      } else {
      }
      %lt3A_39 = arith.cmpi slt, %add3A_34, %select_n3A : i32
      %convert_element_type3A_40 = arith.extui %lt3A_39 : i1 to i32
      %cond3A_41 = arith.constant 0 : i32
      %cond3A_42 = arith.cmpi ne, %convert_element_type3A_40, %cond3A_41 : i32
      scf.if %cond3A_42 {
        %mul3A_183 = arith.constant 32 : i32
        %mul3A_184 = arith.muli %add3A_34, %mul3A_183 : i32
        %add3A_185 = arith.addi %mul3A_184, %add3A : i32
        %mul3A_186 = arith.constant 128 : i32
        %mul3A_187 = arith.muli %add3A_185, %mul3A_186 : i32
        %dma_start3A = arith.constant 0 : i32
        %dma_start3A_188 = tpu.memref_slice %arg2[%mul3A_187] : memref<320000xi32, #tpu.memory_space<hbm>> -> memref<128xi32, #tpu.memory_space<hbm>>
        %dma_start3A_189 = tpu.memref_slice %arg11[%dma_start3A] : memref<6x!tpu.dma_semaphore, #tpu.memory_space<semaphore_mem>> -> memref<1x!tpu.dma_semaphore, #tpu.memory_space<semaphore_mem>>
        %dma_start3A_190 = tpu.memref_squeeze %dma_start3A_189 : memref<1x!tpu.dma_semaphore, #tpu.memory_space<semaphore_mem>> -> memref<!tpu.dma_semaphore, #tpu.memory_space<semaphore_mem>>
        %dma_start3A_191 = tpu.memref_slice %arg2[%mul3A_187] : memref<320000xi32, #tpu.memory_space<hbm>> -> memref<128xi32, #tpu.memory_space<hbm>>
        tpu.enqueue_dma source(%dma_start3A_191 : memref<128xi32, #tpu.memory_space<hbm>>) target(%arg5 : memref<128xi32, #tpu.memory_space<vmem>>) target_semaphore(%dma_start3A_190 : memref<!tpu.dma_semaphore, #tpu.memory_space<semaphore_mem>>)
      } else {
      }
      %ge3A_43 = arith.constant 2 : i32
      %ge3A_44 = arith.cmpi sge, %add3A_34, %ge3A_43 : i32
      %sub3A_45 = arith.constant 2 : i32
      %sub3A_46 = arith.subi %add3A_34, %sub3A_45 : i32
      %lt3A_47 = arith.cmpi slt, %sub3A_46, %select_n3A : i32
      %and3A_48 = arith.andi %ge3A_44, %lt3A_47 : i1
      %convert_element_type3A_49 = arith.extui %and3A_48 : i1 to i32
      %cond3A_50 = arith.constant 0 : i32
      %cond3A_51 = arith.cmpi ne, %convert_element_type3A_49, %cond3A_50 : i32
      scf.if %cond3A_51 {
        %sub3A_183 = arith.constant 2 : i32
        %sub3A_184 = arith.subi %add3A_34, %sub3A_183 : i32
        %mul3A_185 = arith.constant 32 : i32
        %mul3A_186 = arith.muli %sub3A_184, %mul3A_185 : i32
        %add3A_187 = arith.addi %mul3A_186, %add3A : i32
        %mul3A_188 = arith.constant 128 : i32
        %mul3A_189 = arith.muli %add3A_187, %mul3A_188 : i32
        %dma_wait3A = arith.constant 4 : i32
        %dma_wait3A_190 = tpu.memref_slice %arg2[%mul3A_189] : memref<320000xi32, #tpu.memory_space<hbm>> -> memref<128xi32, #tpu.memory_space<hbm>>
        %dma_wait3A_191 = tpu.memref_slice %arg11[%dma_wait3A] : memref<6x!tpu.dma_semaphore, #tpu.memory_space<semaphore_mem>> -> memref<1x!tpu.dma_semaphore, #tpu.memory_space<semaphore_mem>>
        %dma_wait3A_192 = tpu.memref_squeeze %dma_wait3A_191 : memref<1x!tpu.dma_semaphore, #tpu.memory_space<semaphore_mem>> -> memref<!tpu.dma_semaphore, #tpu.memory_space<semaphore_mem>>
        %dma_wait3A_193 = tpu.memref_slice %arg2[%mul3A_189] : memref<320000xi32, #tpu.memory_space<hbm>> -> memref<128xi32, #tpu.memory_space<hbm>>
        tpu.wait_dma2 semaphore(%dma_wait3A_192 : memref<!tpu.dma_semaphore, #tpu.memory_space<semaphore_mem>>) src(%dma_wait3A_193 : memref<128xi32, #tpu.memory_space<hbm>>) dst(%arg9 : memref<128xi32, #tpu.memory_space<vmem>>)
        %dma_start3A = arith.constant 4 : i32
        %dma_start3A_194 = arith.constant 0 : i32
        %dma_start3A_195 = arith.constant 0 : i32
        %dma_start3A_196 = tpu.memref_slice %arg4[%dma_start3A_194, %dma_start3A_195] : memref<10240x16xf32, #tpu.memory_space<vmem_shared>> -> memref<10240x16xf32, #tpu.memory_space<vmem_shared>>
        %dma_start3A_197 = tpu.memref_slice %arg13[%dma_start3A] : memref<6x!tpu.dma_semaphore, #tpu.memory_space<semaphore_mem>> -> memref<1x!tpu.dma_semaphore, #tpu.memory_space<semaphore_mem>>
        %dma_start3A_198 = tpu.memref_squeeze %dma_start3A_197 : memref<1x!tpu.dma_semaphore, #tpu.memory_space<semaphore_mem>> -> memref<!tpu.dma_semaphore, #tpu.memory_space<semaphore_mem>>
        tpu.enqueue_indirect_dma source(%arg12 : memref<128x16xf32, #tpu.memory_space<vmem>>) target(%dma_start3A_196 : memref<10240x16xf32, #tpu.memory_space<vmem_shared>>) offsets(%arg9 : memref<128xi32, #tpu.memory_space<vmem>>) semaphore(%dma_start3A_198 : memref<!tpu.dma_semaphore, #tpu.memory_space<semaphore_mem>>) {add = true}
      } else {
      }
      %mul3A_52 = arith.constant 6 : i32
      %mul3A_53 = arith.muli %scan3A_29, %mul3A_52 : i32
      %add3A_54 = arith.constant 1 : i32
      %add3A_55 = arith.addi %mul3A_53, %add3A_54 : i32
      %ge3A_56 = arith.constant 6 : i32
      %ge3A_57 = arith.cmpi sge, %add3A_55, %ge3A_56 : i32
      %sub3A_58 = arith.constant 6 : i32
      %sub3A_59 = arith.subi %add3A_55, %sub3A_58 : i32
      %lt3A_60 = arith.cmpi slt, %sub3A_59, %select_n3A : i32
      %and3A_61 = arith.andi %ge3A_57, %lt3A_60 : i1
      %convert_element_type3A_62 = arith.extui %and3A_61 : i1 to i32
      %cond3A_63 = arith.constant 0 : i32
      %cond3A_64 = arith.cmpi ne, %convert_element_type3A_62, %cond3A_63 : i32
      scf.if %cond3A_64 {
        %dma_wait3A = arith.constant 1 : i32
        %dma_wait3A_183 = arith.constant 0 : i32
        %dma_wait3A_184 = arith.constant 0 : i32
        %dma_wait3A_185 = tpu.memref_slice %arg4[%dma_wait3A_183, %dma_wait3A_184] : memref<10240x16xf32, #tpu.memory_space<vmem_shared>> -> memref<10240x16xf32, #tpu.memory_space<vmem_shared>>
        %dma_wait3A_186 = tpu.memref_slice %arg13[%dma_wait3A] : memref<6x!tpu.dma_semaphore, #tpu.memory_space<semaphore_mem>> -> memref<1x!tpu.dma_semaphore, #tpu.memory_space<semaphore_mem>>
        %dma_wait3A_187 = tpu.memref_squeeze %dma_wait3A_186 : memref<1x!tpu.dma_semaphore, #tpu.memory_space<semaphore_mem>> -> memref<!tpu.dma_semaphore, #tpu.memory_space<semaphore_mem>>
        tpu.wait_indirect_dma semaphore(%dma_wait3A_187 : memref<!tpu.dma_semaphore, #tpu.memory_space<semaphore_mem>>) src(%arg12 : memref<128x16xf32, #tpu.memory_space<vmem>>) dst(%dma_wait3A_185 : memref<10240x16xf32, #tpu.memory_space<vmem_shared>>)
      } else {
      }
      %lt3A_65 = arith.cmpi slt, %add3A_55, %select_n3A : i32
      %convert_element_type3A_66 = arith.extui %lt3A_65 : i1 to i32
      %cond3A_67 = arith.constant 0 : i32
      %cond3A_68 = arith.cmpi ne, %convert_element_type3A_66, %cond3A_67 : i32
      scf.if %cond3A_68 {
        %mul3A_183 = arith.constant 32 : i32
        %mul3A_184 = arith.muli %add3A_55, %mul3A_183 : i32
        %add3A_185 = arith.addi %mul3A_184, %add3A : i32
        %mul3A_186 = arith.constant 128 : i32
        %mul3A_187 = arith.muli %add3A_185, %mul3A_186 : i32
        %dma_start3A = arith.constant 1 : i32
        %dma_start3A_188 = tpu.memref_slice %arg2[%mul3A_187] : memref<320000xi32, #tpu.memory_space<hbm>> -> memref<128xi32, #tpu.memory_space<hbm>>
        %dma_start3A_189 = tpu.memref_slice %arg11[%dma_start3A] : memref<6x!tpu.dma_semaphore, #tpu.memory_space<semaphore_mem>> -> memref<1x!tpu.dma_semaphore, #tpu.memory_space<semaphore_mem>>
        %dma_start3A_190 = tpu.memref_squeeze %dma_start3A_189 : memref<1x!tpu.dma_semaphore, #tpu.memory_space<semaphore_mem>> -> memref<!tpu.dma_semaphore, #tpu.memory_space<semaphore_mem>>
        %dma_start3A_191 = tpu.memref_slice %arg2[%mul3A_187] : memref<320000xi32, #tpu.memory_space<hbm>> -> memref<128xi32, #tpu.memory_space<hbm>>
        tpu.enqueue_dma source(%dma_start3A_191 : memref<128xi32, #tpu.memory_space<hbm>>) target(%arg6 : memref<128xi32, #tpu.memory_space<vmem>>) target_semaphore(%dma_start3A_190 : memref<!tpu.dma_semaphore, #tpu.memory_space<semaphore_mem>>)
      } else {
      }
      %ge3A_69 = arith.constant 2 : i32
      %ge3A_70 = arith.cmpi sge, %add3A_55, %ge3A_69 : i32
      %sub3A_71 = arith.constant 2 : i32
      %sub3A_72 = arith.subi %add3A_55, %sub3A_71 : i32
      %lt3A_73 = arith.cmpi slt, %sub3A_72, %select_n3A : i32
      %and3A_74 = arith.andi %ge3A_70, %lt3A_73 : i1
      %convert_element_type3A_75 = arith.extui %and3A_74 : i1 to i32
      %cond3A_76 = arith.constant 0 : i32
      %cond3A_77 = arith.cmpi ne, %convert_element_type3A_75, %cond3A_76 : i32
      scf.if %cond3A_77 {
        %sub3A_183 = arith.constant 2 : i32
        %sub3A_184 = arith.subi %add3A_55, %sub3A_183 : i32
        %mul3A_185 = arith.constant 32 : i32
        %mul3A_186 = arith.muli %sub3A_184, %mul3A_185 : i32
        %add3A_187 = arith.addi %mul3A_186, %add3A : i32
        %mul3A_188 = arith.constant 128 : i32
        %mul3A_189 = arith.muli %add3A_187, %mul3A_188 : i32
        %dma_wait3A = arith.constant 5 : i32
        %dma_wait3A_190 = tpu.memref_slice %arg2[%mul3A_189] : memref<320000xi32, #tpu.memory_space<hbm>> -> memref<128xi32, #tpu.memory_space<hbm>>
        %dma_wait3A_191 = tpu.memref_slice %arg11[%dma_wait3A] : memref<6x!tpu.dma_semaphore, #tpu.memory_space<semaphore_mem>> -> memref<1x!tpu.dma_semaphore, #tpu.memory_space<semaphore_mem>>
        %dma_wait3A_192 = tpu.memref_squeeze %dma_wait3A_191 : memref<1x!tpu.dma_semaphore, #tpu.memory_space<semaphore_mem>> -> memref<!tpu.dma_semaphore, #tpu.memory_space<semaphore_mem>>
        %dma_wait3A_193 = tpu.memref_slice %arg2[%mul3A_189] : memref<320000xi32, #tpu.memory_space<hbm>> -> memref<128xi32, #tpu.memory_space<hbm>>
        tpu.wait_dma2 semaphore(%dma_wait3A_192 : memref<!tpu.dma_semaphore, #tpu.memory_space<semaphore_mem>>) src(%dma_wait3A_193 : memref<128xi32, #tpu.memory_space<hbm>>) dst(%arg10 : memref<128xi32, #tpu.memory_space<vmem>>)
        %dma_start3A = arith.constant 5 : i32
        %dma_start3A_194 = arith.constant 0 : i32
        %dma_start3A_195 = arith.constant 0 : i32
        %dma_start3A_196 = tpu.memref_slice %arg4[%dma_start3A_194, %dma_start3A_195] : memref<10240x16xf32, #tpu.memory_space<vmem_shared>> -> memref<10240x16xf32, #tpu.memory_space<vmem_shared>>
        %dma_start3A_197 = tpu.memref_slice %arg13[%dma_start3A] : memref<6x!tpu.dma_semaphore, #tpu.memory_space<semaphore_mem>> -> memref<1x!tpu.dma_semaphore, #tpu.memory_space<semaphore_mem>>
        %dma_start3A_198 = tpu.memref_squeeze %dma_start3A_197 : memref<1x!tpu.dma_semaphore, #tpu.memory_space<semaphore_mem>> -> memref<!tpu.dma_semaphore, #tpu.memory_space<semaphore_mem>>
        tpu.enqueue_indirect_dma source(%arg12 : memref<128x16xf32, #tpu.memory_space<vmem>>) target(%dma_start3A_196 : memref<10240x16xf32, #tpu.memory_space<vmem_shared>>) offsets(%arg10 : memref<128xi32, #tpu.memory_space<vmem>>) semaphore(%dma_start3A_198 : memref<!tpu.dma_semaphore, #tpu.memory_space<semaphore_mem>>) {add = true}
      } else {
      }
      %mul3A_78 = arith.constant 6 : i32
      %mul3A_79 = arith.muli %scan3A_29, %mul3A_78 : i32
      %add3A_80 = arith.constant 2 : i32
      %add3A_81 = arith.addi %mul3A_79, %add3A_80 : i32
      %ge3A_82 = arith.constant 6 : i32
      %ge3A_83 = arith.cmpi sge, %add3A_81, %ge3A_82 : i32
      %sub3A_84 = arith.constant 6 : i32
      %sub3A_85 = arith.subi %add3A_81, %sub3A_84 : i32
      %lt3A_86 = arith.cmpi slt, %sub3A_85, %select_n3A : i32
      %and3A_87 = arith.andi %ge3A_83, %lt3A_86 : i1
      %convert_element_type3A_88 = arith.extui %and3A_87 : i1 to i32
      %cond3A_89 = arith.constant 0 : i32
      %cond3A_90 = arith.cmpi ne, %convert_element_type3A_88, %cond3A_89 : i32
      scf.if %cond3A_90 {
        %dma_wait3A = arith.constant 2 : i32
        %dma_wait3A_183 = arith.constant 0 : i32
        %dma_wait3A_184 = arith.constant 0 : i32
        %dma_wait3A_185 = tpu.memref_slice %arg4[%dma_wait3A_183, %dma_wait3A_184] : memref<10240x16xf32, #tpu.memory_space<vmem_shared>> -> memref<10240x16xf32, #tpu.memory_space<vmem_shared>>
        %dma_wait3A_186 = tpu.memref_slice %arg13[%dma_wait3A] : memref<6x!tpu.dma_semaphore, #tpu.memory_space<semaphore_mem>> -> memref<1x!tpu.dma_semaphore, #tpu.memory_space<semaphore_mem>>
        %dma_wait3A_187 = tpu.memref_squeeze %dma_wait3A_186 : memref<1x!tpu.dma_semaphore, #tpu.memory_space<semaphore_mem>> -> memref<!tpu.dma_semaphore, #tpu.memory_space<semaphore_mem>>
        tpu.wait_indirect_dma semaphore(%dma_wait3A_187 : memref<!tpu.dma_semaphore, #tpu.memory_space<semaphore_mem>>) src(%arg12 : memref<128x16xf32, #tpu.memory_space<vmem>>) dst(%dma_wait3A_185 : memref<10240x16xf32, #tpu.memory_space<vmem_shared>>)
      } else {
      }
      %lt3A_91 = arith.cmpi slt, %add3A_81, %select_n3A : i32
      %convert_element_type3A_92 = arith.extui %lt3A_91 : i1 to i32
      %cond3A_93 = arith.constant 0 : i32
      %cond3A_94 = arith.cmpi ne, %convert_element_type3A_92, %cond3A_93 : i32
      scf.if %cond3A_94 {
        %mul3A_183 = arith.constant 32 : i32
        %mul3A_184 = arith.muli %add3A_81, %mul3A_183 : i32
        %add3A_185 = arith.addi %mul3A_184, %add3A : i32
        %mul3A_186 = arith.constant 128 : i32
        %mul3A_187 = arith.muli %add3A_185, %mul3A_186 : i32
        %dma_start3A = arith.constant 2 : i32
        %dma_start3A_188 = tpu.memref_slice %arg2[%mul3A_187] : memref<320000xi32, #tpu.memory_space<hbm>> -> memref<128xi32, #tpu.memory_space<hbm>>
        %dma_start3A_189 = tpu.memref_slice %arg11[%dma_start3A] : memref<6x!tpu.dma_semaphore, #tpu.memory_space<semaphore_mem>> -> memref<1x!tpu.dma_semaphore, #tpu.memory_space<semaphore_mem>>
        %dma_start3A_190 = tpu.memref_squeeze %dma_start3A_189 : memref<1x!tpu.dma_semaphore, #tpu.memory_space<semaphore_mem>> -> memref<!tpu.dma_semaphore, #tpu.memory_space<semaphore_mem>>
        %dma_start3A_191 = tpu.memref_slice %arg2[%mul3A_187] : memref<320000xi32, #tpu.memory_space<hbm>> -> memref<128xi32, #tpu.memory_space<hbm>>
        tpu.enqueue_dma source(%dma_start3A_191 : memref<128xi32, #tpu.memory_space<hbm>>) target(%arg7 : memref<128xi32, #tpu.memory_space<vmem>>) target_semaphore(%dma_start3A_190 : memref<!tpu.dma_semaphore, #tpu.memory_space<semaphore_mem>>)
      } else {
      }
      %ge3A_95 = arith.constant 2 : i32
      %ge3A_96 = arith.cmpi sge, %add3A_81, %ge3A_95 : i32
      %sub3A_97 = arith.constant 2 : i32
      %sub3A_98 = arith.subi %add3A_81, %sub3A_97 : i32
      %lt3A_99 = arith.cmpi slt, %sub3A_98, %select_n3A : i32
      %and3A_100 = arith.andi %ge3A_96, %lt3A_99 : i1
      %convert_element_type3A_101 = arith.extui %and3A_100 : i1 to i32
      %cond3A_102 = arith.constant 0 : i32
      %cond3A_103 = arith.cmpi ne, %convert_element_type3A_101, %cond3A_102 : i32
      scf.if %cond3A_103 {
        %sub3A_183 = arith.constant 2 : i32
        %sub3A_184 = arith.subi %add3A_81, %sub3A_183 : i32
        %mul3A_185 = arith.constant 32 : i32
        %mul3A_186 = arith.muli %sub3A_184, %mul3A_185 : i32
        %add3A_187 = arith.addi %mul3A_186, %add3A : i32
        %mul3A_188 = arith.constant 128 : i32
        %mul3A_189 = arith.muli %add3A_187, %mul3A_188 : i32
        %dma_wait3A = arith.constant 0 : i32
        %dma_wait3A_190 = tpu.memref_slice %arg2[%mul3A_189] : memref<320000xi32, #tpu.memory_space<hbm>> -> memref<128xi32, #tpu.memory_space<hbm>>
        %dma_wait3A_191 = tpu.memref_slice %arg11[%dma_wait3A] : memref<6x!tpu.dma_semaphore, #tpu.memory_space<semaphore_mem>> -> memref<1x!tpu.dma_semaphore, #tpu.memory_space<semaphore_mem>>
        %dma_wait3A_192 = tpu.memref_squeeze %dma_wait3A_191 : memref<1x!tpu.dma_semaphore, #tpu.memory_space<semaphore_mem>> -> memref<!tpu.dma_semaphore, #tpu.memory_space<semaphore_mem>>
        %dma_wait3A_193 = tpu.memref_slice %arg2[%mul3A_189] : memref<320000xi32, #tpu.memory_space<hbm>> -> memref<128xi32, #tpu.memory_space<hbm>>
        tpu.wait_dma2 semaphore(%dma_wait3A_192 : memref<!tpu.dma_semaphore, #tpu.memory_space<semaphore_mem>>) src(%dma_wait3A_193 : memref<128xi32, #tpu.memory_space<hbm>>) dst(%arg5 : memref<128xi32, #tpu.memory_space<vmem>>)
        %dma_start3A = arith.constant 0 : i32
        %dma_start3A_194 = arith.constant 0 : i32
        %dma_start3A_195 = arith.constant 0 : i32
        %dma_start3A_196 = tpu.memref_slice %arg4[%dma_start3A_194, %dma_start3A_195] : memref<10240x16xf32, #tpu.memory_space<vmem_shared>> -> memref<10240x16xf32, #tpu.memory_space<vmem_shared>>
        %dma_start3A_197 = tpu.memref_slice %arg13[%dma_start3A] : memref<6x!tpu.dma_semaphore, #tpu.memory_space<semaphore_mem>> -> memref<1x!tpu.dma_semaphore, #tpu.memory_space<semaphore_mem>>
        %dma_start3A_198 = tpu.memref_squeeze %dma_start3A_197 : memref<1x!tpu.dma_semaphore, #tpu.memory_space<semaphore_mem>> -> memref<!tpu.dma_semaphore, #tpu.memory_space<semaphore_mem>>
        tpu.enqueue_indirect_dma source(%arg12 : memref<128x16xf32, #tpu.memory_space<vmem>>) target(%dma_start3A_196 : memref<10240x16xf32, #tpu.memory_space<vmem_shared>>) offsets(%arg5 : memref<128xi32, #tpu.memory_space<vmem>>) semaphore(%dma_start3A_198 : memref<!tpu.dma_semaphore, #tpu.memory_space<semaphore_mem>>) {add = true}
      } else {
      }
      %mul3A_104 = arith.constant 6 : i32
      %mul3A_105 = arith.muli %scan3A_29, %mul3A_104 : i32
      %add3A_106 = arith.constant 3 : i32
      %add3A_107 = arith.addi %mul3A_105, %add3A_106 : i32
      %ge3A_108 = arith.constant 6 : i32
      %ge3A_109 = arith.cmpi sge, %add3A_107, %ge3A_108 : i32
      %sub3A_110 = arith.constant 6 : i32
      %sub3A_111 = arith.subi %add3A_107, %sub3A_110 : i32
      %lt3A_112 = arith.cmpi slt, %sub3A_111, %select_n3A : i32
      %and3A_113 = arith.andi %ge3A_109, %lt3A_112 : i1
      %convert_element_type3A_114 = arith.extui %and3A_113 : i1 to i32
      %cond3A_115 = arith.constant 0 : i32
      %cond3A_116 = arith.cmpi ne, %convert_element_type3A_114, %cond3A_115 : i32
      scf.if %cond3A_116 {
        %dma_wait3A = arith.constant 3 : i32
        %dma_wait3A_183 = arith.constant 0 : i32
        %dma_wait3A_184 = arith.constant 0 : i32
        %dma_wait3A_185 = tpu.memref_slice %arg4[%dma_wait3A_183, %dma_wait3A_184] : memref<10240x16xf32, #tpu.memory_space<vmem_shared>> -> memref<10240x16xf32, #tpu.memory_space<vmem_shared>>
        %dma_wait3A_186 = tpu.memref_slice %arg13[%dma_wait3A] : memref<6x!tpu.dma_semaphore, #tpu.memory_space<semaphore_mem>> -> memref<1x!tpu.dma_semaphore, #tpu.memory_space<semaphore_mem>>
        %dma_wait3A_187 = tpu.memref_squeeze %dma_wait3A_186 : memref<1x!tpu.dma_semaphore, #tpu.memory_space<semaphore_mem>> -> memref<!tpu.dma_semaphore, #tpu.memory_space<semaphore_mem>>
        tpu.wait_indirect_dma semaphore(%dma_wait3A_187 : memref<!tpu.dma_semaphore, #tpu.memory_space<semaphore_mem>>) src(%arg12 : memref<128x16xf32, #tpu.memory_space<vmem>>) dst(%dma_wait3A_185 : memref<10240x16xf32, #tpu.memory_space<vmem_shared>>)
      } else {
      }
      %lt3A_117 = arith.cmpi slt, %add3A_107, %select_n3A : i32
      %convert_element_type3A_118 = arith.extui %lt3A_117 : i1 to i32
      %cond3A_119 = arith.constant 0 : i32
      %cond3A_120 = arith.cmpi ne, %convert_element_type3A_118, %cond3A_119 : i32
      scf.if %cond3A_120 {
        %mul3A_183 = arith.constant 32 : i32
        %mul3A_184 = arith.muli %add3A_107, %mul3A_183 : i32
        %add3A_185 = arith.addi %mul3A_184, %add3A : i32
        %mul3A_186 = arith.constant 128 : i32
        %mul3A_187 = arith.muli %add3A_185, %mul3A_186 : i32
        %dma_start3A = arith.constant 3 : i32
        %dma_start3A_188 = tpu.memref_slice %arg2[%mul3A_187] : memref<320000xi32, #tpu.memory_space<hbm>> -> memref<128xi32, #tpu.memory_space<hbm>>
        %dma_start3A_189 = tpu.memref_slice %arg11[%dma_start3A] : memref<6x!tpu.dma_semaphore, #tpu.memory_space<semaphore_mem>> -> memref<1x!tpu.dma_semaphore, #tpu.memory_space<semaphore_mem>>
        %dma_start3A_190 = tpu.memref_squeeze %dma_start3A_189 : memref<1x!tpu.dma_semaphore, #tpu.memory_space<semaphore_mem>> -> memref<!tpu.dma_semaphore, #tpu.memory_space<semaphore_mem>>
        %dma_start3A_191 = tpu.memref_slice %arg2[%mul3A_187] : memref<320000xi32, #tpu.memory_space<hbm>> -> memref<128xi32, #tpu.memory_space<hbm>>
        tpu.enqueue_dma source(%dma_start3A_191 : memref<128xi32, #tpu.memory_space<hbm>>) target(%arg8 : memref<128xi32, #tpu.memory_space<vmem>>) target_semaphore(%dma_start3A_190 : memref<!tpu.dma_semaphore, #tpu.memory_space<semaphore_mem>>)
      } else {
      }
      %ge3A_121 = arith.constant 2 : i32
      %ge3A_122 = arith.cmpi sge, %add3A_107, %ge3A_121 : i32
      %sub3A_123 = arith.constant 2 : i32
      %sub3A_124 = arith.subi %add3A_107, %sub3A_123 : i32
      %lt3A_125 = arith.cmpi slt, %sub3A_124, %select_n3A : i32
      %and3A_126 = arith.andi %ge3A_122, %lt3A_125 : i1
      %convert_element_type3A_127 = arith.extui %and3A_126 : i1 to i32
      %cond3A_128 = arith.constant 0 : i32
      %cond3A_129 = arith.cmpi ne, %convert_element_type3A_127, %cond3A_128 : i32
      scf.if %cond3A_129 {
        %sub3A_183 = arith.constant 2 : i32
        %sub3A_184 = arith.subi %add3A_107, %sub3A_183 : i32
        %mul3A_185 = arith.constant 32 : i32
        %mul3A_186 = arith.muli %sub3A_184, %mul3A_185 : i32
        %add3A_187 = arith.addi %mul3A_186, %add3A : i32
        %mul3A_188 = arith.constant 128 : i32
        %mul3A_189 = arith.muli %add3A_187, %mul3A_188 : i32
        %dma_wait3A = arith.constant 1 : i32
        %dma_wait3A_190 = tpu.memref_slice %arg2[%mul3A_189] : memref<320000xi32, #tpu.memory_space<hbm>> -> memref<128xi32, #tpu.memory_space<hbm>>
        %dma_wait3A_191 = tpu.memref_slice %arg11[%dma_wait3A] : memref<6x!tpu.dma_semaphore, #tpu.memory_space<semaphore_mem>> -> memref<1x!tpu.dma_semaphore, #tpu.memory_space<semaphore_mem>>
        %dma_wait3A_192 = tpu.memref_squeeze %dma_wait3A_191 : memref<1x!tpu.dma_semaphore, #tpu.memory_space<semaphore_mem>> -> memref<!tpu.dma_semaphore, #tpu.memory_space<semaphore_mem>>
        %dma_wait3A_193 = tpu.memref_slice %arg2[%mul3A_189] : memref<320000xi32, #tpu.memory_space<hbm>> -> memref<128xi32, #tpu.memory_space<hbm>>
        tpu.wait_dma2 semaphore(%dma_wait3A_192 : memref<!tpu.dma_semaphore, #tpu.memory_space<semaphore_mem>>) src(%dma_wait3A_193 : memref<128xi32, #tpu.memory_space<hbm>>) dst(%arg6 : memref<128xi32, #tpu.memory_space<vmem>>)
        %dma_start3A = arith.constant 1 : i32
        %dma_start3A_194 = arith.constant 0 : i32
        %dma_start3A_195 = arith.constant 0 : i32
        %dma_start3A_196 = tpu.memref_slice %arg4[%dma_start3A_194, %dma_start3A_195] : memref<10240x16xf32, #tpu.memory_space<vmem_shared>> -> memref<10240x16xf32, #tpu.memory_space<vmem_shared>>
        %dma_start3A_197 = tpu.memref_slice %arg13[%dma_start3A] : memref<6x!tpu.dma_semaphore, #tpu.memory_space<semaphore_mem>> -> memref<1x!tpu.dma_semaphore, #tpu.memory_space<semaphore_mem>>
        %dma_start3A_198 = tpu.memref_squeeze %dma_start3A_197 : memref<1x!tpu.dma_semaphore, #tpu.memory_space<semaphore_mem>> -> memref<!tpu.dma_semaphore, #tpu.memory_space<semaphore_mem>>
        tpu.enqueue_indirect_dma source(%arg12 : memref<128x16xf32, #tpu.memory_space<vmem>>) target(%dma_start3A_196 : memref<10240x16xf32, #tpu.memory_space<vmem_shared>>) offsets(%arg6 : memref<128xi32, #tpu.memory_space<vmem>>) semaphore(%dma_start3A_198 : memref<!tpu.dma_semaphore, #tpu.memory_space<semaphore_mem>>) {add = true}
      } else {
      }
      %mul3A_130 = arith.constant 6 : i32
      %mul3A_131 = arith.muli %scan3A_29, %mul3A_130 : i32
      %add3A_132 = arith.constant 4 : i32
      %add3A_133 = arith.addi %mul3A_131, %add3A_132 : i32
      %ge3A_134 = arith.constant 6 : i32
      %ge3A_135 = arith.cmpi sge, %add3A_133, %ge3A_134 : i32
      %sub3A_136 = arith.constant 6 : i32
      %sub3A_137 = arith.subi %add3A_133, %sub3A_136 : i32
      %lt3A_138 = arith.cmpi slt, %sub3A_137, %select_n3A : i32
      %and3A_139 = arith.andi %ge3A_135, %lt3A_138 : i1
      %convert_element_type3A_140 = arith.extui %and3A_139 : i1 to i32
      %cond3A_141 = arith.constant 0 : i32
      %cond3A_142 = arith.cmpi ne, %convert_element_type3A_140, %cond3A_141 : i32
      scf.if %cond3A_142 {
        %dma_wait3A = arith.constant 4 : i32
        %dma_wait3A_183 = arith.constant 0 : i32
        %dma_wait3A_184 = arith.constant 0 : i32
        %dma_wait3A_185 = tpu.memref_slice %arg4[%dma_wait3A_183, %dma_wait3A_184] : memref<10240x16xf32, #tpu.memory_space<vmem_shared>> -> memref<10240x16xf32, #tpu.memory_space<vmem_shared>>
        %dma_wait3A_186 = tpu.memref_slice %arg13[%dma_wait3A] : memref<6x!tpu.dma_semaphore, #tpu.memory_space<semaphore_mem>> -> memref<1x!tpu.dma_semaphore, #tpu.memory_space<semaphore_mem>>
        %dma_wait3A_187 = tpu.memref_squeeze %dma_wait3A_186 : memref<1x!tpu.dma_semaphore, #tpu.memory_space<semaphore_mem>> -> memref<!tpu.dma_semaphore, #tpu.memory_space<semaphore_mem>>
        tpu.wait_indirect_dma semaphore(%dma_wait3A_187 : memref<!tpu.dma_semaphore, #tpu.memory_space<semaphore_mem>>) src(%arg12 : memref<128x16xf32, #tpu.memory_space<vmem>>) dst(%dma_wait3A_185 : memref<10240x16xf32, #tpu.memory_space<vmem_shared>>)
      } else {
      }
      %lt3A_143 = arith.cmpi slt, %add3A_133, %select_n3A : i32
      %convert_element_type3A_144 = arith.extui %lt3A_143 : i1 to i32
      %cond3A_145 = arith.constant 0 : i32
      %cond3A_146 = arith.cmpi ne, %convert_element_type3A_144, %cond3A_145 : i32
      scf.if %cond3A_146 {
        %mul3A_183 = arith.constant 32 : i32
        %mul3A_184 = arith.muli %add3A_133, %mul3A_183 : i32
        %add3A_185 = arith.addi %mul3A_184, %add3A : i32
        %mul3A_186 = arith.constant 128 : i32
        %mul3A_187 = arith.muli %add3A_185, %mul3A_186 : i32
        %dma_start3A = arith.constant 4 : i32
        %dma_start3A_188 = tpu.memref_slice %arg2[%mul3A_187] : memref<320000xi32, #tpu.memory_space<hbm>> -> memref<128xi32, #tpu.memory_space<hbm>>
        %dma_start3A_189 = tpu.memref_slice %arg11[%dma_start3A] : memref<6x!tpu.dma_semaphore, #tpu.memory_space<semaphore_mem>> -> memref<1x!tpu.dma_semaphore, #tpu.memory_space<semaphore_mem>>
        %dma_start3A_190 = tpu.memref_squeeze %dma_start3A_189 : memref<1x!tpu.dma_semaphore, #tpu.memory_space<semaphore_mem>> -> memref<!tpu.dma_semaphore, #tpu.memory_space<semaphore_mem>>
        %dma_start3A_191 = tpu.memref_slice %arg2[%mul3A_187] : memref<320000xi32, #tpu.memory_space<hbm>> -> memref<128xi32, #tpu.memory_space<hbm>>
        tpu.enqueue_dma source(%dma_start3A_191 : memref<128xi32, #tpu.memory_space<hbm>>) target(%arg9 : memref<128xi32, #tpu.memory_space<vmem>>) target_semaphore(%dma_start3A_190 : memref<!tpu.dma_semaphore, #tpu.memory_space<semaphore_mem>>)
      } else {
      }
      %ge3A_147 = arith.constant 2 : i32
      %ge3A_148 = arith.cmpi sge, %add3A_133, %ge3A_147 : i32
      %sub3A_149 = arith.constant 2 : i32
      %sub3A_150 = arith.subi %add3A_133, %sub3A_149 : i32
      %lt3A_151 = arith.cmpi slt, %sub3A_150, %select_n3A : i32
      %and3A_152 = arith.andi %ge3A_148, %lt3A_151 : i1
      %convert_element_type3A_153 = arith.extui %and3A_152 : i1 to i32
      %cond3A_154 = arith.constant 0 : i32
      %cond3A_155 = arith.cmpi ne, %convert_element_type3A_153, %cond3A_154 : i32
      scf.if %cond3A_155 {
        %sub3A_183 = arith.constant 2 : i32
        %sub3A_184 = arith.subi %add3A_133, %sub3A_183 : i32
        %mul3A_185 = arith.constant 32 : i32
        %mul3A_186 = arith.muli %sub3A_184, %mul3A_185 : i32
        %add3A_187 = arith.addi %mul3A_186, %add3A : i32
        %mul3A_188 = arith.constant 128 : i32
        %mul3A_189 = arith.muli %add3A_187, %mul3A_188 : i32
        %dma_wait3A = arith.constant 2 : i32
        %dma_wait3A_190 = tpu.memref_slice %arg2[%mul3A_189] : memref<320000xi32, #tpu.memory_space<hbm>> -> memref<128xi32, #tpu.memory_space<hbm>>
        %dma_wait3A_191 = tpu.memref_slice %arg11[%dma_wait3A] : memref<6x!tpu.dma_semaphore, #tpu.memory_space<semaphore_mem>> -> memref<1x!tpu.dma_semaphore, #tpu.memory_space<semaphore_mem>>
        %dma_wait3A_192 = tpu.memref_squeeze %dma_wait3A_191 : memref<1x!tpu.dma_semaphore, #tpu.memory_space<semaphore_mem>> -> memref<!tpu.dma_semaphore, #tpu.memory_space<semaphore_mem>>
        %dma_wait3A_193 = tpu.memref_slice %arg2[%mul3A_189] : memref<320000xi32, #tpu.memory_space<hbm>> -> memref<128xi32, #tpu.memory_space<hbm>>
        tpu.wait_dma2 semaphore(%dma_wait3A_192 : memref<!tpu.dma_semaphore, #tpu.memory_space<semaphore_mem>>) src(%dma_wait3A_193 : memref<128xi32, #tpu.memory_space<hbm>>) dst(%arg7 : memref<128xi32, #tpu.memory_space<vmem>>)
        %dma_start3A = arith.constant 2 : i32
        %dma_start3A_194 = arith.constant 0 : i32
        %dma_start3A_195 = arith.constant 0 : i32
        %dma_start3A_196 = tpu.memref_slice %arg4[%dma_start3A_194, %dma_start3A_195] : memref<10240x16xf32, #tpu.memory_space<vmem_shared>> -> memref<10240x16xf32, #tpu.memory_space<vmem_shared>>
        %dma_start3A_197 = tpu.memref_slice %arg13[%dma_start3A] : memref<6x!tpu.dma_semaphore, #tpu.memory_space<semaphore_mem>> -> memref<1x!tpu.dma_semaphore, #tpu.memory_space<semaphore_mem>>
        %dma_start3A_198 = tpu.memref_squeeze %dma_start3A_197 : memref<1x!tpu.dma_semaphore, #tpu.memory_space<semaphore_mem>> -> memref<!tpu.dma_semaphore, #tpu.memory_space<semaphore_mem>>
        tpu.enqueue_indirect_dma source(%arg12 : memref<128x16xf32, #tpu.memory_space<vmem>>) target(%dma_start3A_196 : memref<10240x16xf32, #tpu.memory_space<vmem_shared>>) offsets(%arg7 : memref<128xi32, #tpu.memory_space<vmem>>) semaphore(%dma_start3A_198 : memref<!tpu.dma_semaphore, #tpu.memory_space<semaphore_mem>>) {add = true}
      } else {
      }
      %mul3A_156 = arith.constant 6 : i32
      %mul3A_157 = arith.muli %scan3A_29, %mul3A_156 : i32
      %add3A_158 = arith.constant 5 : i32
      %add3A_159 = arith.addi %mul3A_157, %add3A_158 : i32
      %ge3A_160 = arith.constant 6 : i32
      %ge3A_161 = arith.cmpi sge, %add3A_159, %ge3A_160 : i32
      %sub3A_162 = arith.constant 6 : i32
      %sub3A_163 = arith.subi %add3A_159, %sub3A_162 : i32
      %lt3A_164 = arith.cmpi slt, %sub3A_163, %select_n3A : i32
      %and3A_165 = arith.andi %ge3A_161, %lt3A_164 : i1
      %convert_element_type3A_166 = arith.extui %and3A_165 : i1 to i32
      %cond3A_167 = arith.constant 0 : i32
      %cond3A_168 = arith.cmpi ne, %convert_element_type3A_166, %cond3A_167 : i32
      scf.if %cond3A_168 {
        %dma_wait3A = arith.constant 5 : i32
        %dma_wait3A_183 = arith.constant 0 : i32
        %dma_wait3A_184 = arith.constant 0 : i32
        %dma_wait3A_185 = tpu.memref_slice %arg4[%dma_wait3A_183, %dma_wait3A_184] : memref<10240x16xf32, #tpu.memory_space<vmem_shared>> -> memref<10240x16xf32, #tpu.memory_space<vmem_shared>>
        %dma_wait3A_186 = tpu.memref_slice %arg13[%dma_wait3A] : memref<6x!tpu.dma_semaphore, #tpu.memory_space<semaphore_mem>> -> memref<1x!tpu.dma_semaphore, #tpu.memory_space<semaphore_mem>>
        %dma_wait3A_187 = tpu.memref_squeeze %dma_wait3A_186 : memref<1x!tpu.dma_semaphore, #tpu.memory_space<semaphore_mem>> -> memref<!tpu.dma_semaphore, #tpu.memory_space<semaphore_mem>>
        tpu.wait_indirect_dma semaphore(%dma_wait3A_187 : memref<!tpu.dma_semaphore, #tpu.memory_space<semaphore_mem>>) src(%arg12 : memref<128x16xf32, #tpu.memory_space<vmem>>) dst(%dma_wait3A_185 : memref<10240x16xf32, #tpu.memory_space<vmem_shared>>)
      } else {
      }
      %lt3A_169 = arith.cmpi slt, %add3A_159, %select_n3A : i32
      %convert_element_type3A_170 = arith.extui %lt3A_169 : i1 to i32
      %cond3A_171 = arith.constant 0 : i32
      %cond3A_172 = arith.cmpi ne, %convert_element_type3A_170, %cond3A_171 : i32
      scf.if %cond3A_172 {
        %mul3A_183 = arith.constant 32 : i32
        %mul3A_184 = arith.muli %add3A_159, %mul3A_183 : i32
        %add3A_185 = arith.addi %mul3A_184, %add3A : i32
        %mul3A_186 = arith.constant 128 : i32
        %mul3A_187 = arith.muli %add3A_185, %mul3A_186 : i32
        %dma_start3A = arith.constant 5 : i32
        %dma_start3A_188 = tpu.memref_slice %arg2[%mul3A_187] : memref<320000xi32, #tpu.memory_space<hbm>> -> memref<128xi32, #tpu.memory_space<hbm>>
        %dma_start3A_189 = tpu.memref_slice %arg11[%dma_start3A] : memref<6x!tpu.dma_semaphore, #tpu.memory_space<semaphore_mem>> -> memref<1x!tpu.dma_semaphore, #tpu.memory_space<semaphore_mem>>
        %dma_start3A_190 = tpu.memref_squeeze %dma_start3A_189 : memref<1x!tpu.dma_semaphore, #tpu.memory_space<semaphore_mem>> -> memref<!tpu.dma_semaphore, #tpu.memory_space<semaphore_mem>>
        %dma_start3A_191 = tpu.memref_slice %arg2[%mul3A_187] : memref<320000xi32, #tpu.memory_space<hbm>> -> memref<128xi32, #tpu.memory_space<hbm>>
        tpu.enqueue_dma source(%dma_start3A_191 : memref<128xi32, #tpu.memory_space<hbm>>) target(%arg10 : memref<128xi32, #tpu.memory_space<vmem>>) target_semaphore(%dma_start3A_190 : memref<!tpu.dma_semaphore, #tpu.memory_space<semaphore_mem>>)
      } else {
      }
      %ge3A_173 = arith.constant 2 : i32
      %ge3A_174 = arith.cmpi sge, %add3A_159, %ge3A_173 : i32
      %sub3A_175 = arith.constant 2 : i32
      %sub3A_176 = arith.subi %add3A_159, %sub3A_175 : i32
      %lt3A_177 = arith.cmpi slt, %sub3A_176, %select_n3A : i32
      %and3A_178 = arith.andi %ge3A_174, %lt3A_177 : i1
      %convert_element_type3A_179 = arith.extui %and3A_178 : i1 to i32
      %cond3A_180 = arith.constant 0 : i32
      %cond3A_181 = arith.cmpi ne, %convert_element_type3A_179, %cond3A_180 : i32
      scf.if %cond3A_181 {
        %sub3A_183 = arith.constant 2 : i32
        %sub3A_184 = arith.subi %add3A_159, %sub3A_183 : i32
        %mul3A_185 = arith.constant 32 : i32
        %mul3A_186 = arith.muli %sub3A_184, %mul3A_185 : i32
        %add3A_187 = arith.addi %mul3A_186, %add3A : i32
        %mul3A_188 = arith.constant 128 : i32
        %mul3A_189 = arith.muli %add3A_187, %mul3A_188 : i32
        %dma_wait3A = arith.constant 3 : i32
        %dma_wait3A_190 = tpu.memref_slice %arg2[%mul3A_189] : memref<320000xi32, #tpu.memory_space<hbm>> -> memref<128xi32, #tpu.memory_space<hbm>>
        %dma_wait3A_191 = tpu.memref_slice %arg11[%dma_wait3A] : memref<6x!tpu.dma_semaphore, #tpu.memory_space<semaphore_mem>> -> memref<1x!tpu.dma_semaphore, #tpu.memory_space<semaphore_mem>>
        %dma_wait3A_192 = tpu.memref_squeeze %dma_wait3A_191 : memref<1x!tpu.dma_semaphore, #tpu.memory_space<semaphore_mem>> -> memref<!tpu.dma_semaphore, #tpu.memory_space<semaphore_mem>>
        %dma_wait3A_193 = tpu.memref_slice %arg2[%mul3A_189] : memref<320000xi32, #tpu.memory_space<hbm>> -> memref<128xi32, #tpu.memory_space<hbm>>
        tpu.wait_dma2 semaphore(%dma_wait3A_192 : memref<!tpu.dma_semaphore, #tpu.memory_space<semaphore_mem>>) src(%dma_wait3A_193 : memref<128xi32, #tpu.memory_space<hbm>>) dst(%arg8 : memref<128xi32, #tpu.memory_space<vmem>>)
        %dma_start3A = arith.constant 3 : i32
        %dma_start3A_194 = arith.constant 0 : i32
        %dma_start3A_195 = arith.constant 0 : i32
        %dma_start3A_196 = tpu.memref_slice %arg4[%dma_start3A_194, %dma_start3A_195] : memref<10240x16xf32, #tpu.memory_space<vmem_shared>> -> memref<10240x16xf32, #tpu.memory_space<vmem_shared>>
        %dma_start3A_197 = tpu.memref_slice %arg13[%dma_start3A] : memref<6x!tpu.dma_semaphore, #tpu.memory_space<semaphore_mem>> -> memref<1x!tpu.dma_semaphore, #tpu.memory_space<semaphore_mem>>
        %dma_start3A_198 = tpu.memref_squeeze %dma_start3A_197 : memref<1x!tpu.dma_semaphore, #tpu.memory_space<semaphore_mem>> -> memref<!tpu.dma_semaphore, #tpu.memory_space<semaphore_mem>>
        tpu.enqueue_indirect_dma source(%arg12 : memref<128x16xf32, #tpu.memory_space<vmem>>) target(%dma_start3A_196 : memref<10240x16xf32, #tpu.memory_space<vmem_shared>>) offsets(%arg8 : memref<128xi32, #tpu.memory_space<vmem>>) semaphore(%dma_start3A_198 : memref<!tpu.dma_semaphore, #tpu.memory_space<semaphore_mem>>) {add = true}
      } else {
      }
      %scan3A_182 = arith.constant 0 : i32
      scf.yield %scan3A_182 : i32
    }
    %scan3A_27 = arith.constant 15 : i32
    %barrier3A_28 = arith.constant 0 : index
    tpu.barrier barrier_id(%barrier3A_28)
    "tpu.region"() ({
      %run_scoped3A = tpu.sem_alloc : memref<!tpu.dma_semaphore, #tpu.memory_space<semaphore_mem>>
      %dma_start3A = arith.constant 0 : i32
      %dma_start3A_29 = tpu.memref_slice %arg3[%arg0, %mul3A_20, %dma_start3A] : memref<2x10240x16xf32, #tpu.memory_space<hbm>> -> memref<1x640x16xf32, #tpu.memory_space<hbm>>
      %dma_start3A_30 = tpu.memref_squeeze %dma_start3A_29 : memref<1x640x16xf32, #tpu.memory_space<hbm>> -> memref<640x16xf32, #tpu.memory_space<hbm>>
      %dma_start3A_31 = arith.constant 0 : i32
      %dma_start3A_32 = tpu.memref_slice %arg4[%mul3A_20, %dma_start3A_31] : memref<10240x16xf32, #tpu.memory_space<vmem_shared>> -> memref<640x16xf32, #tpu.memory_space<vmem_shared>>
      tpu.enqueue_dma source(%dma_start3A_32 : memref<640x16xf32, #tpu.memory_space<vmem_shared>>) target(%dma_start3A_30 : memref<640x16xf32, #tpu.memory_space<hbm>>) target_semaphore(%run_scoped3A : memref<!tpu.dma_semaphore, #tpu.memory_space<semaphore_mem>>)
      %dma_wait3A = arith.constant 0 : i32
      %dma_wait3A_33 = tpu.memref_slice %arg3[%arg0, %mul3A_20, %dma_wait3A] : memref<2x10240x16xf32, #tpu.memory_space<hbm>> -> memref<1x640x16xf32, #tpu.memory_space<hbm>>
      %dma_wait3A_34 = tpu.memref_squeeze %dma_wait3A_33 : memref<1x640x16xf32, #tpu.memory_space<hbm>> -> memref<640x16xf32, #tpu.memory_space<hbm>>
      %dma_wait3A_35 = arith.constant 0 : i32
      %dma_wait3A_36 = tpu.memref_slice %arg4[%mul3A_20, %dma_wait3A_35] : memref<10240x16xf32, #tpu.memory_space<vmem_shared>> -> memref<640x16xf32, #tpu.memory_space<vmem_shared>>
      tpu.wait_dma2 semaphore(%run_scoped3A : memref<!tpu.dma_semaphore, #tpu.memory_space<semaphore_mem>>) src(%dma_wait3A_36 : memref<640x16xf32, #tpu.memory_space<vmem_shared>>) dst(%dma_wait3A_34 : memref<640x16xf32, #tpu.memory_space<hbm>>)
      tpu.yield
    }) : () -> ()
    return
  }
}

#map = affine_map<(d0, d1) -> (0, 0)>
#map1 = affine_map<(d0, d1) -> (0)>
#map2 = affine_map<(d0, d1) -> (0, 0, 0)>
module attributes {stable_mosaic.version = 14 : i64} {
  func.func @_sc_scatter(%arg0: i32, %arg1: i32, %arg2: memref<10240x128xf32, #tpu.memory_space<hbm>>, %arg3: memref<320000xi32, #tpu.memory_space<hbm>>, %arg4: memref<320000xi32, #tpu.memory_space<hbm>>, %arg5: memref<2x10240x128xf32, #tpu.memory_space<hbm>>, %arg6: memref<10240x128xf32, #tpu.memory_space<vmem_shared>>, %arg7: memref<64xi32, #tpu.memory_space<vmem>>, %arg8: memref<64xi32, #tpu.memory_space<vmem>>, %arg9: memref<64xi32, #tpu.memory_space<vmem>>, %arg10: memref<64xi32, #tpu.memory_space<vmem>>, %arg11: memref<64xi32, #tpu.memory_space<vmem>>, %arg12: memref<5x!tpu.dma_semaphore, #tpu.memory_space<semaphore_mem>>, %arg13: memref<5x!tpu.dma_semaphore, #tpu.memory_space<semaphore_mem>>, %arg14: memref<5x!tpu.dma_semaphore, #tpu.memory_space<semaphore_mem>>, %arg15: memref<5x64x128xf32, #tpu.memory_space<vmem>>, %arg16: memref<64xi32, #tpu.memory_space<vmem>>, %arg17: memref<64xi32, #tpu.memory_space<vmem>>, %arg18: memref<64xi32, #tpu.memory_space<vmem>>, %arg19: memref<64xi32, #tpu.memory_space<vmem>>, %arg20: memref<64xi32, #tpu.memory_space<vmem>>, %arg21: memref<5x!tpu.dma_semaphore, #tpu.memory_space<semaphore_mem>>) attributes {dimension_semantics = [#tpu.dimension_semantics<core_parallel>, #tpu.dimension_semantics<subcore_parallel>], iteration_bounds = array<i64: 2, 16>, scalar_prefetch = 0 : i64, scratch_operands = 16 : i64, tpu.core_type = #tpu.core_type<sc_vector_subcore>, window_params = [{transform_indices = #map}, {transform_indices = #map1}, {transform_indices = #map1}, {transform_indices = #map2}]} {
    %mul3A = arith.constant 16 : i32
    %mul3A_0 = arith.muli %arg0, %mul3A : i32
    %add3A = arith.addi %mul3A_0, %arg1 : i32
    %lt3A = arith.constant 8 : i32
    %lt3A_1 = arith.cmpi slt, %add3A, %lt3A : i32
    %jit3A = arith.constant 157 : i32
    %jit3A_2 = arith.constant 156 : i32
    %select_n3A = arith.select %lt3A_1, %jit3A, %jit3A_2 : i32
    %broadcast_in_dim3A = arith.constant 0.000000e+00 : f32
    %broadcast_in_dim3A_3 = vector.broadcast %broadcast_in_dim3A : f32 to vector<16xf32>
    %scan3A = arith.constant 0 : i32
    %scan3A_4 = arith.constant 0 : i32
    %scan3A_5 = arith.constant 64 : i32
    %scan3A_6 = arith.addi %scan3A_4, %scan3A_5 : i32
    %scan3A_7 = arith.constant 1 : i32
    %scan3A_8 = scf.for %scan3A_378 = %scan3A_4 to %scan3A_6 step %scan3A_7 iter_args(%scan3A_379 = %scan3A) -> (i32)  : i32 {
      %swap3A = arith.constant 0 : i32
      %swap3A_380 = arith.index_cast %swap3A : i32 to index
      %swap3A_381 = arith.index_cast %scan3A_378 : i32 to index
      %swap3A_382 = arith.constant 0 : index
      %swap3A_383 = tpu.vector_load %arg15[%swap3A_380, %swap3A_381, %swap3A_382] {strides = array<i32>} : memref<5x64x128xf32, #tpu.memory_space<vmem>>, vector<1x1x16xf32>,
      %swap3A_384 = vector.shape_cast %swap3A_383 : vector<1x1x16xf32> to vector<16xf32>
      %swap3A_385 = vector.shape_cast %broadcast_in_dim3A_3 : vector<16xf32> to vector<1x1x16xf32>
      tpu.vector_store %arg15[%swap3A_380, %swap3A_381, %swap3A_382], %swap3A_385 {strides = array<i32>} : memref<5x64x128xf32, #tpu.memory_space<vmem>>, vector<1x1x16xf32>,
      %swap3A_386 = arith.constant 0 : i32
      %swap3A_387 = arith.index_cast %swap3A_386 : i32 to index
      %swap3A_388 = arith.index_cast %scan3A_378 : i32 to index
      %swap3A_389 = arith.constant 16 : index
      %swap3A_390 = tpu.vector_load %arg15[%swap3A_387, %swap3A_388, %swap3A_389] {strides = array<i32>} : memref<5x64x128xf32, #tpu.memory_space<vmem>>, vector<1x1x16xf32>,
      %swap3A_391 = vector.shape_cast %swap3A_390 : vector<1x1x16xf32> to vector<16xf32>
      %swap3A_392 = vector.shape_cast %broadcast_in_dim3A_3 : vector<16xf32> to vector<1x1x16xf32>
      tpu.vector_store %arg15[%swap3A_387, %swap3A_388, %swap3A_389], %swap3A_392 {strides = array<i32>} : memref<5x64x128xf32, #tpu.memory_space<vmem>>, vector<1x1x16xf32>,
      %swap3A_393 = arith.constant 0 : i32
      %swap3A_394 = arith.index_cast %swap3A_393 : i32 to index
      %swap3A_395 = arith.index_cast %scan3A_378 : i32 to index
      %swap3A_396 = arith.constant 32 : index
      %swap3A_397 = tpu.vector_load %arg15[%swap3A_394, %swap3A_395, %swap3A_396] {strides = array<i32>} : memref<5x64x128xf32, #tpu.memory_space<vmem>>, vector<1x1x16xf32>,
      %swap3A_398 = vector.shape_cast %swap3A_397 : vector<1x1x16xf32> to vector<16xf32>
      %swap3A_399 = vector.shape_cast %broadcast_in_dim3A_3 : vector<16xf32> to vector<1x1x16xf32>
      tpu.vector_store %arg15[%swap3A_394, %swap3A_395, %swap3A_396], %swap3A_399 {strides = array<i32>} : memref<5x64x128xf32, #tpu.memory_space<vmem>>, vector<1x1x16xf32>,
      %swap3A_400 = arith.constant 0 : i32
      %swap3A_401 = arith.index_cast %swap3A_400 : i32 to index
      %swap3A_402 = arith.index_cast %scan3A_378 : i32 to index
      %swap3A_403 = arith.constant 48 : index
      %swap3A_404 = tpu.vector_load %arg15[%swap3A_401, %swap3A_402, %swap3A_403] {strides = array<i32>} : memref<5x64x128xf32, #tpu.memory_space<vmem>>, vector<1x1x16xf32>,
      %swap3A_405 = vector.shape_cast %swap3A_404 : vector<1x1x16xf32> to vector<16xf32>
      %swap3A_406 = vector.shape_cast %broadcast_in_dim3A_3 : vector<16xf32> to vector<1x1x16xf32>
      tpu.vector_store %arg15[%swap3A_401, %swap3A_402, %swap3A_403], %swap3A_406 {strides = array<i32>} : memref<5x64x128xf32, #tpu.memory_space<vmem>>, vector<1x1x16xf32>,
      %swap3A_407 = arith.constant 0 : i32
      %swap3A_408 = arith.index_cast %swap3A_407 : i32 to index
      %swap3A_409 = arith.index_cast %scan3A_378 : i32 to index
      %swap3A_410 = arith.constant 64 : index
      %swap3A_411 = tpu.vector_load %arg15[%swap3A_408, %swap3A_409, %swap3A_410] {strides = array<i32>} : memref<5x64x128xf32, #tpu.memory_space<vmem>>, vector<1x1x16xf32>,
      %swap3A_412 = vector.shape_cast %swap3A_411 : vector<1x1x16xf32> to vector<16xf32>
      %swap3A_413 = vector.shape_cast %broadcast_in_dim3A_3 : vector<16xf32> to vector<1x1x16xf32>
      tpu.vector_store %arg15[%swap3A_408, %swap3A_409, %swap3A_410], %swap3A_413 {strides = array<i32>} : memref<5x64x128xf32, #tpu.memory_space<vmem>>, vector<1x1x16xf32>,
      %swap3A_414 = arith.constant 0 : i32
      %swap3A_415 = arith.index_cast %swap3A_414 : i32 to index
      %swap3A_416 = arith.index_cast %scan3A_378 : i32 to index
      %swap3A_417 = arith.constant 80 : index
      %swap3A_418 = tpu.vector_load %arg15[%swap3A_415, %swap3A_416, %swap3A_417] {strides = array<i32>} : memref<5x64x128xf32, #tpu.memory_space<vmem>>, vector<1x1x16xf32>,
      %swap3A_419 = vector.shape_cast %swap3A_418 : vector<1x1x16xf32> to vector<16xf32>
      %swap3A_420 = vector.shape_cast %broadcast_in_dim3A_3 : vector<16xf32> to vector<1x1x16xf32>
      tpu.vector_store %arg15[%swap3A_415, %swap3A_416, %swap3A_417], %swap3A_420 {strides = array<i32>} : memref<5x64x128xf32, #tpu.memory_space<vmem>>, vector<1x1x16xf32>,
      %swap3A_421 = arith.constant 0 : i32
      %swap3A_422 = arith.index_cast %swap3A_421 : i32 to index
      %swap3A_423 = arith.index_cast %scan3A_378 : i32 to index
      %swap3A_424 = arith.constant 96 : index
      %swap3A_425 = tpu.vector_load %arg15[%swap3A_422, %swap3A_423, %swap3A_424] {strides = array<i32>} : memref<5x64x128xf32, #tpu.memory_space<vmem>>, vector<1x1x16xf32>,
      %swap3A_426 = vector.shape_cast %swap3A_425 : vector<1x1x16xf32> to vector<16xf32>
      %swap3A_427 = vector.shape_cast %broadcast_in_dim3A_3 : vector<16xf32> to vector<1x1x16xf32>
      tpu.vector_store %arg15[%swap3A_422, %swap3A_423, %swap3A_424], %swap3A_427 {strides = array<i32>} : memref<5x64x128xf32, #tpu.memory_space<vmem>>, vector<1x1x16xf32>,
      %swap3A_428 = arith.constant 0 : i32
      %swap3A_429 = arith.index_cast %swap3A_428 : i32 to index
      %swap3A_430 = arith.index_cast %scan3A_378 : i32 to index
      %swap3A_431 = arith.constant 112 : index
      %swap3A_432 = tpu.vector_load %arg15[%swap3A_429, %swap3A_430, %swap3A_431] {strides = array<i32>} : memref<5x64x128xf32, #tpu.memory_space<vmem>>, vector<1x1x16xf32>,
      %swap3A_433 = vector.shape_cast %swap3A_432 : vector<1x1x16xf32> to vector<16xf32>
      %swap3A_434 = vector.shape_cast %broadcast_in_dim3A_3 : vector<16xf32> to vector<1x1x16xf32>
      tpu.vector_store %arg15[%swap3A_429, %swap3A_430, %swap3A_431], %swap3A_434 {strides = array<i32>} : memref<5x64x128xf32, #tpu.memory_space<vmem>>, vector<1x1x16xf32>,
      %scan3A_435 = arith.constant 0 : i32
      scf.yield %scan3A_435 : i32
    }
    %scan3A_9 = arith.constant 64 : i32
    %mul3A_10 = arith.constant 640 : i32
    %mul3A_11 = arith.muli %arg1, %mul3A_10 : i32
    %add3A_12 = arith.constant 0 : i32
    %add3A_13 = arith.addi %mul3A_11, %add3A_12 : i32
    %dma_start3A = arith.constant 0 : i32
    %dma_start3A_14 = arith.constant 0 : i32
    %dma_start3A_15 = arith.constant 0 : i32
    %dma_start3A_16 = arith.constant 0 : i32
    %dma_start3A_17 = tpu.memref_slice %arg15[%dma_start3A, %dma_start3A_15, %dma_start3A_16] : memref<5x64x128xf32, #tpu.memory_space<vmem>> -> memref<1x64x128xf32, #tpu.memory_space<vmem>>
    %dma_start3A_18 = tpu.memref_squeeze %dma_start3A_17 : memref<1x64x128xf32, #tpu.memory_space<vmem>> -> memref<64x128xf32, #tpu.memory_space<vmem>>
    %dma_start3A_19 = arith.constant 0 : i32
    %dma_start3A_20 = tpu.memref_slice %arg6[%add3A_13, %dma_start3A_19] : memref<10240x128xf32, #tpu.memory_space<vmem_shared>> -> memref<64x128xf32, #tpu.memory_space<vmem_shared>>
    %dma_start3A_21 = tpu.memref_slice %arg21[%dma_start3A_14] : memref<5x!tpu.dma_semaphore, #tpu.memory_space<semaphore_mem>> -> memref<1x!tpu.dma_semaphore, #tpu.memory_space<semaphore_mem>>
    %dma_start3A_22 = tpu.memref_squeeze %dma_start3A_21 : memref<1x!tpu.dma_semaphore, #tpu.memory_space<semaphore_mem>> -> memref<!tpu.dma_semaphore, #tpu.memory_space<semaphore_mem>>
    %dma_start3A_23 = arith.constant 0 : i32
    %dma_start3A_24 = tpu.memref_slice %arg6[%add3A_13, %dma_start3A_23] : memref<10240x128xf32, #tpu.memory_space<vmem_shared>> -> memref<64x128xf32, #tpu.memory_space<vmem_shared>>
    %dma_start3A_25 = arith.constant 0 : i32
    %dma_start3A_26 = arith.constant 0 : i32
    %dma_start3A_27 = tpu.memref_slice %arg15[%dma_start3A, %dma_start3A_25, %dma_start3A_26] : memref<5x64x128xf32, #tpu.memory_space<vmem>> -> memref<1x64x128xf32, #tpu.memory_space<vmem>>
    %dma_start3A_28 = tpu.memref_squeeze %dma_start3A_27 : memref<1x64x128xf32, #tpu.memory_space<vmem>> -> memref<64x128xf32, #tpu.memory_space<vmem>>
    tpu.enqueue_dma source(%dma_start3A_28 : memref<64x128xf32, #tpu.memory_space<vmem>>) target(%dma_start3A_24 : memref<64x128xf32, #tpu.memory_space<vmem_shared>>) target_semaphore(%dma_start3A_22 : memref<!tpu.dma_semaphore, #tpu.memory_space<semaphore_mem>>)
    %add3A_29 = arith.constant 64 : i32
    %add3A_30 = arith.addi %mul3A_11, %add3A_29 : i32
    %dma_start3A_31 = arith.constant 0 : i32
    %dma_start3A_32 = arith.constant 0 : i32
    %dma_start3A_33 = arith.constant 0 : i32
    %dma_start3A_34 = arith.constant 0 : i32
    %dma_start3A_35 = tpu.memref_slice %arg15[%dma_start3A_31, %dma_start3A_33, %dma_start3A_34] : memref<5x64x128xf32, #tpu.memory_space<vmem>> -> memref<1x64x128xf32, #tpu.memory_space<vmem>>
    %dma_start3A_36 = tpu.memref_squeeze %dma_start3A_35 : memref<1x64x128xf32, #tpu.memory_space<vmem>> -> memref<64x128xf32, #tpu.memory_space<vmem>>
    %dma_start3A_37 = arith.constant 0 : i32
    %dma_start3A_38 = tpu.memref_slice %arg6[%add3A_30, %dma_start3A_37] : memref<10240x128xf32, #tpu.memory_space<vmem_shared>> -> memref<64x128xf32, #tpu.memory_space<vmem_shared>>
    %dma_start3A_39 = tpu.memref_slice %arg21[%dma_start3A_32] : memref<5x!tpu.dma_semaphore, #tpu.memory_space<semaphore_mem>> -> memref<1x!tpu.dma_semaphore, #tpu.memory_space<semaphore_mem>>
    %dma_start3A_40 = tpu.memref_squeeze %dma_start3A_39 : memref<1x!tpu.dma_semaphore, #tpu.memory_space<semaphore_mem>> -> memref<!tpu.dma_semaphore, #tpu.memory_space<semaphore_mem>>
    %dma_start3A_41 = arith.constant 0 : i32
    %dma_start3A_42 = tpu.memref_slice %arg6[%add3A_30, %dma_start3A_41] : memref<10240x128xf32, #tpu.memory_space<vmem_shared>> -> memref<64x128xf32, #tpu.memory_space<vmem_shared>>
    %dma_start3A_43 = arith.constant 0 : i32
    %dma_start3A_44 = arith.constant 0 : i32
    %dma_start3A_45 = tpu.memref_slice %arg15[%dma_start3A_31, %dma_start3A_43, %dma_start3A_44] : memref<5x64x128xf32, #tpu.memory_space<vmem>> -> memref<1x64x128xf32, #tpu.memory_space<vmem>>
    %dma_start3A_46 = tpu.memref_squeeze %dma_start3A_45 : memref<1x64x128xf32, #tpu.memory_space<vmem>> -> memref<64x128xf32, #tpu.memory_space<vmem>>
    tpu.enqueue_dma source(%dma_start3A_46 : memref<64x128xf32, #tpu.memory_space<vmem>>) target(%dma_start3A_42 : memref<64x128xf32, #tpu.memory_space<vmem_shared>>) target_semaphore(%dma_start3A_40 : memref<!tpu.dma_semaphore, #tpu.memory_space<semaphore_mem>>)
    %add3A_47 = arith.constant 128 : i32
    %add3A_48 = arith.addi %mul3A_11, %add3A_47 : i32
    %dma_start3A_49 = arith.constant 0 : i32
    %dma_start3A_50 = arith.constant 0 : i32
    %dma_start3A_51 = arith.constant 0 : i32
    %dma_start3A_52 = arith.constant 0 : i32
    %dma_start3A_53 = tpu.memref_slice %arg15[%dma_start3A_49, %dma_start3A_51, %dma_start3A_52] : memref<5x64x128xf32, #tpu.memory_space<vmem>> -> memref<1x64x128xf32, #tpu.memory_space<vmem>>
    %dma_start3A_54 = tpu.memref_squeeze %dma_start3A_53 : memref<1x64x128xf32, #tpu.memory_space<vmem>> -> memref<64x128xf32, #tpu.memory_space<vmem>>
    %dma_start3A_55 = arith.constant 0 : i32
    %dma_start3A_56 = tpu.memref_slice %arg6[%add3A_48, %dma_start3A_55] : memref<10240x128xf32, #tpu.memory_space<vmem_shared>> -> memref<64x128xf32, #tpu.memory_space<vmem_shared>>
    %dma_start3A_57 = tpu.memref_slice %arg21[%dma_start3A_50] : memref<5x!tpu.dma_semaphore, #tpu.memory_space<semaphore_mem>> -> memref<1x!tpu.dma_semaphore, #tpu.memory_space<semaphore_mem>>
    %dma_start3A_58 = tpu.memref_squeeze %dma_start3A_57 : memref<1x!tpu.dma_semaphore, #tpu.memory_space<semaphore_mem>> -> memref<!tpu.dma_semaphore, #tpu.memory_space<semaphore_mem>>
    %dma_start3A_59 = arith.constant 0 : i32
    %dma_start3A_60 = tpu.memref_slice %arg6[%add3A_48, %dma_start3A_59] : memref<10240x128xf32, #tpu.memory_space<vmem_shared>> -> memref<64x128xf32, #tpu.memory_space<vmem_shared>>
    %dma_start3A_61 = arith.constant 0 : i32
    %dma_start3A_62 = arith.constant 0 : i32
    %dma_start3A_63 = tpu.memref_slice %arg15[%dma_start3A_49, %dma_start3A_61, %dma_start3A_62] : memref<5x64x128xf32, #tpu.memory_space<vmem>> -> memref<1x64x128xf32, #tpu.memory_space<vmem>>
    %dma_start3A_64 = tpu.memref_squeeze %dma_start3A_63 : memref<1x64x128xf32, #tpu.memory_space<vmem>> -> memref<64x128xf32, #tpu.memory_space<vmem>>
    tpu.enqueue_dma source(%dma_start3A_64 : memref<64x128xf32, #tpu.memory_space<vmem>>) target(%dma_start3A_60 : memref<64x128xf32, #tpu.memory_space<vmem_shared>>) target_semaphore(%dma_start3A_58 : memref<!tpu.dma_semaphore, #tpu.memory_space<semaphore_mem>>)
    %add3A_65 = arith.constant 192 : i32
    %add3A_66 = arith.addi %mul3A_11, %add3A_65 : i32
    %dma_start3A_67 = arith.constant 0 : i32
    %dma_start3A_68 = arith.constant 0 : i32
    %dma_start3A_69 = arith.constant 0 : i32
    %dma_start3A_70 = arith.constant 0 : i32
    %dma_start3A_71 = tpu.memref_slice %arg15[%dma_start3A_67, %dma_start3A_69, %dma_start3A_70] : memref<5x64x128xf32, #tpu.memory_space<vmem>> -> memref<1x64x128xf32, #tpu.memory_space<vmem>>
    %dma_start3A_72 = tpu.memref_squeeze %dma_start3A_71 : memref<1x64x128xf32, #tpu.memory_space<vmem>> -> memref<64x128xf32, #tpu.memory_space<vmem>>
    %dma_start3A_73 = arith.constant 0 : i32
    %dma_start3A_74 = tpu.memref_slice %arg6[%add3A_66, %dma_start3A_73] : memref<10240x128xf32, #tpu.memory_space<vmem_shared>> -> memref<64x128xf32, #tpu.memory_space<vmem_shared>>
    %dma_start3A_75 = tpu.memref_slice %arg21[%dma_start3A_68] : memref<5x!tpu.dma_semaphore, #tpu.memory_space<semaphore_mem>> -> memref<1x!tpu.dma_semaphore, #tpu.memory_space<semaphore_mem>>
    %dma_start3A_76 = tpu.memref_squeeze %dma_start3A_75 : memref<1x!tpu.dma_semaphore, #tpu.memory_space<semaphore_mem>> -> memref<!tpu.dma_semaphore, #tpu.memory_space<semaphore_mem>>
    %dma_start3A_77 = arith.constant 0 : i32
    %dma_start3A_78 = tpu.memref_slice %arg6[%add3A_66, %dma_start3A_77] : memref<10240x128xf32, #tpu.memory_space<vmem_shared>> -> memref<64x128xf32, #tpu.memory_space<vmem_shared>>
    %dma_start3A_79 = arith.constant 0 : i32
    %dma_start3A_80 = arith.constant 0 : i32
    %dma_start3A_81 = tpu.memref_slice %arg15[%dma_start3A_67, %dma_start3A_79, %dma_start3A_80] : memref<5x64x128xf32, #tpu.memory_space<vmem>> -> memref<1x64x128xf32, #tpu.memory_space<vmem>>
    %dma_start3A_82 = tpu.memref_squeeze %dma_start3A_81 : memref<1x64x128xf32, #tpu.memory_space<vmem>> -> memref<64x128xf32, #tpu.memory_space<vmem>>
    tpu.enqueue_dma source(%dma_start3A_82 : memref<64x128xf32, #tpu.memory_space<vmem>>) target(%dma_start3A_78 : memref<64x128xf32, #tpu.memory_space<vmem_shared>>) target_semaphore(%dma_start3A_76 : memref<!tpu.dma_semaphore, #tpu.memory_space<semaphore_mem>>)
    %add3A_83 = arith.constant 256 : i32
    %add3A_84 = arith.addi %mul3A_11, %add3A_83 : i32
    %dma_start3A_85 = arith.constant 0 : i32
    %dma_start3A_86 = arith.constant 0 : i32
    %dma_start3A_87 = arith.constant 0 : i32
    %dma_start3A_88 = arith.constant 0 : i32
    %dma_start3A_89 = tpu.memref_slice %arg15[%dma_start3A_85, %dma_start3A_87, %dma_start3A_88] : memref<5x64x128xf32, #tpu.memory_space<vmem>> -> memref<1x64x128xf32, #tpu.memory_space<vmem>>
    %dma_start3A_90 = tpu.memref_squeeze %dma_start3A_89 : memref<1x64x128xf32, #tpu.memory_space<vmem>> -> memref<64x128xf32, #tpu.memory_space<vmem>>
    %dma_start3A_91 = arith.constant 0 : i32
    %dma_start3A_92 = tpu.memref_slice %arg6[%add3A_84, %dma_start3A_91] : memref<10240x128xf32, #tpu.memory_space<vmem_shared>> -> memref<64x128xf32, #tpu.memory_space<vmem_shared>>
    %dma_start3A_93 = tpu.memref_slice %arg21[%dma_start3A_86] : memref<5x!tpu.dma_semaphore, #tpu.memory_space<semaphore_mem>> -> memref<1x!tpu.dma_semaphore, #tpu.memory_space<semaphore_mem>>
    %dma_start3A_94 = tpu.memref_squeeze %dma_start3A_93 : memref<1x!tpu.dma_semaphore, #tpu.memory_space<semaphore_mem>> -> memref<!tpu.dma_semaphore, #tpu.memory_space<semaphore_mem>>
    %dma_start3A_95 = arith.constant 0 : i32
    %dma_start3A_96 = tpu.memref_slice %arg6[%add3A_84, %dma_start3A_95] : memref<10240x128xf32, #tpu.memory_space<vmem_shared>> -> memref<64x128xf32, #tpu.memory_space<vmem_shared>>
    %dma_start3A_97 = arith.constant 0 : i32
    %dma_start3A_98 = arith.constant 0 : i32
    %dma_start3A_99 = tpu.memref_slice %arg15[%dma_start3A_85, %dma_start3A_97, %dma_start3A_98] : memref<5x64x128xf32, #tpu.memory_space<vmem>> -> memref<1x64x128xf32, #tpu.memory_space<vmem>>
    %dma_start3A_100 = tpu.memref_squeeze %dma_start3A_99 : memref<1x64x128xf32, #tpu.memory_space<vmem>> -> memref<64x128xf32, #tpu.memory_space<vmem>>
    tpu.enqueue_dma source(%dma_start3A_100 : memref<64x128xf32, #tpu.memory_space<vmem>>) target(%dma_start3A_96 : memref<64x128xf32, #tpu.memory_space<vmem_shared>>) target_semaphore(%dma_start3A_94 : memref<!tpu.dma_semaphore, #tpu.memory_space<semaphore_mem>>)
    %add3A_101 = arith.constant 320 : i32
    %add3A_102 = arith.addi %mul3A_11, %add3A_101 : i32
    %dma_start3A_103 = arith.constant 0 : i32
    %dma_start3A_104 = arith.constant 0 : i32
    %dma_start3A_105 = arith.constant 0 : i32
    %dma_start3A_106 = arith.constant 0 : i32
    %dma_start3A_107 = tpu.memref_slice %arg15[%dma_start3A_103, %dma_start3A_105, %dma_start3A_106] : memref<5x64x128xf32, #tpu.memory_space<vmem>> -> memref<1x64x128xf32, #tpu.memory_space<vmem>>
    %dma_start3A_108 = tpu.memref_squeeze %dma_start3A_107 : memref<1x64x128xf32, #tpu.memory_space<vmem>> -> memref<64x128xf32, #tpu.memory_space<vmem>>
    %dma_start3A_109 = arith.constant 0 : i32
    %dma_start3A_110 = tpu.memref_slice %arg6[%add3A_102, %dma_start3A_109] : memref<10240x128xf32, #tpu.memory_space<vmem_shared>> -> memref<64x128xf32, #tpu.memory_space<vmem_shared>>
    %dma_start3A_111 = tpu.memref_slice %arg21[%dma_start3A_104] : memref<5x!tpu.dma_semaphore, #tpu.memory_space<semaphore_mem>> -> memref<1x!tpu.dma_semaphore, #tpu.memory_space<semaphore_mem>>
    %dma_start3A_112 = tpu.memref_squeeze %dma_start3A_111 : memref<1x!tpu.dma_semaphore, #tpu.memory_space<semaphore_mem>> -> memref<!tpu.dma_semaphore, #tpu.memory_space<semaphore_mem>>
    %dma_start3A_113 = arith.constant 0 : i32
    %dma_start3A_114 = tpu.memref_slice %arg6[%add3A_102, %dma_start3A_113] : memref<10240x128xf32, #tpu.memory_space<vmem_shared>> -> memref<64x128xf32, #tpu.memory_space<vmem_shared>>
    %dma_start3A_115 = arith.constant 0 : i32
    %dma_start3A_116 = arith.constant 0 : i32
    %dma_start3A_117 = tpu.memref_slice %arg15[%dma_start3A_103, %dma_start3A_115, %dma_start3A_116] : memref<5x64x128xf32, #tpu.memory_space<vmem>> -> memref<1x64x128xf32, #tpu.memory_space<vmem>>
    %dma_start3A_118 = tpu.memref_squeeze %dma_start3A_117 : memref<1x64x128xf32, #tpu.memory_space<vmem>> -> memref<64x128xf32, #tpu.memory_space<vmem>>
    tpu.enqueue_dma source(%dma_start3A_118 : memref<64x128xf32, #tpu.memory_space<vmem>>) target(%dma_start3A_114 : memref<64x128xf32, #tpu.memory_space<vmem_shared>>) target_semaphore(%dma_start3A_112 : memref<!tpu.dma_semaphore, #tpu.memory_space<semaphore_mem>>)
    %add3A_119 = arith.constant 384 : i32
    %add3A_120 = arith.addi %mul3A_11, %add3A_119 : i32
    %dma_start3A_121 = arith.constant 0 : i32
    %dma_start3A_122 = arith.constant 0 : i32
    %dma_start3A_123 = arith.constant 0 : i32
    %dma_start3A_124 = arith.constant 0 : i32
    %dma_start3A_125 = tpu.memref_slice %arg15[%dma_start3A_121, %dma_start3A_123, %dma_start3A_124] : memref<5x64x128xf32, #tpu.memory_space<vmem>> -> memref<1x64x128xf32, #tpu.memory_space<vmem>>
    %dma_start3A_126 = tpu.memref_squeeze %dma_start3A_125 : memref<1x64x128xf32, #tpu.memory_space<vmem>> -> memref<64x128xf32, #tpu.memory_space<vmem>>
    %dma_start3A_127 = arith.constant 0 : i32
    %dma_start3A_128 = tpu.memref_slice %arg6[%add3A_120, %dma_start3A_127] : memref<10240x128xf32, #tpu.memory_space<vmem_shared>> -> memref<64x128xf32, #tpu.memory_space<vmem_shared>>
    %dma_start3A_129 = tpu.memref_slice %arg21[%dma_start3A_122] : memref<5x!tpu.dma_semaphore, #tpu.memory_space<semaphore_mem>> -> memref<1x!tpu.dma_semaphore, #tpu.memory_space<semaphore_mem>>
    %dma_start3A_130 = tpu.memref_squeeze %dma_start3A_129 : memref<1x!tpu.dma_semaphore, #tpu.memory_space<semaphore_mem>> -> memref<!tpu.dma_semaphore, #tpu.memory_space<semaphore_mem>>
    %dma_start3A_131 = arith.constant 0 : i32
    %dma_start3A_132 = tpu.memref_slice %arg6[%add3A_120, %dma_start3A_131] : memref<10240x128xf32, #tpu.memory_space<vmem_shared>> -> memref<64x128xf32, #tpu.memory_space<vmem_shared>>
    %dma_start3A_133 = arith.constant 0 : i32
    %dma_start3A_134 = arith.constant 0 : i32
    %dma_start3A_135 = tpu.memref_slice %arg15[%dma_start3A_121, %dma_start3A_133, %dma_start3A_134] : memref<5x64x128xf32, #tpu.memory_space<vmem>> -> memref<1x64x128xf32, #tpu.memory_space<vmem>>
    %dma_start3A_136 = tpu.memref_squeeze %dma_start3A_135 : memref<1x64x128xf32, #tpu.memory_space<vmem>> -> memref<64x128xf32, #tpu.memory_space<vmem>>
    tpu.enqueue_dma source(%dma_start3A_136 : memref<64x128xf32, #tpu.memory_space<vmem>>) target(%dma_start3A_132 : memref<64x128xf32, #tpu.memory_space<vmem_shared>>) target_semaphore(%dma_start3A_130 : memref<!tpu.dma_semaphore, #tpu.memory_space<semaphore_mem>>)
    %add3A_137 = arith.constant 448 : i32
    %add3A_138 = arith.addi %mul3A_11, %add3A_137 : i32
    %dma_start3A_139 = arith.constant 0 : i32
    %dma_start3A_140 = arith.constant 0 : i32
    %dma_start3A_141 = arith.constant 0 : i32
    %dma_start3A_142 = arith.constant 0 : i32
    %dma_start3A_143 = tpu.memref_slice %arg15[%dma_start3A_139, %dma_start3A_141, %dma_start3A_142] : memref<5x64x128xf32, #tpu.memory_space<vmem>> -> memref<1x64x128xf32, #tpu.memory_space<vmem>>
    %dma_start3A_144 = tpu.memref_squeeze %dma_start3A_143 : memref<1x64x128xf32, #tpu.memory_space<vmem>> -> memref<64x128xf32, #tpu.memory_space<vmem>>
    %dma_start3A_145 = arith.constant 0 : i32
    %dma_start3A_146 = tpu.memref_slice %arg6[%add3A_138, %dma_start3A_145] : memref<10240x128xf32, #tpu.memory_space<vmem_shared>> -> memref<64x128xf32, #tpu.memory_space<vmem_shared>>
    %dma_start3A_147 = tpu.memref_slice %arg21[%dma_start3A_140] : memref<5x!tpu.dma_semaphore, #tpu.memory_space<semaphore_mem>> -> memref<1x!tpu.dma_semaphore, #tpu.memory_space<semaphore_mem>>
    %dma_start3A_148 = tpu.memref_squeeze %dma_start3A_147 : memref<1x!tpu.dma_semaphore, #tpu.memory_space<semaphore_mem>> -> memref<!tpu.dma_semaphore, #tpu.memory_space<semaphore_mem>>
    %dma_start3A_149 = arith.constant 0 : i32
    %dma_start3A_150 = tpu.memref_slice %arg6[%add3A_138, %dma_start3A_149] : memref<10240x128xf32, #tpu.memory_space<vmem_shared>> -> memref<64x128xf32, #tpu.memory_space<vmem_shared>>
    %dma_start3A_151 = arith.constant 0 : i32
    %dma_start3A_152 = arith.constant 0 : i32
    %dma_start3A_153 = tpu.memref_slice %arg15[%dma_start3A_139, %dma_start3A_151, %dma_start3A_152] : memref<5x64x128xf32, #tpu.memory_space<vmem>> -> memref<1x64x128xf32, #tpu.memory_space<vmem>>
    %dma_start3A_154 = tpu.memref_squeeze %dma_start3A_153 : memref<1x64x128xf32, #tpu.memory_space<vmem>> -> memref<64x128xf32, #tpu.memory_space<vmem>>
    tpu.enqueue_dma source(%dma_start3A_154 : memref<64x128xf32, #tpu.memory_space<vmem>>) target(%dma_start3A_150 : memref<64x128xf32, #tpu.memory_space<vmem_shared>>) target_semaphore(%dma_start3A_148 : memref<!tpu.dma_semaphore, #tpu.memory_space<semaphore_mem>>)
    %add3A_155 = arith.constant 512 : i32
    %add3A_156 = arith.addi %mul3A_11, %add3A_155 : i32
    %dma_start3A_157 = arith.constant 0 : i32
    %dma_start3A_158 = arith.constant 0 : i32
    %dma_start3A_159 = arith.constant 0 : i32
    %dma_start3A_160 = arith.constant 0 : i32
    %dma_start3A_161 = tpu.memref_slice %arg15[%dma_start3A_157, %dma_start3A_159, %dma_start3A_160] : memref<5x64x128xf32, #tpu.memory_space<vmem>> -> memref<1x64x128xf32, #tpu.memory_space<vmem>>
    %dma_start3A_162 = tpu.memref_squeeze %dma_start3A_161 : memref<1x64x128xf32, #tpu.memory_space<vmem>> -> memref<64x128xf32, #tpu.memory_space<vmem>>
    %dma_start3A_163 = arith.constant 0 : i32
    %dma_start3A_164 = tpu.memref_slice %arg6[%add3A_156, %dma_start3A_163] : memref<10240x128xf32, #tpu.memory_space<vmem_shared>> -> memref<64x128xf32, #tpu.memory_space<vmem_shared>>
    %dma_start3A_165 = tpu.memref_slice %arg21[%dma_start3A_158] : memref<5x!tpu.dma_semaphore, #tpu.memory_space<semaphore_mem>> -> memref<1x!tpu.dma_semaphore, #tpu.memory_space<semaphore_mem>>
    %dma_start3A_166 = tpu.memref_squeeze %dma_start3A_165 : memref<1x!tpu.dma_semaphore, #tpu.memory_space<semaphore_mem>> -> memref<!tpu.dma_semaphore, #tpu.memory_space<semaphore_mem>>
    %dma_start3A_167 = arith.constant 0 : i32
    %dma_start3A_168 = tpu.memref_slice %arg6[%add3A_156, %dma_start3A_167] : memref<10240x128xf32, #tpu.memory_space<vmem_shared>> -> memref<64x128xf32, #tpu.memory_space<vmem_shared>>
    %dma_start3A_169 = arith.constant 0 : i32
    %dma_start3A_170 = arith.constant 0 : i32
    %dma_start3A_171 = tpu.memref_slice %arg15[%dma_start3A_157, %dma_start3A_169, %dma_start3A_170] : memref<5x64x128xf32, #tpu.memory_space<vmem>> -> memref<1x64x128xf32, #tpu.memory_space<vmem>>
    %dma_start3A_172 = tpu.memref_squeeze %dma_start3A_171 : memref<1x64x128xf32, #tpu.memory_space<vmem>> -> memref<64x128xf32, #tpu.memory_space<vmem>>
    tpu.enqueue_dma source(%dma_start3A_172 : memref<64x128xf32, #tpu.memory_space<vmem>>) target(%dma_start3A_168 : memref<64x128xf32, #tpu.memory_space<vmem_shared>>) target_semaphore(%dma_start3A_166 : memref<!tpu.dma_semaphore, #tpu.memory_space<semaphore_mem>>)
    %add3A_173 = arith.constant 576 : i32
    %add3A_174 = arith.addi %mul3A_11, %add3A_173 : i32
    %dma_start3A_175 = arith.constant 0 : i32
    %dma_start3A_176 = arith.constant 0 : i32
    %dma_start3A_177 = arith.constant 0 : i32
    %dma_start3A_178 = arith.constant 0 : i32
    %dma_start3A_179 = tpu.memref_slice %arg15[%dma_start3A_175, %dma_start3A_177, %dma_start3A_178] : memref<5x64x128xf32, #tpu.memory_space<vmem>> -> memref<1x64x128xf32, #tpu.memory_space<vmem>>
    %dma_start3A_180 = tpu.memref_squeeze %dma_start3A_179 : memref<1x64x128xf32, #tpu.memory_space<vmem>> -> memref<64x128xf32, #tpu.memory_space<vmem>>
    %dma_start3A_181 = arith.constant 0 : i32
    %dma_start3A_182 = tpu.memref_slice %arg6[%add3A_174, %dma_start3A_181] : memref<10240x128xf32, #tpu.memory_space<vmem_shared>> -> memref<64x128xf32, #tpu.memory_space<vmem_shared>>
    %dma_start3A_183 = tpu.memref_slice %arg21[%dma_start3A_176] : memref<5x!tpu.dma_semaphore, #tpu.memory_space<semaphore_mem>> -> memref<1x!tpu.dma_semaphore, #tpu.memory_space<semaphore_mem>>
    %dma_start3A_184 = tpu.memref_squeeze %dma_start3A_183 : memref<1x!tpu.dma_semaphore, #tpu.memory_space<semaphore_mem>> -> memref<!tpu.dma_semaphore, #tpu.memory_space<semaphore_mem>>
    %dma_start3A_185 = arith.constant 0 : i32
    %dma_start3A_186 = tpu.memref_slice %arg6[%add3A_174, %dma_start3A_185] : memref<10240x128xf32, #tpu.memory_space<vmem_shared>> -> memref<64x128xf32, #tpu.memory_space<vmem_shared>>
    %dma_start3A_187 = arith.constant 0 : i32
    %dma_start3A_188 = arith.constant 0 : i32
    %dma_start3A_189 = tpu.memref_slice %arg15[%dma_start3A_175, %dma_start3A_187, %dma_start3A_188] : memref<5x64x128xf32, #tpu.memory_space<vmem>> -> memref<1x64x128xf32, #tpu.memory_space<vmem>>
    %dma_start3A_190 = tpu.memref_squeeze %dma_start3A_189 : memref<1x64x128xf32, #tpu.memory_space<vmem>> -> memref<64x128xf32, #tpu.memory_space<vmem>>
    tpu.enqueue_dma source(%dma_start3A_190 : memref<64x128xf32, #tpu.memory_space<vmem>>) target(%dma_start3A_186 : memref<64x128xf32, #tpu.memory_space<vmem_shared>>) target_semaphore(%dma_start3A_184 : memref<!tpu.dma_semaphore, #tpu.memory_space<semaphore_mem>>)
    %add3A_191 = arith.constant 0 : i32
    %add3A_192 = arith.addi %mul3A_11, %add3A_191 : i32
    %dma_wait3A = arith.constant 0 : i32
    %dma_wait3A_193 = arith.constant 0 : i32
    %dma_wait3A_194 = arith.constant 0 : i32
    %dma_wait3A_195 = arith.constant 0 : i32
    %dma_wait3A_196 = tpu.memref_slice %arg15[%dma_wait3A, %dma_wait3A_194, %dma_wait3A_195] : memref<5x64x128xf32, #tpu.memory_space<vmem>> -> memref<1x64x128xf32, #tpu.memory_space<vmem>>
    %dma_wait3A_197 = tpu.memref_squeeze %dma_wait3A_196 : memref<1x64x128xf32, #tpu.memory_space<vmem>> -> memref<64x128xf32, #tpu.memory_space<vmem>>
    %dma_wait3A_198 = arith.constant 0 : i32
    %dma_wait3A_199 = tpu.memref_slice %arg6[%add3A_192, %dma_wait3A_198] : memref<10240x128xf32, #tpu.memory_space<vmem_shared>> -> memref<64x128xf32, #tpu.memory_space<vmem_shared>>
    %dma_wait3A_200 = tpu.memref_slice %arg21[%dma_wait3A_193] : memref<5x!tpu.dma_semaphore, #tpu.memory_space<semaphore_mem>> -> memref<1x!tpu.dma_semaphore, #tpu.memory_space<semaphore_mem>>
    %dma_wait3A_201 = tpu.memref_squeeze %dma_wait3A_200 : memref<1x!tpu.dma_semaphore, #tpu.memory_space<semaphore_mem>> -> memref<!tpu.dma_semaphore, #tpu.memory_space<semaphore_mem>>
    %dma_wait3A_202 = arith.constant 0 : i32
    %dma_wait3A_203 = tpu.memref_slice %arg6[%add3A_192, %dma_wait3A_202] : memref<10240x128xf32, #tpu.memory_space<vmem_shared>> -> memref<64x128xf32, #tpu.memory_space<vmem_shared>>
    %dma_wait3A_204 = arith.constant 0 : i32
    %dma_wait3A_205 = arith.constant 0 : i32
    %dma_wait3A_206 = tpu.memref_slice %arg15[%dma_wait3A, %dma_wait3A_204, %dma_wait3A_205] : memref<5x64x128xf32, #tpu.memory_space<vmem>> -> memref<1x64x128xf32, #tpu.memory_space<vmem>>
    %dma_wait3A_207 = tpu.memref_squeeze %dma_wait3A_206 : memref<1x64x128xf32, #tpu.memory_space<vmem>> -> memref<64x128xf32, #tpu.memory_space<vmem>>
    tpu.wait_dma2 semaphore(%dma_wait3A_201 : memref<!tpu.dma_semaphore, #tpu.memory_space<semaphore_mem>>) src(%dma_wait3A_207 : memref<64x128xf32, #tpu.memory_space<vmem>>) dst(%dma_wait3A_203 : memref<64x128xf32, #tpu.memory_space<vmem_shared>>)
    %add3A_208 = arith.constant 64 : i32
    %add3A_209 = arith.addi %mul3A_11, %add3A_208 : i32
    %dma_wait3A_210 = arith.constant 0 : i32
    %dma_wait3A_211 = arith.constant 0 : i32
    %dma_wait3A_212 = arith.constant 0 : i32
    %dma_wait3A_213 = arith.constant 0 : i32
    %dma_wait3A_214 = tpu.memref_slice %arg15[%dma_wait3A_210, %dma_wait3A_212, %dma_wait3A_213] : memref<5x64x128xf32, #tpu.memory_space<vmem>> -> memref<1x64x128xf32, #tpu.memory_space<vmem>>
    %dma_wait3A_215 = tpu.memref_squeeze %dma_wait3A_214 : memref<1x64x128xf32, #tpu.memory_space<vmem>> -> memref<64x128xf32, #tpu.memory_space<vmem>>
    %dma_wait3A_216 = arith.constant 0 : i32
    %dma_wait3A_217 = tpu.memref_slice %arg6[%add3A_209, %dma_wait3A_216] : memref<10240x128xf32, #tpu.memory_space<vmem_shared>> -> memref<64x128xf32, #tpu.memory_space<vmem_shared>>
    %dma_wait3A_218 = tpu.memref_slice %arg21[%dma_wait3A_211] : memref<5x!tpu.dma_semaphore, #tpu.memory_space<semaphore_mem>> -> memref<1x!tpu.dma_semaphore, #tpu.memory_space<semaphore_mem>>
    %dma_wait3A_219 = tpu.memref_squeeze %dma_wait3A_218 : memref<1x!tpu.dma_semaphore, #tpu.memory_space<semaphore_mem>> -> memref<!tpu.dma_semaphore, #tpu.memory_space<semaphore_mem>>
    %dma_wait3A_220 = arith.constant 0 : i32
    %dma_wait3A_221 = tpu.memref_slice %arg6[%add3A_209, %dma_wait3A_220] : memref<10240x128xf32, #tpu.memory_space<vmem_shared>> -> memref<64x128xf32, #tpu.memory_space<vmem_shared>>
    %dma_wait3A_222 = arith.constant 0 : i32
    %dma_wait3A_223 = arith.constant 0 : i32
    %dma_wait3A_224 = tpu.memref_slice %arg15[%dma_wait3A_210, %dma_wait3A_222, %dma_wait3A_223] : memref<5x64x128xf32, #tpu.memory_space<vmem>> -> memref<1x64x128xf32, #tpu.memory_space<vmem>>
    %dma_wait3A_225 = tpu.memref_squeeze %dma_wait3A_224 : memref<1x64x128xf32, #tpu.memory_space<vmem>> -> memref<64x128xf32, #tpu.memory_space<vmem>>
    tpu.wait_dma2 semaphore(%dma_wait3A_219 : memref<!tpu.dma_semaphore, #tpu.memory_space<semaphore_mem>>) src(%dma_wait3A_225 : memref<64x128xf32, #tpu.memory_space<vmem>>) dst(%dma_wait3A_221 : memref<64x128xf32, #tpu.memory_space<vmem_shared>>)
    %add3A_226 = arith.constant 128 : i32
    %add3A_227 = arith.addi %mul3A_11, %add3A_226 : i32
    %dma_wait3A_228 = arith.constant 0 : i32
    %dma_wait3A_229 = arith.constant 0 : i32
    %dma_wait3A_230 = arith.constant 0 : i32
    %dma_wait3A_231 = arith.constant 0 : i32
    %dma_wait3A_232 = tpu.memref_slice %arg15[%dma_wait3A_228, %dma_wait3A_230, %dma_wait3A_231] : memref<5x64x128xf32, #tpu.memory_space<vmem>> -> memref<1x64x128xf32, #tpu.memory_space<vmem>>
    %dma_wait3A_233 = tpu.memref_squeeze %dma_wait3A_232 : memref<1x64x128xf32, #tpu.memory_space<vmem>> -> memref<64x128xf32, #tpu.memory_space<vmem>>
    %dma_wait3A_234 = arith.constant 0 : i32
    %dma_wait3A_235 = tpu.memref_slice %arg6[%add3A_227, %dma_wait3A_234] : memref<10240x128xf32, #tpu.memory_space<vmem_shared>> -> memref<64x128xf32, #tpu.memory_space<vmem_shared>>
    %dma_wait3A_236 = tpu.memref_slice %arg21[%dma_wait3A_229] : memref<5x!tpu.dma_semaphore, #tpu.memory_space<semaphore_mem>> -> memref<1x!tpu.dma_semaphore, #tpu.memory_space<semaphore_mem>>
    %dma_wait3A_237 = tpu.memref_squeeze %dma_wait3A_236 : memref<1x!tpu.dma_semaphore, #tpu.memory_space<semaphore_mem>> -> memref<!tpu.dma_semaphore, #tpu.memory_space<semaphore_mem>>
    %dma_wait3A_238 = arith.constant 0 : i32
    %dma_wait3A_239 = tpu.memref_slice %arg6[%add3A_227, %dma_wait3A_238] : memref<10240x128xf32, #tpu.memory_space<vmem_shared>> -> memref<64x128xf32, #tpu.memory_space<vmem_shared>>
    %dma_wait3A_240 = arith.constant 0 : i32
    %dma_wait3A_241 = arith.constant 0 : i32
    %dma_wait3A_242 = tpu.memref_slice %arg15[%dma_wait3A_228, %dma_wait3A_240, %dma_wait3A_241] : memref<5x64x128xf32, #tpu.memory_space<vmem>> -> memref<1x64x128xf32, #tpu.memory_space<vmem>>
    %dma_wait3A_243 = tpu.memref_squeeze %dma_wait3A_242 : memref<1x64x128xf32, #tpu.memory_space<vmem>> -> memref<64x128xf32, #tpu.memory_space<vmem>>
    tpu.wait_dma2 semaphore(%dma_wait3A_237 : memref<!tpu.dma_semaphore, #tpu.memory_space<semaphore_mem>>) src(%dma_wait3A_243 : memref<64x128xf32, #tpu.memory_space<vmem>>) dst(%dma_wait3A_239 : memref<64x128xf32, #tpu.memory_space<vmem_shared>>)
    %add3A_244 = arith.constant 192 : i32
    %add3A_245 = arith.addi %mul3A_11, %add3A_244 : i32
    %dma_wait3A_246 = arith.constant 0 : i32
    %dma_wait3A_247 = arith.constant 0 : i32
    %dma_wait3A_248 = arith.constant 0 : i32
    %dma_wait3A_249 = arith.constant 0 : i32
    %dma_wait3A_250 = tpu.memref_slice %arg15[%dma_wait3A_246, %dma_wait3A_248, %dma_wait3A_249] : memref<5x64x128xf32, #tpu.memory_space<vmem>> -> memref<1x64x128xf32, #tpu.memory_space<vmem>>
    %dma_wait3A_251 = tpu.memref_squeeze %dma_wait3A_250 : memref<1x64x128xf32, #tpu.memory_space<vmem>> -> memref<64x128xf32, #tpu.memory_space<vmem>>
    %dma_wait3A_252 = arith.constant 0 : i32
    %dma_wait3A_253 = tpu.memref_slice %arg6[%add3A_245, %dma_wait3A_252] : memref<10240x128xf32, #tpu.memory_space<vmem_shared>> -> memref<64x128xf32, #tpu.memory_space<vmem_shared>>
    %dma_wait3A_254 = tpu.memref_slice %arg21[%dma_wait3A_247] : memref<5x!tpu.dma_semaphore, #tpu.memory_space<semaphore_mem>> -> memref<1x!tpu.dma_semaphore, #tpu.memory_space<semaphore_mem>>
    %dma_wait3A_255 = tpu.memref_squeeze %dma_wait3A_254 : memref<1x!tpu.dma_semaphore, #tpu.memory_space<semaphore_mem>> -> memref<!tpu.dma_semaphore, #tpu.memory_space<semaphore_mem>>
    %dma_wait3A_256 = arith.constant 0 : i32
    %dma_wait3A_257 = tpu.memref_slice %arg6[%add3A_245, %dma_wait3A_256] : memref<10240x128xf32, #tpu.memory_space<vmem_shared>> -> memref<64x128xf32, #tpu.memory_space<vmem_shared>>
    %dma_wait3A_258 = arith.constant 0 : i32
    %dma_wait3A_259 = arith.constant 0 : i32
    %dma_wait3A_260 = tpu.memref_slice %arg15[%dma_wait3A_246, %dma_wait3A_258, %dma_wait3A_259] : memref<5x64x128xf32, #tpu.memory_space<vmem>> -> memref<1x64x128xf32, #tpu.memory_space<vmem>>
    %dma_wait3A_261 = tpu.memref_squeeze %dma_wait3A_260 : memref<1x64x128xf32, #tpu.memory_space<vmem>> -> memref<64x128xf32, #tpu.memory_space<vmem>>
    tpu.wait_dma2 semaphore(%dma_wait3A_255 : memref<!tpu.dma_semaphore, #tpu.memory_space<semaphore_mem>>) src(%dma_wait3A_261 : memref<64x128xf32, #tpu.memory_space<vmem>>) dst(%dma_wait3A_257 : memref<64x128xf32, #tpu.memory_space<vmem_shared>>)
    %add3A_262 = arith.constant 256 : i32
    %add3A_263 = arith.addi %mul3A_11, %add3A_262 : i32
    %dma_wait3A_264 = arith.constant 0 : i32
    %dma_wait3A_265 = arith.constant 0 : i32
    %dma_wait3A_266 = arith.constant 0 : i32
    %dma_wait3A_267 = arith.constant 0 : i32
    %dma_wait3A_268 = tpu.memref_slice %arg15[%dma_wait3A_264, %dma_wait3A_266, %dma_wait3A_267] : memref<5x64x128xf32, #tpu.memory_space<vmem>> -> memref<1x64x128xf32, #tpu.memory_space<vmem>>
    %dma_wait3A_269 = tpu.memref_squeeze %dma_wait3A_268 : memref<1x64x128xf32, #tpu.memory_space<vmem>> -> memref<64x128xf32, #tpu.memory_space<vmem>>
    %dma_wait3A_270 = arith.constant 0 : i32
    %dma_wait3A_271 = tpu.memref_slice %arg6[%add3A_263, %dma_wait3A_270] : memref<10240x128xf32, #tpu.memory_space<vmem_shared>> -> memref<64x128xf32, #tpu.memory_space<vmem_shared>>
    %dma_wait3A_272 = tpu.memref_slice %arg21[%dma_wait3A_265] : memref<5x!tpu.dma_semaphore, #tpu.memory_space<semaphore_mem>> -> memref<1x!tpu.dma_semaphore, #tpu.memory_space<semaphore_mem>>
    %dma_wait3A_273 = tpu.memref_squeeze %dma_wait3A_272 : memref<1x!tpu.dma_semaphore, #tpu.memory_space<semaphore_mem>> -> memref<!tpu.dma_semaphore, #tpu.memory_space<semaphore_mem>>
    %dma_wait3A_274 = arith.constant 0 : i32
    %dma_wait3A_275 = tpu.memref_slice %arg6[%add3A_263, %dma_wait3A_274] : memref<10240x128xf32, #tpu.memory_space<vmem_shared>> -> memref<64x128xf32, #tpu.memory_space<vmem_shared>>
    %dma_wait3A_276 = arith.constant 0 : i32
    %dma_wait3A_277 = arith.constant 0 : i32
    %dma_wait3A_278 = tpu.memref_slice %arg15[%dma_wait3A_264, %dma_wait3A_276, %dma_wait3A_277] : memref<5x64x128xf32, #tpu.memory_space<vmem>> -> memref<1x64x128xf32, #tpu.memory_space<vmem>>
    %dma_wait3A_279 = tpu.memref_squeeze %dma_wait3A_278 : memref<1x64x128xf32, #tpu.memory_space<vmem>> -> memref<64x128xf32, #tpu.memory_space<vmem>>
    tpu.wait_dma2 semaphore(%dma_wait3A_273 : memref<!tpu.dma_semaphore, #tpu.memory_space<semaphore_mem>>) src(%dma_wait3A_279 : memref<64x128xf32, #tpu.memory_space<vmem>>) dst(%dma_wait3A_275 : memref<64x128xf32, #tpu.memory_space<vmem_shared>>)
    %add3A_280 = arith.constant 320 : i32
    %add3A_281 = arith.addi %mul3A_11, %add3A_280 : i32
    %dma_wait3A_282 = arith.constant 0 : i32
    %dma_wait3A_283 = arith.constant 0 : i32
    %dma_wait3A_284 = arith.constant 0 : i32
    %dma_wait3A_285 = arith.constant 0 : i32
    %dma_wait3A_286 = tpu.memref_slice %arg15[%dma_wait3A_282, %dma_wait3A_284, %dma_wait3A_285] : memref<5x64x128xf32, #tpu.memory_space<vmem>> -> memref<1x64x128xf32, #tpu.memory_space<vmem>>
    %dma_wait3A_287 = tpu.memref_squeeze %dma_wait3A_286 : memref<1x64x128xf32, #tpu.memory_space<vmem>> -> memref<64x128xf32, #tpu.memory_space<vmem>>
    %dma_wait3A_288 = arith.constant 0 : i32
    %dma_wait3A_289 = tpu.memref_slice %arg6[%add3A_281, %dma_wait3A_288] : memref<10240x128xf32, #tpu.memory_space<vmem_shared>> -> memref<64x128xf32, #tpu.memory_space<vmem_shared>>
    %dma_wait3A_290 = tpu.memref_slice %arg21[%dma_wait3A_283] : memref<5x!tpu.dma_semaphore, #tpu.memory_space<semaphore_mem>> -> memref<1x!tpu.dma_semaphore, #tpu.memory_space<semaphore_mem>>
    %dma_wait3A_291 = tpu.memref_squeeze %dma_wait3A_290 : memref<1x!tpu.dma_semaphore, #tpu.memory_space<semaphore_mem>> -> memref<!tpu.dma_semaphore, #tpu.memory_space<semaphore_mem>>
    %dma_wait3A_292 = arith.constant 0 : i32
    %dma_wait3A_293 = tpu.memref_slice %arg6[%add3A_281, %dma_wait3A_292] : memref<10240x128xf32, #tpu.memory_space<vmem_shared>> -> memref<64x128xf32, #tpu.memory_space<vmem_shared>>
    %dma_wait3A_294 = arith.constant 0 : i32
    %dma_wait3A_295 = arith.constant 0 : i32
    %dma_wait3A_296 = tpu.memref_slice %arg15[%dma_wait3A_282, %dma_wait3A_294, %dma_wait3A_295] : memref<5x64x128xf32, #tpu.memory_space<vmem>> -> memref<1x64x128xf32, #tpu.memory_space<vmem>>
    %dma_wait3A_297 = tpu.memref_squeeze %dma_wait3A_296 : memref<1x64x128xf32, #tpu.memory_space<vmem>> -> memref<64x128xf32, #tpu.memory_space<vmem>>
    tpu.wait_dma2 semaphore(%dma_wait3A_291 : memref<!tpu.dma_semaphore, #tpu.memory_space<semaphore_mem>>) src(%dma_wait3A_297 : memref<64x128xf32, #tpu.memory_space<vmem>>) dst(%dma_wait3A_293 : memref<64x128xf32, #tpu.memory_space<vmem_shared>>)
    %add3A_298 = arith.constant 384 : i32
    %add3A_299 = arith.addi %mul3A_11, %add3A_298 : i32
    %dma_wait3A_300 = arith.constant 0 : i32
    %dma_wait3A_301 = arith.constant 0 : i32
    %dma_wait3A_302 = arith.constant 0 : i32
    %dma_wait3A_303 = arith.constant 0 : i32
    %dma_wait3A_304 = tpu.memref_slice %arg15[%dma_wait3A_300, %dma_wait3A_302, %dma_wait3A_303] : memref<5x64x128xf32, #tpu.memory_space<vmem>> -> memref<1x64x128xf32, #tpu.memory_space<vmem>>
    %dma_wait3A_305 = tpu.memref_squeeze %dma_wait3A_304 : memref<1x64x128xf32, #tpu.memory_space<vmem>> -> memref<64x128xf32, #tpu.memory_space<vmem>>
    %dma_wait3A_306 = arith.constant 0 : i32
    %dma_wait3A_307 = tpu.memref_slice %arg6[%add3A_299, %dma_wait3A_306] : memref<10240x128xf32, #tpu.memory_space<vmem_shared>> -> memref<64x128xf32, #tpu.memory_space<vmem_shared>>
    %dma_wait3A_308 = tpu.memref_slice %arg21[%dma_wait3A_301] : memref<5x!tpu.dma_semaphore, #tpu.memory_space<semaphore_mem>> -> memref<1x!tpu.dma_semaphore, #tpu.memory_space<semaphore_mem>>
    %dma_wait3A_309 = tpu.memref_squeeze %dma_wait3A_308 : memref<1x!tpu.dma_semaphore, #tpu.memory_space<semaphore_mem>> -> memref<!tpu.dma_semaphore, #tpu.memory_space<semaphore_mem>>
    %dma_wait3A_310 = arith.constant 0 : i32
    %dma_wait3A_311 = tpu.memref_slice %arg6[%add3A_299, %dma_wait3A_310] : memref<10240x128xf32, #tpu.memory_space<vmem_shared>> -> memref<64x128xf32, #tpu.memory_space<vmem_shared>>
    %dma_wait3A_312 = arith.constant 0 : i32
    %dma_wait3A_313 = arith.constant 0 : i32
    %dma_wait3A_314 = tpu.memref_slice %arg15[%dma_wait3A_300, %dma_wait3A_312, %dma_wait3A_313] : memref<5x64x128xf32, #tpu.memory_space<vmem>> -> memref<1x64x128xf32, #tpu.memory_space<vmem>>
    %dma_wait3A_315 = tpu.memref_squeeze %dma_wait3A_314 : memref<1x64x128xf32, #tpu.memory_space<vmem>> -> memref<64x128xf32, #tpu.memory_space<vmem>>
    tpu.wait_dma2 semaphore(%dma_wait3A_309 : memref<!tpu.dma_semaphore, #tpu.memory_space<semaphore_mem>>) src(%dma_wait3A_315 : memref<64x128xf32, #tpu.memory_space<vmem>>) dst(%dma_wait3A_311 : memref<64x128xf32, #tpu.memory_space<vmem_shared>>)
    %add3A_316 = arith.constant 448 : i32
    %add3A_317 = arith.addi %mul3A_11, %add3A_316 : i32
    %dma_wait3A_318 = arith.constant 0 : i32
    %dma_wait3A_319 = arith.constant 0 : i32
    %dma_wait3A_320 = arith.constant 0 : i32
    %dma_wait3A_321 = arith.constant 0 : i32
    %dma_wait3A_322 = tpu.memref_slice %arg15[%dma_wait3A_318, %dma_wait3A_320, %dma_wait3A_321] : memref<5x64x128xf32, #tpu.memory_space<vmem>> -> memref<1x64x128xf32, #tpu.memory_space<vmem>>
    %dma_wait3A_323 = tpu.memref_squeeze %dma_wait3A_322 : memref<1x64x128xf32, #tpu.memory_space<vmem>> -> memref<64x128xf32, #tpu.memory_space<vmem>>
    %dma_wait3A_324 = arith.constant 0 : i32
    %dma_wait3A_325 = tpu.memref_slice %arg6[%add3A_317, %dma_wait3A_324] : memref<10240x128xf32, #tpu.memory_space<vmem_shared>> -> memref<64x128xf32, #tpu.memory_space<vmem_shared>>
    %dma_wait3A_326 = tpu.memref_slice %arg21[%dma_wait3A_319] : memref<5x!tpu.dma_semaphore, #tpu.memory_space<semaphore_mem>> -> memref<1x!tpu.dma_semaphore, #tpu.memory_space<semaphore_mem>>
    %dma_wait3A_327 = tpu.memref_squeeze %dma_wait3A_326 : memref<1x!tpu.dma_semaphore, #tpu.memory_space<semaphore_mem>> -> memref<!tpu.dma_semaphore, #tpu.memory_space<semaphore_mem>>
    %dma_wait3A_328 = arith.constant 0 : i32
    %dma_wait3A_329 = tpu.memref_slice %arg6[%add3A_317, %dma_wait3A_328] : memref<10240x128xf32, #tpu.memory_space<vmem_shared>> -> memref<64x128xf32, #tpu.memory_space<vmem_shared>>
    %dma_wait3A_330 = arith.constant 0 : i32
    %dma_wait3A_331 = arith.constant 0 : i32
    %dma_wait3A_332 = tpu.memref_slice %arg15[%dma_wait3A_318, %dma_wait3A_330, %dma_wait3A_331] : memref<5x64x128xf32, #tpu.memory_space<vmem>> -> memref<1x64x128xf32, #tpu.memory_space<vmem>>
    %dma_wait3A_333 = tpu.memref_squeeze %dma_wait3A_332 : memref<1x64x128xf32, #tpu.memory_space<vmem>> -> memref<64x128xf32, #tpu.memory_space<vmem>>
    tpu.wait_dma2 semaphore(%dma_wait3A_327 : memref<!tpu.dma_semaphore, #tpu.memory_space<semaphore_mem>>) src(%dma_wait3A_333 : memref<64x128xf32, #tpu.memory_space<vmem>>) dst(%dma_wait3A_329 : memref<64x128xf32, #tpu.memory_space<vmem_shared>>)
    %add3A_334 = arith.constant 512 : i32
    %add3A_335 = arith.addi %mul3A_11, %add3A_334 : i32
    %dma_wait3A_336 = arith.constant 0 : i32
    %dma_wait3A_337 = arith.constant 0 : i32
    %dma_wait3A_338 = arith.constant 0 : i32
    %dma_wait3A_339 = arith.constant 0 : i32
    %dma_wait3A_340 = tpu.memref_slice %arg15[%dma_wait3A_336, %dma_wait3A_338, %dma_wait3A_339] : memref<5x64x128xf32, #tpu.memory_space<vmem>> -> memref<1x64x128xf32, #tpu.memory_space<vmem>>
    %dma_wait3A_341 = tpu.memref_squeeze %dma_wait3A_340 : memref<1x64x128xf32, #tpu.memory_space<vmem>> -> memref<64x128xf32, #tpu.memory_space<vmem>>
    %dma_wait3A_342 = arith.constant 0 : i32
    %dma_wait3A_343 = tpu.memref_slice %arg6[%add3A_335, %dma_wait3A_342] : memref<10240x128xf32, #tpu.memory_space<vmem_shared>> -> memref<64x128xf32, #tpu.memory_space<vmem_shared>>
    %dma_wait3A_344 = tpu.memref_slice %arg21[%dma_wait3A_337] : memref<5x!tpu.dma_semaphore, #tpu.memory_space<semaphore_mem>> -> memref<1x!tpu.dma_semaphore, #tpu.memory_space<semaphore_mem>>
    %dma_wait3A_345 = tpu.memref_squeeze %dma_wait3A_344 : memref<1x!tpu.dma_semaphore, #tpu.memory_space<semaphore_mem>> -> memref<!tpu.dma_semaphore, #tpu.memory_space<semaphore_mem>>
    %dma_wait3A_346 = arith.constant 0 : i32
    %dma_wait3A_347 = tpu.memref_slice %arg6[%add3A_335, %dma_wait3A_346] : memref<10240x128xf32, #tpu.memory_space<vmem_shared>> -> memref<64x128xf32, #tpu.memory_space<vmem_shared>>
    %dma_wait3A_348 = arith.constant 0 : i32
    %dma_wait3A_349 = arith.constant 0 : i32
    %dma_wait3A_350 = tpu.memref_slice %arg15[%dma_wait3A_336, %dma_wait3A_348, %dma_wait3A_349] : memref<5x64x128xf32, #tpu.memory_space<vmem>> -> memref<1x64x128xf32, #tpu.memory_space<vmem>>
    %dma_wait3A_351 = tpu.memref_squeeze %dma_wait3A_350 : memref<1x64x128xf32, #tpu.memory_space<vmem>> -> memref<64x128xf32, #tpu.memory_space<vmem>>
    tpu.wait_dma2 semaphore(%dma_wait3A_345 : memref<!tpu.dma_semaphore, #tpu.memory_space<semaphore_mem>>) src(%dma_wait3A_351 : memref<64x128xf32, #tpu.memory_space<vmem>>) dst(%dma_wait3A_347 : memref<64x128xf32, #tpu.memory_space<vmem_shared>>)
    %add3A_352 = arith.constant 576 : i32
    %add3A_353 = arith.addi %mul3A_11, %add3A_352 : i32
    %dma_wait3A_354 = arith.constant 0 : i32
    %dma_wait3A_355 = arith.constant 0 : i32
    %dma_wait3A_356 = arith.constant 0 : i32
    %dma_wait3A_357 = arith.constant 0 : i32
    %dma_wait3A_358 = tpu.memref_slice %arg15[%dma_wait3A_354, %dma_wait3A_356, %dma_wait3A_357] : memref<5x64x128xf32, #tpu.memory_space<vmem>> -> memref<1x64x128xf32, #tpu.memory_space<vmem>>
    %dma_wait3A_359 = tpu.memref_squeeze %dma_wait3A_358 : memref<1x64x128xf32, #tpu.memory_space<vmem>> -> memref<64x128xf32, #tpu.memory_space<vmem>>
    %dma_wait3A_360 = arith.constant 0 : i32
    %dma_wait3A_361 = tpu.memref_slice %arg6[%add3A_353, %dma_wait3A_360] : memref<10240x128xf32, #tpu.memory_space<vmem_shared>> -> memref<64x128xf32, #tpu.memory_space<vmem_shared>>
    %dma_wait3A_362 = tpu.memref_slice %arg21[%dma_wait3A_355] : memref<5x!tpu.dma_semaphore, #tpu.memory_space<semaphore_mem>> -> memref<1x!tpu.dma_semaphore, #tpu.memory_space<semaphore_mem>>
    %dma_wait3A_363 = tpu.memref_squeeze %dma_wait3A_362 : memref<1x!tpu.dma_semaphore, #tpu.memory_space<semaphore_mem>> -> memref<!tpu.dma_semaphore, #tpu.memory_space<semaphore_mem>>
    %dma_wait3A_364 = arith.constant 0 : i32
    %dma_wait3A_365 = tpu.memref_slice %arg6[%add3A_353, %dma_wait3A_364] : memref<10240x128xf32, #tpu.memory_space<vmem_shared>> -> memref<64x128xf32, #tpu.memory_space<vmem_shared>>
    %dma_wait3A_366 = arith.constant 0 : i32
    %dma_wait3A_367 = arith.constant 0 : i32
    %dma_wait3A_368 = tpu.memref_slice %arg15[%dma_wait3A_354, %dma_wait3A_366, %dma_wait3A_367] : memref<5x64x128xf32, #tpu.memory_space<vmem>> -> memref<1x64x128xf32, #tpu.memory_space<vmem>>
    %dma_wait3A_369 = tpu.memref_squeeze %dma_wait3A_368 : memref<1x64x128xf32, #tpu.memory_space<vmem>> -> memref<64x128xf32, #tpu.memory_space<vmem>>
    tpu.wait_dma2 semaphore(%dma_wait3A_363 : memref<!tpu.dma_semaphore, #tpu.memory_space<semaphore_mem>>) src(%dma_wait3A_369 : memref<64x128xf32, #tpu.memory_space<vmem>>) dst(%dma_wait3A_365 : memref<64x128xf32, #tpu.memory_space<vmem_shared>>)
    %barrier3A = arith.constant 0 : index
    tpu.barrier barrier_id(%barrier3A)
    %scan3A_370 = arith.constant 0 : i32
    %scan3A_371 = arith.constant 0 : i32
    %scan3A_372 = arith.constant 33 : i32
    %scan3A_373 = arith.addi %scan3A_371, %scan3A_372 : i32
    %scan3A_374 = arith.constant 1 : i32
    %scan3A_375 = scf.for %scan3A_378 = %scan3A_371 to %scan3A_373 step %scan3A_374 iter_args(%scan3A_379 = %scan3A_370) -> (i32)  : i32 {
      %mul3A_380 = arith.constant 5 : i32
      %mul3A_381 = arith.muli %scan3A_378, %mul3A_380 : i32
      %add3A_382 = arith.constant 0 : i32
      %add3A_383 = arith.addi %mul3A_381, %add3A_382 : i32
      %ge3A = arith.constant 5 : i32
      %ge3A_384 = arith.cmpi sge, %add3A_383, %ge3A : i32
      %sub3A = arith.constant 5 : i32
      %sub3A_385 = arith.subi %add3A_383, %sub3A : i32
      %lt3A_386 = arith.cmpi slt, %sub3A_385, %select_n3A : i32
      %and3A = arith.andi %ge3A_384, %lt3A_386 : i1
      %convert_element_type3A = arith.extui %and3A : i1 to i32
      %cond3A = arith.constant 0 : i32
      %cond3A_387 = arith.cmpi ne, %convert_element_type3A, %cond3A : i32
      scf.if %cond3A_387 {
        %dma_wait3A_551 = arith.constant 0 : i32
        %dma_wait3A_552 = arith.constant 0 : i32
        %dma_wait3A_553 = arith.constant 0 : i32
        %dma_wait3A_554 = arith.constant 0 : i32
        %dma_wait3A_555 = tpu.memref_slice %arg15[%dma_wait3A_551, %dma_wait3A_553, %dma_wait3A_554] : memref<5x64x128xf32, #tpu.memory_space<vmem>> -> memref<1x64x128xf32, #tpu.memory_space<vmem>>
        %dma_wait3A_556 = tpu.memref_squeeze %dma_wait3A_555 : memref<1x64x128xf32, #tpu.memory_space<vmem>> -> memref<64x128xf32, #tpu.memory_space<vmem>>
        %dma_wait3A_557 = arith.constant 0 : i32
        %dma_wait3A_558 = arith.constant 0 : i32
        %dma_wait3A_559 = tpu.memref_slice %arg6[%dma_wait3A_557, %dma_wait3A_558] : memref<10240x128xf32, #tpu.memory_space<vmem_shared>> -> memref<10240x128xf32, #tpu.memory_space<vmem_shared>>
        %dma_wait3A_560 = tpu.memref_slice %arg21[%dma_wait3A_552] : memref<5x!tpu.dma_semaphore, #tpu.memory_space<semaphore_mem>> -> memref<1x!tpu.dma_semaphore, #tpu.memory_space<semaphore_mem>>
        %dma_wait3A_561 = tpu.memref_squeeze %dma_wait3A_560 : memref<1x!tpu.dma_semaphore, #tpu.memory_space<semaphore_mem>> -> memref<!tpu.dma_semaphore, #tpu.memory_space<semaphore_mem>>
        tpu.wait_indirect_dma semaphore(%dma_wait3A_561 : memref<!tpu.dma_semaphore, #tpu.memory_space<semaphore_mem>>) src(%dma_wait3A_556 : memref<64x128xf32, #tpu.memory_space<vmem>>) dst(%dma_wait3A_559 : memref<10240x128xf32, #tpu.memory_space<vmem_shared>>)
      } else {
      }
      %lt3A_388 = arith.cmpi slt, %add3A_383, %select_n3A : i32
      %convert_element_type3A_389 = arith.extui %lt3A_388 : i1 to i32
      %cond3A_390 = arith.constant 0 : i32
      %cond3A_391 = arith.cmpi ne, %convert_element_type3A_389, %cond3A_390 : i32
      scf.if %cond3A_391 {
        %mul3A_551 = arith.constant 32 : i32
        %mul3A_552 = arith.muli %add3A_383, %mul3A_551 : i32
        %add3A_553 = arith.addi %mul3A_552, %add3A : i32
        %mul3A_554 = arith.constant 64 : i32
        %mul3A_555 = arith.muli %add3A_553, %mul3A_554 : i32
        %dma_start3A_556 = arith.constant 0 : i32
        %dma_start3A_557 = tpu.memref_slice %arg3[%mul3A_555] : memref<320000xi32, #tpu.memory_space<hbm>> -> memref<64xi32, #tpu.memory_space<hbm>>
        %dma_start3A_558 = tpu.memref_slice %arg14[%dma_start3A_556] : memref<5x!tpu.dma_semaphore, #tpu.memory_space<semaphore_mem>> -> memref<1x!tpu.dma_semaphore, #tpu.memory_space<semaphore_mem>>
        %dma_start3A_559 = tpu.memref_squeeze %dma_start3A_558 : memref<1x!tpu.dma_semaphore, #tpu.memory_space<semaphore_mem>> -> memref<!tpu.dma_semaphore, #tpu.memory_space<semaphore_mem>>
        %dma_start3A_560 = tpu.memref_slice %arg3[%mul3A_555] : memref<320000xi32, #tpu.memory_space<hbm>> -> memref<64xi32, #tpu.memory_space<hbm>>
        tpu.enqueue_dma source(%dma_start3A_560 : memref<64xi32, #tpu.memory_space<hbm>>) target(%arg16 : memref<64xi32, #tpu.memory_space<vmem>>) target_semaphore(%dma_start3A_559 : memref<!tpu.dma_semaphore, #tpu.memory_space<semaphore_mem>>)
        %dma_start3A_561 = arith.constant 0 : i32
        %dma_start3A_562 = tpu.memref_slice %arg4[%mul3A_555] : memref<320000xi32, #tpu.memory_space<hbm>> -> memref<64xi32, #tpu.memory_space<hbm>>
        %dma_start3A_563 = tpu.memref_slice %arg13[%dma_start3A_561] : memref<5x!tpu.dma_semaphore, #tpu.memory_space<semaphore_mem>> -> memref<1x!tpu.dma_semaphore, #tpu.memory_space<semaphore_mem>>
        %dma_start3A_564 = tpu.memref_squeeze %dma_start3A_563 : memref<1x!tpu.dma_semaphore, #tpu.memory_space<semaphore_mem>> -> memref<!tpu.dma_semaphore, #tpu.memory_space<semaphore_mem>>
        %dma_start3A_565 = tpu.memref_slice %arg4[%mul3A_555] : memref<320000xi32, #tpu.memory_space<hbm>> -> memref<64xi32, #tpu.memory_space<hbm>>
        tpu.enqueue_dma source(%dma_start3A_565 : memref<64xi32, #tpu.memory_space<hbm>>) target(%arg7 : memref<64xi32, #tpu.memory_space<vmem>>) target_semaphore(%dma_start3A_564 : memref<!tpu.dma_semaphore, #tpu.memory_space<semaphore_mem>>)
      } else {
      }
      %ge3A_392 = arith.constant 1 : i32
      %ge3A_393 = arith.cmpi sge, %add3A_383, %ge3A_392 : i32
      %sub3A_394 = arith.constant 1 : i32
      %sub3A_395 = arith.subi %add3A_383, %sub3A_394 : i32
      %lt3A_396 = arith.cmpi slt, %sub3A_395, %select_n3A : i32
      %and3A_397 = arith.andi %ge3A_393, %lt3A_396 : i1
      %convert_element_type3A_398 = arith.extui %and3A_397 : i1 to i32
      %cond3A_399 = arith.constant 0 : i32
      %cond3A_400 = arith.cmpi ne, %convert_element_type3A_398, %cond3A_399 : i32
      scf.if %cond3A_400 {
        %sub3A_551 = arith.constant 1 : i32
        %sub3A_552 = arith.subi %add3A_383, %sub3A_551 : i32
        %mul3A_553 = arith.constant 32 : i32
        %mul3A_554 = arith.muli %sub3A_552, %mul3A_553 : i32
        %add3A_555 = arith.addi %mul3A_554, %add3A : i32
        %mul3A_556 = arith.constant 64 : i32
        %mul3A_557 = arith.muli %add3A_555, %mul3A_556 : i32
        %dma_wait3A_558 = arith.constant 4 : i32
        %dma_wait3A_559 = tpu.memref_slice %arg3[%mul3A_557] : memref<320000xi32, #tpu.memory_space<hbm>> -> memref<64xi32, #tpu.memory_space<hbm>>
        %dma_wait3A_560 = tpu.memref_slice %arg14[%dma_wait3A_558] : memref<5x!tpu.dma_semaphore, #tpu.memory_space<semaphore_mem>> -> memref<1x!tpu.dma_semaphore, #tpu.memory_space<semaphore_mem>>
        %dma_wait3A_561 = tpu.memref_squeeze %dma_wait3A_560 : memref<1x!tpu.dma_semaphore, #tpu.memory_space<semaphore_mem>> -> memref<!tpu.dma_semaphore, #tpu.memory_space<semaphore_mem>>
        %dma_wait3A_562 = tpu.memref_slice %arg3[%mul3A_557] : memref<320000xi32, #tpu.memory_space<hbm>> -> memref<64xi32, #tpu.memory_space<hbm>>
        tpu.wait_dma2 semaphore(%dma_wait3A_561 : memref<!tpu.dma_semaphore, #tpu.memory_space<semaphore_mem>>) src(%dma_wait3A_562 : memref<64xi32, #tpu.memory_space<hbm>>) dst(%arg20 : memref<64xi32, #tpu.memory_space<vmem>>)
        %dma_wait3A_563 = arith.constant 4 : i32
        %dma_wait3A_564 = tpu.memref_slice %arg4[%mul3A_557] : memref<320000xi32, #tpu.memory_space<hbm>> -> memref<64xi32, #tpu.memory_space<hbm>>
        %dma_wait3A_565 = tpu.memref_slice %arg13[%dma_wait3A_563] : memref<5x!tpu.dma_semaphore, #tpu.memory_space<semaphore_mem>> -> memref<1x!tpu.dma_semaphore, #tpu.memory_space<semaphore_mem>>
        %dma_wait3A_566 = tpu.memref_squeeze %dma_wait3A_565 : memref<1x!tpu.dma_semaphore, #tpu.memory_space<semaphore_mem>> -> memref<!tpu.dma_semaphore, #tpu.memory_space<semaphore_mem>>
        %dma_wait3A_567 = tpu.memref_slice %arg4[%mul3A_557] : memref<320000xi32, #tpu.memory_space<hbm>> -> memref<64xi32, #tpu.memory_space<hbm>>
        tpu.wait_dma2 semaphore(%dma_wait3A_566 : memref<!tpu.dma_semaphore, #tpu.memory_space<semaphore_mem>>) src(%dma_wait3A_567 : memref<64xi32, #tpu.memory_space<hbm>>) dst(%arg11 : memref<64xi32, #tpu.memory_space<vmem>>)
        %dma_start3A_568 = arith.constant 4 : i32
        %dma_start3A_569 = arith.constant 4 : i32
        %dma_start3A_570 = arith.constant 0 : i32
        %dma_start3A_571 = arith.constant 0 : i32
        %dma_start3A_572 = tpu.memref_slice %arg15[%dma_start3A_568, %dma_start3A_570, %dma_start3A_571] : memref<5x64x128xf32, #tpu.memory_space<vmem>> -> memref<1x64x128xf32, #tpu.memory_space<vmem>>
        %dma_start3A_573 = tpu.memref_squeeze %dma_start3A_572 : memref<1x64x128xf32, #tpu.memory_space<vmem>> -> memref<64x128xf32, #tpu.memory_space<vmem>>
        %dma_start3A_574 = arith.constant 0 : i32
        %dma_start3A_575 = arith.constant 0 : i32
        %dma_start3A_576 = tpu.memref_slice %arg2[%dma_start3A_574, %dma_start3A_575] : memref<10240x128xf32, #tpu.memory_space<hbm>> -> memref<10240x128xf32, #tpu.memory_space<hbm>>
        %dma_start3A_577 = tpu.memref_slice %arg12[%dma_start3A_569] : memref<5x!tpu.dma_semaphore, #tpu.memory_space<semaphore_mem>> -> memref<1x!tpu.dma_semaphore, #tpu.memory_space<semaphore_mem>>
        %dma_start3A_578 = tpu.memref_squeeze %dma_start3A_577 : memref<1x!tpu.dma_semaphore, #tpu.memory_space<semaphore_mem>> -> memref<!tpu.dma_semaphore, #tpu.memory_space<semaphore_mem>>
        tpu.enqueue_indirect_dma source(%dma_start3A_576 : memref<10240x128xf32, #tpu.memory_space<hbm>>) target(%dma_start3A_573 : memref<64x128xf32, #tpu.memory_space<vmem>>) offsets(%arg20 : memref<64xi32, #tpu.memory_space<vmem>>) semaphore(%dma_start3A_578 : memref<!tpu.dma_semaphore, #tpu.memory_space<semaphore_mem>>)
      } else {
      }
      %ge3A_401 = arith.constant 4 : i32
      %ge3A_402 = arith.cmpi sge, %add3A_383, %ge3A_401 : i32
      %sub3A_403 = arith.constant 4 : i32
      %sub3A_404 = arith.subi %add3A_383, %sub3A_403 : i32
      %lt3A_405 = arith.cmpi slt, %sub3A_404, %select_n3A : i32
      %and3A_406 = arith.andi %ge3A_402, %lt3A_405 : i1
      %convert_element_type3A_407 = arith.extui %and3A_406 : i1 to i32
      %cond3A_408 = arith.constant 0 : i32
      %cond3A_409 = arith.cmpi ne, %convert_element_type3A_407, %cond3A_408 : i32
      scf.if %cond3A_409 {
        %dma_wait3A_551 = arith.constant 1 : i32
        %dma_wait3A_552 = arith.constant 1 : i32
        %dma_wait3A_553 = arith.constant 0 : i32
        %dma_wait3A_554 = arith.constant 0 : i32
        %dma_wait3A_555 = tpu.memref_slice %arg15[%dma_wait3A_551, %dma_wait3A_553, %dma_wait3A_554] : memref<5x64x128xf32, #tpu.memory_space<vmem>> -> memref<1x64x128xf32, #tpu.memory_space<vmem>>
        %dma_wait3A_556 = tpu.memref_squeeze %dma_wait3A_555 : memref<1x64x128xf32, #tpu.memory_space<vmem>> -> memref<64x128xf32, #tpu.memory_space<vmem>>
        %dma_wait3A_557 = arith.constant 0 : i32
        %dma_wait3A_558 = arith.constant 0 : i32
        %dma_wait3A_559 = tpu.memref_slice %arg2[%dma_wait3A_557, %dma_wait3A_558] : memref<10240x128xf32, #tpu.memory_space<hbm>> -> memref<10240x128xf32, #tpu.memory_space<hbm>>
        %dma_wait3A_560 = tpu.memref_slice %arg12[%dma_wait3A_552] : memref<5x!tpu.dma_semaphore, #tpu.memory_space<semaphore_mem>> -> memref<1x!tpu.dma_semaphore, #tpu.memory_space<semaphore_mem>>
        %dma_wait3A_561 = tpu.memref_squeeze %dma_wait3A_560 : memref<1x!tpu.dma_semaphore, #tpu.memory_space<semaphore_mem>> -> memref<!tpu.dma_semaphore, #tpu.memory_space<semaphore_mem>>
        tpu.wait_indirect_dma semaphore(%dma_wait3A_561 : memref<!tpu.dma_semaphore, #tpu.memory_space<semaphore_mem>>) src(%dma_wait3A_559 : memref<10240x128xf32, #tpu.memory_space<hbm>>) dst(%dma_wait3A_556 : memref<64x128xf32, #tpu.memory_space<vmem>>)
        %dma_start3A_562 = arith.constant 1 : i32
        %dma_start3A_563 = arith.constant 1 : i32
        %dma_start3A_564 = arith.constant 0 : i32
        %dma_start3A_565 = arith.constant 0 : i32
        %dma_start3A_566 = tpu.memref_slice %arg15[%dma_start3A_562, %dma_start3A_564, %dma_start3A_565] : memref<5x64x128xf32, #tpu.memory_space<vmem>> -> memref<1x64x128xf32, #tpu.memory_space<vmem>>
        %dma_start3A_567 = tpu.memref_squeeze %dma_start3A_566 : memref<1x64x128xf32, #tpu.memory_space<vmem>> -> memref<64x128xf32, #tpu.memory_space<vmem>>
        %dma_start3A_568 = arith.constant 0 : i32
        %dma_start3A_569 = arith.constant 0 : i32
        %dma_start3A_570 = tpu.memref_slice %arg6[%dma_start3A_568, %dma_start3A_569] : memref<10240x128xf32, #tpu.memory_space<vmem_shared>> -> memref<10240x128xf32, #tpu.memory_space<vmem_shared>>
        %dma_start3A_571 = tpu.memref_slice %arg21[%dma_start3A_563] : memref<5x!tpu.dma_semaphore, #tpu.memory_space<semaphore_mem>> -> memref<1x!tpu.dma_semaphore, #tpu.memory_space<semaphore_mem>>
        %dma_start3A_572 = tpu.memref_squeeze %dma_start3A_571 : memref<1x!tpu.dma_semaphore, #tpu.memory_space<semaphore_mem>> -> memref<!tpu.dma_semaphore, #tpu.memory_space<semaphore_mem>>
        tpu.enqueue_indirect_dma source(%dma_start3A_567 : memref<64x128xf32, #tpu.memory_space<vmem>>) target(%dma_start3A_570 : memref<10240x128xf32, #tpu.memory_space<vmem_shared>>) offsets(%arg8 : memref<64xi32, #tpu.memory_space<vmem>>) semaphore(%dma_start3A_572 : memref<!tpu.dma_semaphore, #tpu.memory_space<semaphore_mem>>) {add = true}
      } else {
      }
      %mul3A_410 = arith.constant 5 : i32
      %mul3A_411 = arith.muli %scan3A_378, %mul3A_410 : i32
      %add3A_412 = arith.constant 1 : i32
      %add3A_413 = arith.addi %mul3A_411, %add3A_412 : i32
      %ge3A_414 = arith.constant 5 : i32
      %ge3A_415 = arith.cmpi sge, %add3A_413, %ge3A_414 : i32
      %sub3A_416 = arith.constant 5 : i32
      %sub3A_417 = arith.subi %add3A_413, %sub3A_416 : i32
      %lt3A_418 = arith.cmpi slt, %sub3A_417, %select_n3A : i32
      %and3A_419 = arith.andi %ge3A_415, %lt3A_418 : i1
      %convert_element_type3A_420 = arith.extui %and3A_419 : i1 to i32
      %cond3A_421 = arith.constant 0 : i32
      %cond3A_422 = arith.cmpi ne, %convert_element_type3A_420, %cond3A_421 : i32
      scf.if %cond3A_422 {
        %dma_wait3A_551 = arith.constant 1 : i32
        %dma_wait3A_552 = arith.constant 1 : i32
        %dma_wait3A_553 = arith.constant 0 : i32
        %dma_wait3A_554 = arith.constant 0 : i32
        %dma_wait3A_555 = tpu.memref_slice %arg15[%dma_wait3A_551, %dma_wait3A_553, %dma_wait3A_554] : memref<5x64x128xf32, #tpu.memory_space<vmem>> -> memref<1x64x128xf32, #tpu.memory_space<vmem>>
        %dma_wait3A_556 = tpu.memref_squeeze %dma_wait3A_555 : memref<1x64x128xf32, #tpu.memory_space<vmem>> -> memref<64x128xf32, #tpu.memory_space<vmem>>
        %dma_wait3A_557 = arith.constant 0 : i32
        %dma_wait3A_558 = arith.constant 0 : i32
        %dma_wait3A_559 = tpu.memref_slice %arg6[%dma_wait3A_557, %dma_wait3A_558] : memref<10240x128xf32, #tpu.memory_space<vmem_shared>> -> memref<10240x128xf32, #tpu.memory_space<vmem_shared>>
        %dma_wait3A_560 = tpu.memref_slice %arg21[%dma_wait3A_552] : memref<5x!tpu.dma_semaphore, #tpu.memory_space<semaphore_mem>> -> memref<1x!tpu.dma_semaphore, #tpu.memory_space<semaphore_mem>>
        %dma_wait3A_561 = tpu.memref_squeeze %dma_wait3A_560 : memref<1x!tpu.dma_semaphore, #tpu.memory_space<semaphore_mem>> -> memref<!tpu.dma_semaphore, #tpu.memory_space<semaphore_mem>>
        tpu.wait_indirect_dma semaphore(%dma_wait3A_561 : memref<!tpu.dma_semaphore, #tpu.memory_space<semaphore_mem>>) src(%dma_wait3A_556 : memref<64x128xf32, #tpu.memory_space<vmem>>) dst(%dma_wait3A_559 : memref<10240x128xf32, #tpu.memory_space<vmem_shared>>)
      } else {
      }
      %lt3A_423 = arith.cmpi slt, %add3A_413, %select_n3A : i32
      %convert_element_type3A_424 = arith.extui %lt3A_423 : i1 to i32
      %cond3A_425 = arith.constant 0 : i32
      %cond3A_426 = arith.cmpi ne, %convert_element_type3A_424, %cond3A_425 : i32
      scf.if %cond3A_426 {
        %mul3A_551 = arith.constant 32 : i32
        %mul3A_552 = arith.muli %add3A_413, %mul3A_551 : i32
        %add3A_553 = arith.addi %mul3A_552, %add3A : i32
        %mul3A_554 = arith.constant 64 : i32
        %mul3A_555 = arith.muli %add3A_553, %mul3A_554 : i32
        %dma_start3A_556 = arith.constant 1 : i32
        %dma_start3A_557 = tpu.memref_slice %arg3[%mul3A_555] : memref<320000xi32, #tpu.memory_space<hbm>> -> memref<64xi32, #tpu.memory_space<hbm>>
        %dma_start3A_558 = tpu.memref_slice %arg14[%dma_start3A_556] : memref<5x!tpu.dma_semaphore, #tpu.memory_space<semaphore_mem>> -> memref<1x!tpu.dma_semaphore, #tpu.memory_space<semaphore_mem>>
        %dma_start3A_559 = tpu.memref_squeeze %dma_start3A_558 : memref<1x!tpu.dma_semaphore, #tpu.memory_space<semaphore_mem>> -> memref<!tpu.dma_semaphore, #tpu.memory_space<semaphore_mem>>
        %dma_start3A_560 = tpu.memref_slice %arg3[%mul3A_555] : memref<320000xi32, #tpu.memory_space<hbm>> -> memref<64xi32, #tpu.memory_space<hbm>>
        tpu.enqueue_dma source(%dma_start3A_560 : memref<64xi32, #tpu.memory_space<hbm>>) target(%arg17 : memref<64xi32, #tpu.memory_space<vmem>>) target_semaphore(%dma_start3A_559 : memref<!tpu.dma_semaphore, #tpu.memory_space<semaphore_mem>>)
        %dma_start3A_561 = arith.constant 1 : i32
        %dma_start3A_562 = tpu.memref_slice %arg4[%mul3A_555] : memref<320000xi32, #tpu.memory_space<hbm>> -> memref<64xi32, #tpu.memory_space<hbm>>
        %dma_start3A_563 = tpu.memref_slice %arg13[%dma_start3A_561] : memref<5x!tpu.dma_semaphore, #tpu.memory_space<semaphore_mem>> -> memref<1x!tpu.dma_semaphore, #tpu.memory_space<semaphore_mem>>
        %dma_start3A_564 = tpu.memref_squeeze %dma_start3A_563 : memref<1x!tpu.dma_semaphore, #tpu.memory_space<semaphore_mem>> -> memref<!tpu.dma_semaphore, #tpu.memory_space<semaphore_mem>>
        %dma_start3A_565 = tpu.memref_slice %arg4[%mul3A_555] : memref<320000xi32, #tpu.memory_space<hbm>> -> memref<64xi32, #tpu.memory_space<hbm>>
        tpu.enqueue_dma source(%dma_start3A_565 : memref<64xi32, #tpu.memory_space<hbm>>) target(%arg8 : memref<64xi32, #tpu.memory_space<vmem>>) target_semaphore(%dma_start3A_564 : memref<!tpu.dma_semaphore, #tpu.memory_space<semaphore_mem>>)
      } else {
      }
      %ge3A_427 = arith.constant 1 : i32
      %ge3A_428 = arith.cmpi sge, %add3A_413, %ge3A_427 : i32
      %sub3A_429 = arith.constant 1 : i32
      %sub3A_430 = arith.subi %add3A_413, %sub3A_429 : i32
      %lt3A_431 = arith.cmpi slt, %sub3A_430, %select_n3A : i32
      %and3A_432 = arith.andi %ge3A_428, %lt3A_431 : i1
      %convert_element_type3A_433 = arith.extui %and3A_432 : i1 to i32
      %cond3A_434 = arith.constant 0 : i32
      %cond3A_435 = arith.cmpi ne, %convert_element_type3A_433, %cond3A_434 : i32
      scf.if %cond3A_435 {
        %sub3A_551 = arith.constant 1 : i32
        %sub3A_552 = arith.subi %add3A_413, %sub3A_551 : i32
        %mul3A_553 = arith.constant 32 : i32
        %mul3A_554 = arith.muli %sub3A_552, %mul3A_553 : i32
        %add3A_555 = arith.addi %mul3A_554, %add3A : i32
        %mul3A_556 = arith.constant 64 : i32
        %mul3A_557 = arith.muli %add3A_555, %mul3A_556 : i32
        %dma_wait3A_558 = arith.constant 0 : i32
        %dma_wait3A_559 = tpu.memref_slice %arg3[%mul3A_557] : memref<320000xi32, #tpu.memory_space<hbm>> -> memref<64xi32, #tpu.memory_space<hbm>>
        %dma_wait3A_560 = tpu.memref_slice %arg14[%dma_wait3A_558] : memref<5x!tpu.dma_semaphore, #tpu.memory_space<semaphore_mem>> -> memref<1x!tpu.dma_semaphore, #tpu.memory_space<semaphore_mem>>
        %dma_wait3A_561 = tpu.memref_squeeze %dma_wait3A_560 : memref<1x!tpu.dma_semaphore, #tpu.memory_space<semaphore_mem>> -> memref<!tpu.dma_semaphore, #tpu.memory_space<semaphore_mem>>
        %dma_wait3A_562 = tpu.memref_slice %arg3[%mul3A_557] : memref<320000xi32, #tpu.memory_space<hbm>> -> memref<64xi32, #tpu.memory_space<hbm>>
        tpu.wait_dma2 semaphore(%dma_wait3A_561 : memref<!tpu.dma_semaphore, #tpu.memory_space<semaphore_mem>>) src(%dma_wait3A_562 : memref<64xi32, #tpu.memory_space<hbm>>) dst(%arg16 : memref<64xi32, #tpu.memory_space<vmem>>)
        %dma_wait3A_563 = arith.constant 0 : i32
        %dma_wait3A_564 = tpu.memref_slice %arg4[%mul3A_557] : memref<320000xi32, #tpu.memory_space<hbm>> -> memref<64xi32, #tpu.memory_space<hbm>>
        %dma_wait3A_565 = tpu.memref_slice %arg13[%dma_wait3A_563] : memref<5x!tpu.dma_semaphore, #tpu.memory_space<semaphore_mem>> -> memref<1x!tpu.dma_semaphore, #tpu.memory_space<semaphore_mem>>
        %dma_wait3A_566 = tpu.memref_squeeze %dma_wait3A_565 : memref<1x!tpu.dma_semaphore, #tpu.memory_space<semaphore_mem>> -> memref<!tpu.dma_semaphore, #tpu.memory_space<semaphore_mem>>
        %dma_wait3A_567 = tpu.memref_slice %arg4[%mul3A_557] : memref<320000xi32, #tpu.memory_space<hbm>> -> memref<64xi32, #tpu.memory_space<hbm>>
        tpu.wait_dma2 semaphore(%dma_wait3A_566 : memref<!tpu.dma_semaphore, #tpu.memory_space<semaphore_mem>>) src(%dma_wait3A_567 : memref<64xi32, #tpu.memory_space<hbm>>) dst(%arg7 : memref<64xi32, #tpu.memory_space<vmem>>)
        %dma_start3A_568 = arith.constant 0 : i32
        %dma_start3A_569 = arith.constant 0 : i32
        %dma_start3A_570 = arith.constant 0 : i32
        %dma_start3A_571 = arith.constant 0 : i32
        %dma_start3A_572 = tpu.memref_slice %arg15[%dma_start3A_568, %dma_start3A_570, %dma_start3A_571] : memref<5x64x128xf32, #tpu.memory_space<vmem>> -> memref<1x64x128xf32, #tpu.memory_space<vmem>>
        %dma_start3A_573 = tpu.memref_squeeze %dma_start3A_572 : memref<1x64x128xf32, #tpu.memory_space<vmem>> -> memref<64x128xf32, #tpu.memory_space<vmem>>
        %dma_start3A_574 = arith.constant 0 : i32
        %dma_start3A_575 = arith.constant 0 : i32
        %dma_start3A_576 = tpu.memref_slice %arg2[%dma_start3A_574, %dma_start3A_575] : memref<10240x128xf32, #tpu.memory_space<hbm>> -> memref<10240x128xf32, #tpu.memory_space<hbm>>
        %dma_start3A_577 = tpu.memref_slice %arg12[%dma_start3A_569] : memref<5x!tpu.dma_semaphore, #tpu.memory_space<semaphore_mem>> -> memref<1x!tpu.dma_semaphore, #tpu.memory_space<semaphore_mem>>
        %dma_start3A_578 = tpu.memref_squeeze %dma_start3A_577 : memref<1x!tpu.dma_semaphore, #tpu.memory_space<semaphore_mem>> -> memref<!tpu.dma_semaphore, #tpu.memory_space<semaphore_mem>>
        tpu.enqueue_indirect_dma source(%dma_start3A_576 : memref<10240x128xf32, #tpu.memory_space<hbm>>) target(%dma_start3A_573 : memref<64x128xf32, #tpu.memory_space<vmem>>) offsets(%arg16 : memref<64xi32, #tpu.memory_space<vmem>>) semaphore(%dma_start3A_578 : memref<!tpu.dma_semaphore, #tpu.memory_space<semaphore_mem>>)
      } else {
      }
      %ge3A_436 = arith.constant 4 : i32
      %ge3A_437 = arith.cmpi sge, %add3A_413, %ge3A_436 : i32
      %sub3A_438 = arith.constant 4 : i32
      %sub3A_439 = arith.subi %add3A_413, %sub3A_438 : i32
      %lt3A_440 = arith.cmpi slt, %sub3A_439, %select_n3A : i32
      %and3A_441 = arith.andi %ge3A_437, %lt3A_440 : i1
      %convert_element_type3A_442 = arith.extui %and3A_441 : i1 to i32
      %cond3A_443 = arith.constant 0 : i32
      %cond3A_444 = arith.cmpi ne, %convert_element_type3A_442, %cond3A_443 : i32
      scf.if %cond3A_444 {
        %dma_wait3A_551 = arith.constant 2 : i32
        %dma_wait3A_552 = arith.constant 2 : i32
        %dma_wait3A_553 = arith.constant 0 : i32
        %dma_wait3A_554 = arith.constant 0 : i32
        %dma_wait3A_555 = tpu.memref_slice %arg15[%dma_wait3A_551, %dma_wait3A_553, %dma_wait3A_554] : memref<5x64x128xf32, #tpu.memory_space<vmem>> -> memref<1x64x128xf32, #tpu.memory_space<vmem>>
        %dma_wait3A_556 = tpu.memref_squeeze %dma_wait3A_555 : memref<1x64x128xf32, #tpu.memory_space<vmem>> -> memref<64x128xf32, #tpu.memory_space<vmem>>
        %dma_wait3A_557 = arith.constant 0 : i32
        %dma_wait3A_558 = arith.constant 0 : i32
        %dma_wait3A_559 = tpu.memref_slice %arg2[%dma_wait3A_557, %dma_wait3A_558] : memref<10240x128xf32, #tpu.memory_space<hbm>> -> memref<10240x128xf32, #tpu.memory_space<hbm>>
        %dma_wait3A_560 = tpu.memref_slice %arg12[%dma_wait3A_552] : memref<5x!tpu.dma_semaphore, #tpu.memory_space<semaphore_mem>> -> memref<1x!tpu.dma_semaphore, #tpu.memory_space<semaphore_mem>>
        %dma_wait3A_561 = tpu.memref_squeeze %dma_wait3A_560 : memref<1x!tpu.dma_semaphore, #tpu.memory_space<semaphore_mem>> -> memref<!tpu.dma_semaphore, #tpu.memory_space<semaphore_mem>>
        tpu.wait_indirect_dma semaphore(%dma_wait3A_561 : memref<!tpu.dma_semaphore, #tpu.memory_space<semaphore_mem>>) src(%dma_wait3A_559 : memref<10240x128xf32, #tpu.memory_space<hbm>>) dst(%dma_wait3A_556 : memref<64x128xf32, #tpu.memory_space<vmem>>)
        %dma_start3A_562 = arith.constant 2 : i32
        %dma_start3A_563 = arith.constant 2 : i32
        %dma_start3A_564 = arith.constant 0 : i32
        %dma_start3A_565 = arith.constant 0 : i32
        %dma_start3A_566 = tpu.memref_slice %arg15[%dma_start3A_562, %dma_start3A_564, %dma_start3A_565] : memref<5x64x128xf32, #tpu.memory_space<vmem>> -> memref<1x64x128xf32, #tpu.memory_space<vmem>>
        %dma_start3A_567 = tpu.memref_squeeze %dma_start3A_566 : memref<1x64x128xf32, #tpu.memory_space<vmem>> -> memref<64x128xf32, #tpu.memory_space<vmem>>
        %dma_start3A_568 = arith.constant 0 : i32
        %dma_start3A_569 = arith.constant 0 : i32
        %dma_start3A_570 = tpu.memref_slice %arg6[%dma_start3A_568, %dma_start3A_569] : memref<10240x128xf32, #tpu.memory_space<vmem_shared>> -> memref<10240x128xf32, #tpu.memory_space<vmem_shared>>
        %dma_start3A_571 = tpu.memref_slice %arg21[%dma_start3A_563] : memref<5x!tpu.dma_semaphore, #tpu.memory_space<semaphore_mem>> -> memref<1x!tpu.dma_semaphore, #tpu.memory_space<semaphore_mem>>
        %dma_start3A_572 = tpu.memref_squeeze %dma_start3A_571 : memref<1x!tpu.dma_semaphore, #tpu.memory_space<semaphore_mem>> -> memref<!tpu.dma_semaphore, #tpu.memory_space<semaphore_mem>>
        tpu.enqueue_indirect_dma source(%dma_start3A_567 : memref<64x128xf32, #tpu.memory_space<vmem>>) target(%dma_start3A_570 : memref<10240x128xf32, #tpu.memory_space<vmem_shared>>) offsets(%arg9 : memref<64xi32, #tpu.memory_space<vmem>>) semaphore(%dma_start3A_572 : memref<!tpu.dma_semaphore, #tpu.memory_space<semaphore_mem>>) {add = true}
      } else {
      }
      %mul3A_445 = arith.constant 5 : i32
      %mul3A_446 = arith.muli %scan3A_378, %mul3A_445 : i32
      %add3A_447 = arith.constant 2 : i32
      %add3A_448 = arith.addi %mul3A_446, %add3A_447 : i32
      %ge3A_449 = arith.constant 5 : i32
      %ge3A_450 = arith.cmpi sge, %add3A_448, %ge3A_449 : i32
      %sub3A_451 = arith.constant 5 : i32
      %sub3A_452 = arith.subi %add3A_448, %sub3A_451 : i32
      %lt3A_453 = arith.cmpi slt, %sub3A_452, %select_n3A : i32
      %and3A_454 = arith.andi %ge3A_450, %lt3A_453 : i1
      %convert_element_type3A_455 = arith.extui %and3A_454 : i1 to i32
      %cond3A_456 = arith.constant 0 : i32
      %cond3A_457 = arith.cmpi ne, %convert_element_type3A_455, %cond3A_456 : i32
      scf.if %cond3A_457 {
        %dma_wait3A_551 = arith.constant 2 : i32
        %dma_wait3A_552 = arith.constant 2 : i32
        %dma_wait3A_553 = arith.constant 0 : i32
        %dma_wait3A_554 = arith.constant 0 : i32
        %dma_wait3A_555 = tpu.memref_slice %arg15[%dma_wait3A_551, %dma_wait3A_553, %dma_wait3A_554] : memref<5x64x128xf32, #tpu.memory_space<vmem>> -> memref<1x64x128xf32, #tpu.memory_space<vmem>>
        %dma_wait3A_556 = tpu.memref_squeeze %dma_wait3A_555 : memref<1x64x128xf32, #tpu.memory_space<vmem>> -> memref<64x128xf32, #tpu.memory_space<vmem>>
        %dma_wait3A_557 = arith.constant 0 : i32
        %dma_wait3A_558 = arith.constant 0 : i32
        %dma_wait3A_559 = tpu.memref_slice %arg6[%dma_wait3A_557, %dma_wait3A_558] : memref<10240x128xf32, #tpu.memory_space<vmem_shared>> -> memref<10240x128xf32, #tpu.memory_space<vmem_shared>>
        %dma_wait3A_560 = tpu.memref_slice %arg21[%dma_wait3A_552] : memref<5x!tpu.dma_semaphore, #tpu.memory_space<semaphore_mem>> -> memref<1x!tpu.dma_semaphore, #tpu.memory_space<semaphore_mem>>
        %dma_wait3A_561 = tpu.memref_squeeze %dma_wait3A_560 : memref<1x!tpu.dma_semaphore, #tpu.memory_space<semaphore_mem>> -> memref<!tpu.dma_semaphore, #tpu.memory_space<semaphore_mem>>
        tpu.wait_indirect_dma semaphore(%dma_wait3A_561 : memref<!tpu.dma_semaphore, #tpu.memory_space<semaphore_mem>>) src(%dma_wait3A_556 : memref<64x128xf32, #tpu.memory_space<vmem>>) dst(%dma_wait3A_559 : memref<10240x128xf32, #tpu.memory_space<vmem_shared>>)
      } else {
      }
      %lt3A_458 = arith.cmpi slt, %add3A_448, %select_n3A : i32
      %convert_element_type3A_459 = arith.extui %lt3A_458 : i1 to i32
      %cond3A_460 = arith.constant 0 : i32
      %cond3A_461 = arith.cmpi ne, %convert_element_type3A_459, %cond3A_460 : i32
      scf.if %cond3A_461 {
        %mul3A_551 = arith.constant 32 : i32
        %mul3A_552 = arith.muli %add3A_448, %mul3A_551 : i32
        %add3A_553 = arith.addi %mul3A_552, %add3A : i32
        %mul3A_554 = arith.constant 64 : i32
        %mul3A_555 = arith.muli %add3A_553, %mul3A_554 : i32
        %dma_start3A_556 = arith.constant 2 : i32
        %dma_start3A_557 = tpu.memref_slice %arg3[%mul3A_555] : memref<320000xi32, #tpu.memory_space<hbm>> -> memref<64xi32, #tpu.memory_space<hbm>>
        %dma_start3A_558 = tpu.memref_slice %arg14[%dma_start3A_556] : memref<5x!tpu.dma_semaphore, #tpu.memory_space<semaphore_mem>> -> memref<1x!tpu.dma_semaphore, #tpu.memory_space<semaphore_mem>>
        %dma_start3A_559 = tpu.memref_squeeze %dma_start3A_558 : memref<1x!tpu.dma_semaphore, #tpu.memory_space<semaphore_mem>> -> memref<!tpu.dma_semaphore, #tpu.memory_space<semaphore_mem>>
        %dma_start3A_560 = tpu.memref_slice %arg3[%mul3A_555] : memref<320000xi32, #tpu.memory_space<hbm>> -> memref<64xi32, #tpu.memory_space<hbm>>
        tpu.enqueue_dma source(%dma_start3A_560 : memref<64xi32, #tpu.memory_space<hbm>>) target(%arg18 : memref<64xi32, #tpu.memory_space<vmem>>) target_semaphore(%dma_start3A_559 : memref<!tpu.dma_semaphore, #tpu.memory_space<semaphore_mem>>)
        %dma_start3A_561 = arith.constant 2 : i32
        %dma_start3A_562 = tpu.memref_slice %arg4[%mul3A_555] : memref<320000xi32, #tpu.memory_space<hbm>> -> memref<64xi32, #tpu.memory_space<hbm>>
        %dma_start3A_563 = tpu.memref_slice %arg13[%dma_start3A_561] : memref<5x!tpu.dma_semaphore, #tpu.memory_space<semaphore_mem>> -> memref<1x!tpu.dma_semaphore, #tpu.memory_space<semaphore_mem>>
        %dma_start3A_564 = tpu.memref_squeeze %dma_start3A_563 : memref<1x!tpu.dma_semaphore, #tpu.memory_space<semaphore_mem>> -> memref<!tpu.dma_semaphore, #tpu.memory_space<semaphore_mem>>
        %dma_start3A_565 = tpu.memref_slice %arg4[%mul3A_555] : memref<320000xi32, #tpu.memory_space<hbm>> -> memref<64xi32, #tpu.memory_space<hbm>>
        tpu.enqueue_dma source(%dma_start3A_565 : memref<64xi32, #tpu.memory_space<hbm>>) target(%arg9 : memref<64xi32, #tpu.memory_space<vmem>>) target_semaphore(%dma_start3A_564 : memref<!tpu.dma_semaphore, #tpu.memory_space<semaphore_mem>>)
      } else {
      }
      %ge3A_462 = arith.constant 1 : i32
      %ge3A_463 = arith.cmpi sge, %add3A_448, %ge3A_462 : i32
      %sub3A_464 = arith.constant 1 : i32
      %sub3A_465 = arith.subi %add3A_448, %sub3A_464 : i32
      %lt3A_466 = arith.cmpi slt, %sub3A_465, %select_n3A : i32
      %and3A_467 = arith.andi %ge3A_463, %lt3A_466 : i1
      %convert_element_type3A_468 = arith.extui %and3A_467 : i1 to i32
      %cond3A_469 = arith.constant 0 : i32
      %cond3A_470 = arith.cmpi ne, %convert_element_type3A_468, %cond3A_469 : i32
      scf.if %cond3A_470 {
        %sub3A_551 = arith.constant 1 : i32
        %sub3A_552 = arith.subi %add3A_448, %sub3A_551 : i32
        %mul3A_553 = arith.constant 32 : i32
        %mul3A_554 = arith.muli %sub3A_552, %mul3A_553 : i32
        %add3A_555 = arith.addi %mul3A_554, %add3A : i32
        %mul3A_556 = arith.constant 64 : i32
        %mul3A_557 = arith.muli %add3A_555, %mul3A_556 : i32
        %dma_wait3A_558 = arith.constant 1 : i32
        %dma_wait3A_559 = tpu.memref_slice %arg3[%mul3A_557] : memref<320000xi32, #tpu.memory_space<hbm>> -> memref<64xi32, #tpu.memory_space<hbm>>
        %dma_wait3A_560 = tpu.memref_slice %arg14[%dma_wait3A_558] : memref<5x!tpu.dma_semaphore, #tpu.memory_space<semaphore_mem>> -> memref<1x!tpu.dma_semaphore, #tpu.memory_space<semaphore_mem>>
        %dma_wait3A_561 = tpu.memref_squeeze %dma_wait3A_560 : memref<1x!tpu.dma_semaphore, #tpu.memory_space<semaphore_mem>> -> memref<!tpu.dma_semaphore, #tpu.memory_space<semaphore_mem>>
        %dma_wait3A_562 = tpu.memref_slice %arg3[%mul3A_557] : memref<320000xi32, #tpu.memory_space<hbm>> -> memref<64xi32, #tpu.memory_space<hbm>>
        tpu.wait_dma2 semaphore(%dma_wait3A_561 : memref<!tpu.dma_semaphore, #tpu.memory_space<semaphore_mem>>) src(%dma_wait3A_562 : memref<64xi32, #tpu.memory_space<hbm>>) dst(%arg17 : memref<64xi32, #tpu.memory_space<vmem>>)
        %dma_wait3A_563 = arith.constant 1 : i32
        %dma_wait3A_564 = tpu.memref_slice %arg4[%mul3A_557] : memref<320000xi32, #tpu.memory_space<hbm>> -> memref<64xi32, #tpu.memory_space<hbm>>
        %dma_wait3A_565 = tpu.memref_slice %arg13[%dma_wait3A_563] : memref<5x!tpu.dma_semaphore, #tpu.memory_space<semaphore_mem>> -> memref<1x!tpu.dma_semaphore, #tpu.memory_space<semaphore_mem>>
        %dma_wait3A_566 = tpu.memref_squeeze %dma_wait3A_565 : memref<1x!tpu.dma_semaphore, #tpu.memory_space<semaphore_mem>> -> memref<!tpu.dma_semaphore, #tpu.memory_space<semaphore_mem>>
        %dma_wait3A_567 = tpu.memref_slice %arg4[%mul3A_557] : memref<320000xi32, #tpu.memory_space<hbm>> -> memref<64xi32, #tpu.memory_space<hbm>>
        tpu.wait_dma2 semaphore(%dma_wait3A_566 : memref<!tpu.dma_semaphore, #tpu.memory_space<semaphore_mem>>) src(%dma_wait3A_567 : memref<64xi32, #tpu.memory_space<hbm>>) dst(%arg8 : memref<64xi32, #tpu.memory_space<vmem>>)
        %dma_start3A_568 = arith.constant 1 : i32
        %dma_start3A_569 = arith.constant 1 : i32
        %dma_start3A_570 = arith.constant 0 : i32
        %dma_start3A_571 = arith.constant 0 : i32
        %dma_start3A_572 = tpu.memref_slice %arg15[%dma_start3A_568, %dma_start3A_570, %dma_start3A_571] : memref<5x64x128xf32, #tpu.memory_space<vmem>> -> memref<1x64x128xf32, #tpu.memory_space<vmem>>
        %dma_start3A_573 = tpu.memref_squeeze %dma_start3A_572 : memref<1x64x128xf32, #tpu.memory_space<vmem>> -> memref<64x128xf32, #tpu.memory_space<vmem>>
        %dma_start3A_574 = arith.constant 0 : i32
        %dma_start3A_575 = arith.constant 0 : i32
        %dma_start3A_576 = tpu.memref_slice %arg2[%dma_start3A_574, %dma_start3A_575] : memref<10240x128xf32, #tpu.memory_space<hbm>> -> memref<10240x128xf32, #tpu.memory_space<hbm>>
        %dma_start3A_577 = tpu.memref_slice %arg12[%dma_start3A_569] : memref<5x!tpu.dma_semaphore, #tpu.memory_space<semaphore_mem>> -> memref<1x!tpu.dma_semaphore, #tpu.memory_space<semaphore_mem>>
        %dma_start3A_578 = tpu.memref_squeeze %dma_start3A_577 : memref<1x!tpu.dma_semaphore, #tpu.memory_space<semaphore_mem>> -> memref<!tpu.dma_semaphore, #tpu.memory_space<semaphore_mem>>
        tpu.enqueue_indirect_dma source(%dma_start3A_576 : memref<10240x128xf32, #tpu.memory_space<hbm>>) target(%dma_start3A_573 : memref<64x128xf32, #tpu.memory_space<vmem>>) offsets(%arg17 : memref<64xi32, #tpu.memory_space<vmem>>) semaphore(%dma_start3A_578 : memref<!tpu.dma_semaphore, #tpu.memory_space<semaphore_mem>>)
      } else {
      }
      %ge3A_471 = arith.constant 4 : i32
      %ge3A_472 = arith.cmpi sge, %add3A_448, %ge3A_471 : i32
      %sub3A_473 = arith.constant 4 : i32
      %sub3A_474 = arith.subi %add3A_448, %sub3A_473 : i32
      %lt3A_475 = arith.cmpi slt, %sub3A_474, %select_n3A : i32
      %and3A_476 = arith.andi %ge3A_472, %lt3A_475 : i1
      %convert_element_type3A_477 = arith.extui %and3A_476 : i1 to i32
      %cond3A_478 = arith.constant 0 : i32
      %cond3A_479 = arith.cmpi ne, %convert_element_type3A_477, %cond3A_478 : i32
      scf.if %cond3A_479 {
        %dma_wait3A_551 = arith.constant 3 : i32
        %dma_wait3A_552 = arith.constant 3 : i32
        %dma_wait3A_553 = arith.constant 0 : i32
        %dma_wait3A_554 = arith.constant 0 : i32
        %dma_wait3A_555 = tpu.memref_slice %arg15[%dma_wait3A_551, %dma_wait3A_553, %dma_wait3A_554] : memref<5x64x128xf32, #tpu.memory_space<vmem>> -> memref<1x64x128xf32, #tpu.memory_space<vmem>>
        %dma_wait3A_556 = tpu.memref_squeeze %dma_wait3A_555 : memref<1x64x128xf32, #tpu.memory_space<vmem>> -> memref<64x128xf32, #tpu.memory_space<vmem>>
        %dma_wait3A_557 = arith.constant 0 : i32
        %dma_wait3A_558 = arith.constant 0 : i32
        %dma_wait3A_559 = tpu.memref_slice %arg2[%dma_wait3A_557, %dma_wait3A_558] : memref<10240x128xf32, #tpu.memory_space<hbm>> -> memref<10240x128xf32, #tpu.memory_space<hbm>>
        %dma_wait3A_560 = tpu.memref_slice %arg12[%dma_wait3A_552] : memref<5x!tpu.dma_semaphore, #tpu.memory_space<semaphore_mem>> -> memref<1x!tpu.dma_semaphore, #tpu.memory_space<semaphore_mem>>
        %dma_wait3A_561 = tpu.memref_squeeze %dma_wait3A_560 : memref<1x!tpu.dma_semaphore, #tpu.memory_space<semaphore_mem>> -> memref<!tpu.dma_semaphore, #tpu.memory_space<semaphore_mem>>
        tpu.wait_indirect_dma semaphore(%dma_wait3A_561 : memref<!tpu.dma_semaphore, #tpu.memory_space<semaphore_mem>>) src(%dma_wait3A_559 : memref<10240x128xf32, #tpu.memory_space<hbm>>) dst(%dma_wait3A_556 : memref<64x128xf32, #tpu.memory_space<vmem>>)
        %dma_start3A_562 = arith.constant 3 : i32
        %dma_start3A_563 = arith.constant 3 : i32
        %dma_start3A_564 = arith.constant 0 : i32
        %dma_start3A_565 = arith.constant 0 : i32
        %dma_start3A_566 = tpu.memref_slice %arg15[%dma_start3A_562, %dma_start3A_564, %dma_start3A_565] : memref<5x64x128xf32, #tpu.memory_space<vmem>> -> memref<1x64x128xf32, #tpu.memory_space<vmem>>
        %dma_start3A_567 = tpu.memref_squeeze %dma_start3A_566 : memref<1x64x128xf32, #tpu.memory_space<vmem>> -> memref<64x128xf32, #tpu.memory_space<vmem>>
        %dma_start3A_568 = arith.constant 0 : i32
        %dma_start3A_569 = arith.constant 0 : i32
        %dma_start3A_570 = tpu.memref_slice %arg6[%dma_start3A_568, %dma_start3A_569] : memref<10240x128xf32, #tpu.memory_space<vmem_shared>> -> memref<10240x128xf32, #tpu.memory_space<vmem_shared>>
        %dma_start3A_571 = tpu.memref_slice %arg21[%dma_start3A_563] : memref<5x!tpu.dma_semaphore, #tpu.memory_space<semaphore_mem>> -> memref<1x!tpu.dma_semaphore, #tpu.memory_space<semaphore_mem>>
        %dma_start3A_572 = tpu.memref_squeeze %dma_start3A_571 : memref<1x!tpu.dma_semaphore, #tpu.memory_space<semaphore_mem>> -> memref<!tpu.dma_semaphore, #tpu.memory_space<semaphore_mem>>
        tpu.enqueue_indirect_dma source(%dma_start3A_567 : memref<64x128xf32, #tpu.memory_space<vmem>>) target(%dma_start3A_570 : memref<10240x128xf32, #tpu.memory_space<vmem_shared>>) offsets(%arg10 : memref<64xi32, #tpu.memory_space<vmem>>) semaphore(%dma_start3A_572 : memref<!tpu.dma_semaphore, #tpu.memory_space<semaphore_mem>>) {add = true}
      } else {
      }
      %mul3A_480 = arith.constant 5 : i32
      %mul3A_481 = arith.muli %scan3A_378, %mul3A_480 : i32
      %add3A_482 = arith.constant 3 : i32
      %add3A_483 = arith.addi %mul3A_481, %add3A_482 : i32
      %ge3A_484 = arith.constant 5 : i32
      %ge3A_485 = arith.cmpi sge, %add3A_483, %ge3A_484 : i32
      %sub3A_486 = arith.constant 5 : i32
      %sub3A_487 = arith.subi %add3A_483, %sub3A_486 : i32
      %lt3A_488 = arith.cmpi slt, %sub3A_487, %select_n3A : i32
      %and3A_489 = arith.andi %ge3A_485, %lt3A_488 : i1
      %convert_element_type3A_490 = arith.extui %and3A_489 : i1 to i32
      %cond3A_491 = arith.constant 0 : i32
      %cond3A_492 = arith.cmpi ne, %convert_element_type3A_490, %cond3A_491 : i32
      scf.if %cond3A_492 {
        %dma_wait3A_551 = arith.constant 3 : i32
        %dma_wait3A_552 = arith.constant 3 : i32
        %dma_wait3A_553 = arith.constant 0 : i32
        %dma_wait3A_554 = arith.constant 0 : i32
        %dma_wait3A_555 = tpu.memref_slice %arg15[%dma_wait3A_551, %dma_wait3A_553, %dma_wait3A_554] : memref<5x64x128xf32, #tpu.memory_space<vmem>> -> memref<1x64x128xf32, #tpu.memory_space<vmem>>
        %dma_wait3A_556 = tpu.memref_squeeze %dma_wait3A_555 : memref<1x64x128xf32, #tpu.memory_space<vmem>> -> memref<64x128xf32, #tpu.memory_space<vmem>>
        %dma_wait3A_557 = arith.constant 0 : i32
        %dma_wait3A_558 = arith.constant 0 : i32
        %dma_wait3A_559 = tpu.memref_slice %arg6[%dma_wait3A_557, %dma_wait3A_558] : memref<10240x128xf32, #tpu.memory_space<vmem_shared>> -> memref<10240x128xf32, #tpu.memory_space<vmem_shared>>
        %dma_wait3A_560 = tpu.memref_slice %arg21[%dma_wait3A_552] : memref<5x!tpu.dma_semaphore, #tpu.memory_space<semaphore_mem>> -> memref<1x!tpu.dma_semaphore, #tpu.memory_space<semaphore_mem>>
        %dma_wait3A_561 = tpu.memref_squeeze %dma_wait3A_560 : memref<1x!tpu.dma_semaphore, #tpu.memory_space<semaphore_mem>> -> memref<!tpu.dma_semaphore, #tpu.memory_space<semaphore_mem>>
        tpu.wait_indirect_dma semaphore(%dma_wait3A_561 : memref<!tpu.dma_semaphore, #tpu.memory_space<semaphore_mem>>) src(%dma_wait3A_556 : memref<64x128xf32, #tpu.memory_space<vmem>>) dst(%dma_wait3A_559 : memref<10240x128xf32, #tpu.memory_space<vmem_shared>>)
      } else {
      }
      %lt3A_493 = arith.cmpi slt, %add3A_483, %select_n3A : i32
      %convert_element_type3A_494 = arith.extui %lt3A_493 : i1 to i32
      %cond3A_495 = arith.constant 0 : i32
      %cond3A_496 = arith.cmpi ne, %convert_element_type3A_494, %cond3A_495 : i32
      scf.if %cond3A_496 {
        %mul3A_551 = arith.constant 32 : i32
        %mul3A_552 = arith.muli %add3A_483, %mul3A_551 : i32
        %add3A_553 = arith.addi %mul3A_552, %add3A : i32
        %mul3A_554 = arith.constant 64 : i32
        %mul3A_555 = arith.muli %add3A_553, %mul3A_554 : i32
        %dma_start3A_556 = arith.constant 3 : i32
        %dma_start3A_557 = tpu.memref_slice %arg3[%mul3A_555] : memref<320000xi32, #tpu.memory_space<hbm>> -> memref<64xi32, #tpu.memory_space<hbm>>
        %dma_start3A_558 = tpu.memref_slice %arg14[%dma_start3A_556] : memref<5x!tpu.dma_semaphore, #tpu.memory_space<semaphore_mem>> -> memref<1x!tpu.dma_semaphore, #tpu.memory_space<semaphore_mem>>
        %dma_start3A_559 = tpu.memref_squeeze %dma_start3A_558 : memref<1x!tpu.dma_semaphore, #tpu.memory_space<semaphore_mem>> -> memref<!tpu.dma_semaphore, #tpu.memory_space<semaphore_mem>>
        %dma_start3A_560 = tpu.memref_slice %arg3[%mul3A_555] : memref<320000xi32, #tpu.memory_space<hbm>> -> memref<64xi32, #tpu.memory_space<hbm>>
        tpu.enqueue_dma source(%dma_start3A_560 : memref<64xi32, #tpu.memory_space<hbm>>) target(%arg19 : memref<64xi32, #tpu.memory_space<vmem>>) target_semaphore(%dma_start3A_559 : memref<!tpu.dma_semaphore, #tpu.memory_space<semaphore_mem>>)
        %dma_start3A_561 = arith.constant 3 : i32
        %dma_start3A_562 = tpu.memref_slice %arg4[%mul3A_555] : memref<320000xi32, #tpu.memory_space<hbm>> -> memref<64xi32, #tpu.memory_space<hbm>>
        %dma_start3A_563 = tpu.memref_slice %arg13[%dma_start3A_561] : memref<5x!tpu.dma_semaphore, #tpu.memory_space<semaphore_mem>> -> memref<1x!tpu.dma_semaphore, #tpu.memory_space<semaphore_mem>>
        %dma_start3A_564 = tpu.memref_squeeze %dma_start3A_563 : memref<1x!tpu.dma_semaphore, #tpu.memory_space<semaphore_mem>> -> memref<!tpu.dma_semaphore, #tpu.memory_space<semaphore_mem>>
        %dma_start3A_565 = tpu.memref_slice %arg4[%mul3A_555] : memref<320000xi32, #tpu.memory_space<hbm>> -> memref<64xi32, #tpu.memory_space<hbm>>
        tpu.enqueue_dma source(%dma_start3A_565 : memref<64xi32, #tpu.memory_space<hbm>>) target(%arg10 : memref<64xi32, #tpu.memory_space<vmem>>) target_semaphore(%dma_start3A_564 : memref<!tpu.dma_semaphore, #tpu.memory_space<semaphore_mem>>)
      } else {
      }
      %ge3A_497 = arith.constant 1 : i32
      %ge3A_498 = arith.cmpi sge, %add3A_483, %ge3A_497 : i32
      %sub3A_499 = arith.constant 1 : i32
      %sub3A_500 = arith.subi %add3A_483, %sub3A_499 : i32
      %lt3A_501 = arith.cmpi slt, %sub3A_500, %select_n3A : i32
      %and3A_502 = arith.andi %ge3A_498, %lt3A_501 : i1
      %convert_element_type3A_503 = arith.extui %and3A_502 : i1 to i32
      %cond3A_504 = arith.constant 0 : i32
      %cond3A_505 = arith.cmpi ne, %convert_element_type3A_503, %cond3A_504 : i32
      scf.if %cond3A_505 {
        %sub3A_551 = arith.constant 1 : i32
        %sub3A_552 = arith.subi %add3A_483, %sub3A_551 : i32
        %mul3A_553 = arith.constant 32 : i32
        %mul3A_554 = arith.muli %sub3A_552, %mul3A_553 : i32
        %add3A_555 = arith.addi %mul3A_554, %add3A : i32
        %mul3A_556 = arith.constant 64 : i32
        %mul3A_557 = arith.muli %add3A_555, %mul3A_556 : i32
        %dma_wait3A_558 = arith.constant 2 : i32
        %dma_wait3A_559 = tpu.memref_slice %arg3[%mul3A_557] : memref<320000xi32, #tpu.memory_space<hbm>> -> memref<64xi32, #tpu.memory_space<hbm>>
        %dma_wait3A_560 = tpu.memref_slice %arg14[%dma_wait3A_558] : memref<5x!tpu.dma_semaphore, #tpu.memory_space<semaphore_mem>> -> memref<1x!tpu.dma_semaphore, #tpu.memory_space<semaphore_mem>>
        %dma_wait3A_561 = tpu.memref_squeeze %dma_wait3A_560 : memref<1x!tpu.dma_semaphore, #tpu.memory_space<semaphore_mem>> -> memref<!tpu.dma_semaphore, #tpu.memory_space<semaphore_mem>>
        %dma_wait3A_562 = tpu.memref_slice %arg3[%mul3A_557] : memref<320000xi32, #tpu.memory_space<hbm>> -> memref<64xi32, #tpu.memory_space<hbm>>
        tpu.wait_dma2 semaphore(%dma_wait3A_561 : memref<!tpu.dma_semaphore, #tpu.memory_space<semaphore_mem>>) src(%dma_wait3A_562 : memref<64xi32, #tpu.memory_space<hbm>>) dst(%arg18 : memref<64xi32, #tpu.memory_space<vmem>>)
        %dma_wait3A_563 = arith.constant 2 : i32
        %dma_wait3A_564 = tpu.memref_slice %arg4[%mul3A_557] : memref<320000xi32, #tpu.memory_space<hbm>> -> memref<64xi32, #tpu.memory_space<hbm>>
        %dma_wait3A_565 = tpu.memref_slice %arg13[%dma_wait3A_563] : memref<5x!tpu.dma_semaphore, #tpu.memory_space<semaphore_mem>> -> memref<1x!tpu.dma_semaphore, #tpu.memory_space<semaphore_mem>>
        %dma_wait3A_566 = tpu.memref_squeeze %dma_wait3A_565 : memref<1x!tpu.dma_semaphore, #tpu.memory_space<semaphore_mem>> -> memref<!tpu.dma_semaphore, #tpu.memory_space<semaphore_mem>>
        %dma_wait3A_567 = tpu.memref_slice %arg4[%mul3A_557] : memref<320000xi32, #tpu.memory_space<hbm>> -> memref<64xi32, #tpu.memory_space<hbm>>
        tpu.wait_dma2 semaphore(%dma_wait3A_566 : memref<!tpu.dma_semaphore, #tpu.memory_space<semaphore_mem>>) src(%dma_wait3A_567 : memref<64xi32, #tpu.memory_space<hbm>>) dst(%arg9 : memref<64xi32, #tpu.memory_space<vmem>>)
        %dma_start3A_568 = arith.constant 2 : i32
        %dma_start3A_569 = arith.constant 2 : i32
        %dma_start3A_570 = arith.constant 0 : i32
        %dma_start3A_571 = arith.constant 0 : i32
        %dma_start3A_572 = tpu.memref_slice %arg15[%dma_start3A_568, %dma_start3A_570, %dma_start3A_571] : memref<5x64x128xf32, #tpu.memory_space<vmem>> -> memref<1x64x128xf32, #tpu.memory_space<vmem>>
        %dma_start3A_573 = tpu.memref_squeeze %dma_start3A_572 : memref<1x64x128xf32, #tpu.memory_space<vmem>> -> memref<64x128xf32, #tpu.memory_space<vmem>>
        %dma_start3A_574 = arith.constant 0 : i32
        %dma_start3A_575 = arith.constant 0 : i32
        %dma_start3A_576 = tpu.memref_slice %arg2[%dma_start3A_574, %dma_start3A_575] : memref<10240x128xf32, #tpu.memory_space<hbm>> -> memref<10240x128xf32, #tpu.memory_space<hbm>>
        %dma_start3A_577 = tpu.memref_slice %arg12[%dma_start3A_569] : memref<5x!tpu.dma_semaphore, #tpu.memory_space<semaphore_mem>> -> memref<1x!tpu.dma_semaphore, #tpu.memory_space<semaphore_mem>>
        %dma_start3A_578 = tpu.memref_squeeze %dma_start3A_577 : memref<1x!tpu.dma_semaphore, #tpu.memory_space<semaphore_mem>> -> memref<!tpu.dma_semaphore, #tpu.memory_space<semaphore_mem>>
        tpu.enqueue_indirect_dma source(%dma_start3A_576 : memref<10240x128xf32, #tpu.memory_space<hbm>>) target(%dma_start3A_573 : memref<64x128xf32, #tpu.memory_space<vmem>>) offsets(%arg18 : memref<64xi32, #tpu.memory_space<vmem>>) semaphore(%dma_start3A_578 : memref<!tpu.dma_semaphore, #tpu.memory_space<semaphore_mem>>)
      } else {
      }
      %ge3A_506 = arith.constant 4 : i32
      %ge3A_507 = arith.cmpi sge, %add3A_483, %ge3A_506 : i32
      %sub3A_508 = arith.constant 4 : i32
      %sub3A_509 = arith.subi %add3A_483, %sub3A_508 : i32
      %lt3A_510 = arith.cmpi slt, %sub3A_509, %select_n3A : i32
      %and3A_511 = arith.andi %ge3A_507, %lt3A_510 : i1
      %convert_element_type3A_512 = arith.extui %and3A_511 : i1 to i32
      %cond3A_513 = arith.constant 0 : i32
      %cond3A_514 = arith.cmpi ne, %convert_element_type3A_512, %cond3A_513 : i32
      scf.if %cond3A_514 {
        %dma_wait3A_551 = arith.constant 4 : i32
        %dma_wait3A_552 = arith.constant 4 : i32
        %dma_wait3A_553 = arith.constant 0 : i32
        %dma_wait3A_554 = arith.constant 0 : i32
        %dma_wait3A_555 = tpu.memref_slice %arg15[%dma_wait3A_551, %dma_wait3A_553, %dma_wait3A_554] : memref<5x64x128xf32, #tpu.memory_space<vmem>> -> memref<1x64x128xf32, #tpu.memory_space<vmem>>
        %dma_wait3A_556 = tpu.memref_squeeze %dma_wait3A_555 : memref<1x64x128xf32, #tpu.memory_space<vmem>> -> memref<64x128xf32, #tpu.memory_space<vmem>>
        %dma_wait3A_557 = arith.constant 0 : i32
        %dma_wait3A_558 = arith.constant 0 : i32
        %dma_wait3A_559 = tpu.memref_slice %arg2[%dma_wait3A_557, %dma_wait3A_558] : memref<10240x128xf32, #tpu.memory_space<hbm>> -> memref<10240x128xf32, #tpu.memory_space<hbm>>
        %dma_wait3A_560 = tpu.memref_slice %arg12[%dma_wait3A_552] : memref<5x!tpu.dma_semaphore, #tpu.memory_space<semaphore_mem>> -> memref<1x!tpu.dma_semaphore, #tpu.memory_space<semaphore_mem>>
        %dma_wait3A_561 = tpu.memref_squeeze %dma_wait3A_560 : memref<1x!tpu.dma_semaphore, #tpu.memory_space<semaphore_mem>> -> memref<!tpu.dma_semaphore, #tpu.memory_space<semaphore_mem>>
        tpu.wait_indirect_dma semaphore(%dma_wait3A_561 : memref<!tpu.dma_semaphore, #tpu.memory_space<semaphore_mem>>) src(%dma_wait3A_559 : memref<10240x128xf32, #tpu.memory_space<hbm>>) dst(%dma_wait3A_556 : memref<64x128xf32, #tpu.memory_space<vmem>>)
        %dma_start3A_562 = arith.constant 4 : i32
        %dma_start3A_563 = arith.constant 4 : i32
        %dma_start3A_564 = arith.constant 0 : i32
        %dma_start3A_565 = arith.constant 0 : i32
        %dma_start3A_566 = tpu.memref_slice %arg15[%dma_start3A_562, %dma_start3A_564, %dma_start3A_565] : memref<5x64x128xf32, #tpu.memory_space<vmem>> -> memref<1x64x128xf32, #tpu.memory_space<vmem>>
        %dma_start3A_567 = tpu.memref_squeeze %dma_start3A_566 : memref<1x64x128xf32, #tpu.memory_space<vmem>> -> memref<64x128xf32, #tpu.memory_space<vmem>>
        %dma_start3A_568 = arith.constant 0 : i32
        %dma_start3A_569 = arith.constant 0 : i32
        %dma_start3A_570 = tpu.memref_slice %arg6[%dma_start3A_568, %dma_start3A_569] : memref<10240x128xf32, #tpu.memory_space<vmem_shared>> -> memref<10240x128xf32, #tpu.memory_space<vmem_shared>>
        %dma_start3A_571 = tpu.memref_slice %arg21[%dma_start3A_563] : memref<5x!tpu.dma_semaphore, #tpu.memory_space<semaphore_mem>> -> memref<1x!tpu.dma_semaphore, #tpu.memory_space<semaphore_mem>>
        %dma_start3A_572 = tpu.memref_squeeze %dma_start3A_571 : memref<1x!tpu.dma_semaphore, #tpu.memory_space<semaphore_mem>> -> memref<!tpu.dma_semaphore, #tpu.memory_space<semaphore_mem>>
        tpu.enqueue_indirect_dma source(%dma_start3A_567 : memref<64x128xf32, #tpu.memory_space<vmem>>) target(%dma_start3A_570 : memref<10240x128xf32, #tpu.memory_space<vmem_shared>>) offsets(%arg11 : memref<64xi32, #tpu.memory_space<vmem>>) semaphore(%dma_start3A_572 : memref<!tpu.dma_semaphore, #tpu.memory_space<semaphore_mem>>) {add = true}
      } else {
      }
      %mul3A_515 = arith.constant 5 : i32
      %mul3A_516 = arith.muli %scan3A_378, %mul3A_515 : i32
      %add3A_517 = arith.constant 4 : i32
      %add3A_518 = arith.addi %mul3A_516, %add3A_517 : i32
      %ge3A_519 = arith.constant 5 : i32
      %ge3A_520 = arith.cmpi sge, %add3A_518, %ge3A_519 : i32
      %sub3A_521 = arith.constant 5 : i32
      %sub3A_522 = arith.subi %add3A_518, %sub3A_521 : i32
      %lt3A_523 = arith.cmpi slt, %sub3A_522, %select_n3A : i32
      %and3A_524 = arith.andi %ge3A_520, %lt3A_523 : i1
      %convert_element_type3A_525 = arith.extui %and3A_524 : i1 to i32
      %cond3A_526 = arith.constant 0 : i32
      %cond3A_527 = arith.cmpi ne, %convert_element_type3A_525, %cond3A_526 : i32
      scf.if %cond3A_527 {
        %dma_wait3A_551 = arith.constant 4 : i32
        %dma_wait3A_552 = arith.constant 4 : i32
        %dma_wait3A_553 = arith.constant 0 : i32
        %dma_wait3A_554 = arith.constant 0 : i32
        %dma_wait3A_555 = tpu.memref_slice %arg15[%dma_wait3A_551, %dma_wait3A_553, %dma_wait3A_554] : memref<5x64x128xf32, #tpu.memory_space<vmem>> -> memref<1x64x128xf32, #tpu.memory_space<vmem>>
        %dma_wait3A_556 = tpu.memref_squeeze %dma_wait3A_555 : memref<1x64x128xf32, #tpu.memory_space<vmem>> -> memref<64x128xf32, #tpu.memory_space<vmem>>
        %dma_wait3A_557 = arith.constant 0 : i32
        %dma_wait3A_558 = arith.constant 0 : i32
        %dma_wait3A_559 = tpu.memref_slice %arg6[%dma_wait3A_557, %dma_wait3A_558] : memref<10240x128xf32, #tpu.memory_space<vmem_shared>> -> memref<10240x128xf32, #tpu.memory_space<vmem_shared>>
        %dma_wait3A_560 = tpu.memref_slice %arg21[%dma_wait3A_552] : memref<5x!tpu.dma_semaphore, #tpu.memory_space<semaphore_mem>> -> memref<1x!tpu.dma_semaphore, #tpu.memory_space<semaphore_mem>>
        %dma_wait3A_561 = tpu.memref_squeeze %dma_wait3A_560 : memref<1x!tpu.dma_semaphore, #tpu.memory_space<semaphore_mem>> -> memref<!tpu.dma_semaphore, #tpu.memory_space<semaphore_mem>>
        tpu.wait_indirect_dma semaphore(%dma_wait3A_561 : memref<!tpu.dma_semaphore, #tpu.memory_space<semaphore_mem>>) src(%dma_wait3A_556 : memref<64x128xf32, #tpu.memory_space<vmem>>) dst(%dma_wait3A_559 : memref<10240x128xf32, #tpu.memory_space<vmem_shared>>)
      } else {
      }
      %lt3A_528 = arith.cmpi slt, %add3A_518, %select_n3A : i32
      %convert_element_type3A_529 = arith.extui %lt3A_528 : i1 to i32
      %cond3A_530 = arith.constant 0 : i32
      %cond3A_531 = arith.cmpi ne, %convert_element_type3A_529, %cond3A_530 : i32
      scf.if %cond3A_531 {
        %mul3A_551 = arith.constant 32 : i32
        %mul3A_552 = arith.muli %add3A_518, %mul3A_551 : i32
        %add3A_553 = arith.addi %mul3A_552, %add3A : i32
        %mul3A_554 = arith.constant 64 : i32
        %mul3A_555 = arith.muli %add3A_553, %mul3A_554 : i32
        %dma_start3A_556 = arith.constant 4 : i32
        %dma_start3A_557 = tpu.memref_slice %arg3[%mul3A_555] : memref<320000xi32, #tpu.memory_space<hbm>> -> memref<64xi32, #tpu.memory_space<hbm>>
        %dma_start3A_558 = tpu.memref_slice %arg14[%dma_start3A_556] : memref<5x!tpu.dma_semaphore, #tpu.memory_space<semaphore_mem>> -> memref<1x!tpu.dma_semaphore, #tpu.memory_space<semaphore_mem>>
        %dma_start3A_559 = tpu.memref_squeeze %dma_start3A_558 : memref<1x!tpu.dma_semaphore, #tpu.memory_space<semaphore_mem>> -> memref<!tpu.dma_semaphore, #tpu.memory_space<semaphore_mem>>
        %dma_start3A_560 = tpu.memref_slice %arg3[%mul3A_555] : memref<320000xi32, #tpu.memory_space<hbm>> -> memref<64xi32, #tpu.memory_space<hbm>>
        tpu.enqueue_dma source(%dma_start3A_560 : memref<64xi32, #tpu.memory_space<hbm>>) target(%arg20 : memref<64xi32, #tpu.memory_space<vmem>>) target_semaphore(%dma_start3A_559 : memref<!tpu.dma_semaphore, #tpu.memory_space<semaphore_mem>>)
        %dma_start3A_561 = arith.constant 4 : i32
        %dma_start3A_562 = tpu.memref_slice %arg4[%mul3A_555] : memref<320000xi32, #tpu.memory_space<hbm>> -> memref<64xi32, #tpu.memory_space<hbm>>
        %dma_start3A_563 = tpu.memref_slice %arg13[%dma_start3A_561] : memref<5x!tpu.dma_semaphore, #tpu.memory_space<semaphore_mem>> -> memref<1x!tpu.dma_semaphore, #tpu.memory_space<semaphore_mem>>
        %dma_start3A_564 = tpu.memref_squeeze %dma_start3A_563 : memref<1x!tpu.dma_semaphore, #tpu.memory_space<semaphore_mem>> -> memref<!tpu.dma_semaphore, #tpu.memory_space<semaphore_mem>>
        %dma_start3A_565 = tpu.memref_slice %arg4[%mul3A_555] : memref<320000xi32, #tpu.memory_space<hbm>> -> memref<64xi32, #tpu.memory_space<hbm>>
        tpu.enqueue_dma source(%dma_start3A_565 : memref<64xi32, #tpu.memory_space<hbm>>) target(%arg11 : memref<64xi32, #tpu.memory_space<vmem>>) target_semaphore(%dma_start3A_564 : memref<!tpu.dma_semaphore, #tpu.memory_space<semaphore_mem>>)
      } else {
      }
      %ge3A_532 = arith.constant 1 : i32
      %ge3A_533 = arith.cmpi sge, %add3A_518, %ge3A_532 : i32
      %sub3A_534 = arith.constant 1 : i32
      %sub3A_535 = arith.subi %add3A_518, %sub3A_534 : i32
      %lt3A_536 = arith.cmpi slt, %sub3A_535, %select_n3A : i32
      %and3A_537 = arith.andi %ge3A_533, %lt3A_536 : i1
      %convert_element_type3A_538 = arith.extui %and3A_537 : i1 to i32
      %cond3A_539 = arith.constant 0 : i32
      %cond3A_540 = arith.cmpi ne, %convert_element_type3A_538, %cond3A_539 : i32
      scf.if %cond3A_540 {
        %sub3A_551 = arith.constant 1 : i32
        %sub3A_552 = arith.subi %add3A_518, %sub3A_551 : i32
        %mul3A_553 = arith.constant 32 : i32
        %mul3A_554 = arith.muli %sub3A_552, %mul3A_553 : i32
        %add3A_555 = arith.addi %mul3A_554, %add3A : i32
        %mul3A_556 = arith.constant 64 : i32
        %mul3A_557 = arith.muli %add3A_555, %mul3A_556 : i32
        %dma_wait3A_558 = arith.constant 3 : i32
        %dma_wait3A_559 = tpu.memref_slice %arg3[%mul3A_557] : memref<320000xi32, #tpu.memory_space<hbm>> -> memref<64xi32, #tpu.memory_space<hbm>>
        %dma_wait3A_560 = tpu.memref_slice %arg14[%dma_wait3A_558] : memref<5x!tpu.dma_semaphore, #tpu.memory_space<semaphore_mem>> -> memref<1x!tpu.dma_semaphore, #tpu.memory_space<semaphore_mem>>
        %dma_wait3A_561 = tpu.memref_squeeze %dma_wait3A_560 : memref<1x!tpu.dma_semaphore, #tpu.memory_space<semaphore_mem>> -> memref<!tpu.dma_semaphore, #tpu.memory_space<semaphore_mem>>
        %dma_wait3A_562 = tpu.memref_slice %arg3[%mul3A_557] : memref<320000xi32, #tpu.memory_space<hbm>> -> memref<64xi32, #tpu.memory_space<hbm>>
        tpu.wait_dma2 semaphore(%dma_wait3A_561 : memref<!tpu.dma_semaphore, #tpu.memory_space<semaphore_mem>>) src(%dma_wait3A_562 : memref<64xi32, #tpu.memory_space<hbm>>) dst(%arg19 : memref<64xi32, #tpu.memory_space<vmem>>)
        %dma_wait3A_563 = arith.constant 3 : i32
        %dma_wait3A_564 = tpu.memref_slice %arg4[%mul3A_557] : memref<320000xi32, #tpu.memory_space<hbm>> -> memref<64xi32, #tpu.memory_space<hbm>>
        %dma_wait3A_565 = tpu.memref_slice %arg13[%dma_wait3A_563] : memref<5x!tpu.dma_semaphore, #tpu.memory_space<semaphore_mem>> -> memref<1x!tpu.dma_semaphore, #tpu.memory_space<semaphore_mem>>
        %dma_wait3A_566 = tpu.memref_squeeze %dma_wait3A_565 : memref<1x!tpu.dma_semaphore, #tpu.memory_space<semaphore_mem>> -> memref<!tpu.dma_semaphore, #tpu.memory_space<semaphore_mem>>
        %dma_wait3A_567 = tpu.memref_slice %arg4[%mul3A_557] : memref<320000xi32, #tpu.memory_space<hbm>> -> memref<64xi32, #tpu.memory_space<hbm>>
        tpu.wait_dma2 semaphore(%dma_wait3A_566 : memref<!tpu.dma_semaphore, #tpu.memory_space<semaphore_mem>>) src(%dma_wait3A_567 : memref<64xi32, #tpu.memory_space<hbm>>) dst(%arg10 : memref<64xi32, #tpu.memory_space<vmem>>)
        %dma_start3A_568 = arith.constant 3 : i32
        %dma_start3A_569 = arith.constant 3 : i32
        %dma_start3A_570 = arith.constant 0 : i32
        %dma_start3A_571 = arith.constant 0 : i32
        %dma_start3A_572 = tpu.memref_slice %arg15[%dma_start3A_568, %dma_start3A_570, %dma_start3A_571] : memref<5x64x128xf32, #tpu.memory_space<vmem>> -> memref<1x64x128xf32, #tpu.memory_space<vmem>>
        %dma_start3A_573 = tpu.memref_squeeze %dma_start3A_572 : memref<1x64x128xf32, #tpu.memory_space<vmem>> -> memref<64x128xf32, #tpu.memory_space<vmem>>
        %dma_start3A_574 = arith.constant 0 : i32
        %dma_start3A_575 = arith.constant 0 : i32
        %dma_start3A_576 = tpu.memref_slice %arg2[%dma_start3A_574, %dma_start3A_575] : memref<10240x128xf32, #tpu.memory_space<hbm>> -> memref<10240x128xf32, #tpu.memory_space<hbm>>
        %dma_start3A_577 = tpu.memref_slice %arg12[%dma_start3A_569] : memref<5x!tpu.dma_semaphore, #tpu.memory_space<semaphore_mem>> -> memref<1x!tpu.dma_semaphore, #tpu.memory_space<semaphore_mem>>
        %dma_start3A_578 = tpu.memref_squeeze %dma_start3A_577 : memref<1x!tpu.dma_semaphore, #tpu.memory_space<semaphore_mem>> -> memref<!tpu.dma_semaphore, #tpu.memory_space<semaphore_mem>>
        tpu.enqueue_indirect_dma source(%dma_start3A_576 : memref<10240x128xf32, #tpu.memory_space<hbm>>) target(%dma_start3A_573 : memref<64x128xf32, #tpu.memory_space<vmem>>) offsets(%arg19 : memref<64xi32, #tpu.memory_space<vmem>>) semaphore(%dma_start3A_578 : memref<!tpu.dma_semaphore, #tpu.memory_space<semaphore_mem>>)
      } else {
      }
      %ge3A_541 = arith.constant 4 : i32
      %ge3A_542 = arith.cmpi sge, %add3A_518, %ge3A_541 : i32
      %sub3A_543 = arith.constant 4 : i32
      %sub3A_544 = arith.subi %add3A_518, %sub3A_543 : i32
      %lt3A_545 = arith.cmpi slt, %sub3A_544, %select_n3A : i32
      %and3A_546 = arith.andi %ge3A_542, %lt3A_545 : i1
      %convert_element_type3A_547 = arith.extui %and3A_546 : i1 to i32
      %cond3A_548 = arith.constant 0 : i32
      %cond3A_549 = arith.cmpi ne, %convert_element_type3A_547, %cond3A_548 : i32
      scf.if %cond3A_549 {
        %dma_wait3A_551 = arith.constant 0 : i32
        %dma_wait3A_552 = arith.constant 0 : i32
        %dma_wait3A_553 = arith.constant 0 : i32
        %dma_wait3A_554 = arith.constant 0 : i32
        %dma_wait3A_555 = tpu.memref_slice %arg15[%dma_wait3A_551, %dma_wait3A_553, %dma_wait3A_554] : memref<5x64x128xf32, #tpu.memory_space<vmem>> -> memref<1x64x128xf32, #tpu.memory_space<vmem>>
        %dma_wait3A_556 = tpu.memref_squeeze %dma_wait3A_555 : memref<1x64x128xf32, #tpu.memory_space<vmem>> -> memref<64x128xf32, #tpu.memory_space<vmem>>
        %dma_wait3A_557 = arith.constant 0 : i32
        %dma_wait3A_558 = arith.constant 0 : i32
        %dma_wait3A_559 = tpu.memref_slice %arg2[%dma_wait3A_557, %dma_wait3A_558] : memref<10240x128xf32, #tpu.memory_space<hbm>> -> memref<10240x128xf32, #tpu.memory_space<hbm>>
        %dma_wait3A_560 = tpu.memref_slice %arg12[%dma_wait3A_552] : memref<5x!tpu.dma_semaphore, #tpu.memory_space<semaphore_mem>> -> memref<1x!tpu.dma_semaphore, #tpu.memory_space<semaphore_mem>>
        %dma_wait3A_561 = tpu.memref_squeeze %dma_wait3A_560 : memref<1x!tpu.dma_semaphore, #tpu.memory_space<semaphore_mem>> -> memref<!tpu.dma_semaphore, #tpu.memory_space<semaphore_mem>>
        tpu.wait_indirect_dma semaphore(%dma_wait3A_561 : memref<!tpu.dma_semaphore, #tpu.memory_space<semaphore_mem>>) src(%dma_wait3A_559 : memref<10240x128xf32, #tpu.memory_space<hbm>>) dst(%dma_wait3A_556 : memref<64x128xf32, #tpu.memory_space<vmem>>)
        %dma_start3A_562 = arith.constant 0 : i32
        %dma_start3A_563 = arith.constant 0 : i32
        %dma_start3A_564 = arith.constant 0 : i32
        %dma_start3A_565 = arith.constant 0 : i32
        %dma_start3A_566 = tpu.memref_slice %arg15[%dma_start3A_562, %dma_start3A_564, %dma_start3A_565] : memref<5x64x128xf32, #tpu.memory_space<vmem>> -> memref<1x64x128xf32, #tpu.memory_space<vmem>>
        %dma_start3A_567 = tpu.memref_squeeze %dma_start3A_566 : memref<1x64x128xf32, #tpu.memory_space<vmem>> -> memref<64x128xf32, #tpu.memory_space<vmem>>
        %dma_start3A_568 = arith.constant 0 : i32
        %dma_start3A_569 = arith.constant 0 : i32
        %dma_start3A_570 = tpu.memref_slice %arg6[%dma_start3A_568, %dma_start3A_569] : memref<10240x128xf32, #tpu.memory_space<vmem_shared>> -> memref<10240x128xf32, #tpu.memory_space<vmem_shared>>
        %dma_start3A_571 = tpu.memref_slice %arg21[%dma_start3A_563] : memref<5x!tpu.dma_semaphore, #tpu.memory_space<semaphore_mem>> -> memref<1x!tpu.dma_semaphore, #tpu.memory_space<semaphore_mem>>
        %dma_start3A_572 = tpu.memref_squeeze %dma_start3A_571 : memref<1x!tpu.dma_semaphore, #tpu.memory_space<semaphore_mem>> -> memref<!tpu.dma_semaphore, #tpu.memory_space<semaphore_mem>>
        tpu.enqueue_indirect_dma source(%dma_start3A_567 : memref<64x128xf32, #tpu.memory_space<vmem>>) target(%dma_start3A_570 : memref<10240x128xf32, #tpu.memory_space<vmem_shared>>) offsets(%arg7 : memref<64xi32, #tpu.memory_space<vmem>>) semaphore(%dma_start3A_572 : memref<!tpu.dma_semaphore, #tpu.memory_space<semaphore_mem>>) {add = true}
      } else {
      }
      %scan3A_550 = arith.constant 0 : i32
      scf.yield %scan3A_550 : i32
    }
    %scan3A_376 = arith.constant 33 : i32
    %barrier3A_377 = arith.constant 0 : index
    tpu.barrier barrier_id(%barrier3A_377)
    "tpu.region"() ({
      %run_scoped3A = tpu.sem_alloc : memref<!tpu.dma_semaphore, #tpu.memory_space<semaphore_mem>>
      %dma_start3A_378 = arith.constant 0 : i32
      %dma_start3A_379 = tpu.memref_slice %arg5[%arg0, %mul3A_11, %dma_start3A_378] : memref<2x10240x128xf32, #tpu.memory_space<hbm>> -> memref<1x640x128xf32, #tpu.memory_space<hbm>>
      %dma_start3A_380 = tpu.memref_squeeze %dma_start3A_379 : memref<1x640x128xf32, #tpu.memory_space<hbm>> -> memref<640x128xf32, #tpu.memory_space<hbm>>
      %dma_start3A_381 = arith.constant 0 : i32
      %dma_start3A_382 = tpu.memref_slice %arg6[%mul3A_11, %dma_start3A_381] : memref<10240x128xf32, #tpu.memory_space<vmem_shared>> -> memref<640x128xf32, #tpu.memory_space<vmem_shared>>
      tpu.enqueue_dma source(%dma_start3A_382 : memref<640x128xf32, #tpu.memory_space<vmem_shared>>) target(%dma_start3A_380 : memref<640x128xf32, #tpu.memory_space<hbm>>) target_semaphore(%run_scoped3A : memref<!tpu.dma_semaphore, #tpu.memory_space<semaphore_mem>>)
      %dma_wait3A_383 = arith.constant 0 : i32
      %dma_wait3A_384 = tpu.memref_slice %arg5[%arg0, %mul3A_11, %dma_wait3A_383] : memref<2x10240x128xf32, #tpu.memory_space<hbm>> -> memref<1x640x128xf32, #tpu.memory_space<hbm>>
      %dma_wait3A_385 = tpu.memref_squeeze %dma_wait3A_384 : memref<1x640x128xf32, #tpu.memory_space<hbm>> -> memref<640x128xf32, #tpu.memory_space<hbm>>
      %dma_wait3A_386 = arith.constant 0 : i32
      %dma_wait3A_387 = tpu.memref_slice %arg6[%mul3A_11, %dma_wait3A_386] : memref<10240x128xf32, #tpu.memory_space<vmem_shared>> -> memref<640x128xf32, #tpu.memory_space<vmem_shared>>
      tpu.wait_dma2 semaphore(%run_scoped3A : memref<!tpu.dma_semaphore, #tpu.memory_space<semaphore_mem>>) src(%dma_wait3A_387 : memref<640x128xf32, #tpu.memory_space<vmem_shared>>) dst(%dma_wait3A_385 : memref<640x128xf32, #tpu.memory_space<hbm>>)
      tpu.yield
    }) : () -> ()
    return
  }
}

#map = affine_map<(d0, d1) -> (0, 0)>
#map1 = affine_map<(d0, d1) -> (0)>
#map2 = affine_map<(d0, d1) -> (0, 0, 0)>
module attributes {stable_mosaic.version = 14 : i64} {
  func.func @_sc_scatter(%arg0: i32, %arg1: i32, %arg2: memref<10240x128xf32, #tpu.memory_space<hbm>>, %arg3: memref<320000xi32, #tpu.memory_space<hbm>>, %arg4: memref<320000xi32, #tpu.memory_space<hbm>>, %arg5: memref<2x10240x128xf32, #tpu.memory_space<hbm>>, %arg6: memref<10240x128xf32, #tpu.memory_space<vmem_shared>>, %arg7: memref<64xi32, #tpu.memory_space<vmem>>, %arg8: memref<64xi32, #tpu.memory_space<vmem>>, %arg9: memref<64xi32, #tpu.memory_space<vmem>>, %arg10: memref<64xi32, #tpu.memory_space<vmem>>, %arg11: memref<64xi32, #tpu.memory_space<vmem>>, %arg12: memref<5x!tpu.dma_semaphore, #tpu.memory_space<semaphore_mem>>, %arg13: memref<5x!tpu.dma_semaphore, #tpu.memory_space<semaphore_mem>>, %arg14: memref<5x!tpu.dma_semaphore, #tpu.memory_space<semaphore_mem>>, %arg15: memref<5x64x128xf32, #tpu.memory_space<vmem>>, %arg16: memref<64xi32, #tpu.memory_space<vmem>>, %arg17: memref<64xi32, #tpu.memory_space<vmem>>, %arg18: memref<64xi32, #tpu.memory_space<vmem>>, %arg19: memref<64xi32, #tpu.memory_space<vmem>>, %arg20: memref<64xi32, #tpu.memory_space<vmem>>, %arg21: memref<5x!tpu.dma_semaphore, #tpu.memory_space<semaphore_mem>>) attributes {dimension_semantics = [#tpu.dimension_semantics<core_parallel>, #tpu.dimension_semantics<subcore_parallel>], iteration_bounds = array<i64: 2, 16>, scalar_prefetch = 0 : i64, scratch_operands = 16 : i64, tpu.core_type = #tpu.core_type<sc_vector_subcore>, window_params = [{transform_indices = #map}, {transform_indices = #map1}, {transform_indices = #map1}, {transform_indices = #map2}]} {
    %mul3A = arith.constant 16 : i32
    %mul3A_0 = arith.muli %arg0, %mul3A : i32
    %add3A = arith.addi %mul3A_0, %arg1 : i32
    %lt3A = arith.constant 8 : i32
    %lt3A_1 = arith.cmpi slt, %add3A, %lt3A : i32
    %jit3A = arith.constant 157 : i32
    %jit3A_2 = arith.constant 156 : i32
    %select_n3A = arith.select %lt3A_1, %jit3A, %jit3A_2 : i32
    %broadcast_in_dim3A = arith.constant 0.000000e+00 : f32
    %broadcast_in_dim3A_3 = vector.broadcast %broadcast_in_dim3A : f32 to vector<16xf32>
    %scan3A = arith.constant 0 : i32
    %scan3A_4 = arith.constant 0 : i32
    %scan3A_5 = arith.constant 64 : i32
    %scan3A_6 = arith.addi %scan3A_4, %scan3A_5 : i32
    %scan3A_7 = arith.constant 1 : i32
    %scan3A_8 = scf.for %scan3A_378 = %scan3A_4 to %scan3A_6 step %scan3A_7 iter_args(%scan3A_379 = %scan3A) -> (i32)  : i32 {
      %swap3A = arith.constant 0 : i32
      %swap3A_380 = arith.index_cast %swap3A : i32 to index
      %swap3A_381 = arith.index_cast %scan3A_378 : i32 to index
      %swap3A_382 = arith.constant 0 : index
      %swap3A_383 = tpu.vector_load %arg15[%swap3A_380, %swap3A_381, %swap3A_382] {strides = array<i32>} : memref<5x64x128xf32, #tpu.memory_space<vmem>>, vector<1x1x16xf32>,
      %swap3A_384 = vector.shape_cast %swap3A_383 : vector<1x1x16xf32> to vector<16xf32>
      %swap3A_385 = vector.shape_cast %broadcast_in_dim3A_3 : vector<16xf32> to vector<1x1x16xf32>
      tpu.vector_store %arg15[%swap3A_380, %swap3A_381, %swap3A_382], %swap3A_385 {strides = array<i32>} : memref<5x64x128xf32, #tpu.memory_space<vmem>>, vector<1x1x16xf32>,
      %swap3A_386 = arith.constant 0 : i32
      %swap3A_387 = arith.index_cast %swap3A_386 : i32 to index
      %swap3A_388 = arith.index_cast %scan3A_378 : i32 to index
      %swap3A_389 = arith.constant 16 : index
      %swap3A_390 = tpu.vector_load %arg15[%swap3A_387, %swap3A_388, %swap3A_389] {strides = array<i32>} : memref<5x64x128xf32, #tpu.memory_space<vmem>>, vector<1x1x16xf32>,
      %swap3A_391 = vector.shape_cast %swap3A_390 : vector<1x1x16xf32> to vector<16xf32>
      %swap3A_392 = vector.shape_cast %broadcast_in_dim3A_3 : vector<16xf32> to vector<1x1x16xf32>
      tpu.vector_store %arg15[%swap3A_387, %swap3A_388, %swap3A_389], %swap3A_392 {strides = array<i32>} : memref<5x64x128xf32, #tpu.memory_space<vmem>>, vector<1x1x16xf32>,
      %swap3A_393 = arith.constant 0 : i32
      %swap3A_394 = arith.index_cast %swap3A_393 : i32 to index
      %swap3A_395 = arith.index_cast %scan3A_378 : i32 to index
      %swap3A_396 = arith.constant 32 : index
      %swap3A_397 = tpu.vector_load %arg15[%swap3A_394, %swap3A_395, %swap3A_396] {strides = array<i32>} : memref<5x64x128xf32, #tpu.memory_space<vmem>>, vector<1x1x16xf32>,
      %swap3A_398 = vector.shape_cast %swap3A_397 : vector<1x1x16xf32> to vector<16xf32>
      %swap3A_399 = vector.shape_cast %broadcast_in_dim3A_3 : vector<16xf32> to vector<1x1x16xf32>
      tpu.vector_store %arg15[%swap3A_394, %swap3A_395, %swap3A_396], %swap3A_399 {strides = array<i32>} : memref<5x64x128xf32, #tpu.memory_space<vmem>>, vector<1x1x16xf32>,
      %swap3A_400 = arith.constant 0 : i32
      %swap3A_401 = arith.index_cast %swap3A_400 : i32 to index
      %swap3A_402 = arith.index_cast %scan3A_378 : i32 to index
      %swap3A_403 = arith.constant 48 : index
      %swap3A_404 = tpu.vector_load %arg15[%swap3A_401, %swap3A_402, %swap3A_403] {strides = array<i32>} : memref<5x64x128xf32, #tpu.memory_space<vmem>>, vector<1x1x16xf32>,
      %swap3A_405 = vector.shape_cast %swap3A_404 : vector<1x1x16xf32> to vector<16xf32>
      %swap3A_406 = vector.shape_cast %broadcast_in_dim3A_3 : vector<16xf32> to vector<1x1x16xf32>
      tpu.vector_store %arg15[%swap3A_401, %swap3A_402, %swap3A_403], %swap3A_406 {strides = array<i32>} : memref<5x64x128xf32, #tpu.memory_space<vmem>>, vector<1x1x16xf32>,
      %swap3A_407 = arith.constant 0 : i32
      %swap3A_408 = arith.index_cast %swap3A_407 : i32 to index
      %swap3A_409 = arith.index_cast %scan3A_378 : i32 to index
      %swap3A_410 = arith.constant 64 : index
      %swap3A_411 = tpu.vector_load %arg15[%swap3A_408, %swap3A_409, %swap3A_410] {strides = array<i32>} : memref<5x64x128xf32, #tpu.memory_space<vmem>>, vector<1x1x16xf32>,
      %swap3A_412 = vector.shape_cast %swap3A_411 : vector<1x1x16xf32> to vector<16xf32>
      %swap3A_413 = vector.shape_cast %broadcast_in_dim3A_3 : vector<16xf32> to vector<1x1x16xf32>
      tpu.vector_store %arg15[%swap3A_408, %swap3A_409, %swap3A_410], %swap3A_413 {strides = array<i32>} : memref<5x64x128xf32, #tpu.memory_space<vmem>>, vector<1x1x16xf32>,
      %swap3A_414 = arith.constant 0 : i32
      %swap3A_415 = arith.index_cast %swap3A_414 : i32 to index
      %swap3A_416 = arith.index_cast %scan3A_378 : i32 to index
      %swap3A_417 = arith.constant 80 : index
      %swap3A_418 = tpu.vector_load %arg15[%swap3A_415, %swap3A_416, %swap3A_417] {strides = array<i32>} : memref<5x64x128xf32, #tpu.memory_space<vmem>>, vector<1x1x16xf32>,
      %swap3A_419 = vector.shape_cast %swap3A_418 : vector<1x1x16xf32> to vector<16xf32>
      %swap3A_420 = vector.shape_cast %broadcast_in_dim3A_3 : vector<16xf32> to vector<1x1x16xf32>
      tpu.vector_store %arg15[%swap3A_415, %swap3A_416, %swap3A_417], %swap3A_420 {strides = array<i32>} : memref<5x64x128xf32, #tpu.memory_space<vmem>>, vector<1x1x16xf32>,
      %swap3A_421 = arith.constant 0 : i32
      %swap3A_422 = arith.index_cast %swap3A_421 : i32 to index
      %swap3A_423 = arith.index_cast %scan3A_378 : i32 to index
      %swap3A_424 = arith.constant 96 : index
      %swap3A_425 = tpu.vector_load %arg15[%swap3A_422, %swap3A_423, %swap3A_424] {strides = array<i32>} : memref<5x64x128xf32, #tpu.memory_space<vmem>>, vector<1x1x16xf32>,
      %swap3A_426 = vector.shape_cast %swap3A_425 : vector<1x1x16xf32> to vector<16xf32>
      %swap3A_427 = vector.shape_cast %broadcast_in_dim3A_3 : vector<16xf32> to vector<1x1x16xf32>
      tpu.vector_store %arg15[%swap3A_422, %swap3A_423, %swap3A_424], %swap3A_427 {strides = array<i32>} : memref<5x64x128xf32, #tpu.memory_space<vmem>>, vector<1x1x16xf32>,
      %swap3A_428 = arith.constant 0 : i32
      %swap3A_429 = arith.index_cast %swap3A_428 : i32 to index
      %swap3A_430 = arith.index_cast %scan3A_378 : i32 to index
      %swap3A_431 = arith.constant 112 : index
      %swap3A_432 = tpu.vector_load %arg15[%swap3A_429, %swap3A_430, %swap3A_431] {strides = array<i32>} : memref<5x64x128xf32, #tpu.memory_space<vmem>>, vector<1x1x16xf32>,
      %swap3A_433 = vector.shape_cast %swap3A_432 : vector<1x1x16xf32> to vector<16xf32>
      %swap3A_434 = vector.shape_cast %broadcast_in_dim3A_3 : vector<16xf32> to vector<1x1x16xf32>
      tpu.vector_store %arg15[%swap3A_429, %swap3A_430, %swap3A_431], %swap3A_434 {strides = array<i32>} : memref<5x64x128xf32, #tpu.memory_space<vmem>>, vector<1x1x16xf32>,
      %scan3A_435 = arith.constant 0 : i32
      scf.yield %scan3A_435 : i32
    }
    %scan3A_9 = arith.constant 64 : i32
    %mul3A_10 = arith.constant 640 : i32
    %mul3A_11 = arith.muli %arg1, %mul3A_10 : i32
    %add3A_12 = arith.constant 0 : i32
    %add3A_13 = arith.addi %mul3A_11, %add3A_12 : i32
    %dma_start3A = arith.constant 0 : i32
    %dma_start3A_14 = arith.constant 0 : i32
    %dma_start3A_15 = arith.constant 0 : i32
    %dma_start3A_16 = arith.constant 0 : i32
    %dma_start3A_17 = tpu.memref_slice %arg15[%dma_start3A, %dma_start3A_15, %dma_start3A_16] : memref<5x64x128xf32, #tpu.memory_space<vmem>> -> memref<1x64x128xf32, #tpu.memory_space<vmem>>
    %dma_start3A_18 = tpu.memref_squeeze %dma_start3A_17 : memref<1x64x128xf32, #tpu.memory_space<vmem>> -> memref<64x128xf32, #tpu.memory_space<vmem>>
    %dma_start3A_19 = arith.constant 0 : i32
    %dma_start3A_20 = tpu.memref_slice %arg6[%add3A_13, %dma_start3A_19] : memref<10240x128xf32, #tpu.memory_space<vmem_shared>> -> memref<64x128xf32, #tpu.memory_space<vmem_shared>>
    %dma_start3A_21 = tpu.memref_slice %arg21[%dma_start3A_14] : memref<5x!tpu.dma_semaphore, #tpu.memory_space<semaphore_mem>> -> memref<1x!tpu.dma_semaphore, #tpu.memory_space<semaphore_mem>>
    %dma_start3A_22 = tpu.memref_squeeze %dma_start3A_21 : memref<1x!tpu.dma_semaphore, #tpu.memory_space<semaphore_mem>> -> memref<!tpu.dma_semaphore, #tpu.memory_space<semaphore_mem>>
    %dma_start3A_23 = arith.constant 0 : i32
    %dma_start3A_24 = tpu.memref_slice %arg6[%add3A_13, %dma_start3A_23] : memref<10240x128xf32, #tpu.memory_space<vmem_shared>> -> memref<64x128xf32, #tpu.memory_space<vmem_shared>>
    %dma_start3A_25 = arith.constant 0 : i32
    %dma_start3A_26 = arith.constant 0 : i32
    %dma_start3A_27 = tpu.memref_slice %arg15[%dma_start3A, %dma_start3A_25, %dma_start3A_26] : memref<5x64x128xf32, #tpu.memory_space<vmem>> -> memref<1x64x128xf32, #tpu.memory_space<vmem>>
    %dma_start3A_28 = tpu.memref_squeeze %dma_start3A_27 : memref<1x64x128xf32, #tpu.memory_space<vmem>> -> memref<64x128xf32, #tpu.memory_space<vmem>>
    tpu.enqueue_dma source(%dma_start3A_28 : memref<64x128xf32, #tpu.memory_space<vmem>>) target(%dma_start3A_24 : memref<64x128xf32, #tpu.memory_space<vmem_shared>>) target_semaphore(%dma_start3A_22 : memref<!tpu.dma_semaphore, #tpu.memory_space<semaphore_mem>>)
    %add3A_29 = arith.constant 64 : i32
    %add3A_30 = arith.addi %mul3A_11, %add3A_29 : i32
    %dma_start3A_31 = arith.constant 0 : i32
    %dma_start3A_32 = arith.constant 0 : i32
    %dma_start3A_33 = arith.constant 0 : i32
    %dma_start3A_34 = arith.constant 0 : i32
    %dma_start3A_35 = tpu.memref_slice %arg15[%dma_start3A_31, %dma_start3A_33, %dma_start3A_34] : memref<5x64x128xf32, #tpu.memory_space<vmem>> -> memref<1x64x128xf32, #tpu.memory_space<vmem>>
    %dma_start3A_36 = tpu.memref_squeeze %dma_start3A_35 : memref<1x64x128xf32, #tpu.memory_space<vmem>> -> memref<64x128xf32, #tpu.memory_space<vmem>>
    %dma_start3A_37 = arith.constant 0 : i32
    %dma_start3A_38 = tpu.memref_slice %arg6[%add3A_30, %dma_start3A_37] : memref<10240x128xf32, #tpu.memory_space<vmem_shared>> -> memref<64x128xf32, #tpu.memory_space<vmem_shared>>
    %dma_start3A_39 = tpu.memref_slice %arg21[%dma_start3A_32] : memref<5x!tpu.dma_semaphore, #tpu.memory_space<semaphore_mem>> -> memref<1x!tpu.dma_semaphore, #tpu.memory_space<semaphore_mem>>
    %dma_start3A_40 = tpu.memref_squeeze %dma_start3A_39 : memref<1x!tpu.dma_semaphore, #tpu.memory_space<semaphore_mem>> -> memref<!tpu.dma_semaphore, #tpu.memory_space<semaphore_mem>>
    %dma_start3A_41 = arith.constant 0 : i32
    %dma_start3A_42 = tpu.memref_slice %arg6[%add3A_30, %dma_start3A_41] : memref<10240x128xf32, #tpu.memory_space<vmem_shared>> -> memref<64x128xf32, #tpu.memory_space<vmem_shared>>
    %dma_start3A_43 = arith.constant 0 : i32
    %dma_start3A_44 = arith.constant 0 : i32
    %dma_start3A_45 = tpu.memref_slice %arg15[%dma_start3A_31, %dma_start3A_43, %dma_start3A_44] : memref<5x64x128xf32, #tpu.memory_space<vmem>> -> memref<1x64x128xf32, #tpu.memory_space<vmem>>
    %dma_start3A_46 = tpu.memref_squeeze %dma_start3A_45 : memref<1x64x128xf32, #tpu.memory_space<vmem>> -> memref<64x128xf32, #tpu.memory_space<vmem>>
    tpu.enqueue_dma source(%dma_start3A_46 : memref<64x128xf32, #tpu.memory_space<vmem>>) target(%dma_start3A_42 : memref<64x128xf32, #tpu.memory_space<vmem_shared>>) target_semaphore(%dma_start3A_40 : memref<!tpu.dma_semaphore, #tpu.memory_space<semaphore_mem>>)
    %add3A_47 = arith.constant 128 : i32
    %add3A_48 = arith.addi %mul3A_11, %add3A_47 : i32
    %dma_start3A_49 = arith.constant 0 : i32
    %dma_start3A_50 = arith.constant 0 : i32
    %dma_start3A_51 = arith.constant 0 : i32
    %dma_start3A_52 = arith.constant 0 : i32
    %dma_start3A_53 = tpu.memref_slice %arg15[%dma_start3A_49, %dma_start3A_51, %dma_start3A_52] : memref<5x64x128xf32, #tpu.memory_space<vmem>> -> memref<1x64x128xf32, #tpu.memory_space<vmem>>
    %dma_start3A_54 = tpu.memref_squeeze %dma_start3A_53 : memref<1x64x128xf32, #tpu.memory_space<vmem>> -> memref<64x128xf32, #tpu.memory_space<vmem>>
    %dma_start3A_55 = arith.constant 0 : i32
    %dma_start3A_56 = tpu.memref_slice %arg6[%add3A_48, %dma_start3A_55] : memref<10240x128xf32, #tpu.memory_space<vmem_shared>> -> memref<64x128xf32, #tpu.memory_space<vmem_shared>>
    %dma_start3A_57 = tpu.memref_slice %arg21[%dma_start3A_50] : memref<5x!tpu.dma_semaphore, #tpu.memory_space<semaphore_mem>> -> memref<1x!tpu.dma_semaphore, #tpu.memory_space<semaphore_mem>>
    %dma_start3A_58 = tpu.memref_squeeze %dma_start3A_57 : memref<1x!tpu.dma_semaphore, #tpu.memory_space<semaphore_mem>> -> memref<!tpu.dma_semaphore, #tpu.memory_space<semaphore_mem>>
    %dma_start3A_59 = arith.constant 0 : i32
    %dma_start3A_60 = tpu.memref_slice %arg6[%add3A_48, %dma_start3A_59] : memref<10240x128xf32, #tpu.memory_space<vmem_shared>> -> memref<64x128xf32, #tpu.memory_space<vmem_shared>>
    %dma_start3A_61 = arith.constant 0 : i32
    %dma_start3A_62 = arith.constant 0 : i32
    %dma_start3A_63 = tpu.memref_slice %arg15[%dma_start3A_49, %dma_start3A_61, %dma_start3A_62] : memref<5x64x128xf32, #tpu.memory_space<vmem>> -> memref<1x64x128xf32, #tpu.memory_space<vmem>>
    %dma_start3A_64 = tpu.memref_squeeze %dma_start3A_63 : memref<1x64x128xf32, #tpu.memory_space<vmem>> -> memref<64x128xf32, #tpu.memory_space<vmem>>
    tpu.enqueue_dma source(%dma_start3A_64 : memref<64x128xf32, #tpu.memory_space<vmem>>) target(%dma_start3A_60 : memref<64x128xf32, #tpu.memory_space<vmem_shared>>) target_semaphore(%dma_start3A_58 : memref<!tpu.dma_semaphore, #tpu.memory_space<semaphore_mem>>)
    %add3A_65 = arith.constant 192 : i32
    %add3A_66 = arith.addi %mul3A_11, %add3A_65 : i32
    %dma_start3A_67 = arith.constant 0 : i32
    %dma_start3A_68 = arith.constant 0 : i32
    %dma_start3A_69 = arith.constant 0 : i32
    %dma_start3A_70 = arith.constant 0 : i32
    %dma_start3A_71 = tpu.memref_slice %arg15[%dma_start3A_67, %dma_start3A_69, %dma_start3A_70] : memref<5x64x128xf32, #tpu.memory_space<vmem>> -> memref<1x64x128xf32, #tpu.memory_space<vmem>>
    %dma_start3A_72 = tpu.memref_squeeze %dma_start3A_71 : memref<1x64x128xf32, #tpu.memory_space<vmem>> -> memref<64x128xf32, #tpu.memory_space<vmem>>
    %dma_start3A_73 = arith.constant 0 : i32
    %dma_start3A_74 = tpu.memref_slice %arg6[%add3A_66, %dma_start3A_73] : memref<10240x128xf32, #tpu.memory_space<vmem_shared>> -> memref<64x128xf32, #tpu.memory_space<vmem_shared>>
    %dma_start3A_75 = tpu.memref_slice %arg21[%dma_start3A_68] : memref<5x!tpu.dma_semaphore, #tpu.memory_space<semaphore_mem>> -> memref<1x!tpu.dma_semaphore, #tpu.memory_space<semaphore_mem>>
    %dma_start3A_76 = tpu.memref_squeeze %dma_start3A_75 : memref<1x!tpu.dma_semaphore, #tpu.memory_space<semaphore_mem>> -> memref<!tpu.dma_semaphore, #tpu.memory_space<semaphore_mem>>
    %dma_start3A_77 = arith.constant 0 : i32
    %dma_start3A_78 = tpu.memref_slice %arg6[%add3A_66, %dma_start3A_77] : memref<10240x128xf32, #tpu.memory_space<vmem_shared>> -> memref<64x128xf32, #tpu.memory_space<vmem_shared>>
    %dma_start3A_79 = arith.constant 0 : i32
    %dma_start3A_80 = arith.constant 0 : i32
    %dma_start3A_81 = tpu.memref_slice %arg15[%dma_start3A_67, %dma_start3A_79, %dma_start3A_80] : memref<5x64x128xf32, #tpu.memory_space<vmem>> -> memref<1x64x128xf32, #tpu.memory_space<vmem>>
    %dma_start3A_82 = tpu.memref_squeeze %dma_start3A_81 : memref<1x64x128xf32, #tpu.memory_space<vmem>> -> memref<64x128xf32, #tpu.memory_space<vmem>>
    tpu.enqueue_dma source(%dma_start3A_82 : memref<64x128xf32, #tpu.memory_space<vmem>>) target(%dma_start3A_78 : memref<64x128xf32, #tpu.memory_space<vmem_shared>>) target_semaphore(%dma_start3A_76 : memref<!tpu.dma_semaphore, #tpu.memory_space<semaphore_mem>>)
    %add3A_83 = arith.constant 256 : i32
    %add3A_84 = arith.addi %mul3A_11, %add3A_83 : i32
    %dma_start3A_85 = arith.constant 0 : i32
    %dma_start3A_86 = arith.constant 0 : i32
    %dma_start3A_87 = arith.constant 0 : i32
    %dma_start3A_88 = arith.constant 0 : i32
    %dma_start3A_89 = tpu.memref_slice %arg15[%dma_start3A_85, %dma_start3A_87, %dma_start3A_88] : memref<5x64x128xf32, #tpu.memory_space<vmem>> -> memref<1x64x128xf32, #tpu.memory_space<vmem>>
    %dma_start3A_90 = tpu.memref_squeeze %dma_start3A_89 : memref<1x64x128xf32, #tpu.memory_space<vmem>> -> memref<64x128xf32, #tpu.memory_space<vmem>>
    %dma_start3A_91 = arith.constant 0 : i32
    %dma_start3A_92 = tpu.memref_slice %arg6[%add3A_84, %dma_start3A_91] : memref<10240x128xf32, #tpu.memory_space<vmem_shared>> -> memref<64x128xf32, #tpu.memory_space<vmem_shared>>
    %dma_start3A_93 = tpu.memref_slice %arg21[%dma_start3A_86] : memref<5x!tpu.dma_semaphore, #tpu.memory_space<semaphore_mem>> -> memref<1x!tpu.dma_semaphore, #tpu.memory_space<semaphore_mem>>
    %dma_start3A_94 = tpu.memref_squeeze %dma_start3A_93 : memref<1x!tpu.dma_semaphore, #tpu.memory_space<semaphore_mem>> -> memref<!tpu.dma_semaphore, #tpu.memory_space<semaphore_mem>>
    %dma_start3A_95 = arith.constant 0 : i32
    %dma_start3A_96 = tpu.memref_slice %arg6[%add3A_84, %dma_start3A_95] : memref<10240x128xf32, #tpu.memory_space<vmem_shared>> -> memref<64x128xf32, #tpu.memory_space<vmem_shared>>
    %dma_start3A_97 = arith.constant 0 : i32
    %dma_start3A_98 = arith.constant 0 : i32
    %dma_start3A_99 = tpu.memref_slice %arg15[%dma_start3A_85, %dma_start3A_97, %dma_start3A_98] : memref<5x64x128xf32, #tpu.memory_space<vmem>> -> memref<1x64x128xf32, #tpu.memory_space<vmem>>
    %dma_start3A_100 = tpu.memref_squeeze %dma_start3A_99 : memref<1x64x128xf32, #tpu.memory_space<vmem>> -> memref<64x128xf32, #tpu.memory_space<vmem>>
    tpu.enqueue_dma source(%dma_start3A_100 : memref<64x128xf32, #tpu.memory_space<vmem>>) target(%dma_start3A_96 : memref<64x128xf32, #tpu.memory_space<vmem_shared>>) target_semaphore(%dma_start3A_94 : memref<!tpu.dma_semaphore, #tpu.memory_space<semaphore_mem>>)
    %add3A_101 = arith.constant 320 : i32
    %add3A_102 = arith.addi %mul3A_11, %add3A_101 : i32
    %dma_start3A_103 = arith.constant 0 : i32
    %dma_start3A_104 = arith.constant 0 : i32
    %dma_start3A_105 = arith.constant 0 : i32
    %dma_start3A_106 = arith.constant 0 : i32
    %dma_start3A_107 = tpu.memref_slice %arg15[%dma_start3A_103, %dma_start3A_105, %dma_start3A_106] : memref<5x64x128xf32, #tpu.memory_space<vmem>> -> memref<1x64x128xf32, #tpu.memory_space<vmem>>
    %dma_start3A_108 = tpu.memref_squeeze %dma_start3A_107 : memref<1x64x128xf32, #tpu.memory_space<vmem>> -> memref<64x128xf32, #tpu.memory_space<vmem>>
    %dma_start3A_109 = arith.constant 0 : i32
    %dma_start3A_110 = tpu.memref_slice %arg6[%add3A_102, %dma_start3A_109] : memref<10240x128xf32, #tpu.memory_space<vmem_shared>> -> memref<64x128xf32, #tpu.memory_space<vmem_shared>>
    %dma_start3A_111 = tpu.memref_slice %arg21[%dma_start3A_104] : memref<5x!tpu.dma_semaphore, #tpu.memory_space<semaphore_mem>> -> memref<1x!tpu.dma_semaphore, #tpu.memory_space<semaphore_mem>>
    %dma_start3A_112 = tpu.memref_squeeze %dma_start3A_111 : memref<1x!tpu.dma_semaphore, #tpu.memory_space<semaphore_mem>> -> memref<!tpu.dma_semaphore, #tpu.memory_space<semaphore_mem>>
    %dma_start3A_113 = arith.constant 0 : i32
    %dma_start3A_114 = tpu.memref_slice %arg6[%add3A_102, %dma_start3A_113] : memref<10240x128xf32, #tpu.memory_space<vmem_shared>> -> memref<64x128xf32, #tpu.memory_space<vmem_shared>>
    %dma_start3A_115 = arith.constant 0 : i32
    %dma_start3A_116 = arith.constant 0 : i32
    %dma_start3A_117 = tpu.memref_slice %arg15[%dma_start3A_103, %dma_start3A_115, %dma_start3A_116] : memref<5x64x128xf32, #tpu.memory_space<vmem>> -> memref<1x64x128xf32, #tpu.memory_space<vmem>>
    %dma_start3A_118 = tpu.memref_squeeze %dma_start3A_117 : memref<1x64x128xf32, #tpu.memory_space<vmem>> -> memref<64x128xf32, #tpu.memory_space<vmem>>
    tpu.enqueue_dma source(%dma_start3A_118 : memref<64x128xf32, #tpu.memory_space<vmem>>) target(%dma_start3A_114 : memref<64x128xf32, #tpu.memory_space<vmem_shared>>) target_semaphore(%dma_start3A_112 : memref<!tpu.dma_semaphore, #tpu.memory_space<semaphore_mem>>)
    %add3A_119 = arith.constant 384 : i32
    %add3A_120 = arith.addi %mul3A_11, %add3A_119 : i32
    %dma_start3A_121 = arith.constant 0 : i32
    %dma_start3A_122 = arith.constant 0 : i32
    %dma_start3A_123 = arith.constant 0 : i32
    %dma_start3A_124 = arith.constant 0 : i32
    %dma_start3A_125 = tpu.memref_slice %arg15[%dma_start3A_121, %dma_start3A_123, %dma_start3A_124] : memref<5x64x128xf32, #tpu.memory_space<vmem>> -> memref<1x64x128xf32, #tpu.memory_space<vmem>>
    %dma_start3A_126 = tpu.memref_squeeze %dma_start3A_125 : memref<1x64x128xf32, #tpu.memory_space<vmem>> -> memref<64x128xf32, #tpu.memory_space<vmem>>
    %dma_start3A_127 = arith.constant 0 : i32
    %dma_start3A_128 = tpu.memref_slice %arg6[%add3A_120, %dma_start3A_127] : memref<10240x128xf32, #tpu.memory_space<vmem_shared>> -> memref<64x128xf32, #tpu.memory_space<vmem_shared>>
    %dma_start3A_129 = tpu.memref_slice %arg21[%dma_start3A_122] : memref<5x!tpu.dma_semaphore, #tpu.memory_space<semaphore_mem>> -> memref<1x!tpu.dma_semaphore, #tpu.memory_space<semaphore_mem>>
    %dma_start3A_130 = tpu.memref_squeeze %dma_start3A_129 : memref<1x!tpu.dma_semaphore, #tpu.memory_space<semaphore_mem>> -> memref<!tpu.dma_semaphore, #tpu.memory_space<semaphore_mem>>
    %dma_start3A_131 = arith.constant 0 : i32
    %dma_start3A_132 = tpu.memref_slice %arg6[%add3A_120, %dma_start3A_131] : memref<10240x128xf32, #tpu.memory_space<vmem_shared>> -> memref<64x128xf32, #tpu.memory_space<vmem_shared>>
    %dma_start3A_133 = arith.constant 0 : i32
    %dma_start3A_134 = arith.constant 0 : i32
    %dma_start3A_135 = tpu.memref_slice %arg15[%dma_start3A_121, %dma_start3A_133, %dma_start3A_134] : memref<5x64x128xf32, #tpu.memory_space<vmem>> -> memref<1x64x128xf32, #tpu.memory_space<vmem>>
    %dma_start3A_136 = tpu.memref_squeeze %dma_start3A_135 : memref<1x64x128xf32, #tpu.memory_space<vmem>> -> memref<64x128xf32, #tpu.memory_space<vmem>>
    tpu.enqueue_dma source(%dma_start3A_136 : memref<64x128xf32, #tpu.memory_space<vmem>>) target(%dma_start3A_132 : memref<64x128xf32, #tpu.memory_space<vmem_shared>>) target_semaphore(%dma_start3A_130 : memref<!tpu.dma_semaphore, #tpu.memory_space<semaphore_mem>>)
    %add3A_137 = arith.constant 448 : i32
    %add3A_138 = arith.addi %mul3A_11, %add3A_137 : i32
    %dma_start3A_139 = arith.constant 0 : i32
    %dma_start3A_140 = arith.constant 0 : i32
    %dma_start3A_141 = arith.constant 0 : i32
    %dma_start3A_142 = arith.constant 0 : i32
    %dma_start3A_143 = tpu.memref_slice %arg15[%dma_start3A_139, %dma_start3A_141, %dma_start3A_142] : memref<5x64x128xf32, #tpu.memory_space<vmem>> -> memref<1x64x128xf32, #tpu.memory_space<vmem>>
    %dma_start3A_144 = tpu.memref_squeeze %dma_start3A_143 : memref<1x64x128xf32, #tpu.memory_space<vmem>> -> memref<64x128xf32, #tpu.memory_space<vmem>>
    %dma_start3A_145 = arith.constant 0 : i32
    %dma_start3A_146 = tpu.memref_slice %arg6[%add3A_138, %dma_start3A_145] : memref<10240x128xf32, #tpu.memory_space<vmem_shared>> -> memref<64x128xf32, #tpu.memory_space<vmem_shared>>
    %dma_start3A_147 = tpu.memref_slice %arg21[%dma_start3A_140] : memref<5x!tpu.dma_semaphore, #tpu.memory_space<semaphore_mem>> -> memref<1x!tpu.dma_semaphore, #tpu.memory_space<semaphore_mem>>
    %dma_start3A_148 = tpu.memref_squeeze %dma_start3A_147 : memref<1x!tpu.dma_semaphore, #tpu.memory_space<semaphore_mem>> -> memref<!tpu.dma_semaphore, #tpu.memory_space<semaphore_mem>>
    %dma_start3A_149 = arith.constant 0 : i32
    %dma_start3A_150 = tpu.memref_slice %arg6[%add3A_138, %dma_start3A_149] : memref<10240x128xf32, #tpu.memory_space<vmem_shared>> -> memref<64x128xf32, #tpu.memory_space<vmem_shared>>
    %dma_start3A_151 = arith.constant 0 : i32
    %dma_start3A_152 = arith.constant 0 : i32
    %dma_start3A_153 = tpu.memref_slice %arg15[%dma_start3A_139, %dma_start3A_151, %dma_start3A_152] : memref<5x64x128xf32, #tpu.memory_space<vmem>> -> memref<1x64x128xf32, #tpu.memory_space<vmem>>
    %dma_start3A_154 = tpu.memref_squeeze %dma_start3A_153 : memref<1x64x128xf32, #tpu.memory_space<vmem>> -> memref<64x128xf32, #tpu.memory_space<vmem>>
    tpu.enqueue_dma source(%dma_start3A_154 : memref<64x128xf32, #tpu.memory_space<vmem>>) target(%dma_start3A_150 : memref<64x128xf32, #tpu.memory_space<vmem_shared>>) target_semaphore(%dma_start3A_148 : memref<!tpu.dma_semaphore, #tpu.memory_space<semaphore_mem>>)
    %add3A_155 = arith.constant 512 : i32
    %add3A_156 = arith.addi %mul3A_11, %add3A_155 : i32
    %dma_start3A_157 = arith.constant 0 : i32
    %dma_start3A_158 = arith.constant 0 : i32
    %dma_start3A_159 = arith.constant 0 : i32
    %dma_start3A_160 = arith.constant 0 : i32
    %dma_start3A_161 = tpu.memref_slice %arg15[%dma_start3A_157, %dma_start3A_159, %dma_start3A_160] : memref<5x64x128xf32, #tpu.memory_space<vmem>> -> memref<1x64x128xf32, #tpu.memory_space<vmem>>
    %dma_start3A_162 = tpu.memref_squeeze %dma_start3A_161 : memref<1x64x128xf32, #tpu.memory_space<vmem>> -> memref<64x128xf32, #tpu.memory_space<vmem>>
    %dma_start3A_163 = arith.constant 0 : i32
    %dma_start3A_164 = tpu.memref_slice %arg6[%add3A_156, %dma_start3A_163] : memref<10240x128xf32, #tpu.memory_space<vmem_shared>> -> memref<64x128xf32, #tpu.memory_space<vmem_shared>>
    %dma_start3A_165 = tpu.memref_slice %arg21[%dma_start3A_158] : memref<5x!tpu.dma_semaphore, #tpu.memory_space<semaphore_mem>> -> memref<1x!tpu.dma_semaphore, #tpu.memory_space<semaphore_mem>>
    %dma_start3A_166 = tpu.memref_squeeze %dma_start3A_165 : memref<1x!tpu.dma_semaphore, #tpu.memory_space<semaphore_mem>> -> memref<!tpu.dma_semaphore, #tpu.memory_space<semaphore_mem>>
    %dma_start3A_167 = arith.constant 0 : i32
    %dma_start3A_168 = tpu.memref_slice %arg6[%add3A_156, %dma_start3A_167] : memref<10240x128xf32, #tpu.memory_space<vmem_shared>> -> memref<64x128xf32, #tpu.memory_space<vmem_shared>>
    %dma_start3A_169 = arith.constant 0 : i32
    %dma_start3A_170 = arith.constant 0 : i32
    %dma_start3A_171 = tpu.memref_slice %arg15[%dma_start3A_157, %dma_start3A_169, %dma_start3A_170] : memref<5x64x128xf32, #tpu.memory_space<vmem>> -> memref<1x64x128xf32, #tpu.memory_space<vmem>>
    %dma_start3A_172 = tpu.memref_squeeze %dma_start3A_171 : memref<1x64x128xf32, #tpu.memory_space<vmem>> -> memref<64x128xf32, #tpu.memory_space<vmem>>
    tpu.enqueue_dma source(%dma_start3A_172 : memref<64x128xf32, #tpu.memory_space<vmem>>) target(%dma_start3A_168 : memref<64x128xf32, #tpu.memory_space<vmem_shared>>) target_semaphore(%dma_start3A_166 : memref<!tpu.dma_semaphore, #tpu.memory_space<semaphore_mem>>)
    %add3A_173 = arith.constant 576 : i32
    %add3A_174 = arith.addi %mul3A_11, %add3A_173 : i32
    %dma_start3A_175 = arith.constant 0 : i32
    %dma_start3A_176 = arith.constant 0 : i32
    %dma_start3A_177 = arith.constant 0 : i32
    %dma_start3A_178 = arith.constant 0 : i32
    %dma_start3A_179 = tpu.memref_slice %arg15[%dma_start3A_175, %dma_start3A_177, %dma_start3A_178] : memref<5x64x128xf32, #tpu.memory_space<vmem>> -> memref<1x64x128xf32, #tpu.memory_space<vmem>>
    %dma_start3A_180 = tpu.memref_squeeze %dma_start3A_179 : memref<1x64x128xf32, #tpu.memory_space<vmem>> -> memref<64x128xf32, #tpu.memory_space<vmem>>
    %dma_start3A_181 = arith.constant 0 : i32
    %dma_start3A_182 = tpu.memref_slice %arg6[%add3A_174, %dma_start3A_181] : memref<10240x128xf32, #tpu.memory_space<vmem_shared>> -> memref<64x128xf32, #tpu.memory_space<vmem_shared>>
    %dma_start3A_183 = tpu.memref_slice %arg21[%dma_start3A_176] : memref<5x!tpu.dma_semaphore, #tpu.memory_space<semaphore_mem>> -> memref<1x!tpu.dma_semaphore, #tpu.memory_space<semaphore_mem>>
    %dma_start3A_184 = tpu.memref_squeeze %dma_start3A_183 : memref<1x!tpu.dma_semaphore, #tpu.memory_space<semaphore_mem>> -> memref<!tpu.dma_semaphore, #tpu.memory_space<semaphore_mem>>
    %dma_start3A_185 = arith.constant 0 : i32
    %dma_start3A_186 = tpu.memref_slice %arg6[%add3A_174, %dma_start3A_185] : memref<10240x128xf32, #tpu.memory_space<vmem_shared>> -> memref<64x128xf32, #tpu.memory_space<vmem_shared>>
    %dma_start3A_187 = arith.constant 0 : i32
    %dma_start3A_188 = arith.constant 0 : i32
    %dma_start3A_189 = tpu.memref_slice %arg15[%dma_start3A_175, %dma_start3A_187, %dma_start3A_188] : memref<5x64x128xf32, #tpu.memory_space<vmem>> -> memref<1x64x128xf32, #tpu.memory_space<vmem>>
    %dma_start3A_190 = tpu.memref_squeeze %dma_start3A_189 : memref<1x64x128xf32, #tpu.memory_space<vmem>> -> memref<64x128xf32, #tpu.memory_space<vmem>>
    tpu.enqueue_dma source(%dma_start3A_190 : memref<64x128xf32, #tpu.memory_space<vmem>>) target(%dma_start3A_186 : memref<64x128xf32, #tpu.memory_space<vmem_shared>>) target_semaphore(%dma_start3A_184 : memref<!tpu.dma_semaphore, #tpu.memory_space<semaphore_mem>>)
    %add3A_191 = arith.constant 0 : i32
    %add3A_192 = arith.addi %mul3A_11, %add3A_191 : i32
    %dma_wait3A = arith.constant 0 : i32
    %dma_wait3A_193 = arith.constant 0 : i32
    %dma_wait3A_194 = arith.constant 0 : i32
    %dma_wait3A_195 = arith.constant 0 : i32
    %dma_wait3A_196 = tpu.memref_slice %arg15[%dma_wait3A, %dma_wait3A_194, %dma_wait3A_195] : memref<5x64x128xf32, #tpu.memory_space<vmem>> -> memref<1x64x128xf32, #tpu.memory_space<vmem>>
    %dma_wait3A_197 = tpu.memref_squeeze %dma_wait3A_196 : memref<1x64x128xf32, #tpu.memory_space<vmem>> -> memref<64x128xf32, #tpu.memory_space<vmem>>
    %dma_wait3A_198 = arith.constant 0 : i32
    %dma_wait3A_199 = tpu.memref_slice %arg6[%add3A_192, %dma_wait3A_198] : memref<10240x128xf32, #tpu.memory_space<vmem_shared>> -> memref<64x128xf32, #tpu.memory_space<vmem_shared>>
    %dma_wait3A_200 = tpu.memref_slice %arg21[%dma_wait3A_193] : memref<5x!tpu.dma_semaphore, #tpu.memory_space<semaphore_mem>> -> memref<1x!tpu.dma_semaphore, #tpu.memory_space<semaphore_mem>>
    %dma_wait3A_201 = tpu.memref_squeeze %dma_wait3A_200 : memref<1x!tpu.dma_semaphore, #tpu.memory_space<semaphore_mem>> -> memref<!tpu.dma_semaphore, #tpu.memory_space<semaphore_mem>>
    %dma_wait3A_202 = arith.constant 0 : i32
    %dma_wait3A_203 = tpu.memref_slice %arg6[%add3A_192, %dma_wait3A_202] : memref<10240x128xf32, #tpu.memory_space<vmem_shared>> -> memref<64x128xf32, #tpu.memory_space<vmem_shared>>
    %dma_wait3A_204 = arith.constant 0 : i32
    %dma_wait3A_205 = arith.constant 0 : i32
    %dma_wait3A_206 = tpu.memref_slice %arg15[%dma_wait3A, %dma_wait3A_204, %dma_wait3A_205] : memref<5x64x128xf32, #tpu.memory_space<vmem>> -> memref<1x64x128xf32, #tpu.memory_space<vmem>>
    %dma_wait3A_207 = tpu.memref_squeeze %dma_wait3A_206 : memref<1x64x128xf32, #tpu.memory_space<vmem>> -> memref<64x128xf32, #tpu.memory_space<vmem>>
    tpu.wait_dma2 semaphore(%dma_wait3A_201 : memref<!tpu.dma_semaphore, #tpu.memory_space<semaphore_mem>>) src(%dma_wait3A_207 : memref<64x128xf32, #tpu.memory_space<vmem>>) dst(%dma_wait3A_203 : memref<64x128xf32, #tpu.memory_space<vmem_shared>>)
    %add3A_208 = arith.constant 64 : i32
    %add3A_209 = arith.addi %mul3A_11, %add3A_208 : i32
    %dma_wait3A_210 = arith.constant 0 : i32
    %dma_wait3A_211 = arith.constant 0 : i32
    %dma_wait3A_212 = arith.constant 0 : i32
    %dma_wait3A_213 = arith.constant 0 : i32
    %dma_wait3A_214 = tpu.memref_slice %arg15[%dma_wait3A_210, %dma_wait3A_212, %dma_wait3A_213] : memref<5x64x128xf32, #tpu.memory_space<vmem>> -> memref<1x64x128xf32, #tpu.memory_space<vmem>>
    %dma_wait3A_215 = tpu.memref_squeeze %dma_wait3A_214 : memref<1x64x128xf32, #tpu.memory_space<vmem>> -> memref<64x128xf32, #tpu.memory_space<vmem>>
    %dma_wait3A_216 = arith.constant 0 : i32
    %dma_wait3A_217 = tpu.memref_slice %arg6[%add3A_209, %dma_wait3A_216] : memref<10240x128xf32, #tpu.memory_space<vmem_shared>> -> memref<64x128xf32, #tpu.memory_space<vmem_shared>>
    %dma_wait3A_218 = tpu.memref_slice %arg21[%dma_wait3A_211] : memref<5x!tpu.dma_semaphore, #tpu.memory_space<semaphore_mem>> -> memref<1x!tpu.dma_semaphore, #tpu.memory_space<semaphore_mem>>
    %dma_wait3A_219 = tpu.memref_squeeze %dma_wait3A_218 : memref<1x!tpu.dma_semaphore, #tpu.memory_space<semaphore_mem>> -> memref<!tpu.dma_semaphore, #tpu.memory_space<semaphore_mem>>
    %dma_wait3A_220 = arith.constant 0 : i32
    %dma_wait3A_221 = tpu.memref_slice %arg6[%add3A_209, %dma_wait3A_220] : memref<10240x128xf32, #tpu.memory_space<vmem_shared>> -> memref<64x128xf32, #tpu.memory_space<vmem_shared>>
    %dma_wait3A_222 = arith.constant 0 : i32
    %dma_wait3A_223 = arith.constant 0 : i32
    %dma_wait3A_224 = tpu.memref_slice %arg15[%dma_wait3A_210, %dma_wait3A_222, %dma_wait3A_223] : memref<5x64x128xf32, #tpu.memory_space<vmem>> -> memref<1x64x128xf32, #tpu.memory_space<vmem>>
    %dma_wait3A_225 = tpu.memref_squeeze %dma_wait3A_224 : memref<1x64x128xf32, #tpu.memory_space<vmem>> -> memref<64x128xf32, #tpu.memory_space<vmem>>
    tpu.wait_dma2 semaphore(%dma_wait3A_219 : memref<!tpu.dma_semaphore, #tpu.memory_space<semaphore_mem>>) src(%dma_wait3A_225 : memref<64x128xf32, #tpu.memory_space<vmem>>) dst(%dma_wait3A_221 : memref<64x128xf32, #tpu.memory_space<vmem_shared>>)
    %add3A_226 = arith.constant 128 : i32
    %add3A_227 = arith.addi %mul3A_11, %add3A_226 : i32
    %dma_wait3A_228 = arith.constant 0 : i32
    %dma_wait3A_229 = arith.constant 0 : i32
    %dma_wait3A_230 = arith.constant 0 : i32
    %dma_wait3A_231 = arith.constant 0 : i32
    %dma_wait3A_232 = tpu.memref_slice %arg15[%dma_wait3A_228, %dma_wait3A_230, %dma_wait3A_231] : memref<5x64x128xf32, #tpu.memory_space<vmem>> -> memref<1x64x128xf32, #tpu.memory_space<vmem>>
    %dma_wait3A_233 = tpu.memref_squeeze %dma_wait3A_232 : memref<1x64x128xf32, #tpu.memory_space<vmem>> -> memref<64x128xf32, #tpu.memory_space<vmem>>
    %dma_wait3A_234 = arith.constant 0 : i32
    %dma_wait3A_235 = tpu.memref_slice %arg6[%add3A_227, %dma_wait3A_234] : memref<10240x128xf32, #tpu.memory_space<vmem_shared>> -> memref<64x128xf32, #tpu.memory_space<vmem_shared>>
    %dma_wait3A_236 = tpu.memref_slice %arg21[%dma_wait3A_229] : memref<5x!tpu.dma_semaphore, #tpu.memory_space<semaphore_mem>> -> memref<1x!tpu.dma_semaphore, #tpu.memory_space<semaphore_mem>>
    %dma_wait3A_237 = tpu.memref_squeeze %dma_wait3A_236 : memref<1x!tpu.dma_semaphore, #tpu.memory_space<semaphore_mem>> -> memref<!tpu.dma_semaphore, #tpu.memory_space<semaphore_mem>>
    %dma_wait3A_238 = arith.constant 0 : i32
    %dma_wait3A_239 = tpu.memref_slice %arg6[%add3A_227, %dma_wait3A_238] : memref<10240x128xf32, #tpu.memory_space<vmem_shared>> -> memref<64x128xf32, #tpu.memory_space<vmem_shared>>
    %dma_wait3A_240 = arith.constant 0 : i32
    %dma_wait3A_241 = arith.constant 0 : i32
    %dma_wait3A_242 = tpu.memref_slice %arg15[%dma_wait3A_228, %dma_wait3A_240, %dma_wait3A_241] : memref<5x64x128xf32, #tpu.memory_space<vmem>> -> memref<1x64x128xf32, #tpu.memory_space<vmem>>
    %dma_wait3A_243 = tpu.memref_squeeze %dma_wait3A_242 : memref<1x64x128xf32, #tpu.memory_space<vmem>> -> memref<64x128xf32, #tpu.memory_space<vmem>>
    tpu.wait_dma2 semaphore(%dma_wait3A_237 : memref<!tpu.dma_semaphore, #tpu.memory_space<semaphore_mem>>) src(%dma_wait3A_243 : memref<64x128xf32, #tpu.memory_space<vmem>>) dst(%dma_wait3A_239 : memref<64x128xf32, #tpu.memory_space<vmem_shared>>)
    %add3A_244 = arith.constant 192 : i32
    %add3A_245 = arith.addi %mul3A_11, %add3A_244 : i32
    %dma_wait3A_246 = arith.constant 0 : i32
    %dma_wait3A_247 = arith.constant 0 : i32
    %dma_wait3A_248 = arith.constant 0 : i32
    %dma_wait3A_249 = arith.constant 0 : i32
    %dma_wait3A_250 = tpu.memref_slice %arg15[%dma_wait3A_246, %dma_wait3A_248, %dma_wait3A_249] : memref<5x64x128xf32, #tpu.memory_space<vmem>> -> memref<1x64x128xf32, #tpu.memory_space<vmem>>
    %dma_wait3A_251 = tpu.memref_squeeze %dma_wait3A_250 : memref<1x64x128xf32, #tpu.memory_space<vmem>> -> memref<64x128xf32, #tpu.memory_space<vmem>>
    %dma_wait3A_252 = arith.constant 0 : i32
    %dma_wait3A_253 = tpu.memref_slice %arg6[%add3A_245, %dma_wait3A_252] : memref<10240x128xf32, #tpu.memory_space<vmem_shared>> -> memref<64x128xf32, #tpu.memory_space<vmem_shared>>
    %dma_wait3A_254 = tpu.memref_slice %arg21[%dma_wait3A_247] : memref<5x!tpu.dma_semaphore, #tpu.memory_space<semaphore_mem>> -> memref<1x!tpu.dma_semaphore, #tpu.memory_space<semaphore_mem>>
    %dma_wait3A_255 = tpu.memref_squeeze %dma_wait3A_254 : memref<1x!tpu.dma_semaphore, #tpu.memory_space<semaphore_mem>> -> memref<!tpu.dma_semaphore, #tpu.memory_space<semaphore_mem>>
    %dma_wait3A_256 = arith.constant 0 : i32
    %dma_wait3A_257 = tpu.memref_slice %arg6[%add3A_245, %dma_wait3A_256] : memref<10240x128xf32, #tpu.memory_space<vmem_shared>> -> memref<64x128xf32, #tpu.memory_space<vmem_shared>>
    %dma_wait3A_258 = arith.constant 0 : i32
    %dma_wait3A_259 = arith.constant 0 : i32
    %dma_wait3A_260 = tpu.memref_slice %arg15[%dma_wait3A_246, %dma_wait3A_258, %dma_wait3A_259] : memref<5x64x128xf32, #tpu.memory_space<vmem>> -> memref<1x64x128xf32, #tpu.memory_space<vmem>>
    %dma_wait3A_261 = tpu.memref_squeeze %dma_wait3A_260 : memref<1x64x128xf32, #tpu.memory_space<vmem>> -> memref<64x128xf32, #tpu.memory_space<vmem>>
    tpu.wait_dma2 semaphore(%dma_wait3A_255 : memref<!tpu.dma_semaphore, #tpu.memory_space<semaphore_mem>>) src(%dma_wait3A_261 : memref<64x128xf32, #tpu.memory_space<vmem>>) dst(%dma_wait3A_257 : memref<64x128xf32, #tpu.memory_space<vmem_shared>>)
    %add3A_262 = arith.constant 256 : i32
    %add3A_263 = arith.addi %mul3A_11, %add3A_262 : i32
    %dma_wait3A_264 = arith.constant 0 : i32
    %dma_wait3A_265 = arith.constant 0 : i32
    %dma_wait3A_266 = arith.constant 0 : i32
    %dma_wait3A_267 = arith.constant 0 : i32
    %dma_wait3A_268 = tpu.memref_slice %arg15[%dma_wait3A_264, %dma_wait3A_266, %dma_wait3A_267] : memref<5x64x128xf32, #tpu.memory_space<vmem>> -> memref<1x64x128xf32, #tpu.memory_space<vmem>>
    %dma_wait3A_269 = tpu.memref_squeeze %dma_wait3A_268 : memref<1x64x128xf32, #tpu.memory_space<vmem>> -> memref<64x128xf32, #tpu.memory_space<vmem>>
    %dma_wait3A_270 = arith.constant 0 : i32
    %dma_wait3A_271 = tpu.memref_slice %arg6[%add3A_263, %dma_wait3A_270] : memref<10240x128xf32, #tpu.memory_space<vmem_shared>> -> memref<64x128xf32, #tpu.memory_space<vmem_shared>>
    %dma_wait3A_272 = tpu.memref_slice %arg21[%dma_wait3A_265] : memref<5x!tpu.dma_semaphore, #tpu.memory_space<semaphore_mem>> -> memref<1x!tpu.dma_semaphore, #tpu.memory_space<semaphore_mem>>
    %dma_wait3A_273 = tpu.memref_squeeze %dma_wait3A_272 : memref<1x!tpu.dma_semaphore, #tpu.memory_space<semaphore_mem>> -> memref<!tpu.dma_semaphore, #tpu.memory_space<semaphore_mem>>
    %dma_wait3A_274 = arith.constant 0 : i32
    %dma_wait3A_275 = tpu.memref_slice %arg6[%add3A_263, %dma_wait3A_274] : memref<10240x128xf32, #tpu.memory_space<vmem_shared>> -> memref<64x128xf32, #tpu.memory_space<vmem_shared>>
    %dma_wait3A_276 = arith.constant 0 : i32
    %dma_wait3A_277 = arith.constant 0 : i32
    %dma_wait3A_278 = tpu.memref_slice %arg15[%dma_wait3A_264, %dma_wait3A_276, %dma_wait3A_277] : memref<5x64x128xf32, #tpu.memory_space<vmem>> -> memref<1x64x128xf32, #tpu.memory_space<vmem>>
    %dma_wait3A_279 = tpu.memref_squeeze %dma_wait3A_278 : memref<1x64x128xf32, #tpu.memory_space<vmem>> -> memref<64x128xf32, #tpu.memory_space<vmem>>
    tpu.wait_dma2 semaphore(%dma_wait3A_273 : memref<!tpu.dma_semaphore, #tpu.memory_space<semaphore_mem>>) src(%dma_wait3A_279 : memref<64x128xf32, #tpu.memory_space<vmem>>) dst(%dma_wait3A_275 : memref<64x128xf32, #tpu.memory_space<vmem_shared>>)
    %add3A_280 = arith.constant 320 : i32
    %add3A_281 = arith.addi %mul3A_11, %add3A_280 : i32
    %dma_wait3A_282 = arith.constant 0 : i32
    %dma_wait3A_283 = arith.constant 0 : i32
    %dma_wait3A_284 = arith.constant 0 : i32
    %dma_wait3A_285 = arith.constant 0 : i32
    %dma_wait3A_286 = tpu.memref_slice %arg15[%dma_wait3A_282, %dma_wait3A_284, %dma_wait3A_285] : memref<5x64x128xf32, #tpu.memory_space<vmem>> -> memref<1x64x128xf32, #tpu.memory_space<vmem>>
    %dma_wait3A_287 = tpu.memref_squeeze %dma_wait3A_286 : memref<1x64x128xf32, #tpu.memory_space<vmem>> -> memref<64x128xf32, #tpu.memory_space<vmem>>
    %dma_wait3A_288 = arith.constant 0 : i32
    %dma_wait3A_289 = tpu.memref_slice %arg6[%add3A_281, %dma_wait3A_288] : memref<10240x128xf32, #tpu.memory_space<vmem_shared>> -> memref<64x128xf32, #tpu.memory_space<vmem_shared>>
    %dma_wait3A_290 = tpu.memref_slice %arg21[%dma_wait3A_283] : memref<5x!tpu.dma_semaphore, #tpu.memory_space<semaphore_mem>> -> memref<1x!tpu.dma_semaphore, #tpu.memory_space<semaphore_mem>>
    %dma_wait3A_291 = tpu.memref_squeeze %dma_wait3A_290 : memref<1x!tpu.dma_semaphore, #tpu.memory_space<semaphore_mem>> -> memref<!tpu.dma_semaphore, #tpu.memory_space<semaphore_mem>>
    %dma_wait3A_292 = arith.constant 0 : i32
    %dma_wait3A_293 = tpu.memref_slice %arg6[%add3A_281, %dma_wait3A_292] : memref<10240x128xf32, #tpu.memory_space<vmem_shared>> -> memref<64x128xf32, #tpu.memory_space<vmem_shared>>
    %dma_wait3A_294 = arith.constant 0 : i32
    %dma_wait3A_295 = arith.constant 0 : i32
    %dma_wait3A_296 = tpu.memref_slice %arg15[%dma_wait3A_282, %dma_wait3A_294, %dma_wait3A_295] : memref<5x64x128xf32, #tpu.memory_space<vmem>> -> memref<1x64x128xf32, #tpu.memory_space<vmem>>
    %dma_wait3A_297 = tpu.memref_squeeze %dma_wait3A_296 : memref<1x64x128xf32, #tpu.memory_space<vmem>> -> memref<64x128xf32, #tpu.memory_space<vmem>>
    tpu.wait_dma2 semaphore(%dma_wait3A_291 : memref<!tpu.dma_semaphore, #tpu.memory_space<semaphore_mem>>) src(%dma_wait3A_297 : memref<64x128xf32, #tpu.memory_space<vmem>>) dst(%dma_wait3A_293 : memref<64x128xf32, #tpu.memory_space<vmem_shared>>)
    %add3A_298 = arith.constant 384 : i32
    %add3A_299 = arith.addi %mul3A_11, %add3A_298 : i32
    %dma_wait3A_300 = arith.constant 0 : i32
    %dma_wait3A_301 = arith.constant 0 : i32
    %dma_wait3A_302 = arith.constant 0 : i32
    %dma_wait3A_303 = arith.constant 0 : i32
    %dma_wait3A_304 = tpu.memref_slice %arg15[%dma_wait3A_300, %dma_wait3A_302, %dma_wait3A_303] : memref<5x64x128xf32, #tpu.memory_space<vmem>> -> memref<1x64x128xf32, #tpu.memory_space<vmem>>
    %dma_wait3A_305 = tpu.memref_squeeze %dma_wait3A_304 : memref<1x64x128xf32, #tpu.memory_space<vmem>> -> memref<64x128xf32, #tpu.memory_space<vmem>>
    %dma_wait3A_306 = arith.constant 0 : i32
    %dma_wait3A_307 = tpu.memref_slice %arg6[%add3A_299, %dma_wait3A_306] : memref<10240x128xf32, #tpu.memory_space<vmem_shared>> -> memref<64x128xf32, #tpu.memory_space<vmem_shared>>
    %dma_wait3A_308 = tpu.memref_slice %arg21[%dma_wait3A_301] : memref<5x!tpu.dma_semaphore, #tpu.memory_space<semaphore_mem>> -> memref<1x!tpu.dma_semaphore, #tpu.memory_space<semaphore_mem>>
    %dma_wait3A_309 = tpu.memref_squeeze %dma_wait3A_308 : memref<1x!tpu.dma_semaphore, #tpu.memory_space<semaphore_mem>> -> memref<!tpu.dma_semaphore, #tpu.memory_space<semaphore_mem>>
    %dma_wait3A_310 = arith.constant 0 : i32
    %dma_wait3A_311 = tpu.memref_slice %arg6[%add3A_299, %dma_wait3A_310] : memref<10240x128xf32, #tpu.memory_space<vmem_shared>> -> memref<64x128xf32, #tpu.memory_space<vmem_shared>>
    %dma_wait3A_312 = arith.constant 0 : i32
    %dma_wait3A_313 = arith.constant 0 : i32
    %dma_wait3A_314 = tpu.memref_slice %arg15[%dma_wait3A_300, %dma_wait3A_312, %dma_wait3A_313] : memref<5x64x128xf32, #tpu.memory_space<vmem>> -> memref<1x64x128xf32, #tpu.memory_space<vmem>>
    %dma_wait3A_315 = tpu.memref_squeeze %dma_wait3A_314 : memref<1x64x128xf32, #tpu.memory_space<vmem>> -> memref<64x128xf32, #tpu.memory_space<vmem>>
    tpu.wait_dma2 semaphore(%dma_wait3A_309 : memref<!tpu.dma_semaphore, #tpu.memory_space<semaphore_mem>>) src(%dma_wait3A_315 : memref<64x128xf32, #tpu.memory_space<vmem>>) dst(%dma_wait3A_311 : memref<64x128xf32, #tpu.memory_space<vmem_shared>>)
    %add3A_316 = arith.constant 448 : i32
    %add3A_317 = arith.addi %mul3A_11, %add3A_316 : i32
    %dma_wait3A_318 = arith.constant 0 : i32
    %dma_wait3A_319 = arith.constant 0 : i32
    %dma_wait3A_320 = arith.constant 0 : i32
    %dma_wait3A_321 = arith.constant 0 : i32
    %dma_wait3A_322 = tpu.memref_slice %arg15[%dma_wait3A_318, %dma_wait3A_320, %dma_wait3A_321] : memref<5x64x128xf32, #tpu.memory_space<vmem>> -> memref<1x64x128xf32, #tpu.memory_space<vmem>>
    %dma_wait3A_323 = tpu.memref_squeeze %dma_wait3A_322 : memref<1x64x128xf32, #tpu.memory_space<vmem>> -> memref<64x128xf32, #tpu.memory_space<vmem>>
    %dma_wait3A_324 = arith.constant 0 : i32
    %dma_wait3A_325 = tpu.memref_slice %arg6[%add3A_317, %dma_wait3A_324] : memref<10240x128xf32, #tpu.memory_space<vmem_shared>> -> memref<64x128xf32, #tpu.memory_space<vmem_shared>>
    %dma_wait3A_326 = tpu.memref_slice %arg21[%dma_wait3A_319] : memref<5x!tpu.dma_semaphore, #tpu.memory_space<semaphore_mem>> -> memref<1x!tpu.dma_semaphore, #tpu.memory_space<semaphore_mem>>
    %dma_wait3A_327 = tpu.memref_squeeze %dma_wait3A_326 : memref<1x!tpu.dma_semaphore, #tpu.memory_space<semaphore_mem>> -> memref<!tpu.dma_semaphore, #tpu.memory_space<semaphore_mem>>
    %dma_wait3A_328 = arith.constant 0 : i32
    %dma_wait3A_329 = tpu.memref_slice %arg6[%add3A_317, %dma_wait3A_328] : memref<10240x128xf32, #tpu.memory_space<vmem_shared>> -> memref<64x128xf32, #tpu.memory_space<vmem_shared>>
    %dma_wait3A_330 = arith.constant 0 : i32
    %dma_wait3A_331 = arith.constant 0 : i32
    %dma_wait3A_332 = tpu.memref_slice %arg15[%dma_wait3A_318, %dma_wait3A_330, %dma_wait3A_331] : memref<5x64x128xf32, #tpu.memory_space<vmem>> -> memref<1x64x128xf32, #tpu.memory_space<vmem>>
    %dma_wait3A_333 = tpu.memref_squeeze %dma_wait3A_332 : memref<1x64x128xf32, #tpu.memory_space<vmem>> -> memref<64x128xf32, #tpu.memory_space<vmem>>
    tpu.wait_dma2 semaphore(%dma_wait3A_327 : memref<!tpu.dma_semaphore, #tpu.memory_space<semaphore_mem>>) src(%dma_wait3A_333 : memref<64x128xf32, #tpu.memory_space<vmem>>) dst(%dma_wait3A_329 : memref<64x128xf32, #tpu.memory_space<vmem_shared>>)
    %add3A_334 = arith.constant 512 : i32
    %add3A_335 = arith.addi %mul3A_11, %add3A_334 : i32
    %dma_wait3A_336 = arith.constant 0 : i32
    %dma_wait3A_337 = arith.constant 0 : i32
    %dma_wait3A_338 = arith.constant 0 : i32
    %dma_wait3A_339 = arith.constant 0 : i32
    %dma_wait3A_340 = tpu.memref_slice %arg15[%dma_wait3A_336, %dma_wait3A_338, %dma_wait3A_339] : memref<5x64x128xf32, #tpu.memory_space<vmem>> -> memref<1x64x128xf32, #tpu.memory_space<vmem>>
    %dma_wait3A_341 = tpu.memref_squeeze %dma_wait3A_340 : memref<1x64x128xf32, #tpu.memory_space<vmem>> -> memref<64x128xf32, #tpu.memory_space<vmem>>
    %dma_wait3A_342 = arith.constant 0 : i32
    %dma_wait3A_343 = tpu.memref_slice %arg6[%add3A_335, %dma_wait3A_342] : memref<10240x128xf32, #tpu.memory_space<vmem_shared>> -> memref<64x128xf32, #tpu.memory_space<vmem_shared>>
    %dma_wait3A_344 = tpu.memref_slice %arg21[%dma_wait3A_337] : memref<5x!tpu.dma_semaphore, #tpu.memory_space<semaphore_mem>> -> memref<1x!tpu.dma_semaphore, #tpu.memory_space<semaphore_mem>>
    %dma_wait3A_345 = tpu.memref_squeeze %dma_wait3A_344 : memref<1x!tpu.dma_semaphore, #tpu.memory_space<semaphore_mem>> -> memref<!tpu.dma_semaphore, #tpu.memory_space<semaphore_mem>>
    %dma_wait3A_346 = arith.constant 0 : i32
    %dma_wait3A_347 = tpu.memref_slice %arg6[%add3A_335, %dma_wait3A_346] : memref<10240x128xf32, #tpu.memory_space<vmem_shared>> -> memref<64x128xf32, #tpu.memory_space<vmem_shared>>
    %dma_wait3A_348 = arith.constant 0 : i32
    %dma_wait3A_349 = arith.constant 0 : i32
    %dma_wait3A_350 = tpu.memref_slice %arg15[%dma_wait3A_336, %dma_wait3A_348, %dma_wait3A_349] : memref<5x64x128xf32, #tpu.memory_space<vmem>> -> memref<1x64x128xf32, #tpu.memory_space<vmem>>
    %dma_wait3A_351 = tpu.memref_squeeze %dma_wait3A_350 : memref<1x64x128xf32, #tpu.memory_space<vmem>> -> memref<64x128xf32, #tpu.memory_space<vmem>>
    tpu.wait_dma2 semaphore(%dma_wait3A_345 : memref<!tpu.dma_semaphore, #tpu.memory_space<semaphore_mem>>) src(%dma_wait3A_351 : memref<64x128xf32, #tpu.memory_space<vmem>>) dst(%dma_wait3A_347 : memref<64x128xf32, #tpu.memory_space<vmem_shared>>)
    %add3A_352 = arith.constant 576 : i32
    %add3A_353 = arith.addi %mul3A_11, %add3A_352 : i32
    %dma_wait3A_354 = arith.constant 0 : i32
    %dma_wait3A_355 = arith.constant 0 : i32
    %dma_wait3A_356 = arith.constant 0 : i32
    %dma_wait3A_357 = arith.constant 0 : i32
    %dma_wait3A_358 = tpu.memref_slice %arg15[%dma_wait3A_354, %dma_wait3A_356, %dma_wait3A_357] : memref<5x64x128xf32, #tpu.memory_space<vmem>> -> memref<1x64x128xf32, #tpu.memory_space<vmem>>
    %dma_wait3A_359 = tpu.memref_squeeze %dma_wait3A_358 : memref<1x64x128xf32, #tpu.memory_space<vmem>> -> memref<64x128xf32, #tpu.memory_space<vmem>>
    %dma_wait3A_360 = arith.constant 0 : i32
    %dma_wait3A_361 = tpu.memref_slice %arg6[%add3A_353, %dma_wait3A_360] : memref<10240x128xf32, #tpu.memory_space<vmem_shared>> -> memref<64x128xf32, #tpu.memory_space<vmem_shared>>
    %dma_wait3A_362 = tpu.memref_slice %arg21[%dma_wait3A_355] : memref<5x!tpu.dma_semaphore, #tpu.memory_space<semaphore_mem>> -> memref<1x!tpu.dma_semaphore, #tpu.memory_space<semaphore_mem>>
    %dma_wait3A_363 = tpu.memref_squeeze %dma_wait3A_362 : memref<1x!tpu.dma_semaphore, #tpu.memory_space<semaphore_mem>> -> memref<!tpu.dma_semaphore, #tpu.memory_space<semaphore_mem>>
    %dma_wait3A_364 = arith.constant 0 : i32
    %dma_wait3A_365 = tpu.memref_slice %arg6[%add3A_353, %dma_wait3A_364] : memref<10240x128xf32, #tpu.memory_space<vmem_shared>> -> memref<64x128xf32, #tpu.memory_space<vmem_shared>>
    %dma_wait3A_366 = arith.constant 0 : i32
    %dma_wait3A_367 = arith.constant 0 : i32
    %dma_wait3A_368 = tpu.memref_slice %arg15[%dma_wait3A_354, %dma_wait3A_366, %dma_wait3A_367] : memref<5x64x128xf32, #tpu.memory_space<vmem>> -> memref<1x64x128xf32, #tpu.memory_space<vmem>>
    %dma_wait3A_369 = tpu.memref_squeeze %dma_wait3A_368 : memref<1x64x128xf32, #tpu.memory_space<vmem>> -> memref<64x128xf32, #tpu.memory_space<vmem>>
    tpu.wait_dma2 semaphore(%dma_wait3A_363 : memref<!tpu.dma_semaphore, #tpu.memory_space<semaphore_mem>>) src(%dma_wait3A_369 : memref<64x128xf32, #tpu.memory_space<vmem>>) dst(%dma_wait3A_365 : memref<64x128xf32, #tpu.memory_space<vmem_shared>>)
    %barrier3A = arith.constant 0 : index
    tpu.barrier barrier_id(%barrier3A)
    %scan3A_370 = arith.constant 0 : i32
    %scan3A_371 = arith.constant 0 : i32
    %scan3A_372 = arith.constant 33 : i32
    %scan3A_373 = arith.addi %scan3A_371, %scan3A_372 : i32
    %scan3A_374 = arith.constant 1 : i32
    %scan3A_375 = scf.for %scan3A_378 = %scan3A_371 to %scan3A_373 step %scan3A_374 iter_args(%scan3A_379 = %scan3A_370) -> (i32)  : i32 {
      %mul3A_380 = arith.constant 5 : i32
      %mul3A_381 = arith.muli %scan3A_378, %mul3A_380 : i32
      %add3A_382 = arith.constant 0 : i32
      %add3A_383 = arith.addi %mul3A_381, %add3A_382 : i32
      %ge3A = arith.constant 5 : i32
      %ge3A_384 = arith.cmpi sge, %add3A_383, %ge3A : i32
      %sub3A = arith.constant 5 : i32
      %sub3A_385 = arith.subi %add3A_383, %sub3A : i32
      %lt3A_386 = arith.cmpi slt, %sub3A_385, %select_n3A : i32
      %and3A = arith.andi %ge3A_384, %lt3A_386 : i1
      %convert_element_type3A = arith.extui %and3A : i1 to i32
      %cond3A = arith.constant 0 : i32
      %cond3A_387 = arith.cmpi ne, %convert_element_type3A, %cond3A : i32
      scf.if %cond3A_387 {
        %dma_wait3A_551 = arith.constant 0 : i32
        %dma_wait3A_552 = arith.constant 0 : i32
        %dma_wait3A_553 = arith.constant 0 : i32
        %dma_wait3A_554 = arith.constant 0 : i32
        %dma_wait3A_555 = tpu.memref_slice %arg15[%dma_wait3A_551, %dma_wait3A_553, %dma_wait3A_554] : memref<5x64x128xf32, #tpu.memory_space<vmem>> -> memref<1x64x128xf32, #tpu.memory_space<vmem>>
        %dma_wait3A_556 = tpu.memref_squeeze %dma_wait3A_555 : memref<1x64x128xf32, #tpu.memory_space<vmem>> -> memref<64x128xf32, #tpu.memory_space<vmem>>
        %dma_wait3A_557 = arith.constant 0 : i32
        %dma_wait3A_558 = arith.constant 0 : i32
        %dma_wait3A_559 = tpu.memref_slice %arg6[%dma_wait3A_557, %dma_wait3A_558] : memref<10240x128xf32, #tpu.memory_space<vmem_shared>> -> memref<10240x128xf32, #tpu.memory_space<vmem_shared>>
        %dma_wait3A_560 = tpu.memref_slice %arg21[%dma_wait3A_552] : memref<5x!tpu.dma_semaphore, #tpu.memory_space<semaphore_mem>> -> memref<1x!tpu.dma_semaphore, #tpu.memory_space<semaphore_mem>>
        %dma_wait3A_561 = tpu.memref_squeeze %dma_wait3A_560 : memref<1x!tpu.dma_semaphore, #tpu.memory_space<semaphore_mem>> -> memref<!tpu.dma_semaphore, #tpu.memory_space<semaphore_mem>>
        tpu.wait_indirect_dma semaphore(%dma_wait3A_561 : memref<!tpu.dma_semaphore, #tpu.memory_space<semaphore_mem>>) src(%dma_wait3A_556 : memref<64x128xf32, #tpu.memory_space<vmem>>) dst(%dma_wait3A_559 : memref<10240x128xf32, #tpu.memory_space<vmem_shared>>)
      } else {
      }
      %lt3A_388 = arith.cmpi slt, %add3A_383, %select_n3A : i32
      %convert_element_type3A_389 = arith.extui %lt3A_388 : i1 to i32
      %cond3A_390 = arith.constant 0 : i32
      %cond3A_391 = arith.cmpi ne, %convert_element_type3A_389, %cond3A_390 : i32
      scf.if %cond3A_391 {
        %mul3A_551 = arith.constant 32 : i32
        %mul3A_552 = arith.muli %add3A_383, %mul3A_551 : i32
        %add3A_553 = arith.addi %mul3A_552, %add3A : i32
        %mul3A_554 = arith.constant 64 : i32
        %mul3A_555 = arith.muli %add3A_553, %mul3A_554 : i32
        %dma_start3A_556 = arith.constant 0 : i32
        %dma_start3A_557 = tpu.memref_slice %arg3[%mul3A_555] : memref<320000xi32, #tpu.memory_space<hbm>> -> memref<64xi32, #tpu.memory_space<hbm>>
        %dma_start3A_558 = tpu.memref_slice %arg14[%dma_start3A_556] : memref<5x!tpu.dma_semaphore, #tpu.memory_space<semaphore_mem>> -> memref<1x!tpu.dma_semaphore, #tpu.memory_space<semaphore_mem>>
        %dma_start3A_559 = tpu.memref_squeeze %dma_start3A_558 : memref<1x!tpu.dma_semaphore, #tpu.memory_space<semaphore_mem>> -> memref<!tpu.dma_semaphore, #tpu.memory_space<semaphore_mem>>
        %dma_start3A_560 = tpu.memref_slice %arg3[%mul3A_555] : memref<320000xi32, #tpu.memory_space<hbm>> -> memref<64xi32, #tpu.memory_space<hbm>>
        tpu.enqueue_dma source(%dma_start3A_560 : memref<64xi32, #tpu.memory_space<hbm>>) target(%arg16 : memref<64xi32, #tpu.memory_space<vmem>>) target_semaphore(%dma_start3A_559 : memref<!tpu.dma_semaphore, #tpu.memory_space<semaphore_mem>>)
        %dma_start3A_561 = arith.constant 0 : i32
        %dma_start3A_562 = tpu.memref_slice %arg4[%mul3A_555] : memref<320000xi32, #tpu.memory_space<hbm>> -> memref<64xi32, #tpu.memory_space<hbm>>
        %dma_start3A_563 = tpu.memref_slice %arg13[%dma_start3A_561] : memref<5x!tpu.dma_semaphore, #tpu.memory_space<semaphore_mem>> -> memref<1x!tpu.dma_semaphore, #tpu.memory_space<semaphore_mem>>
        %dma_start3A_564 = tpu.memref_squeeze %dma_start3A_563 : memref<1x!tpu.dma_semaphore, #tpu.memory_space<semaphore_mem>> -> memref<!tpu.dma_semaphore, #tpu.memory_space<semaphore_mem>>
        %dma_start3A_565 = tpu.memref_slice %arg4[%mul3A_555] : memref<320000xi32, #tpu.memory_space<hbm>> -> memref<64xi32, #tpu.memory_space<hbm>>
        tpu.enqueue_dma source(%dma_start3A_565 : memref<64xi32, #tpu.memory_space<hbm>>) target(%arg7 : memref<64xi32, #tpu.memory_space<vmem>>) target_semaphore(%dma_start3A_564 : memref<!tpu.dma_semaphore, #tpu.memory_space<semaphore_mem>>)
      } else {
      }
      %ge3A_392 = arith.constant 1 : i32
      %ge3A_393 = arith.cmpi sge, %add3A_383, %ge3A_392 : i32
      %sub3A_394 = arith.constant 1 : i32
      %sub3A_395 = arith.subi %add3A_383, %sub3A_394 : i32
      %lt3A_396 = arith.cmpi slt, %sub3A_395, %select_n3A : i32
      %and3A_397 = arith.andi %ge3A_393, %lt3A_396 : i1
      %convert_element_type3A_398 = arith.extui %and3A_397 : i1 to i32
      %cond3A_399 = arith.constant 0 : i32
      %cond3A_400 = arith.cmpi ne, %convert_element_type3A_398, %cond3A_399 : i32
      scf.if %cond3A_400 {
        %sub3A_551 = arith.constant 1 : i32
        %sub3A_552 = arith.subi %add3A_383, %sub3A_551 : i32
        %mul3A_553 = arith.constant 32 : i32
        %mul3A_554 = arith.muli %sub3A_552, %mul3A_553 : i32
        %add3A_555 = arith.addi %mul3A_554, %add3A : i32
        %mul3A_556 = arith.constant 64 : i32
        %mul3A_557 = arith.muli %add3A_555, %mul3A_556 : i32
        %dma_wait3A_558 = arith.constant 4 : i32
        %dma_wait3A_559 = tpu.memref_slice %arg3[%mul3A_557] : memref<320000xi32, #tpu.memory_space<hbm>> -> memref<64xi32, #tpu.memory_space<hbm>>
        %dma_wait3A_560 = tpu.memref_slice %arg14[%dma_wait3A_558] : memref<5x!tpu.dma_semaphore, #tpu.memory_space<semaphore_mem>> -> memref<1x!tpu.dma_semaphore, #tpu.memory_space<semaphore_mem>>
        %dma_wait3A_561 = tpu.memref_squeeze %dma_wait3A_560 : memref<1x!tpu.dma_semaphore, #tpu.memory_space<semaphore_mem>> -> memref<!tpu.dma_semaphore, #tpu.memory_space<semaphore_mem>>
        %dma_wait3A_562 = tpu.memref_slice %arg3[%mul3A_557] : memref<320000xi32, #tpu.memory_space<hbm>> -> memref<64xi32, #tpu.memory_space<hbm>>
        tpu.wait_dma2 semaphore(%dma_wait3A_561 : memref<!tpu.dma_semaphore, #tpu.memory_space<semaphore_mem>>) src(%dma_wait3A_562 : memref<64xi32, #tpu.memory_space<hbm>>) dst(%arg20 : memref<64xi32, #tpu.memory_space<vmem>>)
        %dma_wait3A_563 = arith.constant 4 : i32
        %dma_wait3A_564 = tpu.memref_slice %arg4[%mul3A_557] : memref<320000xi32, #tpu.memory_space<hbm>> -> memref<64xi32, #tpu.memory_space<hbm>>
        %dma_wait3A_565 = tpu.memref_slice %arg13[%dma_wait3A_563] : memref<5x!tpu.dma_semaphore, #tpu.memory_space<semaphore_mem>> -> memref<1x!tpu.dma_semaphore, #tpu.memory_space<semaphore_mem>>
        %dma_wait3A_566 = tpu.memref_squeeze %dma_wait3A_565 : memref<1x!tpu.dma_semaphore, #tpu.memory_space<semaphore_mem>> -> memref<!tpu.dma_semaphore, #tpu.memory_space<semaphore_mem>>
        %dma_wait3A_567 = tpu.memref_slice %arg4[%mul3A_557] : memref<320000xi32, #tpu.memory_space<hbm>> -> memref<64xi32, #tpu.memory_space<hbm>>
        tpu.wait_dma2 semaphore(%dma_wait3A_566 : memref<!tpu.dma_semaphore, #tpu.memory_space<semaphore_mem>>) src(%dma_wait3A_567 : memref<64xi32, #tpu.memory_space<hbm>>) dst(%arg11 : memref<64xi32, #tpu.memory_space<vmem>>)
        %dma_start3A_568 = arith.constant 4 : i32
        %dma_start3A_569 = arith.constant 4 : i32
        %dma_start3A_570 = arith.constant 0 : i32
        %dma_start3A_571 = arith.constant 0 : i32
        %dma_start3A_572 = tpu.memref_slice %arg15[%dma_start3A_568, %dma_start3A_570, %dma_start3A_571] : memref<5x64x128xf32, #tpu.memory_space<vmem>> -> memref<1x64x128xf32, #tpu.memory_space<vmem>>
        %dma_start3A_573 = tpu.memref_squeeze %dma_start3A_572 : memref<1x64x128xf32, #tpu.memory_space<vmem>> -> memref<64x128xf32, #tpu.memory_space<vmem>>
        %dma_start3A_574 = arith.constant 0 : i32
        %dma_start3A_575 = arith.constant 0 : i32
        %dma_start3A_576 = tpu.memref_slice %arg2[%dma_start3A_574, %dma_start3A_575] : memref<10240x128xf32, #tpu.memory_space<hbm>> -> memref<10240x128xf32, #tpu.memory_space<hbm>>
        %dma_start3A_577 = tpu.memref_slice %arg12[%dma_start3A_569] : memref<5x!tpu.dma_semaphore, #tpu.memory_space<semaphore_mem>> -> memref<1x!tpu.dma_semaphore, #tpu.memory_space<semaphore_mem>>
        %dma_start3A_578 = tpu.memref_squeeze %dma_start3A_577 : memref<1x!tpu.dma_semaphore, #tpu.memory_space<semaphore_mem>> -> memref<!tpu.dma_semaphore, #tpu.memory_space<semaphore_mem>>
        tpu.enqueue_indirect_dma source(%dma_start3A_576 : memref<10240x128xf32, #tpu.memory_space<hbm>>) target(%dma_start3A_573 : memref<64x128xf32, #tpu.memory_space<vmem>>) offsets(%arg20 : memref<64xi32, #tpu.memory_space<vmem>>) semaphore(%dma_start3A_578 : memref<!tpu.dma_semaphore, #tpu.memory_space<semaphore_mem>>)
      } else {
      }
      %ge3A_401 = arith.constant 4 : i32
      %ge3A_402 = arith.cmpi sge, %add3A_383, %ge3A_401 : i32
      %sub3A_403 = arith.constant 4 : i32
      %sub3A_404 = arith.subi %add3A_383, %sub3A_403 : i32
      %lt3A_405 = arith.cmpi slt, %sub3A_404, %select_n3A : i32
      %and3A_406 = arith.andi %ge3A_402, %lt3A_405 : i1
      %convert_element_type3A_407 = arith.extui %and3A_406 : i1 to i32
      %cond3A_408 = arith.constant 0 : i32
      %cond3A_409 = arith.cmpi ne, %convert_element_type3A_407, %cond3A_408 : i32
      scf.if %cond3A_409 {
        %dma_wait3A_551 = arith.constant 1 : i32
        %dma_wait3A_552 = arith.constant 1 : i32
        %dma_wait3A_553 = arith.constant 0 : i32
        %dma_wait3A_554 = arith.constant 0 : i32
        %dma_wait3A_555 = tpu.memref_slice %arg15[%dma_wait3A_551, %dma_wait3A_553, %dma_wait3A_554] : memref<5x64x128xf32, #tpu.memory_space<vmem>> -> memref<1x64x128xf32, #tpu.memory_space<vmem>>
        %dma_wait3A_556 = tpu.memref_squeeze %dma_wait3A_555 : memref<1x64x128xf32, #tpu.memory_space<vmem>> -> memref<64x128xf32, #tpu.memory_space<vmem>>
        %dma_wait3A_557 = arith.constant 0 : i32
        %dma_wait3A_558 = arith.constant 0 : i32
        %dma_wait3A_559 = tpu.memref_slice %arg2[%dma_wait3A_557, %dma_wait3A_558] : memref<10240x128xf32, #tpu.memory_space<hbm>> -> memref<10240x128xf32, #tpu.memory_space<hbm>>
        %dma_wait3A_560 = tpu.memref_slice %arg12[%dma_wait3A_552] : memref<5x!tpu.dma_semaphore, #tpu.memory_space<semaphore_mem>> -> memref<1x!tpu.dma_semaphore, #tpu.memory_space<semaphore_mem>>
        %dma_wait3A_561 = tpu.memref_squeeze %dma_wait3A_560 : memref<1x!tpu.dma_semaphore, #tpu.memory_space<semaphore_mem>> -> memref<!tpu.dma_semaphore, #tpu.memory_space<semaphore_mem>>
        tpu.wait_indirect_dma semaphore(%dma_wait3A_561 : memref<!tpu.dma_semaphore, #tpu.memory_space<semaphore_mem>>) src(%dma_wait3A_559 : memref<10240x128xf32, #tpu.memory_space<hbm>>) dst(%dma_wait3A_556 : memref<64x128xf32, #tpu.memory_space<vmem>>)
        %dma_start3A_562 = arith.constant 1 : i32
        %dma_start3A_563 = arith.constant 1 : i32
        %dma_start3A_564 = arith.constant 0 : i32
        %dma_start3A_565 = arith.constant 0 : i32
        %dma_start3A_566 = tpu.memref_slice %arg15[%dma_start3A_562, %dma_start3A_564, %dma_start3A_565] : memref<5x64x128xf32, #tpu.memory_space<vmem>> -> memref<1x64x128xf32, #tpu.memory_space<vmem>>
        %dma_start3A_567 = tpu.memref_squeeze %dma_start3A_566 : memref<1x64x128xf32, #tpu.memory_space<vmem>> -> memref<64x128xf32, #tpu.memory_space<vmem>>
        %dma_start3A_568 = arith.constant 0 : i32
        %dma_start3A_569 = arith.constant 0 : i32
        %dma_start3A_570 = tpu.memref_slice %arg6[%dma_start3A_568, %dma_start3A_569] : memref<10240x128xf32, #tpu.memory_space<vmem_shared>> -> memref<10240x128xf32, #tpu.memory_space<vmem_shared>>
        %dma_start3A_571 = tpu.memref_slice %arg21[%dma_start3A_563] : memref<5x!tpu.dma_semaphore, #tpu.memory_space<semaphore_mem>> -> memref<1x!tpu.dma_semaphore, #tpu.memory_space<semaphore_mem>>
        %dma_start3A_572 = tpu.memref_squeeze %dma_start3A_571 : memref<1x!tpu.dma_semaphore, #tpu.memory_space<semaphore_mem>> -> memref<!tpu.dma_semaphore, #tpu.memory_space<semaphore_mem>>
        tpu.enqueue_indirect_dma source(%dma_start3A_567 : memref<64x128xf32, #tpu.memory_space<vmem>>) target(%dma_start3A_570 : memref<10240x128xf32, #tpu.memory_space<vmem_shared>>) offsets(%arg8 : memref<64xi32, #tpu.memory_space<vmem>>) semaphore(%dma_start3A_572 : memref<!tpu.dma_semaphore, #tpu.memory_space<semaphore_mem>>) {add = true}
      } else {
      }
      %mul3A_410 = arith.constant 5 : i32
      %mul3A_411 = arith.muli %scan3A_378, %mul3A_410 : i32
      %add3A_412 = arith.constant 1 : i32
      %add3A_413 = arith.addi %mul3A_411, %add3A_412 : i32
      %ge3A_414 = arith.constant 5 : i32
      %ge3A_415 = arith.cmpi sge, %add3A_413, %ge3A_414 : i32
      %sub3A_416 = arith.constant 5 : i32
      %sub3A_417 = arith.subi %add3A_413, %sub3A_416 : i32
      %lt3A_418 = arith.cmpi slt, %sub3A_417, %select_n3A : i32
      %and3A_419 = arith.andi %ge3A_415, %lt3A_418 : i1
      %convert_element_type3A_420 = arith.extui %and3A_419 : i1 to i32
      %cond3A_421 = arith.constant 0 : i32
      %cond3A_422 = arith.cmpi ne, %convert_element_type3A_420, %cond3A_421 : i32
      scf.if %cond3A_422 {
        %dma_wait3A_551 = arith.constant 1 : i32
        %dma_wait3A_552 = arith.constant 1 : i32
        %dma_wait3A_553 = arith.constant 0 : i32
        %dma_wait3A_554 = arith.constant 0 : i32
        %dma_wait3A_555 = tpu.memref_slice %arg15[%dma_wait3A_551, %dma_wait3A_553, %dma_wait3A_554] : memref<5x64x128xf32, #tpu.memory_space<vmem>> -> memref<1x64x128xf32, #tpu.memory_space<vmem>>
        %dma_wait3A_556 = tpu.memref_squeeze %dma_wait3A_555 : memref<1x64x128xf32, #tpu.memory_space<vmem>> -> memref<64x128xf32, #tpu.memory_space<vmem>>
        %dma_wait3A_557 = arith.constant 0 : i32
        %dma_wait3A_558 = arith.constant 0 : i32
        %dma_wait3A_559 = tpu.memref_slice %arg6[%dma_wait3A_557, %dma_wait3A_558] : memref<10240x128xf32, #tpu.memory_space<vmem_shared>> -> memref<10240x128xf32, #tpu.memory_space<vmem_shared>>
        %dma_wait3A_560 = tpu.memref_slice %arg21[%dma_wait3A_552] : memref<5x!tpu.dma_semaphore, #tpu.memory_space<semaphore_mem>> -> memref<1x!tpu.dma_semaphore, #tpu.memory_space<semaphore_mem>>
        %dma_wait3A_561 = tpu.memref_squeeze %dma_wait3A_560 : memref<1x!tpu.dma_semaphore, #tpu.memory_space<semaphore_mem>> -> memref<!tpu.dma_semaphore, #tpu.memory_space<semaphore_mem>>
        tpu.wait_indirect_dma semaphore(%dma_wait3A_561 : memref<!tpu.dma_semaphore, #tpu.memory_space<semaphore_mem>>) src(%dma_wait3A_556 : memref<64x128xf32, #tpu.memory_space<vmem>>) dst(%dma_wait3A_559 : memref<10240x128xf32, #tpu.memory_space<vmem_shared>>)
      } else {
      }
      %lt3A_423 = arith.cmpi slt, %add3A_413, %select_n3A : i32
      %convert_element_type3A_424 = arith.extui %lt3A_423 : i1 to i32
      %cond3A_425 = arith.constant 0 : i32
      %cond3A_426 = arith.cmpi ne, %convert_element_type3A_424, %cond3A_425 : i32
      scf.if %cond3A_426 {
        %mul3A_551 = arith.constant 32 : i32
        %mul3A_552 = arith.muli %add3A_413, %mul3A_551 : i32
        %add3A_553 = arith.addi %mul3A_552, %add3A : i32
        %mul3A_554 = arith.constant 64 : i32
        %mul3A_555 = arith.muli %add3A_553, %mul3A_554 : i32
        %dma_start3A_556 = arith.constant 1 : i32
        %dma_start3A_557 = tpu.memref_slice %arg3[%mul3A_555] : memref<320000xi32, #tpu.memory_space<hbm>> -> memref<64xi32, #tpu.memory_space<hbm>>
        %dma_start3A_558 = tpu.memref_slice %arg14[%dma_start3A_556] : memref<5x!tpu.dma_semaphore, #tpu.memory_space<semaphore_mem>> -> memref<1x!tpu.dma_semaphore, #tpu.memory_space<semaphore_mem>>
        %dma_start3A_559 = tpu.memref_squeeze %dma_start3A_558 : memref<1x!tpu.dma_semaphore, #tpu.memory_space<semaphore_mem>> -> memref<!tpu.dma_semaphore, #tpu.memory_space<semaphore_mem>>
        %dma_start3A_560 = tpu.memref_slice %arg3[%mul3A_555] : memref<320000xi32, #tpu.memory_space<hbm>> -> memref<64xi32, #tpu.memory_space<hbm>>
        tpu.enqueue_dma source(%dma_start3A_560 : memref<64xi32, #tpu.memory_space<hbm>>) target(%arg17 : memref<64xi32, #tpu.memory_space<vmem>>) target_semaphore(%dma_start3A_559 : memref<!tpu.dma_semaphore, #tpu.memory_space<semaphore_mem>>)
        %dma_start3A_561 = arith.constant 1 : i32
        %dma_start3A_562 = tpu.memref_slice %arg4[%mul3A_555] : memref<320000xi32, #tpu.memory_space<hbm>> -> memref<64xi32, #tpu.memory_space<hbm>>
        %dma_start3A_563 = tpu.memref_slice %arg13[%dma_start3A_561] : memref<5x!tpu.dma_semaphore, #tpu.memory_space<semaphore_mem>> -> memref<1x!tpu.dma_semaphore, #tpu.memory_space<semaphore_mem>>
        %dma_start3A_564 = tpu.memref_squeeze %dma_start3A_563 : memref<1x!tpu.dma_semaphore, #tpu.memory_space<semaphore_mem>> -> memref<!tpu.dma_semaphore, #tpu.memory_space<semaphore_mem>>
        %dma_start3A_565 = tpu.memref_slice %arg4[%mul3A_555] : memref<320000xi32, #tpu.memory_space<hbm>> -> memref<64xi32, #tpu.memory_space<hbm>>
        tpu.enqueue_dma source(%dma_start3A_565 : memref<64xi32, #tpu.memory_space<hbm>>) target(%arg8 : memref<64xi32, #tpu.memory_space<vmem>>) target_semaphore(%dma_start3A_564 : memref<!tpu.dma_semaphore, #tpu.memory_space<semaphore_mem>>)
      } else {
      }
      %ge3A_427 = arith.constant 1 : i32
      %ge3A_428 = arith.cmpi sge, %add3A_413, %ge3A_427 : i32
      %sub3A_429 = arith.constant 1 : i32
      %sub3A_430 = arith.subi %add3A_413, %sub3A_429 : i32
      %lt3A_431 = arith.cmpi slt, %sub3A_430, %select_n3A : i32
      %and3A_432 = arith.andi %ge3A_428, %lt3A_431 : i1
      %convert_element_type3A_433 = arith.extui %and3A_432 : i1 to i32
      %cond3A_434 = arith.constant 0 : i32
      %cond3A_435 = arith.cmpi ne, %convert_element_type3A_433, %cond3A_434 : i32
      scf.if %cond3A_435 {
        %sub3A_551 = arith.constant 1 : i32
        %sub3A_552 = arith.subi %add3A_413, %sub3A_551 : i32
        %mul3A_553 = arith.constant 32 : i32
        %mul3A_554 = arith.muli %sub3A_552, %mul3A_553 : i32
        %add3A_555 = arith.addi %mul3A_554, %add3A : i32
        %mul3A_556 = arith.constant 64 : i32
        %mul3A_557 = arith.muli %add3A_555, %mul3A_556 : i32
        %dma_wait3A_558 = arith.constant 0 : i32
        %dma_wait3A_559 = tpu.memref_slice %arg3[%mul3A_557] : memref<320000xi32, #tpu.memory_space<hbm>> -> memref<64xi32, #tpu.memory_space<hbm>>
        %dma_wait3A_560 = tpu.memref_slice %arg14[%dma_wait3A_558] : memref<5x!tpu.dma_semaphore, #tpu.memory_space<semaphore_mem>> -> memref<1x!tpu.dma_semaphore, #tpu.memory_space<semaphore_mem>>
        %dma_wait3A_561 = tpu.memref_squeeze %dma_wait3A_560 : memref<1x!tpu.dma_semaphore, #tpu.memory_space<semaphore_mem>> -> memref<!tpu.dma_semaphore, #tpu.memory_space<semaphore_mem>>
        %dma_wait3A_562 = tpu.memref_slice %arg3[%mul3A_557] : memref<320000xi32, #tpu.memory_space<hbm>> -> memref<64xi32, #tpu.memory_space<hbm>>
        tpu.wait_dma2 semaphore(%dma_wait3A_561 : memref<!tpu.dma_semaphore, #tpu.memory_space<semaphore_mem>>) src(%dma_wait3A_562 : memref<64xi32, #tpu.memory_space<hbm>>) dst(%arg16 : memref<64xi32, #tpu.memory_space<vmem>>)
        %dma_wait3A_563 = arith.constant 0 : i32
        %dma_wait3A_564 = tpu.memref_slice %arg4[%mul3A_557] : memref<320000xi32, #tpu.memory_space<hbm>> -> memref<64xi32, #tpu.memory_space<hbm>>
        %dma_wait3A_565 = tpu.memref_slice %arg13[%dma_wait3A_563] : memref<5x!tpu.dma_semaphore, #tpu.memory_space<semaphore_mem>> -> memref<1x!tpu.dma_semaphore, #tpu.memory_space<semaphore_mem>>
        %dma_wait3A_566 = tpu.memref_squeeze %dma_wait3A_565 : memref<1x!tpu.dma_semaphore, #tpu.memory_space<semaphore_mem>> -> memref<!tpu.dma_semaphore, #tpu.memory_space<semaphore_mem>>
        %dma_wait3A_567 = tpu.memref_slice %arg4[%mul3A_557] : memref<320000xi32, #tpu.memory_space<hbm>> -> memref<64xi32, #tpu.memory_space<hbm>>
        tpu.wait_dma2 semaphore(%dma_wait3A_566 : memref<!tpu.dma_semaphore, #tpu.memory_space<semaphore_mem>>) src(%dma_wait3A_567 : memref<64xi32, #tpu.memory_space<hbm>>) dst(%arg7 : memref<64xi32, #tpu.memory_space<vmem>>)
        %dma_start3A_568 = arith.constant 0 : i32
        %dma_start3A_569 = arith.constant 0 : i32
        %dma_start3A_570 = arith.constant 0 : i32
        %dma_start3A_571 = arith.constant 0 : i32
        %dma_start3A_572 = tpu.memref_slice %arg15[%dma_start3A_568, %dma_start3A_570, %dma_start3A_571] : memref<5x64x128xf32, #tpu.memory_space<vmem>> -> memref<1x64x128xf32, #tpu.memory_space<vmem>>
        %dma_start3A_573 = tpu.memref_squeeze %dma_start3A_572 : memref<1x64x128xf32, #tpu.memory_space<vmem>> -> memref<64x128xf32, #tpu.memory_space<vmem>>
        %dma_start3A_574 = arith.constant 0 : i32
        %dma_start3A_575 = arith.constant 0 : i32
        %dma_start3A_576 = tpu.memref_slice %arg2[%dma_start3A_574, %dma_start3A_575] : memref<10240x128xf32, #tpu.memory_space<hbm>> -> memref<10240x128xf32, #tpu.memory_space<hbm>>
        %dma_start3A_577 = tpu.memref_slice %arg12[%dma_start3A_569] : memref<5x!tpu.dma_semaphore, #tpu.memory_space<semaphore_mem>> -> memref<1x!tpu.dma_semaphore, #tpu.memory_space<semaphore_mem>>
        %dma_start3A_578 = tpu.memref_squeeze %dma_start3A_577 : memref<1x!tpu.dma_semaphore, #tpu.memory_space<semaphore_mem>> -> memref<!tpu.dma_semaphore, #tpu.memory_space<semaphore_mem>>
        tpu.enqueue_indirect_dma source(%dma_start3A_576 : memref<10240x128xf32, #tpu.memory_space<hbm>>) target(%dma_start3A_573 : memref<64x128xf32, #tpu.memory_space<vmem>>) offsets(%arg16 : memref<64xi32, #tpu.memory_space<vmem>>) semaphore(%dma_start3A_578 : memref<!tpu.dma_semaphore, #tpu.memory_space<semaphore_mem>>)
      } else {
      }
      %ge3A_436 = arith.constant 4 : i32
      %ge3A_437 = arith.cmpi sge, %add3A_413, %ge3A_436 : i32
      %sub3A_438 = arith.constant 4 : i32
      %sub3A_439 = arith.subi %add3A_413, %sub3A_438 : i32
      %lt3A_440 = arith.cmpi slt, %sub3A_439, %select_n3A : i32
      %and3A_441 = arith.andi %ge3A_437, %lt3A_440 : i1
      %convert_element_type3A_442 = arith.extui %and3A_441 : i1 to i32
      %cond3A_443 = arith.constant 0 : i32
      %cond3A_444 = arith.cmpi ne, %convert_element_type3A_442, %cond3A_443 : i32
      scf.if %cond3A_444 {
        %dma_wait3A_551 = arith.constant 2 : i32
        %dma_wait3A_552 = arith.constant 2 : i32
        %dma_wait3A_553 = arith.constant 0 : i32
        %dma_wait3A_554 = arith.constant 0 : i32
        %dma_wait3A_555 = tpu.memref_slice %arg15[%dma_wait3A_551, %dma_wait3A_553, %dma_wait3A_554] : memref<5x64x128xf32, #tpu.memory_space<vmem>> -> memref<1x64x128xf32, #tpu.memory_space<vmem>>
        %dma_wait3A_556 = tpu.memref_squeeze %dma_wait3A_555 : memref<1x64x128xf32, #tpu.memory_space<vmem>> -> memref<64x128xf32, #tpu.memory_space<vmem>>
        %dma_wait3A_557 = arith.constant 0 : i32
        %dma_wait3A_558 = arith.constant 0 : i32
        %dma_wait3A_559 = tpu.memref_slice %arg2[%dma_wait3A_557, %dma_wait3A_558] : memref<10240x128xf32, #tpu.memory_space<hbm>> -> memref<10240x128xf32, #tpu.memory_space<hbm>>
        %dma_wait3A_560 = tpu.memref_slice %arg12[%dma_wait3A_552] : memref<5x!tpu.dma_semaphore, #tpu.memory_space<semaphore_mem>> -> memref<1x!tpu.dma_semaphore, #tpu.memory_space<semaphore_mem>>
        %dma_wait3A_561 = tpu.memref_squeeze %dma_wait3A_560 : memref<1x!tpu.dma_semaphore, #tpu.memory_space<semaphore_mem>> -> memref<!tpu.dma_semaphore, #tpu.memory_space<semaphore_mem>>
        tpu.wait_indirect_dma semaphore(%dma_wait3A_561 : memref<!tpu.dma_semaphore, #tpu.memory_space<semaphore_mem>>) src(%dma_wait3A_559 : memref<10240x128xf32, #tpu.memory_space<hbm>>) dst(%dma_wait3A_556 : memref<64x128xf32, #tpu.memory_space<vmem>>)
        %dma_start3A_562 = arith.constant 2 : i32
        %dma_start3A_563 = arith.constant 2 : i32
        %dma_start3A_564 = arith.constant 0 : i32
        %dma_start3A_565 = arith.constant 0 : i32
        %dma_start3A_566 = tpu.memref_slice %arg15[%dma_start3A_562, %dma_start3A_564, %dma_start3A_565] : memref<5x64x128xf32, #tpu.memory_space<vmem>> -> memref<1x64x128xf32, #tpu.memory_space<vmem>>
        %dma_start3A_567 = tpu.memref_squeeze %dma_start3A_566 : memref<1x64x128xf32, #tpu.memory_space<vmem>> -> memref<64x128xf32, #tpu.memory_space<vmem>>
        %dma_start3A_568 = arith.constant 0 : i32
        %dma_start3A_569 = arith.constant 0 : i32
        %dma_start3A_570 = tpu.memref_slice %arg6[%dma_start3A_568, %dma_start3A_569] : memref<10240x128xf32, #tpu.memory_space<vmem_shared>> -> memref<10240x128xf32, #tpu.memory_space<vmem_shared>>
        %dma_start3A_571 = tpu.memref_slice %arg21[%dma_start3A_563] : memref<5x!tpu.dma_semaphore, #tpu.memory_space<semaphore_mem>> -> memref<1x!tpu.dma_semaphore, #tpu.memory_space<semaphore_mem>>
        %dma_start3A_572 = tpu.memref_squeeze %dma_start3A_571 : memref<1x!tpu.dma_semaphore, #tpu.memory_space<semaphore_mem>> -> memref<!tpu.dma_semaphore, #tpu.memory_space<semaphore_mem>>
        tpu.enqueue_indirect_dma source(%dma_start3A_567 : memref<64x128xf32, #tpu.memory_space<vmem>>) target(%dma_start3A_570 : memref<10240x128xf32, #tpu.memory_space<vmem_shared>>) offsets(%arg9 : memref<64xi32, #tpu.memory_space<vmem>>) semaphore(%dma_start3A_572 : memref<!tpu.dma_semaphore, #tpu.memory_space<semaphore_mem>>) {add = true}
      } else {
      }
      %mul3A_445 = arith.constant 5 : i32
      %mul3A_446 = arith.muli %scan3A_378, %mul3A_445 : i32
      %add3A_447 = arith.constant 2 : i32
      %add3A_448 = arith.addi %mul3A_446, %add3A_447 : i32
      %ge3A_449 = arith.constant 5 : i32
      %ge3A_450 = arith.cmpi sge, %add3A_448, %ge3A_449 : i32
      %sub3A_451 = arith.constant 5 : i32
      %sub3A_452 = arith.subi %add3A_448, %sub3A_451 : i32
      %lt3A_453 = arith.cmpi slt, %sub3A_452, %select_n3A : i32
      %and3A_454 = arith.andi %ge3A_450, %lt3A_453 : i1
      %convert_element_type3A_455 = arith.extui %and3A_454 : i1 to i32
      %cond3A_456 = arith.constant 0 : i32
      %cond3A_457 = arith.cmpi ne, %convert_element_type3A_455, %cond3A_456 : i32
      scf.if %cond3A_457 {
        %dma_wait3A_551 = arith.constant 2 : i32
        %dma_wait3A_552 = arith.constant 2 : i32
        %dma_wait3A_553 = arith.constant 0 : i32
        %dma_wait3A_554 = arith.constant 0 : i32
        %dma_wait3A_555 = tpu.memref_slice %arg15[%dma_wait3A_551, %dma_wait3A_553, %dma_wait3A_554] : memref<5x64x128xf32, #tpu.memory_space<vmem>> -> memref<1x64x128xf32, #tpu.memory_space<vmem>>
        %dma_wait3A_556 = tpu.memref_squeeze %dma_wait3A_555 : memref<1x64x128xf32, #tpu.memory_space<vmem>> -> memref<64x128xf32, #tpu.memory_space<vmem>>
        %dma_wait3A_557 = arith.constant 0 : i32
        %dma_wait3A_558 = arith.constant 0 : i32
        %dma_wait3A_559 = tpu.memref_slice %arg6[%dma_wait3A_557, %dma_wait3A_558] : memref<10240x128xf32, #tpu.memory_space<vmem_shared>> -> memref<10240x128xf32, #tpu.memory_space<vmem_shared>>
        %dma_wait3A_560 = tpu.memref_slice %arg21[%dma_wait3A_552] : memref<5x!tpu.dma_semaphore, #tpu.memory_space<semaphore_mem>> -> memref<1x!tpu.dma_semaphore, #tpu.memory_space<semaphore_mem>>
        %dma_wait3A_561 = tpu.memref_squeeze %dma_wait3A_560 : memref<1x!tpu.dma_semaphore, #tpu.memory_space<semaphore_mem>> -> memref<!tpu.dma_semaphore, #tpu.memory_space<semaphore_mem>>
        tpu.wait_indirect_dma semaphore(%dma_wait3A_561 : memref<!tpu.dma_semaphore, #tpu.memory_space<semaphore_mem>>) src(%dma_wait3A_556 : memref<64x128xf32, #tpu.memory_space<vmem>>) dst(%dma_wait3A_559 : memref<10240x128xf32, #tpu.memory_space<vmem_shared>>)
      } else {
      }
      %lt3A_458 = arith.cmpi slt, %add3A_448, %select_n3A : i32
      %convert_element_type3A_459 = arith.extui %lt3A_458 : i1 to i32
      %cond3A_460 = arith.constant 0 : i32
      %cond3A_461 = arith.cmpi ne, %convert_element_type3A_459, %cond3A_460 : i32
      scf.if %cond3A_461 {
        %mul3A_551 = arith.constant 32 : i32
        %mul3A_552 = arith.muli %add3A_448, %mul3A_551 : i32
        %add3A_553 = arith.addi %mul3A_552, %add3A : i32
        %mul3A_554 = arith.constant 64 : i32
        %mul3A_555 = arith.muli %add3A_553, %mul3A_554 : i32
        %dma_start3A_556 = arith.constant 2 : i32
        %dma_start3A_557 = tpu.memref_slice %arg3[%mul3A_555] : memref<320000xi32, #tpu.memory_space<hbm>> -> memref<64xi32, #tpu.memory_space<hbm>>
        %dma_start3A_558 = tpu.memref_slice %arg14[%dma_start3A_556] : memref<5x!tpu.dma_semaphore, #tpu.memory_space<semaphore_mem>> -> memref<1x!tpu.dma_semaphore, #tpu.memory_space<semaphore_mem>>
        %dma_start3A_559 = tpu.memref_squeeze %dma_start3A_558 : memref<1x!tpu.dma_semaphore, #tpu.memory_space<semaphore_mem>> -> memref<!tpu.dma_semaphore, #tpu.memory_space<semaphore_mem>>
        %dma_start3A_560 = tpu.memref_slice %arg3[%mul3A_555] : memref<320000xi32, #tpu.memory_space<hbm>> -> memref<64xi32, #tpu.memory_space<hbm>>
        tpu.enqueue_dma source(%dma_start3A_560 : memref<64xi32, #tpu.memory_space<hbm>>) target(%arg18 : memref<64xi32, #tpu.memory_space<vmem>>) target_semaphore(%dma_start3A_559 : memref<!tpu.dma_semaphore, #tpu.memory_space<semaphore_mem>>)
        %dma_start3A_561 = arith.constant 2 : i32
        %dma_start3A_562 = tpu.memref_slice %arg4[%mul3A_555] : memref<320000xi32, #tpu.memory_space<hbm>> -> memref<64xi32, #tpu.memory_space<hbm>>
        %dma_start3A_563 = tpu.memref_slice %arg13[%dma_start3A_561] : memref<5x!tpu.dma_semaphore, #tpu.memory_space<semaphore_mem>> -> memref<1x!tpu.dma_semaphore, #tpu.memory_space<semaphore_mem>>
        %dma_start3A_564 = tpu.memref_squeeze %dma_start3A_563 : memref<1x!tpu.dma_semaphore, #tpu.memory_space<semaphore_mem>> -> memref<!tpu.dma_semaphore, #tpu.memory_space<semaphore_mem>>
        %dma_start3A_565 = tpu.memref_slice %arg4[%mul3A_555] : memref<320000xi32, #tpu.memory_space<hbm>> -> memref<64xi32, #tpu.memory_space<hbm>>
        tpu.enqueue_dma source(%dma_start3A_565 : memref<64xi32, #tpu.memory_space<hbm>>) target(%arg9 : memref<64xi32, #tpu.memory_space<vmem>>) target_semaphore(%dma_start3A_564 : memref<!tpu.dma_semaphore, #tpu.memory_space<semaphore_mem>>)
      } else {
      }
      %ge3A_462 = arith.constant 1 : i32
      %ge3A_463 = arith.cmpi sge, %add3A_448, %ge3A_462 : i32
      %sub3A_464 = arith.constant 1 : i32
      %sub3A_465 = arith.subi %add3A_448, %sub3A_464 : i32
      %lt3A_466 = arith.cmpi slt, %sub3A_465, %select_n3A : i32
      %and3A_467 = arith.andi %ge3A_463, %lt3A_466 : i1
      %convert_element_type3A_468 = arith.extui %and3A_467 : i1 to i32
      %cond3A_469 = arith.constant 0 : i32
      %cond3A_470 = arith.cmpi ne, %convert_element_type3A_468, %cond3A_469 : i32
      scf.if %cond3A_470 {
        %sub3A_551 = arith.constant 1 : i32
        %sub3A_552 = arith.subi %add3A_448, %sub3A_551 : i32
        %mul3A_553 = arith.constant 32 : i32
        %mul3A_554 = arith.muli %sub3A_552, %mul3A_553 : i32
        %add3A_555 = arith.addi %mul3A_554, %add3A : i32
        %mul3A_556 = arith.constant 64 : i32
        %mul3A_557 = arith.muli %add3A_555, %mul3A_556 : i32
        %dma_wait3A_558 = arith.constant 1 : i32
        %dma_wait3A_559 = tpu.memref_slice %arg3[%mul3A_557] : memref<320000xi32, #tpu.memory_space<hbm>> -> memref<64xi32, #tpu.memory_space<hbm>>
        %dma_wait3A_560 = tpu.memref_slice %arg14[%dma_wait3A_558] : memref<5x!tpu.dma_semaphore, #tpu.memory_space<semaphore_mem>> -> memref<1x!tpu.dma_semaphore, #tpu.memory_space<semaphore_mem>>
        %dma_wait3A_561 = tpu.memref_squeeze %dma_wait3A_560 : memref<1x!tpu.dma_semaphore, #tpu.memory_space<semaphore_mem>> -> memref<!tpu.dma_semaphore, #tpu.memory_space<semaphore_mem>>
        %dma_wait3A_562 = tpu.memref_slice %arg3[%mul3A_557] : memref<320000xi32, #tpu.memory_space<hbm>> -> memref<64xi32, #tpu.memory_space<hbm>>
        tpu.wait_dma2 semaphore(%dma_wait3A_561 : memref<!tpu.dma_semaphore, #tpu.memory_space<semaphore_mem>>) src(%dma_wait3A_562 : memref<64xi32, #tpu.memory_space<hbm>>) dst(%arg17 : memref<64xi32, #tpu.memory_space<vmem>>)
        %dma_wait3A_563 = arith.constant 1 : i32
        %dma_wait3A_564 = tpu.memref_slice %arg4[%mul3A_557] : memref<320000xi32, #tpu.memory_space<hbm>> -> memref<64xi32, #tpu.memory_space<hbm>>
        %dma_wait3A_565 = tpu.memref_slice %arg13[%dma_wait3A_563] : memref<5x!tpu.dma_semaphore, #tpu.memory_space<semaphore_mem>> -> memref<1x!tpu.dma_semaphore, #tpu.memory_space<semaphore_mem>>
        %dma_wait3A_566 = tpu.memref_squeeze %dma_wait3A_565 : memref<1x!tpu.dma_semaphore, #tpu.memory_space<semaphore_mem>> -> memref<!tpu.dma_semaphore, #tpu.memory_space<semaphore_mem>>
        %dma_wait3A_567 = tpu.memref_slice %arg4[%mul3A_557] : memref<320000xi32, #tpu.memory_space<hbm>> -> memref<64xi32, #tpu.memory_space<hbm>>
        tpu.wait_dma2 semaphore(%dma_wait3A_566 : memref<!tpu.dma_semaphore, #tpu.memory_space<semaphore_mem>>) src(%dma_wait3A_567 : memref<64xi32, #tpu.memory_space<hbm>>) dst(%arg8 : memref<64xi32, #tpu.memory_space<vmem>>)
        %dma_start3A_568 = arith.constant 1 : i32
        %dma_start3A_569 = arith.constant 1 : i32
        %dma_start3A_570 = arith.constant 0 : i32
        %dma_start3A_571 = arith.constant 0 : i32
        %dma_start3A_572 = tpu.memref_slice %arg15[%dma_start3A_568, %dma_start3A_570, %dma_start3A_571] : memref<5x64x128xf32, #tpu.memory_space<vmem>> -> memref<1x64x128xf32, #tpu.memory_space<vmem>>
        %dma_start3A_573 = tpu.memref_squeeze %dma_start3A_572 : memref<1x64x128xf32, #tpu.memory_space<vmem>> -> memref<64x128xf32, #tpu.memory_space<vmem>>
        %dma_start3A_574 = arith.constant 0 : i32
        %dma_start3A_575 = arith.constant 0 : i32
        %dma_start3A_576 = tpu.memref_slice %arg2[%dma_start3A_574, %dma_start3A_575] : memref<10240x128xf32, #tpu.memory_space<hbm>> -> memref<10240x128xf32, #tpu.memory_space<hbm>>
        %dma_start3A_577 = tpu.memref_slice %arg12[%dma_start3A_569] : memref<5x!tpu.dma_semaphore, #tpu.memory_space<semaphore_mem>> -> memref<1x!tpu.dma_semaphore, #tpu.memory_space<semaphore_mem>>
        %dma_start3A_578 = tpu.memref_squeeze %dma_start3A_577 : memref<1x!tpu.dma_semaphore, #tpu.memory_space<semaphore_mem>> -> memref<!tpu.dma_semaphore, #tpu.memory_space<semaphore_mem>>
        tpu.enqueue_indirect_dma source(%dma_start3A_576 : memref<10240x128xf32, #tpu.memory_space<hbm>>) target(%dma_start3A_573 : memref<64x128xf32, #tpu.memory_space<vmem>>) offsets(%arg17 : memref<64xi32, #tpu.memory_space<vmem>>) semaphore(%dma_start3A_578 : memref<!tpu.dma_semaphore, #tpu.memory_space<semaphore_mem>>)
      } else {
      }
      %ge3A_471 = arith.constant 4 : i32
      %ge3A_472 = arith.cmpi sge, %add3A_448, %ge3A_471 : i32
      %sub3A_473 = arith.constant 4 : i32
      %sub3A_474 = arith.subi %add3A_448, %sub3A_473 : i32
      %lt3A_475 = arith.cmpi slt, %sub3A_474, %select_n3A : i32
      %and3A_476 = arith.andi %ge3A_472, %lt3A_475 : i1
      %convert_element_type3A_477 = arith.extui %and3A_476 : i1 to i32
      %cond3A_478 = arith.constant 0 : i32
      %cond3A_479 = arith.cmpi ne, %convert_element_type3A_477, %cond3A_478 : i32
      scf.if %cond3A_479 {
        %dma_wait3A_551 = arith.constant 3 : i32
        %dma_wait3A_552 = arith.constant 3 : i32
        %dma_wait3A_553 = arith.constant 0 : i32
        %dma_wait3A_554 = arith.constant 0 : i32
        %dma_wait3A_555 = tpu.memref_slice %arg15[%dma_wait3A_551, %dma_wait3A_553, %dma_wait3A_554] : memref<5x64x128xf32, #tpu.memory_space<vmem>> -> memref<1x64x128xf32, #tpu.memory_space<vmem>>
        %dma_wait3A_556 = tpu.memref_squeeze %dma_wait3A_555 : memref<1x64x128xf32, #tpu.memory_space<vmem>> -> memref<64x128xf32, #tpu.memory_space<vmem>>
        %dma_wait3A_557 = arith.constant 0 : i32
        %dma_wait3A_558 = arith.constant 0 : i32
        %dma_wait3A_559 = tpu.memref_slice %arg2[%dma_wait3A_557, %dma_wait3A_558] : memref<10240x128xf32, #tpu.memory_space<hbm>> -> memref<10240x128xf32, #tpu.memory_space<hbm>>
        %dma_wait3A_560 = tpu.memref_slice %arg12[%dma_wait3A_552] : memref<5x!tpu.dma_semaphore, #tpu.memory_space<semaphore_mem>> -> memref<1x!tpu.dma_semaphore, #tpu.memory_space<semaphore_mem>>
        %dma_wait3A_561 = tpu.memref_squeeze %dma_wait3A_560 : memref<1x!tpu.dma_semaphore, #tpu.memory_space<semaphore_mem>> -> memref<!tpu.dma_semaphore, #tpu.memory_space<semaphore_mem>>
        tpu.wait_indirect_dma semaphore(%dma_wait3A_561 : memref<!tpu.dma_semaphore, #tpu.memory_space<semaphore_mem>>) src(%dma_wait3A_559 : memref<10240x128xf32, #tpu.memory_space<hbm>>) dst(%dma_wait3A_556 : memref<64x128xf32, #tpu.memory_space<vmem>>)
        %dma_start3A_562 = arith.constant 3 : i32
        %dma_start3A_563 = arith.constant 3 : i32
        %dma_start3A_564 = arith.constant 0 : i32
        %dma_start3A_565 = arith.constant 0 : i32
        %dma_start3A_566 = tpu.memref_slice %arg15[%dma_start3A_562, %dma_start3A_564, %dma_start3A_565] : memref<5x64x128xf32, #tpu.memory_space<vmem>> -> memref<1x64x128xf32, #tpu.memory_space<vmem>>
        %dma_start3A_567 = tpu.memref_squeeze %dma_start3A_566 : memref<1x64x128xf32, #tpu.memory_space<vmem>> -> memref<64x128xf32, #tpu.memory_space<vmem>>
        %dma_start3A_568 = arith.constant 0 : i32
        %dma_start3A_569 = arith.constant 0 : i32
        %dma_start3A_570 = tpu.memref_slice %arg6[%dma_start3A_568, %dma_start3A_569] : memref<10240x128xf32, #tpu.memory_space<vmem_shared>> -> memref<10240x128xf32, #tpu.memory_space<vmem_shared>>
        %dma_start3A_571 = tpu.memref_slice %arg21[%dma_start3A_563] : memref<5x!tpu.dma_semaphore, #tpu.memory_space<semaphore_mem>> -> memref<1x!tpu.dma_semaphore, #tpu.memory_space<semaphore_mem>>
        %dma_start3A_572 = tpu.memref_squeeze %dma_start3A_571 : memref<1x!tpu.dma_semaphore, #tpu.memory_space<semaphore_mem>> -> memref<!tpu.dma_semaphore, #tpu.memory_space<semaphore_mem>>
        tpu.enqueue_indirect_dma source(%dma_start3A_567 : memref<64x128xf32, #tpu.memory_space<vmem>>) target(%dma_start3A_570 : memref<10240x128xf32, #tpu.memory_space<vmem_shared>>) offsets(%arg10 : memref<64xi32, #tpu.memory_space<vmem>>) semaphore(%dma_start3A_572 : memref<!tpu.dma_semaphore, #tpu.memory_space<semaphore_mem>>) {add = true}
      } else {
      }
      %mul3A_480 = arith.constant 5 : i32
      %mul3A_481 = arith.muli %scan3A_378, %mul3A_480 : i32
      %add3A_482 = arith.constant 3 : i32
      %add3A_483 = arith.addi %mul3A_481, %add3A_482 : i32
      %ge3A_484 = arith.constant 5 : i32
      %ge3A_485 = arith.cmpi sge, %add3A_483, %ge3A_484 : i32
      %sub3A_486 = arith.constant 5 : i32
      %sub3A_487 = arith.subi %add3A_483, %sub3A_486 : i32
      %lt3A_488 = arith.cmpi slt, %sub3A_487, %select_n3A : i32
      %and3A_489 = arith.andi %ge3A_485, %lt3A_488 : i1
      %convert_element_type3A_490 = arith.extui %and3A_489 : i1 to i32
      %cond3A_491 = arith.constant 0 : i32
      %cond3A_492 = arith.cmpi ne, %convert_element_type3A_490, %cond3A_491 : i32
      scf.if %cond3A_492 {
        %dma_wait3A_551 = arith.constant 3 : i32
        %dma_wait3A_552 = arith.constant 3 : i32
        %dma_wait3A_553 = arith.constant 0 : i32
        %dma_wait3A_554 = arith.constant 0 : i32
        %dma_wait3A_555 = tpu.memref_slice %arg15[%dma_wait3A_551, %dma_wait3A_553, %dma_wait3A_554] : memref<5x64x128xf32, #tpu.memory_space<vmem>> -> memref<1x64x128xf32, #tpu.memory_space<vmem>>
        %dma_wait3A_556 = tpu.memref_squeeze %dma_wait3A_555 : memref<1x64x128xf32, #tpu.memory_space<vmem>> -> memref<64x128xf32, #tpu.memory_space<vmem>>
        %dma_wait3A_557 = arith.constant 0 : i32
        %dma_wait3A_558 = arith.constant 0 : i32
        %dma_wait3A_559 = tpu.memref_slice %arg6[%dma_wait3A_557, %dma_wait3A_558] : memref<10240x128xf32, #tpu.memory_space<vmem_shared>> -> memref<10240x128xf32, #tpu.memory_space<vmem_shared>>
        %dma_wait3A_560 = tpu.memref_slice %arg21[%dma_wait3A_552] : memref<5x!tpu.dma_semaphore, #tpu.memory_space<semaphore_mem>> -> memref<1x!tpu.dma_semaphore, #tpu.memory_space<semaphore_mem>>
        %dma_wait3A_561 = tpu.memref_squeeze %dma_wait3A_560 : memref<1x!tpu.dma_semaphore, #tpu.memory_space<semaphore_mem>> -> memref<!tpu.dma_semaphore, #tpu.memory_space<semaphore_mem>>
        tpu.wait_indirect_dma semaphore(%dma_wait3A_561 : memref<!tpu.dma_semaphore, #tpu.memory_space<semaphore_mem>>) src(%dma_wait3A_556 : memref<64x128xf32, #tpu.memory_space<vmem>>) dst(%dma_wait3A_559 : memref<10240x128xf32, #tpu.memory_space<vmem_shared>>)
      } else {
      }
      %lt3A_493 = arith.cmpi slt, %add3A_483, %select_n3A : i32
      %convert_element_type3A_494 = arith.extui %lt3A_493 : i1 to i32
      %cond3A_495 = arith.constant 0 : i32
      %cond3A_496 = arith.cmpi ne, %convert_element_type3A_494, %cond3A_495 : i32
      scf.if %cond3A_496 {
        %mul3A_551 = arith.constant 32 : i32
        %mul3A_552 = arith.muli %add3A_483, %mul3A_551 : i32
        %add3A_553 = arith.addi %mul3A_552, %add3A : i32
        %mul3A_554 = arith.constant 64 : i32
        %mul3A_555 = arith.muli %add3A_553, %mul3A_554 : i32
        %dma_start3A_556 = arith.constant 3 : i32
        %dma_start3A_557 = tpu.memref_slice %arg3[%mul3A_555] : memref<320000xi32, #tpu.memory_space<hbm>> -> memref<64xi32, #tpu.memory_space<hbm>>
        %dma_start3A_558 = tpu.memref_slice %arg14[%dma_start3A_556] : memref<5x!tpu.dma_semaphore, #tpu.memory_space<semaphore_mem>> -> memref<1x!tpu.dma_semaphore, #tpu.memory_space<semaphore_mem>>
        %dma_start3A_559 = tpu.memref_squeeze %dma_start3A_558 : memref<1x!tpu.dma_semaphore, #tpu.memory_space<semaphore_mem>> -> memref<!tpu.dma_semaphore, #tpu.memory_space<semaphore_mem>>
        %dma_start3A_560 = tpu.memref_slice %arg3[%mul3A_555] : memref<320000xi32, #tpu.memory_space<hbm>> -> memref<64xi32, #tpu.memory_space<hbm>>
        tpu.enqueue_dma source(%dma_start3A_560 : memref<64xi32, #tpu.memory_space<hbm>>) target(%arg19 : memref<64xi32, #tpu.memory_space<vmem>>) target_semaphore(%dma_start3A_559 : memref<!tpu.dma_semaphore, #tpu.memory_space<semaphore_mem>>)
        %dma_start3A_561 = arith.constant 3 : i32
        %dma_start3A_562 = tpu.memref_slice %arg4[%mul3A_555] : memref<320000xi32, #tpu.memory_space<hbm>> -> memref<64xi32, #tpu.memory_space<hbm>>
        %dma_start3A_563 = tpu.memref_slice %arg13[%dma_start3A_561] : memref<5x!tpu.dma_semaphore, #tpu.memory_space<semaphore_mem>> -> memref<1x!tpu.dma_semaphore, #tpu.memory_space<semaphore_mem>>
        %dma_start3A_564 = tpu.memref_squeeze %dma_start3A_563 : memref<1x!tpu.dma_semaphore, #tpu.memory_space<semaphore_mem>> -> memref<!tpu.dma_semaphore, #tpu.memory_space<semaphore_mem>>
        %dma_start3A_565 = tpu.memref_slice %arg4[%mul3A_555] : memref<320000xi32, #tpu.memory_space<hbm>> -> memref<64xi32, #tpu.memory_space<hbm>>
        tpu.enqueue_dma source(%dma_start3A_565 : memref<64xi32, #tpu.memory_space<hbm>>) target(%arg10 : memref<64xi32, #tpu.memory_space<vmem>>) target_semaphore(%dma_start3A_564 : memref<!tpu.dma_semaphore, #tpu.memory_space<semaphore_mem>>)
      } else {
      }
      %ge3A_497 = arith.constant 1 : i32
      %ge3A_498 = arith.cmpi sge, %add3A_483, %ge3A_497 : i32
      %sub3A_499 = arith.constant 1 : i32
      %sub3A_500 = arith.subi %add3A_483, %sub3A_499 : i32
      %lt3A_501 = arith.cmpi slt, %sub3A_500, %select_n3A : i32
      %and3A_502 = arith.andi %ge3A_498, %lt3A_501 : i1
      %convert_element_type3A_503 = arith.extui %and3A_502 : i1 to i32
      %cond3A_504 = arith.constant 0 : i32
      %cond3A_505 = arith.cmpi ne, %convert_element_type3A_503, %cond3A_504 : i32
      scf.if %cond3A_505 {
        %sub3A_551 = arith.constant 1 : i32
        %sub3A_552 = arith.subi %add3A_483, %sub3A_551 : i32
        %mul3A_553 = arith.constant 32 : i32
        %mul3A_554 = arith.muli %sub3A_552, %mul3A_553 : i32
        %add3A_555 = arith.addi %mul3A_554, %add3A : i32
        %mul3A_556 = arith.constant 64 : i32
        %mul3A_557 = arith.muli %add3A_555, %mul3A_556 : i32
        %dma_wait3A_558 = arith.constant 2 : i32
        %dma_wait3A_559 = tpu.memref_slice %arg3[%mul3A_557] : memref<320000xi32, #tpu.memory_space<hbm>> -> memref<64xi32, #tpu.memory_space<hbm>>
        %dma_wait3A_560 = tpu.memref_slice %arg14[%dma_wait3A_558] : memref<5x!tpu.dma_semaphore, #tpu.memory_space<semaphore_mem>> -> memref<1x!tpu.dma_semaphore, #tpu.memory_space<semaphore_mem>>
        %dma_wait3A_561 = tpu.memref_squeeze %dma_wait3A_560 : memref<1x!tpu.dma_semaphore, #tpu.memory_space<semaphore_mem>> -> memref<!tpu.dma_semaphore, #tpu.memory_space<semaphore_mem>>
        %dma_wait3A_562 = tpu.memref_slice %arg3[%mul3A_557] : memref<320000xi32, #tpu.memory_space<hbm>> -> memref<64xi32, #tpu.memory_space<hbm>>
        tpu.wait_dma2 semaphore(%dma_wait3A_561 : memref<!tpu.dma_semaphore, #tpu.memory_space<semaphore_mem>>) src(%dma_wait3A_562 : memref<64xi32, #tpu.memory_space<hbm>>) dst(%arg18 : memref<64xi32, #tpu.memory_space<vmem>>)
        %dma_wait3A_563 = arith.constant 2 : i32
        %dma_wait3A_564 = tpu.memref_slice %arg4[%mul3A_557] : memref<320000xi32, #tpu.memory_space<hbm>> -> memref<64xi32, #tpu.memory_space<hbm>>
        %dma_wait3A_565 = tpu.memref_slice %arg13[%dma_wait3A_563] : memref<5x!tpu.dma_semaphore, #tpu.memory_space<semaphore_mem>> -> memref<1x!tpu.dma_semaphore, #tpu.memory_space<semaphore_mem>>
        %dma_wait3A_566 = tpu.memref_squeeze %dma_wait3A_565 : memref<1x!tpu.dma_semaphore, #tpu.memory_space<semaphore_mem>> -> memref<!tpu.dma_semaphore, #tpu.memory_space<semaphore_mem>>
        %dma_wait3A_567 = tpu.memref_slice %arg4[%mul3A_557] : memref<320000xi32, #tpu.memory_space<hbm>> -> memref<64xi32, #tpu.memory_space<hbm>>
        tpu.wait_dma2 semaphore(%dma_wait3A_566 : memref<!tpu.dma_semaphore, #tpu.memory_space<semaphore_mem>>) src(%dma_wait3A_567 : memref<64xi32, #tpu.memory_space<hbm>>) dst(%arg9 : memref<64xi32, #tpu.memory_space<vmem>>)
        %dma_start3A_568 = arith.constant 2 : i32
        %dma_start3A_569 = arith.constant 2 : i32
        %dma_start3A_570 = arith.constant 0 : i32
        %dma_start3A_571 = arith.constant 0 : i32
        %dma_start3A_572 = tpu.memref_slice %arg15[%dma_start3A_568, %dma_start3A_570, %dma_start3A_571] : memref<5x64x128xf32, #tpu.memory_space<vmem>> -> memref<1x64x128xf32, #tpu.memory_space<vmem>>
        %dma_start3A_573 = tpu.memref_squeeze %dma_start3A_572 : memref<1x64x128xf32, #tpu.memory_space<vmem>> -> memref<64x128xf32, #tpu.memory_space<vmem>>
        %dma_start3A_574 = arith.constant 0 : i32
        %dma_start3A_575 = arith.constant 0 : i32
        %dma_start3A_576 = tpu.memref_slice %arg2[%dma_start3A_574, %dma_start3A_575] : memref<10240x128xf32, #tpu.memory_space<hbm>> -> memref<10240x128xf32, #tpu.memory_space<hbm>>
        %dma_start3A_577 = tpu.memref_slice %arg12[%dma_start3A_569] : memref<5x!tpu.dma_semaphore, #tpu.memory_space<semaphore_mem>> -> memref<1x!tpu.dma_semaphore, #tpu.memory_space<semaphore_mem>>
        %dma_start3A_578 = tpu.memref_squeeze %dma_start3A_577 : memref<1x!tpu.dma_semaphore, #tpu.memory_space<semaphore_mem>> -> memref<!tpu.dma_semaphore, #tpu.memory_space<semaphore_mem>>
        tpu.enqueue_indirect_dma source(%dma_start3A_576 : memref<10240x128xf32, #tpu.memory_space<hbm>>) target(%dma_start3A_573 : memref<64x128xf32, #tpu.memory_space<vmem>>) offsets(%arg18 : memref<64xi32, #tpu.memory_space<vmem>>) semaphore(%dma_start3A_578 : memref<!tpu.dma_semaphore, #tpu.memory_space<semaphore_mem>>)
      } else {
      }
      %ge3A_506 = arith.constant 4 : i32
      %ge3A_507 = arith.cmpi sge, %add3A_483, %ge3A_506 : i32
      %sub3A_508 = arith.constant 4 : i32
      %sub3A_509 = arith.subi %add3A_483, %sub3A_508 : i32
      %lt3A_510 = arith.cmpi slt, %sub3A_509, %select_n3A : i32
      %and3A_511 = arith.andi %ge3A_507, %lt3A_510 : i1
      %convert_element_type3A_512 = arith.extui %and3A_511 : i1 to i32
      %cond3A_513 = arith.constant 0 : i32
      %cond3A_514 = arith.cmpi ne, %convert_element_type3A_512, %cond3A_513 : i32
      scf.if %cond3A_514 {
        %dma_wait3A_551 = arith.constant 4 : i32
        %dma_wait3A_552 = arith.constant 4 : i32
        %dma_wait3A_553 = arith.constant 0 : i32
        %dma_wait3A_554 = arith.constant 0 : i32
        %dma_wait3A_555 = tpu.memref_slice %arg15[%dma_wait3A_551, %dma_wait3A_553, %dma_wait3A_554] : memref<5x64x128xf32, #tpu.memory_space<vmem>> -> memref<1x64x128xf32, #tpu.memory_space<vmem>>
        %dma_wait3A_556 = tpu.memref_squeeze %dma_wait3A_555 : memref<1x64x128xf32, #tpu.memory_space<vmem>> -> memref<64x128xf32, #tpu.memory_space<vmem>>
        %dma_wait3A_557 = arith.constant 0 : i32
        %dma_wait3A_558 = arith.constant 0 : i32
        %dma_wait3A_559 = tpu.memref_slice %arg2[%dma_wait3A_557, %dma_wait3A_558] : memref<10240x128xf32, #tpu.memory_space<hbm>> -> memref<10240x128xf32, #tpu.memory_space<hbm>>
        %dma_wait3A_560 = tpu.memref_slice %arg12[%dma_wait3A_552] : memref<5x!tpu.dma_semaphore, #tpu.memory_space<semaphore_mem>> -> memref<1x!tpu.dma_semaphore, #tpu.memory_space<semaphore_mem>>
        %dma_wait3A_561 = tpu.memref_squeeze %dma_wait3A_560 : memref<1x!tpu.dma_semaphore, #tpu.memory_space<semaphore_mem>> -> memref<!tpu.dma_semaphore, #tpu.memory_space<semaphore_mem>>
        tpu.wait_indirect_dma semaphore(%dma_wait3A_561 : memref<!tpu.dma_semaphore, #tpu.memory_space<semaphore_mem>>) src(%dma_wait3A_559 : memref<10240x128xf32, #tpu.memory_space<hbm>>) dst(%dma_wait3A_556 : memref<64x128xf32, #tpu.memory_space<vmem>>)
        %dma_start3A_562 = arith.constant 4 : i32
        %dma_start3A_563 = arith.constant 4 : i32
        %dma_start3A_564 = arith.constant 0 : i32
        %dma_start3A_565 = arith.constant 0 : i32
        %dma_start3A_566 = tpu.memref_slice %arg15[%dma_start3A_562, %dma_start3A_564, %dma_start3A_565] : memref<5x64x128xf32, #tpu.memory_space<vmem>> -> memref<1x64x128xf32, #tpu.memory_space<vmem>>
        %dma_start3A_567 = tpu.memref_squeeze %dma_start3A_566 : memref<1x64x128xf32, #tpu.memory_space<vmem>> -> memref<64x128xf32, #tpu.memory_space<vmem>>
        %dma_start3A_568 = arith.constant 0 : i32
        %dma_start3A_569 = arith.constant 0 : i32
        %dma_start3A_570 = tpu.memref_slice %arg6[%dma_start3A_568, %dma_start3A_569] : memref<10240x128xf32, #tpu.memory_space<vmem_shared>> -> memref<10240x128xf32, #tpu.memory_space<vmem_shared>>
        %dma_start3A_571 = tpu.memref_slice %arg21[%dma_start3A_563] : memref<5x!tpu.dma_semaphore, #tpu.memory_space<semaphore_mem>> -> memref<1x!tpu.dma_semaphore, #tpu.memory_space<semaphore_mem>>
        %dma_start3A_572 = tpu.memref_squeeze %dma_start3A_571 : memref<1x!tpu.dma_semaphore, #tpu.memory_space<semaphore_mem>> -> memref<!tpu.dma_semaphore, #tpu.memory_space<semaphore_mem>>
        tpu.enqueue_indirect_dma source(%dma_start3A_567 : memref<64x128xf32, #tpu.memory_space<vmem>>) target(%dma_start3A_570 : memref<10240x128xf32, #tpu.memory_space<vmem_shared>>) offsets(%arg11 : memref<64xi32, #tpu.memory_space<vmem>>) semaphore(%dma_start3A_572 : memref<!tpu.dma_semaphore, #tpu.memory_space<semaphore_mem>>) {add = true}
      } else {
      }
      %mul3A_515 = arith.constant 5 : i32
      %mul3A_516 = arith.muli %scan3A_378, %mul3A_515 : i32
      %add3A_517 = arith.constant 4 : i32
      %add3A_518 = arith.addi %mul3A_516, %add3A_517 : i32
      %ge3A_519 = arith.constant 5 : i32
      %ge3A_520 = arith.cmpi sge, %add3A_518, %ge3A_519 : i32
      %sub3A_521 = arith.constant 5 : i32
      %sub3A_522 = arith.subi %add3A_518, %sub3A_521 : i32
      %lt3A_523 = arith.cmpi slt, %sub3A_522, %select_n3A : i32
      %and3A_524 = arith.andi %ge3A_520, %lt3A_523 : i1
      %convert_element_type3A_525 = arith.extui %and3A_524 : i1 to i32
      %cond3A_526 = arith.constant 0 : i32
      %cond3A_527 = arith.cmpi ne, %convert_element_type3A_525, %cond3A_526 : i32
      scf.if %cond3A_527 {
        %dma_wait3A_551 = arith.constant 4 : i32
        %dma_wait3A_552 = arith.constant 4 : i32
        %dma_wait3A_553 = arith.constant 0 : i32
        %dma_wait3A_554 = arith.constant 0 : i32
        %dma_wait3A_555 = tpu.memref_slice %arg15[%dma_wait3A_551, %dma_wait3A_553, %dma_wait3A_554] : memref<5x64x128xf32, #tpu.memory_space<vmem>> -> memref<1x64x128xf32, #tpu.memory_space<vmem>>
        %dma_wait3A_556 = tpu.memref_squeeze %dma_wait3A_555 : memref<1x64x128xf32, #tpu.memory_space<vmem>> -> memref<64x128xf32, #tpu.memory_space<vmem>>
        %dma_wait3A_557 = arith.constant 0 : i32
        %dma_wait3A_558 = arith.constant 0 : i32
        %dma_wait3A_559 = tpu.memref_slice %arg6[%dma_wait3A_557, %dma_wait3A_558] : memref<10240x128xf32, #tpu.memory_space<vmem_shared>> -> memref<10240x128xf32, #tpu.memory_space<vmem_shared>>
        %dma_wait3A_560 = tpu.memref_slice %arg21[%dma_wait3A_552] : memref<5x!tpu.dma_semaphore, #tpu.memory_space<semaphore_mem>> -> memref<1x!tpu.dma_semaphore, #tpu.memory_space<semaphore_mem>>
        %dma_wait3A_561 = tpu.memref_squeeze %dma_wait3A_560 : memref<1x!tpu.dma_semaphore, #tpu.memory_space<semaphore_mem>> -> memref<!tpu.dma_semaphore, #tpu.memory_space<semaphore_mem>>
        tpu.wait_indirect_dma semaphore(%dma_wait3A_561 : memref<!tpu.dma_semaphore, #tpu.memory_space<semaphore_mem>>) src(%dma_wait3A_556 : memref<64x128xf32, #tpu.memory_space<vmem>>) dst(%dma_wait3A_559 : memref<10240x128xf32, #tpu.memory_space<vmem_shared>>)
      } else {
      }
      %lt3A_528 = arith.cmpi slt, %add3A_518, %select_n3A : i32
      %convert_element_type3A_529 = arith.extui %lt3A_528 : i1 to i32
      %cond3A_530 = arith.constant 0 : i32
      %cond3A_531 = arith.cmpi ne, %convert_element_type3A_529, %cond3A_530 : i32
      scf.if %cond3A_531 {
        %mul3A_551 = arith.constant 32 : i32
        %mul3A_552 = arith.muli %add3A_518, %mul3A_551 : i32
        %add3A_553 = arith.addi %mul3A_552, %add3A : i32
        %mul3A_554 = arith.constant 64 : i32
        %mul3A_555 = arith.muli %add3A_553, %mul3A_554 : i32
        %dma_start3A_556 = arith.constant 4 : i32
        %dma_start3A_557 = tpu.memref_slice %arg3[%mul3A_555] : memref<320000xi32, #tpu.memory_space<hbm>> -> memref<64xi32, #tpu.memory_space<hbm>>
        %dma_start3A_558 = tpu.memref_slice %arg14[%dma_start3A_556] : memref<5x!tpu.dma_semaphore, #tpu.memory_space<semaphore_mem>> -> memref<1x!tpu.dma_semaphore, #tpu.memory_space<semaphore_mem>>
        %dma_start3A_559 = tpu.memref_squeeze %dma_start3A_558 : memref<1x!tpu.dma_semaphore, #tpu.memory_space<semaphore_mem>> -> memref<!tpu.dma_semaphore, #tpu.memory_space<semaphore_mem>>
        %dma_start3A_560 = tpu.memref_slice %arg3[%mul3A_555] : memref<320000xi32, #tpu.memory_space<hbm>> -> memref<64xi32, #tpu.memory_space<hbm>>
        tpu.enqueue_dma source(%dma_start3A_560 : memref<64xi32, #tpu.memory_space<hbm>>) target(%arg20 : memref<64xi32, #tpu.memory_space<vmem>>) target_semaphore(%dma_start3A_559 : memref<!tpu.dma_semaphore, #tpu.memory_space<semaphore_mem>>)
        %dma_start3A_561 = arith.constant 4 : i32
        %dma_start3A_562 = tpu.memref_slice %arg4[%mul3A_555] : memref<320000xi32, #tpu.memory_space<hbm>> -> memref<64xi32, #tpu.memory_space<hbm>>
        %dma_start3A_563 = tpu.memref_slice %arg13[%dma_start3A_561] : memref<5x!tpu.dma_semaphore, #tpu.memory_space<semaphore_mem>> -> memref<1x!tpu.dma_semaphore, #tpu.memory_space<semaphore_mem>>
        %dma_start3A_564 = tpu.memref_squeeze %dma_start3A_563 : memref<1x!tpu.dma_semaphore, #tpu.memory_space<semaphore_mem>> -> memref<!tpu.dma_semaphore, #tpu.memory_space<semaphore_mem>>
        %dma_start3A_565 = tpu.memref_slice %arg4[%mul3A_555] : memref<320000xi32, #tpu.memory_space<hbm>> -> memref<64xi32, #tpu.memory_space<hbm>>
        tpu.enqueue_dma source(%dma_start3A_565 : memref<64xi32, #tpu.memory_space<hbm>>) target(%arg11 : memref<64xi32, #tpu.memory_space<vmem>>) target_semaphore(%dma_start3A_564 : memref<!tpu.dma_semaphore, #tpu.memory_space<semaphore_mem>>)
      } else {
      }
      %ge3A_532 = arith.constant 1 : i32
      %ge3A_533 = arith.cmpi sge, %add3A_518, %ge3A_532 : i32
      %sub3A_534 = arith.constant 1 : i32
      %sub3A_535 = arith.subi %add3A_518, %sub3A_534 : i32
      %lt3A_536 = arith.cmpi slt, %sub3A_535, %select_n3A : i32
      %and3A_537 = arith.andi %ge3A_533, %lt3A_536 : i1
      %convert_element_type3A_538 = arith.extui %and3A_537 : i1 to i32
      %cond3A_539 = arith.constant 0 : i32
      %cond3A_540 = arith.cmpi ne, %convert_element_type3A_538, %cond3A_539 : i32
      scf.if %cond3A_540 {
        %sub3A_551 = arith.constant 1 : i32
        %sub3A_552 = arith.subi %add3A_518, %sub3A_551 : i32
        %mul3A_553 = arith.constant 32 : i32
        %mul3A_554 = arith.muli %sub3A_552, %mul3A_553 : i32
        %add3A_555 = arith.addi %mul3A_554, %add3A : i32
        %mul3A_556 = arith.constant 64 : i32
        %mul3A_557 = arith.muli %add3A_555, %mul3A_556 : i32
        %dma_wait3A_558 = arith.constant 3 : i32
        %dma_wait3A_559 = tpu.memref_slice %arg3[%mul3A_557] : memref<320000xi32, #tpu.memory_space<hbm>> -> memref<64xi32, #tpu.memory_space<hbm>>
        %dma_wait3A_560 = tpu.memref_slice %arg14[%dma_wait3A_558] : memref<5x!tpu.dma_semaphore, #tpu.memory_space<semaphore_mem>> -> memref<1x!tpu.dma_semaphore, #tpu.memory_space<semaphore_mem>>
        %dma_wait3A_561 = tpu.memref_squeeze %dma_wait3A_560 : memref<1x!tpu.dma_semaphore, #tpu.memory_space<semaphore_mem>> -> memref<!tpu.dma_semaphore, #tpu.memory_space<semaphore_mem>>
        %dma_wait3A_562 = tpu.memref_slice %arg3[%mul3A_557] : memref<320000xi32, #tpu.memory_space<hbm>> -> memref<64xi32, #tpu.memory_space<hbm>>
        tpu.wait_dma2 semaphore(%dma_wait3A_561 : memref<!tpu.dma_semaphore, #tpu.memory_space<semaphore_mem>>) src(%dma_wait3A_562 : memref<64xi32, #tpu.memory_space<hbm>>) dst(%arg19 : memref<64xi32, #tpu.memory_space<vmem>>)
        %dma_wait3A_563 = arith.constant 3 : i32
        %dma_wait3A_564 = tpu.memref_slice %arg4[%mul3A_557] : memref<320000xi32, #tpu.memory_space<hbm>> -> memref<64xi32, #tpu.memory_space<hbm>>
        %dma_wait3A_565 = tpu.memref_slice %arg13[%dma_wait3A_563] : memref<5x!tpu.dma_semaphore, #tpu.memory_space<semaphore_mem>> -> memref<1x!tpu.dma_semaphore, #tpu.memory_space<semaphore_mem>>
        %dma_wait3A_566 = tpu.memref_squeeze %dma_wait3A_565 : memref<1x!tpu.dma_semaphore, #tpu.memory_space<semaphore_mem>> -> memref<!tpu.dma_semaphore, #tpu.memory_space<semaphore_mem>>
        %dma_wait3A_567 = tpu.memref_slice %arg4[%mul3A_557] : memref<320000xi32, #tpu.memory_space<hbm>> -> memref<64xi32, #tpu.memory_space<hbm>>
        tpu.wait_dma2 semaphore(%dma_wait3A_566 : memref<!tpu.dma_semaphore, #tpu.memory_space<semaphore_mem>>) src(%dma_wait3A_567 : memref<64xi32, #tpu.memory_space<hbm>>) dst(%arg10 : memref<64xi32, #tpu.memory_space<vmem>>)
        %dma_start3A_568 = arith.constant 3 : i32
        %dma_start3A_569 = arith.constant 3 : i32
        %dma_start3A_570 = arith.constant 0 : i32
        %dma_start3A_571 = arith.constant 0 : i32
        %dma_start3A_572 = tpu.memref_slice %arg15[%dma_start3A_568, %dma_start3A_570, %dma_start3A_571] : memref<5x64x128xf32, #tpu.memory_space<vmem>> -> memref<1x64x128xf32, #tpu.memory_space<vmem>>
        %dma_start3A_573 = tpu.memref_squeeze %dma_start3A_572 : memref<1x64x128xf32, #tpu.memory_space<vmem>> -> memref<64x128xf32, #tpu.memory_space<vmem>>
        %dma_start3A_574 = arith.constant 0 : i32
        %dma_start3A_575 = arith.constant 0 : i32
        %dma_start3A_576 = tpu.memref_slice %arg2[%dma_start3A_574, %dma_start3A_575] : memref<10240x128xf32, #tpu.memory_space<hbm>> -> memref<10240x128xf32, #tpu.memory_space<hbm>>
        %dma_start3A_577 = tpu.memref_slice %arg12[%dma_start3A_569] : memref<5x!tpu.dma_semaphore, #tpu.memory_space<semaphore_mem>> -> memref<1x!tpu.dma_semaphore, #tpu.memory_space<semaphore_mem>>
        %dma_start3A_578 = tpu.memref_squeeze %dma_start3A_577 : memref<1x!tpu.dma_semaphore, #tpu.memory_space<semaphore_mem>> -> memref<!tpu.dma_semaphore, #tpu.memory_space<semaphore_mem>>
        tpu.enqueue_indirect_dma source(%dma_start3A_576 : memref<10240x128xf32, #tpu.memory_space<hbm>>) target(%dma_start3A_573 : memref<64x128xf32, #tpu.memory_space<vmem>>) offsets(%arg19 : memref<64xi32, #tpu.memory_space<vmem>>) semaphore(%dma_start3A_578 : memref<!tpu.dma_semaphore, #tpu.memory_space<semaphore_mem>>)
      } else {
      }
      %ge3A_541 = arith.constant 4 : i32
      %ge3A_542 = arith.cmpi sge, %add3A_518, %ge3A_541 : i32
      %sub3A_543 = arith.constant 4 : i32
      %sub3A_544 = arith.subi %add3A_518, %sub3A_543 : i32
      %lt3A_545 = arith.cmpi slt, %sub3A_544, %select_n3A : i32
      %and3A_546 = arith.andi %ge3A_542, %lt3A_545 : i1
      %convert_element_type3A_547 = arith.extui %and3A_546 : i1 to i32
      %cond3A_548 = arith.constant 0 : i32
      %cond3A_549 = arith.cmpi ne, %convert_element_type3A_547, %cond3A_548 : i32
      scf.if %cond3A_549 {
        %dma_wait3A_551 = arith.constant 0 : i32
        %dma_wait3A_552 = arith.constant 0 : i32
        %dma_wait3A_553 = arith.constant 0 : i32
        %dma_wait3A_554 = arith.constant 0 : i32
        %dma_wait3A_555 = tpu.memref_slice %arg15[%dma_wait3A_551, %dma_wait3A_553, %dma_wait3A_554] : memref<5x64x128xf32, #tpu.memory_space<vmem>> -> memref<1x64x128xf32, #tpu.memory_space<vmem>>
        %dma_wait3A_556 = tpu.memref_squeeze %dma_wait3A_555 : memref<1x64x128xf32, #tpu.memory_space<vmem>> -> memref<64x128xf32, #tpu.memory_space<vmem>>
        %dma_wait3A_557 = arith.constant 0 : i32
        %dma_wait3A_558 = arith.constant 0 : i32
        %dma_wait3A_559 = tpu.memref_slice %arg2[%dma_wait3A_557, %dma_wait3A_558] : memref<10240x128xf32, #tpu.memory_space<hbm>> -> memref<10240x128xf32, #tpu.memory_space<hbm>>
        %dma_wait3A_560 = tpu.memref_slice %arg12[%dma_wait3A_552] : memref<5x!tpu.dma_semaphore, #tpu.memory_space<semaphore_mem>> -> memref<1x!tpu.dma_semaphore, #tpu.memory_space<semaphore_mem>>
        %dma_wait3A_561 = tpu.memref_squeeze %dma_wait3A_560 : memref<1x!tpu.dma_semaphore, #tpu.memory_space<semaphore_mem>> -> memref<!tpu.dma_semaphore, #tpu.memory_space<semaphore_mem>>
        tpu.wait_indirect_dma semaphore(%dma_wait3A_561 : memref<!tpu.dma_semaphore, #tpu.memory_space<semaphore_mem>>) src(%dma_wait3A_559 : memref<10240x128xf32, #tpu.memory_space<hbm>>) dst(%dma_wait3A_556 : memref<64x128xf32, #tpu.memory_space<vmem>>)
        %dma_start3A_562 = arith.constant 0 : i32
        %dma_start3A_563 = arith.constant 0 : i32
        %dma_start3A_564 = arith.constant 0 : i32
        %dma_start3A_565 = arith.constant 0 : i32
        %dma_start3A_566 = tpu.memref_slice %arg15[%dma_start3A_562, %dma_start3A_564, %dma_start3A_565] : memref<5x64x128xf32, #tpu.memory_space<vmem>> -> memref<1x64x128xf32, #tpu.memory_space<vmem>>
        %dma_start3A_567 = tpu.memref_squeeze %dma_start3A_566 : memref<1x64x128xf32, #tpu.memory_space<vmem>> -> memref<64x128xf32, #tpu.memory_space<vmem>>
        %dma_start3A_568 = arith.constant 0 : i32
        %dma_start3A_569 = arith.constant 0 : i32
        %dma_start3A_570 = tpu.memref_slice %arg6[%dma_start3A_568, %dma_start3A_569] : memref<10240x128xf32, #tpu.memory_space<vmem_shared>> -> memref<10240x128xf32, #tpu.memory_space<vmem_shared>>
        %dma_start3A_571 = tpu.memref_slice %arg21[%dma_start3A_563] : memref<5x!tpu.dma_semaphore, #tpu.memory_space<semaphore_mem>> -> memref<1x!tpu.dma_semaphore, #tpu.memory_space<semaphore_mem>>
        %dma_start3A_572 = tpu.memref_squeeze %dma_start3A_571 : memref<1x!tpu.dma_semaphore, #tpu.memory_space<semaphore_mem>> -> memref<!tpu.dma_semaphore, #tpu.memory_space<semaphore_mem>>
        tpu.enqueue_indirect_dma source(%dma_start3A_567 : memref<64x128xf32, #tpu.memory_space<vmem>>) target(%dma_start3A_570 : memref<10240x128xf32, #tpu.memory_space<vmem_shared>>) offsets(%arg7 : memref<64xi32, #tpu.memory_space<vmem>>) semaphore(%dma_start3A_572 : memref<!tpu.dma_semaphore, #tpu.memory_space<semaphore_mem>>) {add = true}
      } else {
      }
      %scan3A_550 = arith.constant 0 : i32
      scf.yield %scan3A_550 : i32
    }
    %scan3A_376 = arith.constant 33 : i32
    %barrier3A_377 = arith.constant 0 : index
    tpu.barrier barrier_id(%barrier3A_377)
    "tpu.region"() ({
      %run_scoped3A = tpu.sem_alloc : memref<!tpu.dma_semaphore, #tpu.memory_space<semaphore_mem>>
      %dma_start3A_378 = arith.constant 0 : i32
      %dma_start3A_379 = tpu.memref_slice %arg5[%arg0, %mul3A_11, %dma_start3A_378] : memref<2x10240x128xf32, #tpu.memory_space<hbm>> -> memref<1x640x128xf32, #tpu.memory_space<hbm>>
      %dma_start3A_380 = tpu.memref_squeeze %dma_start3A_379 : memref<1x640x128xf32, #tpu.memory_space<hbm>> -> memref<640x128xf32, #tpu.memory_space<hbm>>
      %dma_start3A_381 = arith.constant 0 : i32
      %dma_start3A_382 = tpu.memref_slice %arg6[%mul3A_11, %dma_start3A_381] : memref<10240x128xf32, #tpu.memory_space<vmem_shared>> -> memref<640x128xf32, #tpu.memory_space<vmem_shared>>
      tpu.enqueue_dma source(%dma_start3A_382 : memref<640x128xf32, #tpu.memory_space<vmem_shared>>) target(%dma_start3A_380 : memref<640x128xf32, #tpu.memory_space<hbm>>) target_semaphore(%run_scoped3A : memref<!tpu.dma_semaphore, #tpu.memory_space<semaphore_mem>>)
      %dma_wait3A_383 = arith.constant 0 : i32
      %dma_wait3A_384 = tpu.memref_slice %arg5[%arg0, %mul3A_11, %dma_wait3A_383] : memref<2x10240x128xf32, #tpu.memory_space<hbm>> -> memref<1x640x128xf32, #tpu.memory_space<hbm>>
      %dma_wait3A_385 = tpu.memref_squeeze %dma_wait3A_384 : memref<1x640x128xf32, #tpu.memory_space<hbm>> -> memref<640x128xf32, #tpu.memory_space<hbm>>
      %dma_wait3A_386 = arith.constant 0 : i32
      %dma_wait3A_387 = tpu.memref_slice %arg6[%mul3A_11, %dma_wait3A_386] : memref<10240x128xf32, #tpu.memory_space<vmem_shared>> -> memref<640x128xf32, #tpu.memory_space<vmem_shared>>
      tpu.wait_dma2 semaphore(%run_scoped3A : memref<!tpu.dma_semaphore, #tpu.memory_space<semaphore_mem>>) src(%dma_wait3A_387 : memref<640x128xf32, #tpu.memory_space<vmem_shared>>) dst(%dma_wait3A_385 : memref<640x128xf32, #tpu.memory_space<hbm>>)
      tpu.yield
    }) : () -> ()
    return
  }
}

module attributes {stable_mosaic.version = 14 : i64} {
  func.func @_scale0_body(%arg0: i32, %arg1: memref<2048x128xf32, #tpu.memory_space<vmem>>, %arg2: memref<2x2048x16xf32, #tpu.memory_space<vmem>>, %arg3: memref<2048x128xf32, #tpu.memory_space<vmem>>, %arg4: memref<2048x16xf32, #tpu.memory_space<vmem>>) attributes {dimension_semantics = [#tpu.dimension_semantics<arbitrary>], iteration_bounds = array<i64: 5>, scalar_prefetch = 0 : i64, scratch_operands = 0 : i64, tpu.core_type = #tpu.core_type<tc>, window_params = [{transform_indices = @transform_0, window_bounds = array<i64: 2048, 128>}, {transform_indices = @transform_1, window_bounds = array<i64: 2, 2048, 16>}, {transform_indices = @transform_2, window_bounds = array<i64: 2048, 128>}, {transform_indices = @transform_3, window_bounds = array<i64: 2048, 16>}]} {
    %get3A = arith.constant 0 : index
    %get3A_0 = arith.constant 0 : index
    %get3A_1 = arith.constant 0 : index
    %get3A_2 = vector.load %arg2[%get3A, %get3A_0, %get3A_1] : memref<2x2048x16xf32, #tpu.memory_space<vmem>>, vector<1x2048x16xf32>
    %get3A_3 = vector.shape_cast %get3A_2 : vector<1x2048x16xf32> to vector<2048x16xf32>
    %get3A_4 = arith.constant 1 : index
    %get3A_5 = arith.constant 0 : index
    %get3A_6 = arith.constant 0 : index
    %get3A_7 = vector.load %arg2[%get3A_4, %get3A_5, %get3A_6] : memref<2x2048x16xf32, #tpu.memory_space<vmem>>, vector<1x2048x16xf32>
    %get3A_8 = vector.shape_cast %get3A_7 : vector<1x2048x16xf32> to vector<2048x16xf32>
    %add3A = arith.addf %get3A_3, %get3A_8 : vector<2048x16xf32>
    %add3A_9 = arith.constant 1.000000e+00 : f32
    %add3A_10 = vector.broadcast %add3A_9 : f32 to vector<2048x16xf32>
    %add3A_11 = arith.addf %add3A, %add3A_10 : vector<2048x16xf32>
    %rsqrt3A = math.rsqrt %add3A_11 : vector<2048x16xf32>
    %swap3A = arith.constant 0 : index
    %swap3A_12 = arith.constant 0 : index
    %swap3A_13 = vector.load %arg4[%swap3A, %swap3A_12] : memref<2048x16xf32, #tpu.memory_space<vmem>>, vector<2048x16xf32>
    tpu.vector_store %arg4[%swap3A, %swap3A_12], %rsqrt3A {strides = array<i32>} : memref<2048x16xf32, #tpu.memory_space<vmem>>, vector<2048x16xf32>,
    %get3A_14 = arith.constant 0 : index
    %get3A_15 = arith.constant 0 : index
    %get3A_16 = vector.load %arg1[%get3A_14, %get3A_15] : memref<2048x128xf32, #tpu.memory_space<vmem>>, vector<2048x128xf32>
    %slice3A = vector.extract_strided_slice %rsqrt3A {offsets = [0, 0], sizes = [2048, 1], strides = [1, 1]} : vector<2048x16xf32> to vector<2048x1xf32>
    %mul3A = vector.broadcast %slice3A : vector<2048x1xf32> to vector<2048x128xf32>
    %mul3A_17 = arith.mulf %get3A_16, %mul3A : vector<2048x128xf32>
    %swap3A_18 = arith.constant 0 : index
    %swap3A_19 = arith.constant 0 : index
    %swap3A_20 = vector.load %arg3[%swap3A_18, %swap3A_19] : memref<2048x128xf32, #tpu.memory_space<vmem>>, vector<2048x128xf32>
    tpu.vector_store %arg3[%swap3A_18, %swap3A_19], %mul3A_17 {strides = array<i32>} : memref<2048x128xf32, #tpu.memory_space<vmem>>, vector<2048x128xf32>,
    return
  }
  func.func @transform_0(%arg0: i32) -> (i32, i32) {
    %c0_i32 = arith.constant 0 : i32
    %c0_i32_0 = arith.constant 0 : i32
    return %arg0, %c0_i32 : i32, i32
  }
  func.func @transform_1(%arg0: i32) -> (i32, i32, i32) {
    %c0_i32 = arith.constant 0 : i32
    %c0_i32_0 = arith.constant 0 : i32
    %c0_i32_1 = arith.constant 0 : i32
    return %c0_i32, %arg0, %c0_i32_0 : i32, i32, i32
  }
  func.func @transform_2(%arg0: i32) -> (i32, i32) {
    %c0_i32 = arith.constant 0 : i32
    %c0_i32_0 = arith.constant 0 : i32
    return %arg0, %c0_i32 : i32, i32
  }
  func.func @transform_3(%arg0: i32) -> (i32, i32) {
    %c0_i32 = arith.constant 0 : i32
    %c0_i32_0 = arith.constant 0 : i32
    return %arg0, %c0_i32 : i32, i32
  }
}

module attributes {stable_mosaic.version = 14 : i64} {
  func.func @_mid_body(%arg0: i32, %arg1: memref<2x2048x128xf32, #tpu.memory_space<vmem>>, %arg2: memref<2048x128xf32, #tpu.memory_space<vmem>>, %arg3: memref<2048x16xf32, #tpu.memory_space<vmem>>, %arg4: memref<1x128xf32, #tpu.memory_space<vmem>>, %arg5: memref<128x128xf32, #tpu.memory_space<vmem>>, %arg6: memref<2048x128xf32, #tpu.memory_space<vmem>>) attributes {dimension_semantics = [#tpu.dimension_semantics<arbitrary>], iteration_bounds = array<i64: 5>, scalar_prefetch = 0 : i64, scratch_operands = 0 : i64, tpu.core_type = #tpu.core_type<tc>, window_params = [{transform_indices = @transform_0, window_bounds = array<i64: 2, 2048, 128>}, {transform_indices = @transform_1, window_bounds = array<i64: 2048, 128>}, {transform_indices = @transform_2, window_bounds = array<i64: 2048, 16>}, {pipeline_mode = #tpu.pipeline_mode<synchronous>, transform_indices = @transform_3, window_bounds = array<i64: 1, 128>}, {pipeline_mode = #tpu.pipeline_mode<synchronous>, transform_indices = @transform_4, window_bounds = array<i64: 128, 128>}, {transform_indices = @transform_5, window_bounds = array<i64: 2048, 128>}]} {
    %get3A = arith.constant 0 : index
    %get3A_0 = arith.constant 0 : index
    %get3A_1 = vector.load %arg3[%get3A, %get3A_0] : memref<2048x16xf32, #tpu.memory_space<vmem>>, vector<2048x1xf32>
    %get3A_2 = arith.constant 0 : index
    %get3A_3 = arith.constant 0 : index
    %get3A_4 = arith.constant 0 : index
    %get3A_5 = vector.load %arg1[%get3A_2, %get3A_3, %get3A_4] : memref<2x2048x128xf32, #tpu.memory_space<vmem>>, vector<1x2048x128xf32>
    %get3A_6 = vector.shape_cast %get3A_5 : vector<1x2048x128xf32> to vector<2048x128xf32>
    %get3A_7 = arith.constant 1 : index
    %get3A_8 = arith.constant 0 : index
    %get3A_9 = arith.constant 0 : index
    %get3A_10 = vector.load %arg1[%get3A_7, %get3A_8, %get3A_9] : memref<2x2048x128xf32, #tpu.memory_space<vmem>>, vector<1x2048x128xf32>
    %get3A_11 = vector.shape_cast %get3A_10 : vector<1x2048x128xf32> to vector<2048x128xf32>
    %add3A = arith.addf %get3A_6, %get3A_11 : vector<2048x128xf32>
    %get3A_12 = arith.constant 0 : index
    %get3A_13 = arith.constant 0 : index
    %get3A_14 = vector.load %arg2[%get3A_12, %get3A_13] : memref<2048x128xf32, #tpu.memory_space<vmem>>, vector<2048x128xf32>
    %add3A_15 = arith.addf %add3A, %get3A_14 : vector<2048x128xf32>
    %get3A_16 = arith.constant 0 : index
    %get3A_17 = arith.constant 0 : index
    %get3A_18 = vector.load %arg5[%get3A_16, %get3A_17] : memref<128x128xf32, #tpu.memory_space<vmem>>, vector<128x128xf32>
    %dot_general3A = arith.constant dense<0.000000e+00> : vector<2048x128xf32>
    %dot_general3A_19 = tpu.matmul %add3A_15, %get3A_18, %dot_general3A {dimension_numbers = #tpu.dot_dimension_numbers<[1], [0], [0], [1], [0, 0, 1, 1], [], []>, transpose_lhs_hint = false} : vector<2048x128xf32>, vector<128x128xf32>, vector<2048x128xf32> -> vector<2048x128xf32>
    %mul3A = vector.broadcast %get3A_1 : vector<2048x1xf32> to vector<2048x128xf32>
    %mul3A_20 = arith.mulf %dot_general3A_19, %mul3A : vector<2048x128xf32>
    %get3A_21 = arith.constant 0 : index
    %get3A_22 = arith.constant 0 : index
    %get3A_23 = vector.load %arg4[%get3A_21, %get3A_22] : memref<1x128xf32, #tpu.memory_space<vmem>>, vector<1x128xf32>
    %add3A_24 = vector.broadcast %get3A_23 : vector<1x128xf32> to vector<2048x128xf32>
    %add3A_25 = arith.addf %mul3A_20, %add3A_24 : vector<2048x128xf32>
    %max3A = arith.constant 0.000000e+00 : f32
    %max3A_26 = vector.broadcast %max3A : f32 to vector<2048x128xf32>
    %max3A_27 = arith.maximumf %add3A_25, %max3A_26 : vector<2048x128xf32>
    %mul3A_28 = vector.broadcast %get3A_1 : vector<2048x1xf32> to vector<2048x128xf32>
    %mul3A_29 = arith.mulf %max3A_27, %mul3A_28 : vector<2048x128xf32>
    %swap3A = arith.constant 0 : index
    %swap3A_30 = arith.constant 0 : index
    %swap3A_31 = vector.load %arg6[%swap3A, %swap3A_30] : memref<2048x128xf32, #tpu.memory_space<vmem>>, vector<2048x128xf32>
    tpu.vector_store %arg6[%swap3A, %swap3A_30], %mul3A_29 {strides = array<i32>} : memref<2048x128xf32, #tpu.memory_space<vmem>>, vector<2048x128xf32>,
    return
  }
  func.func @transform_0(%arg0: i32) -> (i32, i32, i32) {
    %c0_i32 = arith.constant 0 : i32
    %c0_i32_0 = arith.constant 0 : i32
    %c0_i32_1 = arith.constant 0 : i32
    return %c0_i32, %arg0, %c0_i32_0 : i32, i32, i32
  }
  func.func @transform_1(%arg0: i32) -> (i32, i32) {
    %c0_i32 = arith.constant 0 : i32
    %c0_i32_0 = arith.constant 0 : i32
    return %arg0, %c0_i32 : i32, i32
  }
  func.func @transform_2(%arg0: i32) -> (i32, i32) {
    %c0_i32 = arith.constant 0 : i32
    %c0_i32_0 = arith.constant 0 : i32
    return %arg0, %c0_i32 : i32, i32
  }
  func.func @transform_3(%arg0: i32) -> (i32, i32) {
    %c0_i32 = arith.constant 0 : i32
    %c0_i32_0 = arith.constant 0 : i32
    %c0_i32_1 = arith.constant 0 : i32
    return %c0_i32, %c0_i32_0 : i32, i32
  }
  func.func @transform_4(%arg0: i32) -> (i32, i32) {
    %c0_i32 = arith.constant 0 : i32
    %c0_i32_0 = arith.constant 0 : i32
    %c0_i32_1 = arith.constant 0 : i32
    return %c0_i32, %c0_i32_0 : i32, i32
  }
  func.func @transform_5(%arg0: i32) -> (i32, i32) {
    %c0_i32 = arith.constant 0 : i32
    %c0_i32_0 = arith.constant 0 : i32
    return %arg0, %c0_i32 : i32, i32
  }
}

module attributes {stable_mosaic.version = 14 : i64} {
  func.func @_fin_body(%arg0: i32, %arg1: memref<2x2048x128xf32, #tpu.memory_space<vmem>>, %arg2: memref<2048x128xf32, #tpu.memory_space<vmem>>, %arg3: memref<2048x16xf32, #tpu.memory_space<vmem>>, %arg4: memref<1x128xf32, #tpu.memory_space<vmem>>, %arg5: memref<128x128xf32, #tpu.memory_space<vmem>>, %arg6: memref<128x1xf32, #tpu.memory_space<vmem>>, %arg7: memref<1x1xf32, #tpu.memory_space<vmem>>, %arg8: memref<2048x1xf32, #tpu.memory_space<vmem>>) attributes {dimension_semantics = [#tpu.dimension_semantics<arbitrary>], iteration_bounds = array<i64: 5>, scalar_prefetch = 0 : i64, scratch_operands = 0 : i64, tpu.core_type = #tpu.core_type<tc>, window_params = [{transform_indices = @transform_0, window_bounds = array<i64: 2, 2048, 128>}, {transform_indices = @transform_1, window_bounds = array<i64: 2048, 128>}, {transform_indices = @transform_2, window_bounds = array<i64: 2048, 16>}, {pipeline_mode = #tpu.pipeline_mode<synchronous>, transform_indices = @transform_3, window_bounds = array<i64: 1, 128>}, {pipeline_mode = #tpu.pipeline_mode<synchronous>, transform_indices = @transform_4, window_bounds = array<i64: 128, 128>}, {pipeline_mode = #tpu.pipeline_mode<synchronous>, transform_indices = @transform_5, window_bounds = array<i64: 128, 1>}, {pipeline_mode = #tpu.pipeline_mode<synchronous>, transform_indices = @transform_6, window_bounds = array<i64: 1, 1>}, {transform_indices = @transform_7, window_bounds = array<i64: 2048, 1>}]} {
    %get3A = arith.constant 0 : index
    %get3A_0 = arith.constant 0 : index
    %get3A_1 = vector.load %arg3[%get3A, %get3A_0] : memref<2048x16xf32, #tpu.memory_space<vmem>>, vector<2048x1xf32>
    %get3A_2 = arith.constant 0 : index
    %get3A_3 = arith.constant 0 : index
    %get3A_4 = arith.constant 0 : index
    %get3A_5 = vector.load %arg1[%get3A_2, %get3A_3, %get3A_4] : memref<2x2048x128xf32, #tpu.memory_space<vmem>>, vector<1x2048x128xf32>
    %get3A_6 = vector.shape_cast %get3A_5 : vector<1x2048x128xf32> to vector<2048x128xf32>
    %get3A_7 = arith.constant 1 : index
    %get3A_8 = arith.constant 0 : index
    %get3A_9 = arith.constant 0 : index
    %get3A_10 = vector.load %arg1[%get3A_7, %get3A_8, %get3A_9] : memref<2x2048x128xf32, #tpu.memory_space<vmem>>, vector<1x2048x128xf32>
    %get3A_11 = vector.shape_cast %get3A_10 : vector<1x2048x128xf32> to vector<2048x128xf32>
    %add3A = arith.addf %get3A_6, %get3A_11 : vector<2048x128xf32>
    %get3A_12 = arith.constant 0 : index
    %get3A_13 = arith.constant 0 : index
    %get3A_14 = vector.load %arg2[%get3A_12, %get3A_13] : memref<2048x128xf32, #tpu.memory_space<vmem>>, vector<2048x128xf32>
    %add3A_15 = arith.addf %add3A, %get3A_14 : vector<2048x128xf32>
    %get3A_16 = arith.constant 0 : index
    %get3A_17 = arith.constant 0 : index
    %get3A_18 = vector.load %arg5[%get3A_16, %get3A_17] : memref<128x128xf32, #tpu.memory_space<vmem>>, vector<128x128xf32>
    %dot_general3A = arith.constant dense<0.000000e+00> : vector<2048x128xf32>
    %dot_general3A_19 = tpu.matmul %add3A_15, %get3A_18, %dot_general3A {dimension_numbers = #tpu.dot_dimension_numbers<[1], [0], [0], [1], [0, 0, 1, 1], [], []>, transpose_lhs_hint = false} : vector<2048x128xf32>, vector<128x128xf32>, vector<2048x128xf32> -> vector<2048x128xf32>
    %mul3A = vector.broadcast %get3A_1 : vector<2048x1xf32> to vector<2048x128xf32>
    %mul3A_20 = arith.mulf %dot_general3A_19, %mul3A : vector<2048x128xf32>
    %get3A_21 = arith.constant 0 : index
    %get3A_22 = arith.constant 0 : index
    %get3A_23 = vector.load %arg4[%get3A_21, %get3A_22] : memref<1x128xf32, #tpu.memory_space<vmem>>, vector<1x128xf32>
    %add3A_24 = vector.broadcast %get3A_23 : vector<1x128xf32> to vector<2048x128xf32>
    %add3A_25 = arith.addf %mul3A_20, %add3A_24 : vector<2048x128xf32>
    %max3A = arith.constant 0.000000e+00 : f32
    %max3A_26 = vector.broadcast %max3A : f32 to vector<2048x128xf32>
    %max3A_27 = arith.maximumf %add3A_25, %max3A_26 : vector<2048x128xf32>
    %get3A_28 = arith.constant 0 : index
    %get3A_29 = arith.constant 0 : index
    %get3A_30 = vector.load %arg6[%get3A_28, %get3A_29] : memref<128x1xf32, #tpu.memory_space<vmem>>, vector<128x1xf32>
    %dot_general3A_31 = arith.constant dense<0.000000e+00> : vector<2048x1xf32>
    %dot_general3A_32 = tpu.matmul %max3A_27, %get3A_30, %dot_general3A_31 {dimension_numbers = #tpu.dot_dimension_numbers<[1], [0], [0], [1], [0, 0, 1, 1], [], []>, transpose_lhs_hint = false} : vector<2048x128xf32>, vector<128x1xf32>, vector<2048x1xf32> -> vector<2048x1xf32>
    %get3A_33 = arith.constant 0 : index
    %get3A_34 = arith.constant 0 : index
    %get3A_35 = vector.load %arg7[%get3A_33, %get3A_34] : memref<1x1xf32, #tpu.memory_space<vmem>>, vector<1x1xf32>
    %add3A_36 = vector.broadcast %get3A_35 : vector<1x1xf32> to vector<2048x1xf32>
    %add3A_37 = arith.addf %dot_general3A_32, %add3A_36 : vector<2048x1xf32>
    %logistic3A = arith.negf %add3A_37 : vector<2048x1xf32>
    %logistic3A_38 = math.exp %logistic3A : vector<2048x1xf32>
    %logistic3A_39 = arith.constant 1.000000e+00 : f32
    %logistic3A_40 = vector.broadcast %logistic3A_39 : f32 to vector<2048x1xf32>
    %logistic3A_41 = arith.addf %logistic3A_40, %logistic3A_38 : vector<2048x1xf32>
    %logistic3A_42 = arith.divf %logistic3A_40, %logistic3A_41 : vector<2048x1xf32>
    %swap3A = arith.constant 0 : index
    %swap3A_43 = arith.constant 0 : index
    %swap3A_44 = vector.load %arg8[%swap3A, %swap3A_43] : memref<2048x1xf32, #tpu.memory_space<vmem>>, vector<2048x1xf32>
    tpu.vector_store %arg8[%swap3A, %swap3A_43], %logistic3A_42 {strides = array<i32>} : memref<2048x1xf32, #tpu.memory_space<vmem>>, vector<2048x1xf32>,
    return
  }
  func.func @transform_0(%arg0: i32) -> (i32, i32, i32) {
    %c0_i32 = arith.constant 0 : i32
    %c0_i32_0 = arith.constant 0 : i32
    %c0_i32_1 = arith.constant 0 : i32
    return %c0_i32, %arg0, %c0_i32_0 : i32, i32, i32
  }
  func.func @transform_1(%arg0: i32) -> (i32, i32) {
    %c0_i32 = arith.constant 0 : i32
    %c0_i32_0 = arith.constant 0 : i32
    return %arg0, %c0_i32 : i32, i32
  }
  func.func @transform_2(%arg0: i32) -> (i32, i32) {
    %c0_i32 = arith.constant 0 : i32
    %c0_i32_0 = arith.constant 0 : i32
    return %arg0, %c0_i32 : i32, i32
  }
  func.func @transform_3(%arg0: i32) -> (i32, i32) {
    %c0_i32 = arith.constant 0 : i32
    %c0_i32_0 = arith.constant 0 : i32
    %c0_i32_1 = arith.constant 0 : i32
    return %c0_i32, %c0_i32_0 : i32, i32
  }
  func.func @transform_4(%arg0: i32) -> (i32, i32) {
    %c0_i32 = arith.constant 0 : i32
    %c0_i32_0 = arith.constant 0 : i32
    %c0_i32_1 = arith.constant 0 : i32
    return %c0_i32, %c0_i32_0 : i32, i32
  }
  func.func @transform_5(%arg0: i32) -> (i32, i32) {
    %c0_i32 = arith.constant 0 : i32
    %c0_i32_0 = arith.constant 0 : i32
    %c0_i32_1 = arith.constant 0 : i32
    return %c0_i32, %c0_i32_0 : i32, i32
  }
  func.func @transform_6(%arg0: i32) -> (i32, i32) {
    %c0_i32 = arith.constant 0 : i32
    %c0_i32_0 = arith.constant 0 : i32
    %c0_i32_1 = arith.constant 0 : i32
    return %c0_i32, %c0_i32_0 : i32, i32
  }
  func.func @transform_7(%arg0: i32) -> (i32, i32) {
    %c0_i32 = arith.constant 0 : i32
    %c0_i32_0 = arith.constant 0 : i32
    return %arg0, %c0_i32 : i32, i32
  }
}

</mosaic_0001>

<sc_bundles>
// kernel: kernel.11.cloned.1.call-start
scs
__scs_entry_jumppad:
0x0: {  	(pc) =	sbr.rel $0x88, $3  }
0x1: {  	(tag) =	ssettag $0x0;
	lr =	simm.s32 $0x1  }
0x2: {  	[smem:$0x3F99] =	sst lr;
	_ =	strace $0xD0000000  }
0x3: {  	_ = 	snop  }
0x4: {  	_ = 	snop  }
0x5: {  	_ = 	snop  }
0x6: {  	_ = 	snop  }
0x7: {  	_ = 	snop  }
__scs_overlays_trampoline_lowered:
0x8: {  	[smem:$0x3FA8] =	sst s0  }
0x9: {  	[smem:$0x3FA9] =	sst s1  }
0xa: {  	[smem:$0x3FAA] =	sst s2  }
0xb: {  	[smem:$0x3FAB] =	sst s3  }
0xc: {  	[smem:$0x3FAC] =	sst s4  }
0xd: {  	[smem:$0x3FAD] =	sst s5  }
0xe: {  	[smem:$0x3FAE] =	sst s6  }
0xf: {  	[smem:$0x3FAF] =	sst s7  }
0x10: {  	[smem:$0x3FB0] =	sst s8  }
0x11: {  	[smem:$0x3FB1] =	sst s9;
	s0 =	simm.s32 @!p0 $0x0  }
0x12: {  	s1 =	sld [smem:$0x3F97];
	s0 =	simm.s32 @p0 $0x1  }
0x13: {  	[smem:$0x3FB2] =	sst s0;
	s0 =	simm.s32 @!p1 $0x0  }
0x14: {  	s2 =	sld [smem:$0x3F96];
	s0 =	simm.s32 @p1 $0x1  }
0x15: {  	[smem:$0x3FB3] =	sst s0;
	s0 =	simm.s32 @!p2 $0x0  }
0x16: {  	s3 =	sld [smem:$0x3FDB];
	s0 =	simm.s32 @p2 $0x1  }
0x17: {  	s4 =	simm.s32 $0x1BF5;
	[smem:$0x3FB5] =	sst s0  }
0x18: {  	s0 =	sld [smem:$0x3F98];
	_ =	swait.ge [sflag:s4], $0x0  }
0x19: {  	s7 =	sld [smem:$0x3F99]  }
0x1a: {  	s8 =	sadd.s32 $0xFFFFE003, lr  }
0x1b: {  	s9 =	sadd.s32 $0xFFFFFEF7, lr;
	s5 =	simm.s32 $0xFFFFFFFF;
	p2 =	slt.u32 s8, $0xFFFFF086  }
0x1c: {  	p1 =	slt.u32 s9, $0xF7A;
	s5 =	simm.s32 @!p2 $0x0  }
0x1d: {  	s5 =	simm.s32 @p1 $0x1;
	p0 =	seq.s32 s7, s2  }
0x1e: {  	s7 =	smul.u32 @!p0 $0xF7A, s2;
	p2 =	seq.s32 @!p0 s5, $0x0  }
0x1f: {  	s9 =	smul.u32 $0xF7A, s1;
	s8 =	simm.s32 @!p0 $0x1BF5;
	p2 =	por !p2, p0  }
0x20: {  	[sflag:s8] =	ssyncset.s32 @!p0 $0xFFFFF086;
	s6 =	sadd.s32 @!p0 s3, s7;
	s7 =	simm.s32 @!p0 $0x108  }
0x21: {  	s3 =	sadd.s32 s3, s9;
	s6 =	sadd.s32 @!p0 $0x88, s6;
	s7 =	simm.s32 @p2 $0x1082  }
0x22: {  	[simem:s7], [sflag:s8] =	dma.local @!p0 [hbm:s6], $0xF7A  }
0x23: {  	s9 =	sor.u32 $0xD0000000, s2;
	s6 =	simm.s32 $0x108;
	_ =	swait.ge @!p0 [sflag:s8], $0x0  }
0x24: {  	s3 =	sadd.s32 $0x88, s3;
	s6 =	simm.s32 @!p1 $0x1082;
	[sflag:s4] =	ssyncset.s32 $0xFFFFF086  }
0x25: {  	[simem:s6], [sflag:s4] =	dma.local [hbm:s3], $0xF7A  }
0x26: {  	[smem:$0x3F99] =	sst s1;
	(tag) =	ssettag s2;
	_ =	strace s9  }
0x27: {  	s1 =	sld [smem:$0x3FA9]  }
0x28: {  	s2 =	sld [smem:$0x3FAA]  }
0x29: {  	s4 =	sld [smem:$0x3FAC]  }
0x2a: {  	p0 =	seq.s32 s5, $0x0;
	s5 =	sld [smem:$0x3FAD]  }
0x2b: {  	s6 =	sld [smem:$0x3FAE]  }
0x2c: {  	s7 =	sld [smem:$0x3FAF]  }
0x2d: {  	s3 =	simm.s32 $0x108;
	s8 =	sld [smem:$0x3FB0]  }
0x2e: {  	s3 =	simm.s32 @!p0 $0x1082;
	s9 =	sld [smem:$0x3FB1]  }
0x2f: {  	lr =	sadd.s32 s0, s3;
	s0 =	sld [smem:$0x3FA8]  }
0x30: {  	s3 =	sld [smem:$0x3FAB]  }
0x31: {  	[smem:$0x3FB4] =	sst s10  }
0x32: {  	s10 =	sld [smem:$0x3FB2];
	_ =	sdelay $0x3  }
0x33: {  	p0 =	seq.s32 s10, $0x1;
	s10 =	sld [smem:$0x3FB4];
	_ =	sdelay $0x3  }
0x34: {  	[smem:$0x3FB4] =	sst s10  }
0x35: {  	s10 =	sld [smem:$0x3FB3];
	_ =	sdelay $0x3  }
0x36: {  	p1 =	seq.s32 s10, $0x1;
	s10 =	sld [smem:$0x3FB4];
	_ =	sdelay $0x3  }
0x37: {  	[smem:$0x3FB4] =	sst s10  }
0x38: {  	s10 =	sld [smem:$0x3FB5]  }
0x39: {  	_ = 	snop;
	(pc) =	sbr.ind lr, $3  }
0x3a: {  	_ = 	snop  }
0x3b: {  	_ = 	snop  }
0x3c: {  	p2 =	seq.s32 s10, $0x1;
	s10 =	sld [smem:$0x3FB4]  }
0x3d: {  	_ =	shalt  }
0x3e: {  	_ =	shalt  }
0x3f: {  	_ =	shalt  }
0x40: {  	_ =	shalt  }
0x41: {  	_ =	shalt  }
0x42: {  	_ =	shalt  }
0x43: {  	_ =	shalt  }
0x44: {  	_ =	shalt  }
0x45: {  	_ =	shalt  }
0x46: {  	_ =	shalt  }
0x47: {  	_ =	shalt  }
0x48: {  	_ =	shalt  }
0x49: {  	_ =	shalt  }
0x4a: {  	_ =	shalt  }
0x4b: {  	_ =	shalt  }
0x4c: {  	_ =	shalt  }
0x4d: {  	_ =	shalt  }
0x4e: {  	_ =	shalt  }
0x4f: {  	_ =	shalt  }
0x50: {  	_ =	shalt  }
0x51: {  	_ =	shalt  }
0x52: {  	_ =	shalt  }
0x53: {  	_ =	shalt  }
0x54: {  	_ =	shalt  }
0x55: {  	_ =	shalt  }
0x56: {  	_ =	shalt  }
0x57: {  	_ =	shalt  }
0x58: {  	_ =	shalt  }
0x59: {  	_ =	shalt  }
0x5a: {  	_ =	shalt  }
0x5b: {  	_ =	shalt  }
0x5c: {  	_ =	shalt  }
0x5d: {  	_ =	shalt  }
0x5e: {  	_ =	shalt  }
0x5f: {  	_ =	shalt  }
0x60: {  	_ =	shalt  }
0x61: {  	_ =	shalt  }
0x62: {  	_ =	shalt  }
0x63: {  	_ =	shalt  }
0x64: {  	_ =	shalt  }
0x65: {  	_ =	shalt  }
0x66: {  	_ =	shalt  }
0x67: {  	_ =	shalt  }
0x68: {  	_ =	shalt  }
0x69: {  	_ =	shalt  }
0x6a: {  	_ =	shalt  }
0x6b: {  	_ =	shalt  }
0x6c: {  	_ =	shalt  }
0x6d: {  	_ =	shalt  }
0x6e: {  	_ =	shalt  }
0x6f: {  	_ =	shalt  }
0x70: {  	_ =	shalt  }
0x71: {  	_ =	shalt  }
0x72: {  	_ =	shalt  }
0x73: {  	_ =	shalt  }
0x74: {  	_ =	shalt  }
0x75: {  	_ =	shalt  }
0x76: {  	_ =	shalt  }
0x77: {  	_ =	shalt  }
0x78: {  	_ =	shalt  }
0x79: {  	_ =	shalt  }
0x7a: {  	_ =	shalt  }
0x7b: {  	_ =	shalt  }
0x7c: {  	_ =	shalt  }
0x7d: {  	_ =	shalt  }
0x7e: {  	_ =	shalt  }
0x7f: {  	_ =	shalt  }
0x80: {  	_ =	shalt  }
0x81: {  	_ =	shalt  }
0x82: {  	_ =	shalt  }
0x83: {  	_ =	shalt  }
0x84: {  	_ =	shalt  }
0x85: {  	_ =	shalt  }
0x86: {  	_ =	shalt  }
0x87: {  	_ =	shalt  }
.Lfunc_end0:
.L_simem_size_0:
called_computation.1_lowered:
.L_overlay_start_0:
0x88: {  	s2 =	sld [smem:$0x3FD9]  }
0x89: {  	s3 =	sld [smem:$0x3FFE];
	_ =	sdelay $0x1  }
0x8a: {  	s1 =	srdreg.scid  }
0x8b: {  	s0 =	sand.u32 $0x1, s1  }
0x8c: {  	s16 =	sshll.u32 s0, $0xA;
	s2 =	sadd.s32 s3, s2  }
0x8d: {  	s2 =	sadd.s32 s2, s16  }
0x8e: {  	[smem:$0x3FC0] =	sst s2  }
0x8f: {  	_ = 	snop  }
0x90: {  	(tm) =	ssettm $0x1  }
0x91: {  	s17 =	sld [smem:$0x3FFB];
	_ =	sdelay $0x3  }
0x92: {  	_ =	strace s17  }
0x93: {  	s2 =	sld [smem:$0x3FFC];
	_ =	sdelay $0x3  }
0x94: {  	_ =	strace s2  }
0x95: {  	s2 =	sld [smem:$0x3FFD];
	_ =	sdelay $0x3  }
0x96: {  	_ =	strace s2  }
0x97: {  	_ =	strace $0x8FFFFFFF  }
0x98: {  	s18 =	sld [smem:$0x3FDB];
	_ =	sdelay $0x1  }
0x99: {  	s19 =	simm.s32 $_scs_section_size  }
0x9a: {  	s4 =	simm.s32 $_size__tile_overlayer_lowered;
	s5 =	simm.s32 $_tile_overlayer_lowered  }
0x9b: {  	s22 =	simm.s32 $0x1BFF;
	s21 =	sshll.u32 s5, $0x1;
	s2 =	sadd.s32 s19, s18  }
0x9c: {  	s6 =	simm.s32 $0x0;
	s20 =	sshll.u32 s4, $0x1;
	s4 =	sadd.s32 s21, s2  }
0x9d: {  	[timem:s6], [sflag:s22] =	dma.local [hbm:s4], s20  }
0x9e: {  	_ =	swait.ge [sflag:s22], s20  }
0x9f: {  	s3 =	ssub.s32 $0x0, s20;
	[sflag:s22] =	ssyncset.done $0x0  }
0xa0: {  	[sflag:s22] =	ssyncadd.s32 s3;
	_ =	sdelay $0x1  }
0xa1: {  	s23 =	simm.s32 $0x1B8B  }
0xa2: {  	_ =	swait.ge [sflag:s23], $0x1  }
0xa3: {  	[sflag:s23] =	ssyncset.done $0x0  }
0xa4: {  	s25 =	simm.s32 $0x1B8E;
	s24 =	sld [smem:$0x3FFE];
	[sflag:s23] =	ssyncadd.s32 $0xFFFFFFFF  }
0xa5: {  	s26 =	simm.s32 $execute0_lowered;
	[smem:$0x3FD2] =	sst s25  }
0xa6: {  	s4 =	sshll.u32 s26, $0x1;
	_ =	strace $0x80000049;
	[dreg:$0x1] =	wrdreg $0xFFFFFFFF  }
0xa7: {  	s28 =	simm.s32 $_size_execute0_lowered;
	s2 =	sadd.s32 s2, s4;
	[dreg:$0x0] =	wrdreg $0x0  }
0xa8: {  	s4 =	sshll.u32 s28, $0x1;
	[dreg:$0x2] =	wrdreg s2  }
0xa9: {  	[dreg:$0x3] =	wrdreg s4  }
0xaa: {  	[dreg:$0x4] =	wrdreg $0xC0  }
0xab: {  	_ =	task [dreg:s6], $0x5FFFF  }
0xac: {  	[dreg:$0x1] =	wrdreg $0xFFFFFFFF  }
0xad: {  	[dreg:$0x0] =	wrdreg $0x60  }
0xae: {  	[dreg:$0x2] =	wrdreg s24  }
0xaf: {  	[dreg:$0x3] =	wrdreg $0x0  }
0xb0: {  	[dreg:$0x4] =	wrdreg $0x9  }
0xb1: {  	_ =	task.clear_ibuf [dreg:s6], $0x5FFFF;
	_ =	strace $0x90000049  }
0xb2: {  	s29 =	simm.s32 $0x9;
	_ =	strace $0x8000004B  }
0xb3: {  	_ =	swait.ge [sflag:s29], $0x1  }
0xb4: {  	[sflag:s29] =	ssyncadd.s32 $0xFFFFFFFF  }
0xb5: {  	_ =	strace $0x9000004B  }
0xb6: {  	_ =	sfence  }
0xb7: {  	s30 =	sld [smem:$0x0];
	_ =	sdelay $0x2  }
0xb8: {  	s31 =	sshll.u32 s1, $0xD;
	s1 =	sshrl.u32 s1, $0x2  }
0xb9: {  	s3 =	sand.u32 $0x4000, s31;
	s1 =	sadd.s32 s1, s30  }
0xba: {  	s0 =	sor.u32 s3, s0;
	s1 =	sshll.u32 s1, $0x11  }
0xbb: {  	s0 =	sor.u32 s1, s0  }
0xbc: {  	s0 =	sadd.s32 $0x8F2B, s0  }
0xbd: {  	[sflag:s0] =	ssyncadd.remote.s32 $0x1  }
0xbe: {  	_ =	sfence.sel $0xFFFF  }
0xbf: {  	[dreg:$0x0] =	wrdreg $0xFFFFFFFF;
	(pc) =	sbr.abs _section_cstart, $3  }
0xc0: {  	[dreg:$0x1] =	wrdreg $0xFFFFFFFF  }
0xc1: {  	_ =	task.clear_ibuf [dreg:s6], $0x2FFFF;
	_ =	strace $0x9FFFFFFF  }
0xc2: {  	(tm) =	ssettm $0x7FFFFFFF  }
0xc3: {  	_ =	shalt  }
tec
execute0_lowered:
.L_overlay_start_1:
0x0: {  	(tag) =	ssettag $0x1  }
0x1: {  	s0 =	rddreg [dreg:$0x0];
	s1 =	srdreg.scid  }
0x2: {  	s2 =	rddreg [dreg:$0x1];
	s10 =	stileid.u32  }
0x3: {  	s3 =	simm.s32 $0x0;
	s1 =	sand.u32 $0x1, s1;
	s5 =	smul.u32 $0x14000, s10  }
0x4: {  	[smem:$0x7FF] =	sst s3;
	s8 =	smul.u32 $0x50000, s10;
	s30 =	sshll.u32 s10, $0x3  }
0x5: {  	s4 =	smul.u32 $0x140000, s1;
	_ =	strace $0x8000004A;
	s6 =	sshll.u32 s1, $0x7  }
0x6: {  	s17 =	ssub.s32 $0x2, s1;
	s1 =	sshll.u32 s1, $0x4;
	s7 =	sadd.s32 s6, s0  }
0x7: {  	s9 =	sshrl.u32 s17, $0x1;
	s1 =	sor.u32 s10, s1;
	s18 =	sshrl.u32 s8, $0x2  }
0x8: {  	s5 =	sadd.s32 s5, s4;
	s4 =	sadd.s32 $0x15C00, s0;
	p0 =	slt.u32 s1, $0x8  }
0x9: {  	s19 =	ssub.s32 s17, s9;
	s6 =	sadd.s32 s18, s2;
	s31 =	sadd.s32 s30, s7  }
0xa: {  	s5 =	sshrl.u32 s5, $0x3;
	s1 =	sadd.s32 $0x2000, s6;
	s20 =	sadd.s32 $0x4000, s6  }
0xb: {  	s21 =	sadd.s32 $0x6000, s6;
	s22 =	sadd.s32 $0x8000, s6;
	[dreg:$0x6] =	wrdreg s1  }
0xc: {  	s23 =	sadd.s32 $0xA000, s6;
	s24 =	sadd.s32 $0xC000, s6;
	[dreg:$0x7] =	wrdreg s20  }
0xd: {  	s25 =	sadd.s32 $0xE000, s6;
	s14 =	sadd.s32 $0x10000, s6;
	[dreg:$0x8] =	wrdreg s21  }
0xe: {  	s15 =	sadd.s32 $0x12000, s6;
	s17 =	smax.u32 s19, $0x1;
	[dreg:$0x9] =	wrdreg s22  }
0xf: {  	s0 =	sadd.s32 s5, s0;
	s5 =	simm.s32 $0x9D;
	[dreg:$0xa] =	wrdreg s23  }
0x10: {  	s18 =	sadd.s32 $0xBE00, s31;
	[dreg:$0xb] =	wrdreg s24;
	s5 =	simm.s32 @!p0 $0x9C  }
0x11: {  	s19 =	sadd.s32 $0x2000, s31;
	[dreg:$0xc] =	wrdreg s25;
	s26 =	sadd.s32 $0x4, s5  }
0x12: {  	s20 =	simm.s32 $0x14280;
	s28 =	sadd.s32 $0x3, s5;
	[dreg:$0x3] =	wrdreg s26  }
0x13: {  	s21 =	simm.s32 $0x10;
	s29 =	sor.u32 $0x2, s5;
	[dreg:$0x4] =	wrdreg s28  }
0x14: {  	v0 =	vimm.f32 $0.0e+00;
	s22 =	simm.s32 $0x15;
	s16 =	sadd.s32 $0x3DC00, s0;
	[dreg:$0x5] =	wrdreg s29  }
.LBB2_1:
0x15: {  	s0 =	simm.s32 $0x0;
	s1 =	simm.s32 $0x200  }
.LBB2_2:
0x16: {  	p0 =	sne.s32 s1, $0x7E00;
	[tilespmem:s0+$0x142F0] =	vst v0  }
0x17: {  	[tilespmem:s0+$0x14280] =	vst v0  }
0x18: {  	[tilespmem:s0+$0x14290] =	vst v0  }
.Ltmp0:
0x19: {  	[tilespmem:s0+$0x142A0] =	vst v0;
	(pc) =	sbr.rel @p0 .LBB2_2-.Ltmp0, $4  }
0x1a: {  	[tilespmem:s0+$0x142B0] =	vst v0  }
0x1b: {  	[tilespmem:s0+$0x142C0] =	vst v0  }
0x1c: {  	[tilespmem:s0+$0x142D0] =	vst v0  }
0x1d: {  	[tilespmem:s0+$0x142E0] =	vst v0;
	s0 =	sshra.s32 s1, $0x2;
	s1 =	sadd.s32 $0x200, s1  }
0x1e: {  	[tilespmem:s0+$0x142F0] =	vst v0  }
0x1f: {  	[tilespmem:s0+$0x14280] =	vst v0  }
0x20: {  	[tilespmem:s0+$0x14290] =	vst v0  }
0x21: {  	[tilespmem:s0+$0x142A0] =	vst v0  }
0x22: {  	[tilespmem:s0+$0x142B0] =	vst v0  }
0x23: {  	[tilespmem:s0+$0x142C0] =	vst v0  }
0x24: {  	[tilespmem:s0+$0x142D0] =	vst v0  }
0x25: {  	[tilespmem:s0+$0x142E0] =	vst v0  }
0x26: {  	[spmem:s6] =	stream.linear.scatter [tilespmem:s20], [sflag:$0x10], $0x2000, $0x38;
	[tilespmem:$0x1E500] =	vst v63  }
0x27: {  	s12 =	rddreg [dreg:$0x6]  }
0x28: {  	[spmem:s12] =	stream.linear.scatter [tilespmem:s20], [sflag:$0x10], $0x2000, $0x38;
	[tilespmem:$0x1E500] =	vst v63  }
0x29: {  	s13 =	rddreg [dreg:$0x7]  }
0x2a: {  	[spmem:s13] =	stream.linear.scatter [tilespmem:s20], [sflag:$0x10], $0x2000, $0x38;
	[tilespmem:$0x1E500] =	vst v63  }
0x2b: {  	s23 =	rddreg [dreg:$0x8]  }
0x2c: {  	[spmem:s23] =	stream.linear.scatter [tilespmem:s20], [sflag:$0x10], $0x2000, $0x38;
	[tilespmem:$0x1E500] =	vst v63  }
0x2d: {  	s24 =	rddreg [dreg:$0x9]  }
0x2e: {  	[spmem:s24] =	stream.linear.scatter [tilespmem:s20], [sflag:$0x10], $0x2000, $0x38;
	[tilespmem:$0x1E500] =	vst v63  }
0x2f: {  	s25 =	rddreg [dreg:$0xa]  }
0x30: {  	[spmem:s25] =	stream.linear.scatter [tilespmem:s20], [sflag:$0x10], $0x2000, $0x38;
	[tilespmem:$0x1E500] =	vst v63  }
0x31: {  	s26 =	rddreg [dreg:$0xb]  }
0x32: {  	[spmem:s26] =	stream.linear.scatter [tilespmem:s20], [sflag:$0x10], $0x2000, $0x38;
	[tilespmem:$0x1E500] =	vst v63  }
0x33: {  	s31 =	rddreg [dreg:$0xc]  }
0x34: {  	[spmem:s31] =	stream.linear.scatter [tilespmem:s20], [sflag:$0x10], $0x2000, $0x38;
	[tilespmem:$0x1E500] =	vst v63  }
0x35: {  	_ = 	snop  }
0x36: {  	[spmem:s14] =	stream.linear.scatter [tilespmem:s20], [sflag:$0x10], $0x2000, $0x38;
	[tilespmem:$0x1E500] =	vst v63  }
0x37: {  	_ = 	snop  }
0x38: {  	[spmem:s15] =	stream.linear.scatter [tilespmem:s20], [sflag:$0x10], $0x2000, $0x38;
	[tilespmem:$0x1E500] =	vst v63  }
0x39: {  	_ =	swait.ge [sflag:s21], $0x2000  }
0x3a: {  	[sflag:s21] =	ssyncset.done $0x0  }
0x3b: {  	[sflag:s21] =	ssyncadd.s32 $0xFFFFE000  }
0x3c: {  	_ =	swait.ge [sflag:s21], $0x2000  }
0x3d: {  	[sflag:s21] =	ssyncset.done $0x0  }
0x3e: {  	[sflag:s21] =	ssyncadd.s32 $0xFFFFE000  }
0x3f: {  	_ =	swait.ge [sflag:s21], $0x2000  }
0x40: {  	[sflag:s21] =	ssyncset.done $0x0  }
0x41: {  	[sflag:s21] =	ssyncadd.s32 $0xFFFFE000  }
0x42: {  	_ =	swait.ge [sflag:s21], $0x2000  }
0x43: {  	[sflag:s21] =	ssyncset.done $0x0  }
0x44: {  	[sflag:s21] =	ssyncadd.s32 $0xFFFFE000  }
0x45: {  	_ =	swait.ge [sflag:s21], $0x2000  }
0x46: {  	[sflag:s21] =	ssyncset.done $0x0  }
0x47: {  	[sflag:s21] =	ssyncadd.s32 $0xFFFFE000  }
0x48: {  	_ =	swait.ge [sflag:s21], $0x2000  }
0x49: {  	[sflag:s21] =	ssyncset.done $0x0  }
0x4a: {  	[sflag:s21] =	ssyncadd.s32 $0xFFFFE000  }
0x4b: {  	_ =	swait.ge [sflag:s21], $0x2000  }
0x4c: {  	[sflag:s21] =	ssyncset.done $0x0  }
0x4d: {  	[sflag:s21] =	ssyncadd.s32 $0xFFFFE000  }
0x4e: {  	_ =	swait.ge [sflag:s21], $0x2000  }
0x4f: {  	[sflag:s21] =	ssyncset.done $0x0  }
0x50: {  	[sflag:s21] =	ssyncadd.s32 $0xFFFFE000  }
0x51: {  	_ =	swait.ge [sflag:s21], $0x2000  }
0x52: {  	[sflag:s21] =	ssyncset.done $0x0  }
0x53: {  	[sflag:s21] =	ssyncadd.s32 $0xFFFFE000  }
0x54: {  	_ =	swait.ge [sflag:s21], $0x2000  }
0x55: {  	p0 =	sge.u32 s5, $0x0;
	[sflag:s21] =	ssyncset.done $0x0  }
0x56: {  	p1 =	por $0x1, $0x1;
	p2 =	por $0x0, $0x0;
	[sflag:s21] =	ssyncadd.s32 $0xFFFFE000  }
0x57: {  	p3 =	sle.u32 s5, $0x0;
	s0 =	simm.s32 @!p1 $0x10;
	[bflag:$0x0] =	sbarrier.arrive $0xFFFF  }
0x58: {  	p2 =	por !p2, !p0;
	p0 =	por p3, p3;
	_ =	swait.ge @!p1 [sflag:s0], $0x2000  }
0x59: {  	s1 =	sadd.s32 @!p0 $0x0, s19;
	s7 =	simm.s32 @!p0 $0x0;
	[sflag:s0] =	ssyncset.done @!p1 $0x0  }
0x5a: {  	s8 =	simm.s32 @!p0 $0x1E280;
	p2 =	por !p2, !p2;
	[sflag:s0] =	ssyncadd.s32 @!p1 $0xFFFFE000  }
0x5b: {  	[tilespmem:s8], [sflag:$0xB] =	stream.linear.gather @!p0 [hbm4b:s1+s7], $0x40, $0x38;
	[tilespmem:$0x1E500] =	vst v63  }
0x5c: {  	s25 =	simm.s32 @!p0 $0x14000;
	s0 =	sadd.s32 @!p0 $0x0, s18;
	s1 =	simm.s32 @p2 $0xF  }
0x5d: {  	[tilespmem:s25], [sflag:$0x6] =	stream.linear.gather @!p0 [hbm4b:s0+s7], $0x40, $0x38;
	[tilespmem:$0x1E500] =	vst v63  }
0x5e: {  	_ =	swait.ge @p2 [sflag:s1], $0x40  }
0x5f: {  	[sflag:s1] =	ssyncset.done @p2 $0x0  }
0x60: {  	[sflag:s1] =	ssyncadd.s32 @p2 $0xFFFFFFC0;
	s1 =	simm.s32 @p2 $0xA  }
0x61: {  	s9 =	simm.s32 @p2 $0x1E480;
	_ =	swait.ge @p2 [sflag:s1], $0x40  }
0x62: {  	s0 =	simm.s32 @p2 $0x1C280;
	[sflag:s1] =	ssyncset.done @p2 $0x0;
	s7 =	rddreg [dreg:$0x3]  }
0x63: {  	[sflag:s1] =	ssyncadd.s32 @p2 $0xFFFFFFC0;
	s1 =	simm.s32 @p2 $0x40;
	p3 =	sle.u32 @!p1 s7, $0x0  }
0x64: {  	[tilespmem:s0], [sflag:$0x5] =	stream.indirect.gather @p2 [hbm4b:s4+s1], $0x80, s9, s1, $0xb8;
	[tilespmem:$0x1E500] =	vst v63  }
0x65: {  	p4 =	por p3, p1  }
0x66: {  	s7 =	simm.s32 @!p4 $0x2  }
0x67: {  	p3 =	sle.u32 s5, $0x1;
	_ =	swait.ge @!p4 [sflag:s7], $0x2000  }
0x68: {  	s9 =	simm.s32 @!p4 $0x11;
	s23 =	simm.s32 @!p4 $0x16280;
	[sflag:s7] =	ssyncset.done @!p4 $0x0  }
0x69: {  	s24 =	simm.s32 @!p4 $0x14080;
	[sflag:s7] =	ssyncadd.s32 @!p4 $0xFFFFE000;
	s7 =	simm.s32 @!p4 $0x40  }
0x6a: {  	[spmem:s2] =	stream.indirect.scatter.add.f32 @!p4 [tilespmem:s23], [sflag:$0x11], $0x80, s24, s7, $0xb8;
	[tilespmem:$0x1E500] =	vst v63  }
0x6b: {  	s7 =	sadd.s32 @!p3 $0x0, s19;
	_ =	swait.ge @!p4 [sflag:s9], $0x2000  }
0x6c: {  	s23 =	sadd.s32 @!p3 $0x0, s18;
	s24 =	simm.s32 @!p3 $0x1E300;
	[sflag:s9] =	ssyncset.done @!p4 $0x0  }
0x6d: {  	s7 =	sadd.s32 @!p3 $0x100, s7;
	[sflag:s9] =	ssyncadd.s32 @!p4 $0xFFFFE000;
	s9 =	simm.s32 @!p3 $0x0  }
0x6e: {  	[tilespmem:s24], [sflag:$0xC] =	stream.linear.gather @!p3 [hbm4b:s7+s9], $0x40, $0x38;
	[tilespmem:$0x1E500] =	vst v63  }
0x6f: {  	s26 =	simm.s32 @!p0 $0xB;
	s7 =	sadd.s32 @!p3 $0x100, s23;
	s23 =	simm.s32 @!p3 $0x14080  }
0x70: {  	[tilespmem:s23], [sflag:$0x7] =	stream.linear.gather @!p3 [hbm4b:s7+s9], $0x40, $0x38;
	[tilespmem:$0x1E500] =	vst v63  }
0x71: {  	_ =	swait.ge @!p0 [sflag:s26], $0x40  }
0x72: {  	[sflag:s26] =	ssyncset.done @!p0 $0x0  }
0x73: {  	s7 =	simm.s32 @!p0 $0x6;
	[sflag:s26] =	ssyncadd.s32 @!p0 $0xFFFFFFC0  }
0x74: {  	_ =	swait.ge @!p0 [sflag:s7], $0x40  }
0x75: {  	s28 =	simm.s32 @!p0 $0x14280;
	[sflag:s7] =	ssyncset.done @!p0 $0x0;
	s9 =	rddreg [dreg:$0x4]  }
0x76: {  	s26 =	simm.s32 @!p0 $0x40;
	[sflag:s7] =	ssyncadd.s32 @!p0 $0xFFFFFFC0;
	p4 =	sle.u32 @!p1 s9, $0x0  }
0x77: {  	[tilespmem:s28], [sflag:$0x1] =	stream.indirect.gather @!p0 [hbm4b:s4+s26], $0x80, s8, s26, $0xb8;
	[tilespmem:$0x1E500] =	vst v63  }
0x78: {  	p5 =	por p4, p1  }
0x79: {  	s7 =	simm.s32 @!p5 $0x3  }
0x7a: {  	p4 =	sle.u32 s5, $0x2;
	_ =	swait.ge @!p5 [sflag:s7], $0x2000  }
0x7b: {  	s8 =	simm.s32 @!p5 $0x18280;
	s9 =	simm.s32 @!p5 $0x12;
	[sflag:s7] =	ssyncset.done @!p5 $0x0  }
0x7c: {  	s23 =	simm.s32 @!p5 $0x14100;
	[sflag:s7] =	ssyncadd.s32 @!p5 $0xFFFFE000;
	s7 =	simm.s32 @!p5 $0x40  }
0x7d: {  	[spmem:s2] =	stream.indirect.scatter.add.f32 @!p5 [tilespmem:s8], [sflag:$0x12], $0x80, s23, s7, $0xb8;
	[tilespmem:$0x1E500] =	vst v63  }
0x7e: {  	s7 =	sadd.s32 @!p4 $0x0, s19;
	_ =	swait.ge @!p5 [sflag:s9], $0x2000  }
0x7f: {  	s8 =	sadd.s32 @!p4 $0x0, s18;
	s23 =	simm.s32 @!p4 $0x1E380;
	[sflag:s9] =	ssyncset.done @!p5 $0x0  }
0x80: {  	s7 =	sadd.s32 @!p4 $0x200, s7;
	[sflag:s9] =	ssyncadd.s32 @!p5 $0xFFFFE000;
	s9 =	simm.s32 @!p4 $0x0  }
0x81: {  	[tilespmem:s23], [sflag:$0xD] =	stream.linear.gather @!p4 [hbm4b:s7+s9], $0x40, $0x38;
	[tilespmem:$0x1E500] =	vst v63  }
0x82: {  	s29 =	simm.s32 @!p3 $0xC;
	s7 =	sadd.s32 @!p4 $0x200, s8;
	s8 =	simm.s32 @!p4 $0x14100  }
0x83: {  	[tilespmem:s8], [sflag:$0x8] =	stream.linear.gather @!p4 [hbm4b:s7+s9], $0x40, $0x38;
	[tilespmem:$0x1E500] =	vst v63  }
0x84: {  	_ =	swait.ge @!p3 [sflag:s29], $0x40  }
0x85: {  	[sflag:s29] =	ssyncset.done @!p3 $0x0  }
0x86: {  	s7 =	simm.s32 @!p3 $0x7;
	[sflag:s29] =	ssyncadd.s32 @!p3 $0xFFFFFFC0  }
0x87: {  	_ =	swait.ge @!p3 [sflag:s7], $0x40  }
0x88: {  	s9 =	simm.s32 @!p3 $0x16280;
	[sflag:s7] =	ssyncset.done @!p3 $0x0  }
0x89: {  	s8 =	rddreg [dreg:$0x5];
	[sflag:s7] =	ssyncadd.s32 @!p3 $0xFFFFFFC0;
	s7 =	simm.s32 @!p3 $0x40  }
0x8a: {  	[tilespmem:s9], [sflag:$0x2] =	stream.indirect.gather @!p3 [hbm4b:s4+s7], $0x80, s24, s7, $0xb8;
	[tilespmem:$0x1E500] =	vst v63  }
0x8b: {  	p3 =	sle.u32 @!p1 s8, $0x0  }
0x8c: {  	p1 =	por p3, p1  }
0x8d: {  	s7 =	simm.s32 @!p1 $0x4  }
0x8e: {  	p5 =	sle.u32 s5, $0x3;
	_ =	swait.ge @!p1 [sflag:s7], $0x2000  }
0x8f: {  	s8 =	simm.s32 @!p1 $0x13;
	s9 =	simm.s32 @!p1 $0x14180;
	[sflag:s7] =	ssyncset.done @!p1 $0x0  }
0x90: {  	s24 =	simm.s32 @!p1 $0x1A280;
	s29 =	simm.s32 @!p1 $0x40;
	[sflag:s7] =	ssyncadd.s32 @!p1 $0xFFFFE000  }
0x91: {  	[spmem:s2] =	stream.indirect.scatter.add.f32 @!p1 [tilespmem:s24], [sflag:$0x13], $0x80, s9, s29, $0xb8;
	[tilespmem:$0x1E500] =	vst v63  }
0x92: {  	s7 =	sadd.s32 @!p5 $0x0, s19;
	_ =	swait.ge @!p1 [sflag:s8], $0x2000  }
0x93: {  	s9 =	sadd.s32 @!p5 $0x0, s18;
	s24 =	sadd.s32 @!p5 $0x300, s7;
	[sflag:s8] =	ssyncset.done @!p1 $0x0  }
0x94: {  	s29 =	simm.s32 @!p5 $0x0;
	s7 =	simm.s32 @!p5 $0x1E400;
	[sflag:s8] =	ssyncadd.s32 @!p1 $0xFFFFE000  }
0x95: {  	[tilespmem:s7], [sflag:$0xE] =	stream.linear.gather @!p5 [hbm4b:s24+s29], $0x40, $0x38;
	[tilespmem:$0x1E500] =	vst v63  }
0x96: {  	s8 =	sadd.s32 @!p5 $0x300, s9;
	s9 =	simm.s32 @!p5 $0x14180;
	s24 =	simm.s32 @!p4 $0xD  }
0x97: {  	[tilespmem:s9], [sflag:$0x9] =	stream.linear.gather @!p5 [hbm4b:s8+s29], $0x40, $0x38;
	[tilespmem:$0x1E500] =	vst v63  }
0x98: {  	_ =	swait.ge @!p4 [sflag:s24], $0x40  }
0x99: {  	[sflag:s24] =	ssyncset.done @!p4 $0x0  }
0x9a: {  	s8 =	simm.s32 @!p4 $0x8;
	[sflag:s24] =	ssyncadd.s32 @!p4 $0xFFFFFFC0  }
0x9b: {  	s30 =	simm.s32 $0xA;
	_ =	swait.ge @!p4 [sflag:s8], $0x40  }
0x9c: {  	p3 =	sge.u32 s5, $0x5;
	s9 =	simm.s32 @!p4 $0x40;
	[sflag:s8] =	ssyncset.done @!p4 $0x0  }
0x9d: {  	s24 =	simm.s32 @!p4 $0x18280;
	[sflag:s8] =	ssyncadd.s32 @!p4 $0xFFFFFFC0;
	s8 =	simm.s32 @p2 $0x5  }
0x9e: {  	[tilespmem:s24], [sflag:$0x3] =	stream.indirect.gather @!p4 [hbm4b:s4+s9], $0x80, s23, s9, $0xb8;
	[tilespmem:$0x1E500] =	vst v63  }
0x9f: {  	p1 =	sle.u32 s5, $0x4;
	s29 =	simm.s32 $0xA00;
	_ =	swait.ge @p2 [sflag:s8], $0x2000  }
0xa0: {  	s9 =	simm.s32 @p2 $0x14;
	s23 =	simm.s32 $0x500;
	[sflag:s8] =	ssyncset.done @p2 $0x0  }
0xa1: {  	s24 =	simm.s32 $0x5;
	[sflag:s8] =	ssyncadd.s32 @p2 $0xFFFFE000;
	s8 =	simm.s32 @p2 $0x14200  }
0xa2: {  	[spmem:s2] =	stream.indirect.scatter.add.f32 @p2 [tilespmem:s0], [sflag:$0x14], $0x80, s8, s1, $0xb8;
	[tilespmem:$0x1E500] =	vst v63  }
0xa3: {  	s0 =	sadd.s32 @!p1 $0x0, s19;
	s8 =	simm.s32 @!p1 $0x1E480;
	_ =	swait.ge @p2 [sflag:s9], $0x2000  }
0xa4: {  	s1 =	sadd.s32 @!p1 $0x400, s0;
	s0 =	simm.s32 @!p1 $0x0;
	[sflag:s9] =	ssyncset.done @p2 $0x0  }
0xa5: {  	[sflag:s9] =	ssyncadd.s32 @p2 $0xFFFFE000;
	p2 =	por $0x1, $0x1;
	s9 =	sadd.s32 @!p1 $0x0, s18  }
0xa6: {  	[tilespmem:s8], [sflag:$0xF] =	stream.linear.gather @!p1 [hbm4b:s1+s0], $0x40, $0x38;
	[tilespmem:$0x1E500] =	vst v63  }
0xa7: {  	s8 =	simm.s32 @!p5 $0xE;
	s1 =	simm.s32 @!p1 $0x14200;
	s9 =	sadd.s32 @!p1 $0x400, s9  }
.LBB2_4:
0xa8: {  	[tilespmem:s1], [sflag:$0xA] =	stream.linear.gather @!p1 [hbm4b:s9+s0], $0x40, $0x38;
	[tilespmem:$0x1E500] =	vst v63  }
0xa9: {  	p4 =	por !p2, !p3;
	p2 =	sle.u32 s30, s5  }
0xaa: {  	s0 =	simm.s32 @!p2 $0x0  }
0xab: {  	s0 =	simm.s32 @p2 $0x1  }
0xac: {  	[smem:$0x7FC] =	sst s0  }
0xad: {  	s31 =	smov.u32 s29;
	s29 =	sadd.s32 $0x500, s29;
	_ =	swait.ge @!p5 [sflag:s8], $0x40  }
0xae: {  	p3 =	sne.s32 s29, $0xA500;
	[sflag:s8] =	ssyncset.done @!p5 $0x0  }
0xaf: {  	[sflag:s8] =	ssyncadd.s32 @!p5 $0xFFFFFFC0;
	s8 =	simm.s32 @!p3 $0x0  }
0xb0: {  	s8 =	simm.s32 @p3 $0x1  }
0xb1: {  	s0 =	simm.s32 @!p5 $0x9;
	[smem:$0x7FD] =	sst s8  }
0xb2: {  	_ =	swait.ge @!p5 [sflag:s0], $0x40  }
0xb3: {  	s1 =	simm.s32 @!p0 $0x1;
	[sflag:s0] =	ssyncset.done @!p5 $0x0  }
0xb4: {  	s9 =	simm.s32 @!p5 $0x1A280;
	s8 =	simm.s32 @!p5 $0x40;
	[sflag:s0] =	ssyncadd.s32 @!p5 $0xFFFFFFC0  }
0xb5: {  	[tilespmem:s9], [sflag:$0x4] =	stream.indirect.gather @!p5 [hbm4b:s4+s8], $0x80, s7, s8, $0xb8;
	[tilespmem:$0x1E500] =	vst v63  }
0xb6: {  	_ =	swait.ge @!p0 [sflag:s1], $0x2000  }
0xb7: {  	p5 =	seq.s32 s23, $0x0;
	[sflag:s1] =	ssyncset.done @!p0 $0x0  }
0xb8: {  	p6 =	sge.u32 s24, s5;
	s0 =	simm.s32 @!p5 $0x10;
	[sflag:s1] =	ssyncadd.s32 @!p0 $0xFFFFE000  }
0xb9: {  	[spmem:s2] =	stream.indirect.scatter.add.f32 @!p0 [tilespmem:s28], [sflag:$0x10], $0x80, s25, s26, $0xb8;
	[tilespmem:$0x1E500] =	vst v63  }
0xba: {  	p0 =	por p6, p6;
	_ =	swait.ge @!p5 [sflag:s0], $0x2000  }
0xbb: {  	p4 =	por !p4, !p4;
	s1 =	sadd.s32 @!p0 s23, s19;
	[sflag:s0] =	ssyncset.done @!p5 $0x0  }
0xbc: {  	s8 =	simm.s32 @!p0 $0x0;
	s7 =	simm.s32 @!p0 $0x1E280;
	[sflag:s0] =	ssyncadd.s32 @!p5 $0xFFFFE000  }
0xbd: {  	[tilespmem:s7], [sflag:$0xB] =	stream.linear.gather @!p0 [hbm4b:s1+s8], $0x40, $0x38;
	[tilespmem:$0x1E500] =	vst v63  }
0xbe: {  	s25 =	simm.s32 @!p0 $0x14000;
	s0 =	sadd.s32 @!p0 s23, s18;
	s1 =	simm.s32 @p4 $0xF  }
0xbf: {  	[tilespmem:s25], [sflag:$0x6] =	stream.linear.gather @!p0 [hbm4b:s0+s8], $0x40, $0x38;
	[tilespmem:$0x1E500] =	vst v63  }
0xc0: {  	_ =	swait.ge @p4 [sflag:s1], $0x40  }
0xc1: {  	[sflag:s1] =	ssyncset.done @p4 $0x0  }
0xc2: {  	[sflag:s1] =	ssyncadd.s32 @p4 $0xFFFFFFC0;
	s1 =	simm.s32 @p4 $0xA  }
0xc3: {  	s26 =	simm.s32 @p4 $0x1E480;
	_ =	swait.ge @p4 [sflag:s1], $0x40  }
0xc4: {  	s0 =	simm.s32 @p4 $0x1C280;
	[sflag:s1] =	ssyncset.done @p4 $0x0;
	s9 =	rddreg [dreg:$0x3]  }
0xc5: {  	[sflag:s1] =	ssyncadd.s32 @p4 $0xFFFFFFC0;
	s1 =	simm.s32 @p4 $0x40;
	p1 =	sge.u32 @!p5 s24, s9  }
0xc6: {  	[tilespmem:s0], [sflag:$0x5] =	stream.indirect.gather @p4 [hbm4b:s4+s1], $0x80, s26, s1, $0xb8;
	[tilespmem:$0x1E500] =	vst v63  }
0xc7: {  	p3 =	por p1, p5  }
0xc8: {  	s10 =	sadd.s32 $0x1, s24;
	s8 =	simm.s32 @!p3 $0x2  }
0xc9: {  	p1 =	sge.u32 s10, s5;
	_ =	swait.ge @!p3 [sflag:s8], $0x2000  }
0xca: {  	s28 =	simm.s32 @!p3 $0x11;
	s10 =	simm.s32 @!p3 $0x16280;
	[sflag:s8] =	ssyncset.done @!p3 $0x0  }
0xcb: {  	s11 =	simm.s32 @!p3 $0x14080;
	[sflag:s8] =	ssyncadd.s32 @!p3 $0xFFFFE000;
	s8 =	simm.s32 @!p3 $0x40  }
0xcc: {  	[spmem:s2] =	stream.indirect.scatter.add.f32 @!p3 [tilespmem:s10], [sflag:$0x11], $0x80, s11, s8, $0xb8;
	[tilespmem:$0x1E500] =	vst v63  }
0xcd: {  	s9 =	sadd.s32 @!p1 s23, s19;
	_ =	swait.ge @!p3 [sflag:s28], $0x2000  }
0xce: {  	s26 =	sadd.s32 @!p1 s23, s18;
	s9 =	sadd.s32 @!p1 $0x100, s9;
	[sflag:s28] =	ssyncset.done @!p3 $0x0  }
0xcf: {  	s10 =	simm.s32 @!p1 $0x0;
	s8 =	simm.s32 @!p1 $0x1E300;
	[sflag:s28] =	ssyncadd.s32 @!p3 $0xFFFFE000  }
0xd0: {  	[tilespmem:s8], [sflag:$0xC] =	stream.linear.gather @!p1 [hbm4b:s9+s10], $0x40, $0x38;
	[tilespmem:$0x1E500] =	vst v63  }
0xd1: {  	s26 =	sadd.s32 @!p1 $0x100, s26;
	s11 =	simm.s32 @!p0 $0xB;
	s9 =	simm.s32 @!p1 $0x14080  }
0xd2: {  	[tilespmem:s9], [sflag:$0x7] =	stream.linear.gather @!p1 [hbm4b:s26+s10], $0x40, $0x38;
	[tilespmem:$0x1E500] =	vst v63  }
0xd3: {  	_ =	swait.ge @!p0 [sflag:s11], $0x40  }
0xd4: {  	[sflag:s11] =	ssyncset.done @!p0 $0x0  }
0xd5: {  	s9 =	simm.s32 @!p0 $0x6;
	[sflag:s11] =	ssyncadd.s32 @!p0 $0xFFFFFFC0  }
0xd6: {  	_ =	swait.ge @!p0 [sflag:s9], $0x40  }
0xd7: {  	s28 =	simm.s32 @!p0 $0x14280;
	[sflag:s9] =	ssyncset.done @!p0 $0x0;
	s10 =	rddreg [dreg:$0x4]  }
0xd8: {  	s26 =	simm.s32 @!p0 $0x40;
	[sflag:s9] =	ssyncadd.s32 @!p0 $0xFFFFFFC0;
	p3 =	sge.u32 @!p5 s24, s10  }
0xd9: {  	[tilespmem:s28], [sflag:$0x1] =	stream.indirect.gather @!p0 [hbm4b:s4+s26], $0x80, s7, s26, $0xb8;
	[tilespmem:$0x1E500] =	vst v63  }
0xda: {  	p3 =	por p3, p5  }
0xdb: {  	s11 =	sadd.s32 $0x2, s24;
	s7 =	simm.s32 @!p3 $0x3  }
0xdc: {  	p6 =	sge.u32 s11, s5;
	_ =	swait.ge @!p3 [sflag:s7], $0x2000  }
0xdd: {  	s11 =	simm.s32 @!p3 $0x18280;
	s12 =	simm.s32 @!p3 $0x12;
	[sflag:s7] =	ssyncset.done @!p3 $0x0  }
0xde: {  	s13 =	simm.s32 @!p3 $0x14100;
	[sflag:s7] =	ssyncadd.s32 @!p3 $0xFFFFE000;
	s7 =	simm.s32 @!p3 $0x40  }
0xdf: {  	[spmem:s2] =	stream.indirect.scatter.add.f32 @!p3 [tilespmem:s11], [sflag:$0x12], $0x80, s13, s7, $0xb8;
	[tilespmem:$0x1E500] =	vst v63  }
0xe0: {  	_ =	swait.ge @!p3 [sflag:s12], $0x2000  }
0xe1: {  	s9 =	sadd.s32 @!p6 s23, s19;
	s10 =	sadd.s32 @!p6 s23, s18;
	[sflag:s12] =	ssyncset.done @!p3 $0x0  }
0xe2: {  	s10 =	sadd.s32 @!p6 $0x200, s10;
	[sflag:s12] =	ssyncadd.s32 @!p3 $0xFFFFE000;
	s12 =	sld [smem:$0x7FC]  }
0xe3: {  	s7 =	sadd.s32 @!p6 $0x200, s9;
	s11 =	simm.s32 @!p6 $0x0;
	s9 =	simm.s32 @!p6 $0x1E380  }
0xe4: {  	[tilespmem:s9], [sflag:$0xD] =	stream.linear.gather @!p6 [hbm4b:s7+s11], $0x40, $0x38;
	[tilespmem:$0x1E500] =	vst v63  }
0xe5: {  	s7 =	simm.s32 @!p6 $0x14100;
	p3 =	seq.s32 s12, $0x1;
	s12 =	simm.s32 @!p1 $0xC  }
0xe6: {  	[tilespmem:s7], [sflag:$0x8] =	stream.linear.gather @!p6 [hbm4b:s10+s11], $0x40, $0x38;
	[tilespmem:$0x1E500] =	vst v63  }
0xe7: {  	_ =	swait.ge @!p1 [sflag:s12], $0x40  }
0xe8: {  	[sflag:s12] =	ssyncset.done @!p1 $0x0  }
0xe9: {  	s7 =	simm.s32 @!p1 $0x7;
	[sflag:s12] =	ssyncadd.s32 @!p1 $0xFFFFFFC0  }
0xea: {  	_ =	swait.ge @!p1 [sflag:s7], $0x40  }
0xeb: {  	s11 =	simm.s32 @!p1 $0x16280;
	[sflag:s7] =	ssyncset.done @!p1 $0x0  }
0xec: {  	s10 =	rddreg [dreg:$0x5];
	[sflag:s7] =	ssyncadd.s32 @!p1 $0xFFFFFFC0;
	s7 =	simm.s32 @!p1 $0x40  }
0xed: {  	[tilespmem:s11], [sflag:$0x2] =	stream.indirect.gather @!p1 [hbm4b:s4+s7], $0x80, s8, s7, $0xb8;
	[tilespmem:$0x1E500] =	vst v63  }
0xee: {  	p1 =	sge.u32 @!p5 s24, s10  }
0xef: {  	p1 =	por p1, p5  }
0xf0: {  	s7 =	sadd.s32 $0x3, s24;
	s8 =	simm.s32 @!p1 $0x4  }
0xf1: {  	p5 =	sge.u32 s7, s5;
	_ =	swait.ge @!p1 [sflag:s8], $0x2000  }
0xf2: {  	s10 =	simm.s32 @!p1 $0x13;
	s11 =	simm.s32 @!p1 $0x14180;
	[sflag:s8] =	ssyncset.done @!p1 $0x0  }
0xf3: {  	s12 =	simm.s32 @!p1 $0x1A280;
	s13 =	simm.s32 @!p1 $0x40;
	[sflag:s8] =	ssyncadd.s32 @!p1 $0xFFFFE000  }
0xf4: {  	[spmem:s2] =	stream.indirect.scatter.add.f32 @!p1 [tilespmem:s12], [sflag:$0x13], $0x80, s11, s13, $0xb8;
	[tilespmem:$0x1E500] =	vst v63  }
0xf5: {  	s7 =	sadd.s32 @!p5 s23, s19;
	_ =	swait.ge @!p1 [sflag:s10], $0x2000  }
0xf6: {  	s8 =	sadd.s32 @!p5 s23, s18;
	s11 =	sadd.s32 @!p5 $0x300, s7;
	[sflag:s10] =	ssyncset.done @!p1 $0x0  }
0xf7: {  	s13 =	simm.s32 @!p5 $0x0;
	s7 =	simm.s32 @!p5 $0x1E400;
	[sflag:s10] =	ssyncadd.s32 @!p1 $0xFFFFE000  }
0xf8: {  	[tilespmem:s7], [sflag:$0xE] =	stream.linear.gather @!p5 [hbm4b:s11+s13], $0x40, $0x38;
	[tilespmem:$0x1E500] =	vst v63  }
0xf9: {  	s12 =	sadd.s32 @!p5 $0x300, s8;
	s10 =	simm.s32 @!p5 $0x14180;
	s11 =	simm.s32 @!p6 $0xD  }
0xfa: {  	[tilespmem:s10], [sflag:$0x9] =	stream.linear.gather @!p5 [hbm4b:s12+s13], $0x40, $0x38;
	[tilespmem:$0x1E500] =	vst v63  }
0xfb: {  	_ =	swait.ge @!p6 [sflag:s11], $0x40  }
0xfc: {  	[sflag:s11] =	ssyncset.done @!p6 $0x0  }
0xfd: {  	s10 =	simm.s32 @!p6 $0x8;
	[sflag:s11] =	ssyncadd.s32 @!p6 $0xFFFFFFC0  }
0xfe: {  	_ =	swait.ge @!p6 [sflag:s10], $0x40  }
0xff: {  	s12 =	simm.s32 @!p6 $0x18280;
	[sflag:s10] =	ssyncset.done @!p6 $0x0  }
0x100: {  	s11 =	simm.s32 @!p6 $0x40;
	[sflag:s10] =	ssyncadd.s32 @!p6 $0xFFFFFFC0;
	s10 =	simm.s32 @p4 $0x5  }
0x101: {  	[tilespmem:s12], [sflag:$0x3] =	stream.indirect.gather @!p6 [hbm4b:s4+s11], $0x80, s9, s11, $0xb8;
	[tilespmem:$0x1E500] =	vst v63  }
0x102: {  	_ =	swait.ge @p4 [sflag:s10], $0x2000  }
0x103: {  	[sflag:s10] =	ssyncset.done @p4 $0x0  }
0x104: {  	s11 =	simm.s32 @p4 $0x14;
	[sflag:s10] =	ssyncadd.s32 @p4 $0xFFFFE000;
	s10 =	simm.s32 @p4 $0x14200  }
0x105: {  	[spmem:s2] =	stream.indirect.scatter.add.f32 @p4 [tilespmem:s0], [sflag:$0x14], $0x80, s10, s1, $0xb8;
	[tilespmem:$0x1E500] =	vst v63  }
0x106: {  	s13 =	sadd.s32 $0x4, s24;
	_ =	swait.ge @p4 [sflag:s11], $0x2000  }
0x107: {  	p1 =	sge.u32 s13, s5;
	[sflag:s11] =	ssyncset.done @p4 $0x0  }
0x108: {  	p2 =	sne.s32 s31, $0x0;
	s0 =	sadd.s32 @!p1 s23, s19;
	[sflag:s11] =	ssyncadd.s32 @p4 $0xFFFFE000  }
0x109: {  	s11 =	sadd.s32 @!p1 s23, s18;
	s23 =	smov.u32 s31;
	s31 =	sld [smem:$0x7FD]  }
0x10a: {  	_ =	sdelay $0x1  }
0x10b: {  	p4 =	seq.s32 s31, $0x1  }
.Ltmp1:
0x10c: {  	_ = 	snop;
	(pc) =	sbr.rel @p4 .LBB2_4-.Ltmp1, $4  }
0x10d: {  	s8 =	simm.s32 @!p5 $0xE;
	s24 =	smov.u32 s30  }
0x10e: {  	s10 =	simm.s32 @!p1 $0x1E480;
	s9 =	sadd.s32 @!p1 $0x400, s0;
	s0 =	simm.s32 @!p1 $0x0  }
0x10f: {  	[tilespmem:s10], [sflag:$0xF] =	stream.linear.gather @!p1 [hbm4b:s9+s0], $0x40, $0x38;
	[tilespmem:$0x1E500] =	vst v63  }
0x110: {  	s30 =	sadd.s32 $0x5, s30;
	s1 =	simm.s32 @!p1 $0x14200;
	s9 =	sadd.s32 @!p1 $0x400, s11  }
0x111: {  	[tilespmem:s1], [sflag:$0xA] =	stream.linear.gather @!p1 [hbm4b:s9+s0], $0x40, $0x38;
	[tilespmem:$0x1E500] =	vst v63  }
0x112: {  	_ =	swait.ge @!p5 [sflag:s8], $0x40  }
0x113: {  	[sflag:s8] =	ssyncset.done @!p5 $0x0  }
0x114: {  	s0 =	simm.s32 @!p5 $0x9;
	[sflag:s8] =	ssyncadd.s32 @!p5 $0xFFFFFFC0  }
0x115: {  	_ =	swait.ge @!p5 [sflag:s0], $0x40  }
0x116: {  	s1 =	simm.s32 @!p0 $0x1;
	[sflag:s0] =	ssyncset.done @!p5 $0x0  }
0x117: {  	s9 =	simm.s32 @!p5 $0x1A280;
	s8 =	simm.s32 @!p5 $0x40;
	[sflag:s0] =	ssyncadd.s32 @!p5 $0xFFFFFFC0  }
0x118: {  	[tilespmem:s9], [sflag:$0x4] =	stream.indirect.gather @!p5 [hbm4b:s4+s8], $0x80, s7, s8, $0xb8;
	[tilespmem:$0x1E500] =	vst v63  }
0x119: {  	_ =	swait.ge @!p0 [sflag:s1], $0x2000  }
0x11a: {  	p4 =	seq.s32 s23, $0x0;
	[sflag:s1] =	ssyncset.done @!p0 $0x0  }
0x11b: {  	p6 =	sge.u32 s24, s5;
	s0 =	simm.s32 @!p4 $0x10;
	[sflag:s1] =	ssyncadd.s32 @!p0 $0xFFFFE000  }
0x11c: {  	[spmem:s2] =	stream.indirect.scatter.add.f32 @!p0 [tilespmem:s28], [sflag:$0x10], $0x80, s25, s26, $0xb8;
	[tilespmem:$0x1E500] =	vst v63  }
0x11d: {  	p2 =	por !p2, !p3;
	p0 =	por p6, p6;
	_ =	swait.ge @!p4 [sflag:s0], $0x2000  }
0x11e: {  	p1 =	por !p2, !p2;
	s1 =	sadd.s32 @!p0 s23, s19;
	[sflag:s0] =	ssyncset.done @!p4 $0x0  }
0x11f: {  	s7 =	simm.s32 @!p0 $0x0;
	s8 =	simm.s32 @!p0 $0x1E280;
	[sflag:s0] =	ssyncadd.s32 @!p4 $0xFFFFE000  }
0x120: {  	[tilespmem:s8], [sflag:$0xB] =	stream.linear.gather @!p0 [hbm4b:s1+s7], $0x40, $0x38;
	[tilespmem:$0x1E500] =	vst v63  }
0x121: {  	s9 =	simm.s32 @p1 $0xF;
	s0 =	simm.s32 @!p0 $0x14000;
	s1 =	sadd.s32 @!p0 s23, s18  }
0x122: {  	[tilespmem:s0], [sflag:$0x6] =	stream.linear.gather @!p0 [hbm4b:s1+s7], $0x40, $0x38;
	[tilespmem:$0x1E500] =	vst v63  }
0x123: {  	_ =	swait.ge @p1 [sflag:s9], $0x40  }
0x124: {  	[sflag:s9] =	ssyncset.done @p1 $0x0  }
0x125: {  	s7 =	simm.s32 @p1 $0xA;
	[sflag:s9] =	ssyncadd.s32 @p1 $0xFFFFFFC0  }
0x126: {  	s10 =	simm.s32 @p1 $0x1E480;
	_ =	swait.ge @p1 [sflag:s7], $0x40  }
0x127: {  	s1 =	simm.s32 @p1 $0x1C280;
	[sflag:s7] =	ssyncset.done @p1 $0x0;
	s9 =	rddreg [dreg:$0x3]  }
0x128: {  	[sflag:s7] =	ssyncadd.s32 @p1 $0xFFFFFFC0;
	s7 =	simm.s32 @p1 $0x40;
	p2 =	sge.u32 @!p4 s24, s9  }
0x129: {  	[tilespmem:s1], [sflag:$0x5] =	stream.indirect.gather @p1 [hbm4b:s4+s7], $0x80, s10, s7, $0xb8;
	[tilespmem:$0x1E500] =	vst v63  }
0x12a: {  	p3 =	por p2, p4  }
0x12b: {  	s29 =	sadd.s32 $0x1, s24;
	s10 =	simm.s32 @!p3 $0x2  }
0x12c: {  	p2 =	sge.u32 s29, s5;
	_ =	swait.ge @!p3 [sflag:s10], $0x2000  }
0x12d: {  	s9 =	simm.s32 @!p3 $0x11;
	s11 =	simm.s32 @!p3 $0x16280;
	[sflag:s10] =	ssyncset.done @!p3 $0x0  }
0x12e: {  	s12 =	simm.s32 @!p3 $0x14080;
	[sflag:s10] =	ssyncadd.s32 @!p3 $0xFFFFE000;
	s10 =	simm.s32 @!p3 $0x40  }
0x12f: {  	[spmem:s2] =	stream.indirect.scatter.add.f32 @!p3 [tilespmem:s11], [sflag:$0x11], $0x80, s12, s10, $0xb8;
	[tilespmem:$0x1E500] =	vst v63  }
0x130: {  	s10 =	sadd.s32 @!p2 s23, s19;
	_ =	swait.ge @!p3 [sflag:s9], $0x2000  }
0x131: {  	s11 =	sadd.s32 @!p2 s23, s18;
	s12 =	simm.s32 @!p2 $0x1E300;
	[sflag:s9] =	ssyncset.done @!p3 $0x0  }
0x132: {  	s10 =	sadd.s32 @!p2 $0x100, s10;
	[sflag:s9] =	ssyncadd.s32 @!p3 $0xFFFFE000;
	s9 =	simm.s32 @!p2 $0x0  }
0x133: {  	[tilespmem:s12], [sflag:$0xC] =	stream.linear.gather @!p2 [hbm4b:s10+s9], $0x40, $0x38;
	[tilespmem:$0x1E500] =	vst v63  }
0x134: {  	s13 =	simm.s32 @!p0 $0xB;
	s10 =	sadd.s32 @!p2 $0x100, s11;
	s11 =	simm.s32 @!p2 $0x14080  }
0x135: {  	[tilespmem:s11], [sflag:$0x7] =	stream.linear.gather @!p2 [hbm4b:s10+s9], $0x40, $0x38;
	[tilespmem:$0x1E500] =	vst v63  }
0x136: {  	_ =	swait.ge @!p0 [sflag:s13], $0x40  }
0x137: {  	[sflag:s13] =	ssyncset.done @!p0 $0x0  }
0x138: {  	s9 =	simm.s32 @!p0 $0x6;
	[sflag:s13] =	ssyncadd.s32 @!p0 $0xFFFFFFC0  }
0x139: {  	_ =	swait.ge @!p0 [sflag:s9], $0x40  }
0x13a: {  	s25 =	simm.s32 @!p0 $0x40;
	[sflag:s9] =	ssyncset.done @!p0 $0x0;
	s10 =	rddreg [dreg:$0x4]  }
0x13b: {  	s26 =	simm.s32 @!p0 $0x14280;
	[sflag:s9] =	ssyncadd.s32 @!p0 $0xFFFFFFC0;
	p3 =	sge.u32 @!p4 s24, s10  }
0x13c: {  	[tilespmem:s26], [sflag:$0x1] =	stream.indirect.gather @!p0 [hbm4b:s4+s25], $0x80, s8, s25, $0xb8;
	[tilespmem:$0x1E500] =	vst v63  }
0x13d: {  	p5 =	por p3, p4  }
0x13e: {  	s30 =	sadd.s32 $0x2, s24;
	s9 =	simm.s32 @!p5 $0x3  }
0x13f: {  	p3 =	sge.u32 s30, s5;
	_ =	swait.ge @!p5 [sflag:s9], $0x2000  }
0x140: {  	s8 =	simm.s32 @!p5 $0x18280;
	s10 =	simm.s32 @!p5 $0x12;
	[sflag:s9] =	ssyncset.done @!p5 $0x0  }
0x141: {  	s11 =	simm.s32 @!p5 $0x14100;
	[sflag:s9] =	ssyncadd.s32 @!p5 $0xFFFFE000;
	s9 =	simm.s32 @!p5 $0x40  }
0x142: {  	[spmem:s2] =	stream.indirect.scatter.add.f32 @!p5 [tilespmem:s8], [sflag:$0x12], $0x80, s11, s9, $0xb8;
	[tilespmem:$0x1E500] =	vst v63  }
0x143: {  	s8 =	sadd.s32 @!p3 s23, s19;
	_ =	swait.ge @!p5 [sflag:s10], $0x2000  }
0x144: {  	s9 =	sadd.s32 @!p3 s23, s18;
	s11 =	simm.s32 @!p3 $0x1E380;
	[sflag:s10] =	ssyncset.done @!p5 $0x0  }
0x145: {  	s8 =	sadd.s32 @!p3 $0x200, s8;
	[sflag:s10] =	ssyncadd.s32 @!p5 $0xFFFFE000;
	s10 =	simm.s32 @!p3 $0x0  }
0x146: {  	[tilespmem:s11], [sflag:$0xD] =	stream.linear.gather @!p3 [hbm4b:s8+s10], $0x40, $0x38;
	[tilespmem:$0x1E500] =	vst v63  }
0x147: {  	s13 =	simm.s32 @!p2 $0xC;
	s8 =	sadd.s32 @!p3 $0x200, s9;
	s9 =	simm.s32 @!p3 $0x14100  }
0x148: {  	[tilespmem:s9], [sflag:$0x8] =	stream.linear.gather @!p3 [hbm4b:s8+s10], $0x40, $0x38;
	[tilespmem:$0x1E500] =	vst v63  }
0x149: {  	_ =	swait.ge @!p2 [sflag:s13], $0x40  }
0x14a: {  	[sflag:s13] =	ssyncset.done @!p2 $0x0  }
0x14b: {  	s8 =	simm.s32 @!p2 $0x7;
	[sflag:s13] =	ssyncadd.s32 @!p2 $0xFFFFFFC0  }
0x14c: {  	_ =	swait.ge @!p2 [sflag:s8], $0x40  }
0x14d: {  	s10 =	simm.s32 @!p2 $0x16280;
	[sflag:s8] =	ssyncset.done @!p2 $0x0  }
0x14e: {  	s9 =	rddreg [dreg:$0x5];
	[sflag:s8] =	ssyncadd.s32 @!p2 $0xFFFFFFC0;
	s8 =	simm.s32 @!p2 $0x40  }
0x14f: {  	[tilespmem:s10], [sflag:$0x2] =	stream.indirect.gather @!p2 [hbm4b:s4+s8], $0x80, s12, s8, $0xb8;
	[tilespmem:$0x1E500] =	vst v63  }
0x150: {  	p2 =	sge.u32 @!p4 s24, s9  }
0x151: {  	p4 =	por p2, p4  }
0x152: {  	s31 =	sadd.s32 $0x3, s24;
	s8 =	simm.s32 @!p4 $0x4  }
0x153: {  	p2 =	sge.u32 s31, s5;
	_ =	swait.ge @!p4 [sflag:s8], $0x2000  }
0x154: {  	s10 =	simm.s32 @!p4 $0x13;
	s12 =	simm.s32 @!p4 $0x14180;
	[sflag:s8] =	ssyncset.done @!p4 $0x0  }
0x155: {  	s13 =	simm.s32 @!p4 $0x1A280;
	s28 =	simm.s32 @!p4 $0x40;
	[sflag:s8] =	ssyncadd.s32 @!p4 $0xFFFFE000  }
0x156: {  	[spmem:s2] =	stream.indirect.scatter.add.f32 @!p4 [tilespmem:s13], [sflag:$0x13], $0x80, s12, s28, $0xb8;
	[tilespmem:$0x1E500] =	vst v63  }
0x157: {  	s8 =	sadd.s32 @!p2 s23, s19;
	_ =	swait.ge @!p4 [sflag:s10], $0x2000  }
0x158: {  	s9 =	sadd.s32 @!p2 s23, s18;
	s8 =	sadd.s32 @!p2 $0x300, s8;
	[sflag:s10] =	ssyncset.done @!p4 $0x0  }
0x159: {  	s12 =	simm.s32 @!p2 $0x0;
	s13 =	simm.s32 @!p2 $0x1E400;
	[sflag:s10] =	ssyncadd.s32 @!p4 $0xFFFFE000  }
0x15a: {  	[tilespmem:s13], [sflag:$0xE] =	stream.linear.gather @!p2 [hbm4b:s8+s12], $0x40, $0x38;
	[tilespmem:$0x1E500] =	vst v63  }
0x15b: {  	s10 =	simm.s32 @!p3 $0xD;
	s8 =	sadd.s32 @!p2 $0x300, s9;
	s9 =	simm.s32 @!p2 $0x14180  }
0x15c: {  	[tilespmem:s9], [sflag:$0x9] =	stream.linear.gather @!p2 [hbm4b:s8+s12], $0x40, $0x38;
	[tilespmem:$0x1E500] =	vst v63  }
0x15d: {  	_ =	swait.ge @!p3 [sflag:s10], $0x40  }
0x15e: {  	[sflag:s10] =	ssyncset.done @!p3 $0x0  }
0x15f: {  	s8 =	simm.s32 @!p3 $0x8;
	[sflag:s10] =	ssyncadd.s32 @!p3 $0xFFFFFFC0  }
0x160: {  	_ =	swait.ge @!p3 [sflag:s8], $0x40  }
0x161: {  	s9 =	simm.s32 @!p3 $0x40;
	[sflag:s8] =	ssyncset.done @!p3 $0x0  }
0x162: {  	s10 =	simm.s32 @!p3 $0x18280;
	[sflag:s8] =	ssyncadd.s32 @!p3 $0xFFFFFFC0;
	s8 =	simm.s32 @p1 $0x5  }
0x163: {  	[tilespmem:s10], [sflag:$0x3] =	stream.indirect.gather @!p3 [hbm4b:s4+s9], $0x80, s11, s9, $0xb8;
	[tilespmem:$0x1E500] =	vst v63  }
0x164: {  	_ =	swait.ge @p1 [sflag:s8], $0x2000  }
0x165: {  	s29 =	sadd.s32 $0x4, s24;
	s10 =	simm.s32 @p1 $0x14;
	[sflag:s8] =	ssyncset.done @p1 $0x0  }
0x166: {  	p3 =	sge.u32 s29, s5;
	[sflag:s8] =	ssyncadd.s32 @p1 $0xFFFFE000;
	s8 =	simm.s32 @p1 $0x14200  }
0x167: {  	[spmem:s2] =	stream.indirect.scatter.add.f32 @p1 [tilespmem:s1], [sflag:$0x14], $0x80, s8, s7, $0xb8;
	[tilespmem:$0x1E500] =	vst v63  }
0x168: {  	s9 =	sadd.s32 @!p3 s23, s18;
	_ =	swait.ge @p1 [sflag:s10], $0x2000  }
0x169: {  	s1 =	sadd.s32 @!p3 s23, s19;
	s7 =	simm.s32 @!p3 $0x0;
	[sflag:s10] =	ssyncset.done @p1 $0x0  }
0x16a: {  	s8 =	simm.s32 @!p3 $0x1E480;
	s1 =	sadd.s32 @!p3 $0x400, s1;
	[sflag:s10] =	ssyncadd.s32 @p1 $0xFFFFE000  }
0x16b: {  	[tilespmem:s8], [sflag:$0xF] =	stream.linear.gather @!p3 [hbm4b:s1+s7], $0x40, $0x38;
	[tilespmem:$0x1E500] =	vst v63  }
0x16c: {  	s9 =	sadd.s32 @!p3 $0x400, s9;
	s1 =	simm.s32 @!p2 $0xE;
	s8 =	simm.s32 @!p3 $0x14200  }
0x16d: {  	[tilespmem:s8], [sflag:$0xA] =	stream.linear.gather @!p3 [hbm4b:s9+s7], $0x40, $0x38;
	[tilespmem:$0x1E500] =	vst v63  }
0x16e: {  	_ =	swait.ge @!p2 [sflag:s1], $0x40  }
0x16f: {  	[sflag:s1] =	ssyncset.done @!p2 $0x0  }
0x170: {  	s7 =	simm.s32 @!p2 $0x9;
	[sflag:s1] =	ssyncadd.s32 @!p2 $0xFFFFFFC0  }
0x171: {  	_ =	swait.ge @!p2 [sflag:s7], $0x40  }
0x172: {  	s8 =	simm.s32 @!p2 $0x40;
	[sflag:s7] =	ssyncset.done @!p2 $0x0  }
0x173: {  	s9 =	simm.s32 @!p2 $0x1A280;
	s1 =	simm.s32 @!p0 $0x1;
	[sflag:s7] =	ssyncadd.s32 @!p2 $0xFFFFFFC0  }
0x174: {  	[tilespmem:s9], [sflag:$0x4] =	stream.indirect.gather @!p2 [hbm4b:s4+s8], $0x80, s13, s8, $0xb8;
	[tilespmem:$0x1E500] =	vst v63  }
0x175: {  	_ =	swait.ge @!p0 [sflag:s1], $0x2000  }
0x176: {  	[sflag:s1] =	ssyncset.done @!p0 $0x0  }
0x177: {  	s3 =	sadd.s32 $0x1, s3;
	s30 =	stileid.u32;
	[sflag:s1] =	ssyncadd.s32 @!p0 $0xFFFFE000  }
0x178: {  	[spmem:s2] =	stream.indirect.scatter.add.f32 @!p0 [tilespmem:s26], [sflag:$0x10], $0x80, s0, s25, $0xb8;
	[tilespmem:$0x1E500] =	vst v63  }
0x179: {  	s31 =	sshrl.u32 s6, $0x3;
	s0 =	sshll.u32 s30, $0x6;
	p0 =	sne.s32 s3, s17  }
.Ltmp2:
0x17a: {  	[bflag:$0x0] =	sbarrier.arrive $0xFFFF;
	s0 =	sor.u32 $0x1C15, s0;
	(pc) =	sbr.rel @p0 .LBB2_1-.Ltmp2, $4  }
0x17b: {  	[hbm:s16], [sflag:s0] =	dma.local [spmem:s31], $0x2800  }
0x17c: {  	_ =	swait.ge [sflag:s22], $0x2800  }
0x17d: {  	[sflag:s22] =	ssyncset.done $0x0  }
0x17e: {  	[sflag:s22] =	ssyncadd.s32 $0xFFFFD800  }
0x17f: {  	_ =	sfence.sel $0x180000  }
0x180: {  	[bflag:$0x0] =	sbarrier.arrive $0xFFFF  }
0x181: {  	_ =	strace $0x9000004A  }
0x182: {  	s0 =	stileid.u32;
	[bflag:$0x2] =	sbarrier.arrive $0xFFFF  }
0x183: {  	p0 =	sne.s32 s0, $0x0;
	s0 =	rddreg [dreg:$0x2]  }
0x184: {  	s0 =	sadd.s32 @!p0 $0x100000, s0  }
0x185: {  	[sflag:s0] =	ssyncadd.tile.s32 @!p0 $0x1;
	_ =	shalt  }
.Lfunc_end2:
_tile_overlayer_lowered:
.L_overlay_start_2:
0x186: {  	(tag) =	ssettag $0x2  }
0x187: {  	s0 =	rddreg [dreg:$0x0];
	s2 =	stileid.u32  }
0x188: {  	s1 =	rddreg [dreg:$0x1];
	p0 =	sne.s32 s2, $0x0  }
0x189: {  	s3 =	rddreg [dreg:$0x2];
	[bflag:$0x3] =	sbarrier.arrive $0xFFFF;
	s2 =	simm.s32 @!p0 $0x1C15  }
0x18a: {  	[timem:s3], [sflag:s2] =	dma.local @!p0 [hbm:s0], s1  }
0x18b: {  	s0 =	simm.s32 @!p0 $0x15  }
0x18c: {  	_ =	swait.ge @!p0 [sflag:s0], s1  }
0x18d: {  	s1 =	ssub.s32 @!p0 $0x0, s1;
	[sflag:s0] =	ssyncset.done @!p0 $0x0  }
0x18e: {  	[sflag:s0] =	ssyncadd.s32 @!p0 s1  }
0x18f: {  	[bflag:$0x3] =	sbarrier.arrive $0xFFFF  }
0x190: {  	_ =	shalt  }

// kernel: kernel.14.cloned.1.call-start
scs
__scs_entry_jumppad:
0x0: {  	(pc) =	sbr.rel $0x88, $3  }
0x1: {  	(tag) =	ssettag $0x0;
	lr =	simm.s32 $0x1  }
0x2: {  	[smem:$0x3F99] =	sst lr;
	_ =	strace $0xD0000000  }
0x3: {  	_ = 	snop  }
0x4: {  	_ = 	snop  }
0x5: {  	_ = 	snop  }
0x6: {  	_ = 	snop  }
0x7: {  	_ = 	snop  }
__scs_overlays_trampoline_lowered:
0x8: {  	[smem:$0x3FA8] =	sst s0  }
0x9: {  	[smem:$0x3FA9] =	sst s1  }
0xa: {  	[smem:$0x3FAA] =	sst s2  }
0xb: {  	[smem:$0x3FAB] =	sst s3  }
0xc: {  	[smem:$0x3FAC] =	sst s4  }
0xd: {  	[smem:$0x3FAD] =	sst s5  }
0xe: {  	[smem:$0x3FAE] =	sst s6  }
0xf: {  	[smem:$0x3FAF] =	sst s7  }
0x10: {  	[smem:$0x3FB0] =	sst s8  }
0x11: {  	[smem:$0x3FB1] =	sst s9;
	s0 =	simm.s32 @!p0 $0x0  }
0x12: {  	s1 =	sld [smem:$0x3F97];
	s0 =	simm.s32 @p0 $0x1  }
0x13: {  	[smem:$0x3FB2] =	sst s0;
	s0 =	simm.s32 @!p1 $0x0  }
0x14: {  	s2 =	sld [smem:$0x3F96];
	s0 =	simm.s32 @p1 $0x1  }
0x15: {  	[smem:$0x3FB3] =	sst s0;
	s0 =	simm.s32 @!p2 $0x0  }
0x16: {  	s3 =	sld [smem:$0x3FDB];
	s0 =	simm.s32 @p2 $0x1  }
0x17: {  	s4 =	simm.s32 $0x1BF5;
	[smem:$0x3FB5] =	sst s0  }
0x18: {  	s0 =	sld [smem:$0x3F98];
	_ =	swait.ge [sflag:s4], $0x0  }
0x19: {  	s7 =	sld [smem:$0x3F99]  }
0x1a: {  	s8 =	sadd.s32 $0xFFFFE003, lr  }
0x1b: {  	s9 =	sadd.s32 $0xFFFFFEF7, lr;
	s5 =	simm.s32 $0xFFFFFFFF;
	p2 =	slt.u32 s8, $0xFFFFF086  }
0x1c: {  	p1 =	slt.u32 s9, $0xF7A;
	s5 =	simm.s32 @!p2 $0x0  }
0x1d: {  	s5 =	simm.s32 @p1 $0x1;
	p0 =	seq.s32 s7, s2  }
0x1e: {  	s7 =	smul.u32 @!p0 $0xF7A, s2;
	p2 =	seq.s32 @!p0 s5, $0x0  }
0x1f: {  	s9 =	smul.u32 $0xF7A, s1;
	s8 =	simm.s32 @!p0 $0x1BF5;
	p2 =	por !p2, p0  }
0x20: {  	[sflag:s8] =	ssyncset.s32 @!p0 $0xFFFFF086;
	s6 =	sadd.s32 @!p0 s3, s7;
	s7 =	simm.s32 @!p0 $0x108  }
0x21: {  	s3 =	sadd.s32 s3, s9;
	s6 =	sadd.s32 @!p0 $0x88, s6;
	s7 =	simm.s32 @p2 $0x1082  }
0x22: {  	[simem:s7], [sflag:s8] =	dma.local @!p0 [hbm:s6], $0xF7A  }
0x23: {  	s9 =	sor.u32 $0xD0000000, s2;
	s6 =	simm.s32 $0x108;
	_ =	swait.ge @!p0 [sflag:s8], $0x0  }
0x24: {  	s3 =	sadd.s32 $0x88, s3;
	s6 =	simm.s32 @!p1 $0x1082;
	[sflag:s4] =	ssyncset.s32 $0xFFFFF086  }
0x25: {  	[simem:s6], [sflag:s4] =	dma.local [hbm:s3], $0xF7A  }
0x26: {  	[smem:$0x3F99] =	sst s1;
	(tag) =	ssettag s2;
	_ =	strace s9  }
0x27: {  	s1 =	sld [smem:$0x3FA9]  }
0x28: {  	s2 =	sld [smem:$0x3FAA]  }
0x29: {  	s4 =	sld [smem:$0x3FAC]  }
0x2a: {  	p0 =	seq.s32 s5, $0x0;
	s5 =	sld [smem:$0x3FAD]  }
0x2b: {  	s6 =	sld [smem:$0x3FAE]  }
0x2c: {  	s7 =	sld [smem:$0x3FAF]  }
0x2d: {  	s3 =	simm.s32 $0x108;
	s8 =	sld [smem:$0x3FB0]  }
0x2e: {  	s3 =	simm.s32 @!p0 $0x1082;
	s9 =	sld [smem:$0x3FB1]  }
0x2f: {  	lr =	sadd.s32 s0, s3;
	s0 =	sld [smem:$0x3FA8]  }
0x30: {  	s3 =	sld [smem:$0x3FAB]  }
0x31: {  	[smem:$0x3FB4] =	sst s10  }
0x32: {  	s10 =	sld [smem:$0x3FB2];
	_ =	sdelay $0x3  }
0x33: {  	p0 =	seq.s32 s10, $0x1;
	s10 =	sld [smem:$0x3FB4];
	_ =	sdelay $0x3  }
0x34: {  	[smem:$0x3FB4] =	sst s10  }
0x35: {  	s10 =	sld [smem:$0x3FB3];
	_ =	sdelay $0x3  }
0x36: {  	p1 =	seq.s32 s10, $0x1;
	s10 =	sld [smem:$0x3FB4];
	_ =	sdelay $0x3  }
0x37: {  	[smem:$0x3FB4] =	sst s10  }
0x38: {  	s10 =	sld [smem:$0x3FB5]  }
0x39: {  	_ = 	snop;
	(pc) =	sbr.ind lr, $3  }
0x3a: {  	_ = 	snop  }
0x3b: {  	_ = 	snop  }
0x3c: {  	p2 =	seq.s32 s10, $0x1;
	s10 =	sld [smem:$0x3FB4]  }
0x3d: {  	_ =	shalt  }
0x3e: {  	_ =	shalt  }
0x3f: {  	_ =	shalt  }
0x40: {  	_ =	shalt  }
0x41: {  	_ =	shalt  }
0x42: {  	_ =	shalt  }
0x43: {  	_ =	shalt  }
0x44: {  	_ =	shalt  }
0x45: {  	_ =	shalt  }
0x46: {  	_ =	shalt  }
0x47: {  	_ =	shalt  }
0x48: {  	_ =	shalt  }
0x49: {  	_ =	shalt  }
0x4a: {  	_ =	shalt  }
0x4b: {  	_ =	shalt  }
0x4c: {  	_ =	shalt  }
0x4d: {  	_ =	shalt  }
0x4e: {  	_ =	shalt  }
0x4f: {  	_ =	shalt  }
0x50: {  	_ =	shalt  }
0x51: {  	_ =	shalt  }
0x52: {  	_ =	shalt  }
0x53: {  	_ =	shalt  }
0x54: {  	_ =	shalt  }
0x55: {  	_ =	shalt  }
0x56: {  	_ =	shalt  }
0x57: {  	_ =	shalt  }
0x58: {  	_ =	shalt  }
0x59: {  	_ =	shalt  }
0x5a: {  	_ =	shalt  }
0x5b: {  	_ =	shalt  }
0x5c: {  	_ =	shalt  }
0x5d: {  	_ =	shalt  }
0x5e: {  	_ =	shalt  }
0x5f: {  	_ =	shalt  }
0x60: {  	_ =	shalt  }
0x61: {  	_ =	shalt  }
0x62: {  	_ =	shalt  }
0x63: {  	_ =	shalt  }
0x64: {  	_ =	shalt  }
0x65: {  	_ =	shalt  }
0x66: {  	_ =	shalt  }
0x67: {  	_ =	shalt  }
0x68: {  	_ =	shalt  }
0x69: {  	_ =	shalt  }
0x6a: {  	_ =	shalt  }
0x6b: {  	_ =	shalt  }
0x6c: {  	_ =	shalt  }
0x6d: {  	_ =	shalt  }
0x6e: {  	_ =	shalt  }
0x6f: {  	_ =	shalt  }
0x70: {  	_ =	shalt  }
0x71: {  	_ =	shalt  }
0x72: {  	_ =	shalt  }
0x73: {  	_ =	shalt  }
0x74: {  	_ =	shalt  }
0x75: {  	_ =	shalt  }
0x76: {  	_ =	shalt  }
0x77: {  	_ =	shalt  }
0x78: {  	_ =	shalt  }
0x79: {  	_ =	shalt  }
0x7a: {  	_ =	shalt  }
0x7b: {  	_ =	shalt  }
0x7c: {  	_ =	shalt  }
0x7d: {  	_ =	shalt  }
0x7e: {  	_ =	shalt  }
0x7f: {  	_ =	shalt  }
0x80: {  	_ =	shalt  }
0x81: {  	_ =	shalt  }
0x82: {  	_ =	shalt  }
0x83: {  	_ =	shalt  }
0x84: {  	_ =	shalt  }
0x85: {  	_ =	shalt  }
0x86: {  	_ =	shalt  }
0x87: {  	_ =	shalt  }
.Lfunc_end0:
.L_simem_size_0:
called_computation.2_lowered:
.L_overlay_start_0:
0x88: {  	s2 =	sld [smem:$0x3FD9]  }
0x89: {  	s3 =	sld [smem:$0x3FFE];
	_ =	sdelay $0x1  }
0x8a: {  	s1 =	srdreg.scid  }
0x8b: {  	s0 =	sand.u32 $0x1, s1  }
0x8c: {  	s16 =	sshll.u32 s0, $0xA;
	s2 =	sadd.s32 s3, s2  }
0x8d: {  	s2 =	sadd.s32 s2, s16  }
0x8e: {  	[smem:$0x3FC0] =	sst s2  }
0x8f: {  	_ = 	snop  }
0x90: {  	(tm) =	ssettm $0x1  }
0x91: {  	s17 =	sld [smem:$0x3FFB];
	_ =	sdelay $0x3  }
0x92: {  	_ =	strace s17  }
0x93: {  	s2 =	sld [smem:$0x3FFC];
	_ =	sdelay $0x3  }
0x94: {  	_ =	strace s2  }
0x95: {  	s2 =	sld [smem:$0x3FFD];
	_ =	sdelay $0x3  }
0x96: {  	_ =	strace s2  }
0x97: {  	_ =	strace $0x8FFFFFFF  }
0x98: {  	s18 =	sld [smem:$0x3FDB];
	_ =	sdelay $0x1  }
0x99: {  	s19 =	simm.s32 $_scs_section_size  }
0x9a: {  	s4 =	simm.s32 $_size__tile_overlayer_lowered;
	s5 =	simm.s32 $_tile_overlayer_lowered  }
0x9b: {  	s22 =	simm.s32 $0x1BFF;
	s21 =	sshll.u32 s5, $0x1;
	s2 =	sadd.s32 s19, s18  }
0x9c: {  	s6 =	simm.s32 $0x0;
	s20 =	sshll.u32 s4, $0x1;
	s4 =	sadd.s32 s21, s2  }
0x9d: {  	[timem:s6], [sflag:s22] =	dma.local [hbm:s4], s20  }
0x9e: {  	_ =	swait.ge [sflag:s22], s20  }
0x9f: {  	s3 =	ssub.s32 $0x0, s20;
	[sflag:s22] =	ssyncset.done $0x0  }
0xa0: {  	[sflag:s22] =	ssyncadd.s32 s3;
	_ =	sdelay $0x1  }
0xa1: {  	s23 =	simm.s32 $0x1B8B  }
0xa2: {  	_ =	swait.ge [sflag:s23], $0x1  }
0xa3: {  	[sflag:s23] =	ssyncset.done $0x0  }
0xa4: {  	s25 =	simm.s32 $0x1B8E;
	s24 =	sld [smem:$0x3FFE];
	[sflag:s23] =	ssyncadd.s32 $0xFFFFFFFF  }
0xa5: {  	s26 =	simm.s32 $execute0_lowered;
	[smem:$0x3FD2] =	sst s25  }
0xa6: {  	s4 =	sshll.u32 s26, $0x1;
	_ =	strace $0x8000004C;
	[dreg:$0x1] =	wrdreg $0xFFFFFFFF  }
0xa7: {  	s28 =	simm.s32 $_size_execute0_lowered;
	s2 =	sadd.s32 s2, s4;
	[dreg:$0x0] =	wrdreg $0x0  }
0xa8: {  	s4 =	sshll.u32 s28, $0x1;
	[dreg:$0x2] =	wrdreg s2  }
0xa9: {  	[dreg:$0x3] =	wrdreg s4  }
0xaa: {  	[dreg:$0x4] =	wrdreg $0xC0  }
0xab: {  	_ =	task [dreg:s6], $0x5FFFF  }
0xac: {  	[dreg:$0x1] =	wrdreg $0xFFFFFFFF  }
0xad: {  	[dreg:$0x0] =	wrdreg $0x60  }
0xae: {  	[dreg:$0x2] =	wrdreg s24  }
0xaf: {  	[dreg:$0x3] =	wrdreg $0x0  }
0xb0: {  	[dreg:$0x4] =	wrdreg $0x9  }
0xb1: {  	_ =	task.clear_ibuf [dreg:s6], $0x5FFFF;
	_ =	strace $0x9000004C  }
0xb2: {  	s29 =	simm.s32 $0x9;
	_ =	strace $0x8000004E  }
0xb3: {  	_ =	swait.ge [sflag:s29], $0x1  }
0xb4: {  	[sflag:s29] =	ssyncadd.s32 $0xFFFFFFFF  }
0xb5: {  	_ =	strace $0x9000004E  }
0xb6: {  	_ =	sfence  }
0xb7: {  	s30 =	sld [smem:$0x0];
	_ =	sdelay $0x2  }
0xb8: {  	s31 =	sshll.u32 s1, $0xD;
	s1 =	sshrl.u32 s1, $0x2  }
0xb9: {  	s3 =	sand.u32 $0x4000, s31;
	s1 =	sadd.s32 s1, s30  }
0xba: {  	s0 =	sor.u32 s3, s0;
	s1 =	sshll.u32 s1, $0x11  }
0xbb: {  	s0 =	sor.u32 s1, s0  }
0xbc: {  	s0 =	sadd.s32 $0x8F2B, s0  }
0xbd: {  	[sflag:s0] =	ssyncadd.remote.s32 $0x1  }
0xbe: {  	_ =	sfence.sel $0xFFFF  }
0xbf: {  	[dreg:$0x0] =	wrdreg $0xFFFFFFFF;
	(pc) =	sbr.abs _section_cstart, $3  }
0xc0: {  	[dreg:$0x1] =	wrdreg $0xFFFFFFFF  }
0xc1: {  	_ =	task.clear_ibuf [dreg:s6], $0x2FFFF;
	_ =	strace $0x9FFFFFFF  }
0xc2: {  	(tm) =	ssettm $0x7FFFFFFF  }
0xc3: {  	_ =	shalt  }
tec
execute0_lowered:
.L_overlay_start_1:
0x0: {  	(tag) =	ssettag $0x1  }
0x1: {  	s0 =	rddreg [dreg:$0x0];
	s1 =	srdreg.scid  }
0x2: {  	s2 =	rddreg [dreg:$0x1];
	s10 =	stileid.u32  }
0x3: {  	s3 =	simm.s32 $0x0;
	s1 =	sand.u32 $0x1, s1;
	s5 =	smul.u32 $0x14000, s10  }
0x4: {  	[smem:$0x7FF] =	sst s3;
	s8 =	smul.u32 $0x50000, s10;
	s30 =	sshll.u32 s10, $0x3  }
0x5: {  	s4 =	smul.u32 $0x140000, s1;
	_ =	strace $0x8000004D;
	s6 =	sshll.u32 s1, $0x7  }
0x6: {  	s17 =	ssub.s32 $0x2, s1;
	s1 =	sshll.u32 s1, $0x4;
	s7 =	sadd.s32 s6, s0  }
0x7: {  	s9 =	sshrl.u32 s17, $0x1;
	s1 =	sor.u32 s10, s1;
	s18 =	sshrl.u32 s8, $0x2  }
0x8: {  	s5 =	sadd.s32 s5, s4;
	s4 =	sadd.s32 $0x15C00, s0;
	p0 =	slt.u32 s1, $0x8  }
0x9: {  	s19 =	ssub.s32 s17, s9;
	s6 =	sadd.s32 s18, s2;
	s31 =	sadd.s32 s30, s7  }
0xa: {  	s5 =	sshrl.u32 s5, $0x3;
	s1 =	sadd.s32 $0x2000, s6;
	s20 =	sadd.s32 $0x4000, s6  }
0xb: {  	s21 =	sadd.s32 $0x6000, s6;
	s22 =	sadd.s32 $0x8000, s6;
	[dreg:$0x6] =	wrdreg s1  }
0xc: {  	s23 =	sadd.s32 $0xA000, s6;
	s24 =	sadd.s32 $0xC000, s6;
	[dreg:$0x7] =	wrdreg s20  }
0xd: {  	s25 =	sadd.s32 $0xE000, s6;
	s14 =	sadd.s32 $0x10000, s6;
	[dreg:$0x8] =	wrdreg s21  }
0xe: {  	s15 =	sadd.s32 $0x12000, s6;
	s17 =	smax.u32 s19, $0x1;
	[dreg:$0x9] =	wrdreg s22  }
0xf: {  	s0 =	sadd.s32 s5, s0;
	s5 =	simm.s32 $0x9D;
	[dreg:$0xa] =	wrdreg s23  }
0x10: {  	s18 =	sadd.s32 $0xBE00, s31;
	[dreg:$0xb] =	wrdreg s24;
	s5 =	simm.s32 @!p0 $0x9C  }
0x11: {  	s19 =	sadd.s32 $0x2000, s31;
	[dreg:$0xc] =	wrdreg s25;
	s26 =	sadd.s32 $0x4, s5  }
0x12: {  	s20 =	simm.s32 $0x14280;
	s28 =	sadd.s32 $0x3, s5;
	[dreg:$0x3] =	wrdreg s26  }
0x13: {  	s21 =	simm.s32 $0x10;
	s29 =	sor.u32 $0x2, s5;
	[dreg:$0x4] =	wrdreg s28  }
0x14: {  	v0 =	vimm.f32 $0.0e+00;
	s22 =	simm.s32 $0x15;
	s16 =	sadd.s32 $0x3DC00, s0;
	[dreg:$0x5] =	wrdreg s29  }
.LBB2_1:
0x15: {  	s0 =	simm.s32 $0x0;
	s1 =	simm.s32 $0x200  }
.LBB2_2:
0x16: {  	p0 =	sne.s32 s1, $0x7E00;
	[tilespmem:s0+$0x142F0] =	vst v0  }
0x17: {  	[tilespmem:s0+$0x14280] =	vst v0  }
0x18: {  	[tilespmem:s0+$0x14290] =	vst v0  }
.Ltmp0:
0x19: {  	[tilespmem:s0+$0x142A0] =	vst v0;
	(pc) =	sbr.rel @p0 .LBB2_2-.Ltmp0, $4  }
0x1a: {  	[tilespmem:s0+$0x142B0] =	vst v0  }
0x1b: {  	[tilespmem:s0+$0x142C0] =	vst v0  }
0x1c: {  	[tilespmem:s0+$0x142D0] =	vst v0  }
0x1d: {  	[tilespmem:s0+$0x142E0] =	vst v0;
	s0 =	sshra.s32 s1, $0x2;
	s1 =	sadd.s32 $0x200, s1  }
0x1e: {  	[tilespmem:s0+$0x142F0] =	vst v0  }
0x1f: {  	[tilespmem:s0+$0x14280] =	vst v0  }
0x20: {  	[tilespmem:s0+$0x14290] =	vst v0  }
0x21: {  	[tilespmem:s0+$0x142A0] =	vst v0  }
0x22: {  	[tilespmem:s0+$0x142B0] =	vst v0  }
0x23: {  	[tilespmem:s0+$0x142C0] =	vst v0  }
0x24: {  	[tilespmem:s0+$0x142D0] =	vst v0  }
0x25: {  	[tilespmem:s0+$0x142E0] =	vst v0  }
0x26: {  	[spmem:s6] =	stream.linear.scatter [tilespmem:s20], [sflag:$0x10], $0x2000, $0x38;
	[tilespmem:$0x1E500] =	vst v63  }
0x27: {  	s12 =	rddreg [dreg:$0x6]  }
0x28: {  	[spmem:s12] =	stream.linear.scatter [tilespmem:s20], [sflag:$0x10], $0x2000, $0x38;
	[tilespmem:$0x1E500] =	vst v63  }
0x29: {  	s13 =	rddreg [dreg:$0x7]  }
0x2a: {  	[spmem:s13] =	stream.linear.scatter [tilespmem:s20], [sflag:$0x10], $0x2000, $0x38;
	[tilespmem:$0x1E500] =	vst v63  }
0x2b: {  	s23 =	rddreg [dreg:$0x8]  }
0x2c: {  	[spmem:s23] =	stream.linear.scatter [tilespmem:s20], [sflag:$0x10], $0x2000, $0x38;
	[tilespmem:$0x1E500] =	vst v63  }
0x2d: {  	s24 =	rddreg [dreg:$0x9]  }
0x2e: {  	[spmem:s24] =	stream.linear.scatter [tilespmem:s20], [sflag:$0x10], $0x2000, $0x38;
	[tilespmem:$0x1E500] =	vst v63  }
0x2f: {  	s25 =	rddreg [dreg:$0xa]  }
0x30: {  	[spmem:s25] =	stream.linear.scatter [tilespmem:s20], [sflag:$0x10], $0x2000, $0x38;
	[tilespmem:$0x1E500] =	vst v63  }
0x31: {  	s26 =	rddreg [dreg:$0xb]  }
0x32: {  	[spmem:s26] =	stream.linear.scatter [tilespmem:s20], [sflag:$0x10], $0x2000, $0x38;
	[tilespmem:$0x1E500] =	vst v63  }
0x33: {  	s31 =	rddreg [dreg:$0xc]  }
0x34: {  	[spmem:s31] =	stream.linear.scatter [tilespmem:s20], [sflag:$0x10], $0x2000, $0x38;
	[tilespmem:$0x1E500] =	vst v63  }
0x35: {  	_ = 	snop  }
0x36: {  	[spmem:s14] =	stream.linear.scatter [tilespmem:s20], [sflag:$0x10], $0x2000, $0x38;
	[tilespmem:$0x1E500] =	vst v63  }
0x37: {  	_ = 	snop  }
0x38: {  	[spmem:s15] =	stream.linear.scatter [tilespmem:s20], [sflag:$0x10], $0x2000, $0x38;
	[tilespmem:$0x1E500] =	vst v63  }
0x39: {  	_ =	swait.ge [sflag:s21], $0x2000  }
0x3a: {  	[sflag:s21] =	ssyncset.done $0x0  }
0x3b: {  	[sflag:s21] =	ssyncadd.s32 $0xFFFFE000  }
0x3c: {  	_ =	swait.ge [sflag:s21], $0x2000  }
0x3d: {  	[sflag:s21] =	ssyncset.done $0x0  }
0x3e: {  	[sflag:s21] =	ssyncadd.s32 $0xFFFFE000  }
0x3f: {  	_ =	swait.ge [sflag:s21], $0x2000  }
0x40: {  	[sflag:s21] =	ssyncset.done $0x0  }
0x41: {  	[sflag:s21] =	ssyncadd.s32 $0xFFFFE000  }
0x42: {  	_ =	swait.ge [sflag:s21], $0x2000  }
0x43: {  	[sflag:s21] =	ssyncset.done $0x0  }
0x44: {  	[sflag:s21] =	ssyncadd.s32 $0xFFFFE000  }
0x45: {  	_ =	swait.ge [sflag:s21], $0x2000  }
0x46: {  	[sflag:s21] =	ssyncset.done $0x0  }
0x47: {  	[sflag:s21] =	ssyncadd.s32 $0xFFFFE000  }
0x48: {  	_ =	swait.ge [sflag:s21], $0x2000  }
0x49: {  	[sflag:s21] =	ssyncset.done $0x0  }
0x4a: {  	[sflag:s21] =	ssyncadd.s32 $0xFFFFE000  }
0x4b: {  	_ =	swait.ge [sflag:s21], $0x2000  }
0x4c: {  	[sflag:s21] =	ssyncset.done $0x0  }
0x4d: {  	[sflag:s21] =	ssyncadd.s32 $0xFFFFE000  }
0x4e: {  	_ =	swait.ge [sflag:s21], $0x2000  }
0x4f: {  	[sflag:s21] =	ssyncset.done $0x0  }
0x50: {  	[sflag:s21] =	ssyncadd.s32 $0xFFFFE000  }
0x51: {  	_ =	swait.ge [sflag:s21], $0x2000  }
0x52: {  	[sflag:s21] =	ssyncset.done $0x0  }
0x53: {  	[sflag:s21] =	ssyncadd.s32 $0xFFFFE000  }
0x54: {  	_ =	swait.ge [sflag:s21], $0x2000  }
0x55: {  	p0 =	sge.u32 s5, $0x0;
	[sflag:s21] =	ssyncset.done $0x0  }
0x56: {  	p1 =	por $0x1, $0x1;
	p2 =	por $0x0, $0x0;
	[sflag:s21] =	ssyncadd.s32 $0xFFFFE000  }
0x57: {  	p3 =	sle.u32 s5, $0x0;
	s0 =	simm.s32 @!p1 $0x10;
	[bflag:$0x0] =	sbarrier.arrive $0xFFFF  }
0x58: {  	p2 =	por !p2, !p0;
	p0 =	por p3, p3;
	_ =	swait.ge @!p1 [sflag:s0], $0x2000  }
0x59: {  	s1 =	sadd.s32 @!p0 $0x0, s19;
	s7 =	simm.s32 @!p0 $0x0;
	[sflag:s0] =	ssyncset.done @!p1 $0x0  }
0x5a: {  	s8 =	simm.s32 @!p0 $0x1E280;
	p2 =	por !p2, !p2;
	[sflag:s0] =	ssyncadd.s32 @!p1 $0xFFFFE000  }
0x5b: {  	[tilespmem:s8], [sflag:$0xB] =	stream.linear.gather @!p0 [hbm4b:s1+s7], $0x40, $0x38;
	[tilespmem:$0x1E500] =	vst v63  }
0x5c: {  	s25 =	simm.s32 @!p0 $0x14000;
	s0 =	sadd.s32 @!p0 $0x0, s18;
	s1 =	simm.s32 @p2 $0xF  }
0x5d: {  	[tilespmem:s25], [sflag:$0x6] =	stream.linear.gather @!p0 [hbm4b:s0+s7], $0x40, $0x38;
	[tilespmem:$0x1E500] =	vst v63  }
0x5e: {  	_ =	swait.ge @p2 [sflag:s1], $0x40  }
0x5f: {  	[sflag:s1] =	ssyncset.done @p2 $0x0  }
0x60: {  	[sflag:s1] =	ssyncadd.s32 @p2 $0xFFFFFFC0;
	s1 =	simm.s32 @p2 $0xA  }
0x61: {  	s9 =	simm.s32 @p2 $0x1E480;
	_ =	swait.ge @p2 [sflag:s1], $0x40  }
0x62: {  	s0 =	simm.s32 @p2 $0x1C280;
	[sflag:s1] =	ssyncset.done @p2 $0x0;
	s7 =	rddreg [dreg:$0x3]  }
0x63: {  	[sflag:s1] =	ssyncadd.s32 @p2 $0xFFFFFFC0;
	s1 =	simm.s32 @p2 $0x40;
	p3 =	sle.u32 @!p1 s7, $0x0  }
0x64: {  	[tilespmem:s0], [sflag:$0x5] =	stream.indirect.gather @p2 [hbm4b:s4+s1], $0x80, s9, s1, $0xb8;
	[tilespmem:$0x1E500] =	vst v63  }
0x65: {  	p4 =	por p3, p1  }
0x66: {  	s7 =	simm.s32 @!p4 $0x2  }
0x67: {  	p3 =	sle.u32 s5, $0x1;
	_ =	swait.ge @!p4 [sflag:s7], $0x2000  }
0x68: {  	s9 =	simm.s32 @!p4 $0x11;
	s23 =	simm.s32 @!p4 $0x16280;
	[sflag:s7] =	ssyncset.done @!p4 $0x0  }
0x69: {  	s24 =	simm.s32 @!p4 $0x14080;
	[sflag:s7] =	ssyncadd.s32 @!p4 $0xFFFFE000;
	s7 =	simm.s32 @!p4 $0x40  }
0x6a: {  	[spmem:s2] =	stream.indirect.scatter.add.f32 @!p4 [tilespmem:s23], [sflag:$0x11], $0x80, s24, s7, $0xb8;
	[tilespmem:$0x1E500] =	vst v63  }
0x6b: {  	s7 =	sadd.s32 @!p3 $0x0, s19;
	_ =	swait.ge @!p4 [sflag:s9], $0x2000  }
0x6c: {  	s23 =	sadd.s32 @!p3 $0x0, s18;
	s24 =	simm.s32 @!p3 $0x1E300;
	[sflag:s9] =	ssyncset.done @!p4 $0x0  }
0x6d: {  	s7 =	sadd.s32 @!p3 $0x100, s7;
	[sflag:s9] =	ssyncadd.s32 @!p4 $0xFFFFE000;
	s9 =	simm.s32 @!p3 $0x0  }
0x6e: {  	[tilespmem:s24], [sflag:$0xC] =	stream.linear.gather @!p3 [hbm4b:s7+s9], $0x40, $0x38;
	[tilespmem:$0x1E500] =	vst v63  }
0x6f: {  	s26 =	simm.s32 @!p0 $0xB;
	s7 =	sadd.s32 @!p3 $0x100, s23;
	s23 =	simm.s32 @!p3 $0x14080  }
0x70: {  	[tilespmem:s23], [sflag:$0x7] =	stream.linear.gather @!p3 [hbm4b:s7+s9], $0x40, $0x38;
	[tilespmem:$0x1E500] =	vst v63  }
0x71: {  	_ =	swait.ge @!p0 [sflag:s26], $0x40  }
0x72: {  	[sflag:s26] =	ssyncset.done @!p0 $0x0  }
0x73: {  	s7 =	simm.s32 @!p0 $0x6;
	[sflag:s26] =	ssyncadd.s32 @!p0 $0xFFFFFFC0  }
0x74: {  	_ =	swait.ge @!p0 [sflag:s7], $0x40  }
0x75: {  	s28 =	simm.s32 @!p0 $0x14280;
	[sflag:s7] =	ssyncset.done @!p0 $0x0;
	s9 =	rddreg [dreg:$0x4]  }
0x76: {  	s26 =	simm.s32 @!p0 $0x40;
	[sflag:s7] =	ssyncadd.s32 @!p0 $0xFFFFFFC0;
	p4 =	sle.u32 @!p1 s9, $0x0  }
0x77: {  	[tilespmem:s28], [sflag:$0x1] =	stream.indirect.gather @!p0 [hbm4b:s4+s26], $0x80, s8, s26, $0xb8;
	[tilespmem:$0x1E500] =	vst v63  }
0x78: {  	p5 =	por p4, p1  }
0x79: {  	s7 =	simm.s32 @!p5 $0x3  }
0x7a: {  	p4 =	sle.u32 s5, $0x2;
	_ =	swait.ge @!p5 [sflag:s7], $0x2000  }
0x7b: {  	s8 =	simm.s32 @!p5 $0x18280;
	s9 =	simm.s32 @!p5 $0x12;
	[sflag:s7] =	ssyncset.done @!p5 $0x0  }
0x7c: {  	s23 =	simm.s32 @!p5 $0x14100;
	[sflag:s7] =	ssyncadd.s32 @!p5 $0xFFFFE000;
	s7 =	simm.s32 @!p5 $0x40  }
0x7d: {  	[spmem:s2] =	stream.indirect.scatter.add.f32 @!p5 [tilespmem:s8], [sflag:$0x12], $0x80, s23, s7, $0xb8;
	[tilespmem:$0x1E500] =	vst v63  }
0x7e: {  	s7 =	sadd.s32 @!p4 $0x0, s19;
	_ =	swait.ge @!p5 [sflag:s9], $0x2000  }
0x7f: {  	s8 =	sadd.s32 @!p4 $0x0, s18;
	s23 =	simm.s32 @!p4 $0x1E380;
	[sflag:s9] =	ssyncset.done @!p5 $0x0  }
0x80: {  	s7 =	sadd.s32 @!p4 $0x200, s7;
	[sflag:s9] =	ssyncadd.s32 @!p5 $0xFFFFE000;
	s9 =	simm.s32 @!p4 $0x0  }
0x81: {  	[tilespmem:s23], [sflag:$0xD] =	stream.linear.gather @!p4 [hbm4b:s7+s9], $0x40, $0x38;
	[tilespmem:$0x1E500] =	vst v63  }
0x82: {  	s29 =	simm.s32 @!p3 $0xC;
	s7 =	sadd.s32 @!p4 $0x200, s8;
	s8 =	simm.s32 @!p4 $0x14100  }
0x83: {  	[tilespmem:s8], [sflag:$0x8] =	stream.linear.gather @!p4 [hbm4b:s7+s9], $0x40, $0x38;
	[tilespmem:$0x1E500] =	vst v63  }
0x84: {  	_ =	swait.ge @!p3 [sflag:s29], $0x40  }
0x85: {  	[sflag:s29] =	ssyncset.done @!p3 $0x0  }
0x86: {  	s7 =	simm.s32 @!p3 $0x7;
	[sflag:s29] =	ssyncadd.s32 @!p3 $0xFFFFFFC0  }
0x87: {  	_ =	swait.ge @!p3 [sflag:s7], $0x40  }
0x88: {  	s9 =	simm.s32 @!p3 $0x16280;
	[sflag:s7] =	ssyncset.done @!p3 $0x0  }
0x89: {  	s8 =	rddreg [dreg:$0x5];
	[sflag:s7] =	ssyncadd.s32 @!p3 $0xFFFFFFC0;
	s7 =	simm.s32 @!p3 $0x40  }
0x8a: {  	[tilespmem:s9], [sflag:$0x2] =	stream.indirect.gather @!p3 [hbm4b:s4+s7], $0x80, s24, s7, $0xb8;
	[tilespmem:$0x1E500] =	vst v63  }
0x8b: {  	p3 =	sle.u32 @!p1 s8, $0x0  }
0x8c: {  	p1 =	por p3, p1  }
0x8d: {  	s7 =	simm.s32 @!p1 $0x4  }
0x8e: {  	p5 =	sle.u32 s5, $0x3;
	_ =	swait.ge @!p1 [sflag:s7], $0x2000  }
0x8f: {  	s8 =	simm.s32 @!p1 $0x13;
	s9 =	simm.s32 @!p1 $0x14180;
	[sflag:s7] =	ssyncset.done @!p1 $0x0  }
0x90: {  	s24 =	simm.s32 @!p1 $0x1A280;
	s29 =	simm.s32 @!p1 $0x40;
	[sflag:s7] =	ssyncadd.s32 @!p1 $0xFFFFE000  }
0x91: {  	[spmem:s2] =	stream.indirect.scatter.add.f32 @!p1 [tilespmem:s24], [sflag:$0x13], $0x80, s9, s29, $0xb8;
	[tilespmem:$0x1E500] =	vst v63  }
0x92: {  	s7 =	sadd.s32 @!p5 $0x0, s19;
	_ =	swait.ge @!p1 [sflag:s8], $0x2000  }
0x93: {  	s9 =	sadd.s32 @!p5 $0x0, s18;
	s24 =	sadd.s32 @!p5 $0x300, s7;
	[sflag:s8] =	ssyncset.done @!p1 $0x0  }
0x94: {  	s29 =	simm.s32 @!p5 $0x0;
	s7 =	simm.s32 @!p5 $0x1E400;
	[sflag:s8] =	ssyncadd.s32 @!p1 $0xFFFFE000  }
0x95: {  	[tilespmem:s7], [sflag:$0xE] =	stream.linear.gather @!p5 [hbm4b:s24+s29], $0x40, $0x38;
	[tilespmem:$0x1E500] =	vst v63  }
0x96: {  	s8 =	sadd.s32 @!p5 $0x300, s9;
	s9 =	simm.s32 @!p5 $0x14180;
	s24 =	simm.s32 @!p4 $0xD  }
0x97: {  	[tilespmem:s9], [sflag:$0x9] =	stream.linear.gather @!p5 [hbm4b:s8+s29], $0x40, $0x38;
	[tilespmem:$0x1E500] =	vst v63  }
0x98: {  	_ =	swait.ge @!p4 [sflag:s24], $0x40  }
0x99: {  	[sflag:s24] =	ssyncset.done @!p4 $0x0  }
0x9a: {  	s8 =	simm.s32 @!p4 $0x8;
	[sflag:s24] =	ssyncadd.s32 @!p4 $0xFFFFFFC0  }
0x9b: {  	s30 =	simm.s32 $0xA;
	_ =	swait.ge @!p4 [sflag:s8], $0x40  }
0x9c: {  	p3 =	sge.u32 s5, $0x5;
	s9 =	simm.s32 @!p4 $0x40;
	[sflag:s8] =	ssyncset.done @!p4 $0x0  }
0x9d: {  	s24 =	simm.s32 @!p4 $0x18280;
	[sflag:s8] =	ssyncadd.s32 @!p4 $0xFFFFFFC0;
	s8 =	simm.s32 @p2 $0x5  }
0x9e: {  	[tilespmem:s24], [sflag:$0x3] =	stream.indirect.gather @!p4 [hbm4b:s4+s9], $0x80, s23, s9, $0xb8;
	[tilespmem:$0x1E500] =	vst v63  }
0x9f: {  	p1 =	sle.u32 s5, $0x4;
	s29 =	simm.s32 $0xA00;
	_ =	swait.ge @p2 [sflag:s8], $0x2000  }
0xa0: {  	s9 =	simm.s32 @p2 $0x14;
	s23 =	simm.s32 $0x500;
	[sflag:s8] =	ssyncset.done @p2 $0x0  }
0xa1: {  	s24 =	simm.s32 $0x5;
	[sflag:s8] =	ssyncadd.s32 @p2 $0xFFFFE000;
	s8 =	simm.s32 @p2 $0x14200  }
0xa2: {  	[spmem:s2] =	stream.indirect.scatter.add.f32 @p2 [tilespmem:s0], [sflag:$0x14], $0x80, s8, s1, $0xb8;
	[tilespmem:$0x1E500] =	vst v63  }
0xa3: {  	s0 =	sadd.s32 @!p1 $0x0, s19;
	s8 =	simm.s32 @!p1 $0x1E480;
	_ =	swait.ge @p2 [sflag:s9], $0x2000  }
0xa4: {  	s1 =	sadd.s32 @!p1 $0x400, s0;
	s0 =	simm.s32 @!p1 $0x0;
	[sflag:s9] =	ssyncset.done @p2 $0x0  }
0xa5: {  	[sflag:s9] =	ssyncadd.s32 @p2 $0xFFFFE000;
	p2 =	por $0x1, $0x1;
	s9 =	sadd.s32 @!p1 $0x0, s18  }
0xa6: {  	[tilespmem:s8], [sflag:$0xF] =	stream.linear.gather @!p1 [hbm4b:s1+s0], $0x40, $0x38;
	[tilespmem:$0x1E500] =	vst v63  }
0xa7: {  	s8 =	simm.s32 @!p5 $0xE;
	s1 =	simm.s32 @!p1 $0x14200;
	s9 =	sadd.s32 @!p1 $0x400, s9  }
.LBB2_4:
0xa8: {  	[tilespmem:s1], [sflag:$0xA] =	stream.linear.gather @!p1 [hbm4b:s9+s0], $0x40, $0x38;
	[tilespmem:$0x1E500] =	vst v63  }
0xa9: {  	p4 =	por !p2, !p3;
	p2 =	sle.u32 s30, s5  }
0xaa: {  	s0 =	simm.s32 @!p2 $0x0  }
0xab: {  	s0 =	simm.s32 @p2 $0x1  }
0xac: {  	[smem:$0x7FC] =	sst s0  }
0xad: {  	s31 =	smov.u32 s29;
	s29 =	sadd.s32 $0x500, s29;
	_ =	swait.ge @!p5 [sflag:s8], $0x40  }
0xae: {  	p3 =	sne.s32 s29, $0xA500;
	[sflag:s8] =	ssyncset.done @!p5 $0x0  }
0xaf: {  	[sflag:s8] =	ssyncadd.s32 @!p5 $0xFFFFFFC0;
	s8 =	simm.s32 @!p3 $0x0  }
0xb0: {  	s8 =	simm.s32 @p3 $0x1  }
0xb1: {  	s0 =	simm.s32 @!p5 $0x9;
	[smem:$0x7FD] =	sst s8  }
0xb2: {  	_ =	swait.ge @!p5 [sflag:s0], $0x40  }
0xb3: {  	s1 =	simm.s32 @!p0 $0x1;
	[sflag:s0] =	ssyncset.done @!p5 $0x0  }
0xb4: {  	s9 =	simm.s32 @!p5 $0x1A280;
	s8 =	simm.s32 @!p5 $0x40;
	[sflag:s0] =	ssyncadd.s32 @!p5 $0xFFFFFFC0  }
0xb5: {  	[tilespmem:s9], [sflag:$0x4] =	stream.indirect.gather @!p5 [hbm4b:s4+s8], $0x80, s7, s8, $0xb8;
	[tilespmem:$0x1E500] =	vst v63  }
0xb6: {  	_ =	swait.ge @!p0 [sflag:s1], $0x2000  }
0xb7: {  	p5 =	seq.s32 s23, $0x0;
	[sflag:s1] =	ssyncset.done @!p0 $0x0  }
0xb8: {  	p6 =	sge.u32 s24, s5;
	s0 =	simm.s32 @!p5 $0x10;
	[sflag:s1] =	ssyncadd.s32 @!p0 $0xFFFFE000  }
0xb9: {  	[spmem:s2] =	stream.indirect.scatter.add.f32 @!p0 [tilespmem:s28], [sflag:$0x10], $0x80, s25, s26, $0xb8;
	[tilespmem:$0x1E500] =	vst v63  }
0xba: {  	p0 =	por p6, p6;
	_ =	swait.ge @!p5 [sflag:s0], $0x2000  }
0xbb: {  	p4 =	por !p4, !p4;
	s1 =	sadd.s32 @!p0 s23, s19;
	[sflag:s0] =	ssyncset.done @!p5 $0x0  }
0xbc: {  	s8 =	simm.s32 @!p0 $0x0;
	s7 =	simm.s32 @!p0 $0x1E280;
	[sflag:s0] =	ssyncadd.s32 @!p5 $0xFFFFE000  }
0xbd: {  	[tilespmem:s7], [sflag:$0xB] =	stream.linear.gather @!p0 [hbm4b:s1+s8], $0x40, $0x38;
	[tilespmem:$0x1E500] =	vst v63  }
0xbe: {  	s25 =	simm.s32 @!p0 $0x14000;
	s0 =	sadd.s32 @!p0 s23, s18;
	s1 =	simm.s32 @p4 $0xF  }
0xbf: {  	[tilespmem:s25], [sflag:$0x6] =	stream.linear.gather @!p0 [hbm4b:s0+s8], $0x40, $0x38;
	[tilespmem:$0x1E500] =	vst v63  }
0xc0: {  	_ =	swait.ge @p4 [sflag:s1], $0x40  }
0xc1: {  	[sflag:s1] =	ssyncset.done @p4 $0x0  }
0xc2: {  	[sflag:s1] =	ssyncadd.s32 @p4 $0xFFFFFFC0;
	s1 =	simm.s32 @p4 $0xA  }
0xc3: {  	s26 =	simm.s32 @p4 $0x1E480;
	_ =	swait.ge @p4 [sflag:s1], $0x40  }
0xc4: {  	s0 =	simm.s32 @p4 $0x1C280;
	[sflag:s1] =	ssyncset.done @p4 $0x0;
	s9 =	rddreg [dreg:$0x3]  }
0xc5: {  	[sflag:s1] =	ssyncadd.s32 @p4 $0xFFFFFFC0;
	s1 =	simm.s32 @p4 $0x40;
	p1 =	sge.u32 @!p5 s24, s9  }
0xc6: {  	[tilespmem:s0], [sflag:$0x5] =	stream.indirect.gather @p4 [hbm4b:s4+s1], $0x80, s26, s1, $0xb8;
	[tilespmem:$0x1E500] =	vst v63  }
0xc7: {  	p3 =	por p1, p5  }
0xc8: {  	s10 =	sadd.s32 $0x1, s24;
	s8 =	simm.s32 @!p3 $0x2  }
0xc9: {  	p1 =	sge.u32 s10, s5;
	_ =	swait.ge @!p3 [sflag:s8], $0x2000  }
0xca: {  	s28 =	simm.s32 @!p3 $0x11;
	s10 =	simm.s32 @!p3 $0x16280;
	[sflag:s8] =	ssyncset.done @!p3 $0x0  }
0xcb: {  	s11 =	simm.s32 @!p3 $0x14080;
	[sflag:s8] =	ssyncadd.s32 @!p3 $0xFFFFE000;
	s8 =	simm.s32 @!p3 $0x40  }
0xcc: {  	[spmem:s2] =	stream.indirect.scatter.add.f32 @!p3 [tilespmem:s10], [sflag:$0x11], $0x80, s11, s8, $0xb8;
	[tilespmem:$0x1E500] =	vst v63  }
0xcd: {  	s9 =	sadd.s32 @!p1 s23, s19;
	_ =	swait.ge @!p3 [sflag:s28], $0x2000  }
0xce: {  	s26 =	sadd.s32 @!p1 s23, s18;
	s9 =	sadd.s32 @!p1 $0x100, s9;
	[sflag:s28] =	ssyncset.done @!p3 $0x0  }
0xcf: {  	s10 =	simm.s32 @!p1 $0x0;
	s8 =	simm.s32 @!p1 $0x1E300;
	[sflag:s28] =	ssyncadd.s32 @!p3 $0xFFFFE000  }
0xd0: {  	[tilespmem:s8], [sflag:$0xC] =	stream.linear.gather @!p1 [hbm4b:s9+s10], $0x40, $0x38;
	[tilespmem:$0x1E500] =	vst v63  }
0xd1: {  	s26 =	sadd.s32 @!p1 $0x100, s26;
	s11 =	simm.s32 @!p0 $0xB;
	s9 =	simm.s32 @!p1 $0x14080  }
0xd2: {  	[tilespmem:s9], [sflag:$0x7] =	stream.linear.gather @!p1 [hbm4b:s26+s10], $0x40, $0x38;
	[tilespmem:$0x1E500] =	vst v63  }
0xd3: {  	_ =	swait.ge @!p0 [sflag:s11], $0x40  }
0xd4: {  	[sflag:s11] =	ssyncset.done @!p0 $0x0  }
0xd5: {  	s9 =	simm.s32 @!p0 $0x6;
	[sflag:s11] =	ssyncadd.s32 @!p0 $0xFFFFFFC0  }
0xd6: {  	_ =	swait.ge @!p0 [sflag:s9], $0x40  }
0xd7: {  	s28 =	simm.s32 @!p0 $0x14280;
	[sflag:s9] =	ssyncset.done @!p0 $0x0;
	s10 =	rddreg [dreg:$0x4]  }
0xd8: {  	s26 =	simm.s32 @!p0 $0x40;
	[sflag:s9] =	ssyncadd.s32 @!p0 $0xFFFFFFC0;
	p3 =	sge.u32 @!p5 s24, s10  }
0xd9: {  	[tilespmem:s28], [sflag:$0x1] =	stream.indirect.gather @!p0 [hbm4b:s4+s26], $0x80, s7, s26, $0xb8;
	[tilespmem:$0x1E500] =	vst v63  }
0xda: {  	p3 =	por p3, p5  }
0xdb: {  	s11 =	sadd.s32 $0x2, s24;
	s7 =	simm.s32 @!p3 $0x3  }
0xdc: {  	p6 =	sge.u32 s11, s5;
	_ =	swait.ge @!p3 [sflag:s7], $0x2000  }
0xdd: {  	s11 =	simm.s32 @!p3 $0x18280;
	s12 =	simm.s32 @!p3 $0x12;
	[sflag:s7] =	ssyncset.done @!p3 $0x0  }
0xde: {  	s13 =	simm.s32 @!p3 $0x14100;
	[sflag:s7] =	ssyncadd.s32 @!p3 $0xFFFFE000;
	s7 =	simm.s32 @!p3 $0x40  }
0xdf: {  	[spmem:s2] =	stream.indirect.scatter.add.f32 @!p3 [tilespmem:s11], [sflag:$0x12], $0x80, s13, s7, $0xb8;
	[tilespmem:$0x1E500] =	vst v63  }
0xe0: {  	_ =	swait.ge @!p3 [sflag:s12], $0x2000  }
0xe1: {  	s9 =	sadd.s32 @!p6 s23, s19;
	s10 =	sadd.s32 @!p6 s23, s18;
	[sflag:s12] =	ssyncset.done @!p3 $0x0  }
0xe2: {  	s10 =	sadd.s32 @!p6 $0x200, s10;
	[sflag:s12] =	ssyncadd.s32 @!p3 $0xFFFFE000;
	s12 =	sld [smem:$0x7FC]  }
0xe3: {  	s7 =	sadd.s32 @!p6 $0x200, s9;
	s11 =	simm.s32 @!p6 $0x0;
	s9 =	simm.s32 @!p6 $0x1E380  }
0xe4: {  	[tilespmem:s9], [sflag:$0xD] =	stream.linear.gather @!p6 [hbm4b:s7+s11], $0x40, $0x38;
	[tilespmem:$0x1E500] =	vst v63  }
0xe5: {  	s7 =	simm.s32 @!p6 $0x14100;
	p3 =	seq.s32 s12, $0x1;
	s12 =	simm.s32 @!p1 $0xC  }
0xe6: {  	[tilespmem:s7], [sflag:$0x8] =	stream.linear.gather @!p6 [hbm4b:s10+s11], $0x40, $0x38;
	[tilespmem:$0x1E500] =	vst v63  }
0xe7: {  	_ =	swait.ge @!p1 [sflag:s12], $0x40  }
0xe8: {  	[sflag:s12] =	ssyncset.done @!p1 $0x0  }
0xe9: {  	s7 =	simm.s32 @!p1 $0x7;
	[sflag:s12] =	ssyncadd.s32 @!p1 $0xFFFFFFC0  }
0xea: {  	_ =	swait.ge @!p1 [sflag:s7], $0x40  }
0xeb: {  	s11 =	simm.s32 @!p1 $0x16280;
	[sflag:s7] =	ssyncset.done @!p1 $0x0  }
0xec: {  	s10 =	rddreg [dreg:$0x5];
	[sflag:s7] =	ssyncadd.s32 @!p1 $0xFFFFFFC0;
	s7 =	simm.s32 @!p1 $0x40  }
0xed: {  	[tilespmem:s11], [sflag:$0x2] =	stream.indirect.gather @!p1 [hbm4b:s4+s7], $0x80, s8, s7, $0xb8;
	[tilespmem:$0x1E500] =	vst v63  }
0xee: {  	p1 =	sge.u32 @!p5 s24, s10  }
0xef: {  	p1 =	por p1, p5  }
0xf0: {  	s7 =	sadd.s32 $0x3, s24;
	s8 =	simm.s32 @!p1 $0x4  }
0xf1: {  	p5 =	sge.u32 s7, s5;
	_ =	swait.ge @!p1 [sflag:s8], $0x2000  }
0xf2: {  	s10 =	simm.s32 @!p1 $0x13;
	s11 =	simm.s32 @!p1 $0x14180;
	[sflag:s8] =	ssyncset.done @!p1 $0x0  }
0xf3: {  	s12 =	simm.s32 @!p1 $0x1A280;
	s13 =	simm.s32 @!p1 $0x40;
	[sflag:s8] =	ssyncadd.s32 @!p1 $0xFFFFE000  }
0xf4: {  	[spmem:s2] =	stream.indirect.scatter.add.f32 @!p1 [tilespmem:s12], [sflag:$0x13], $0x80, s11, s13, $0xb8;
	[tilespmem:$0x1E500] =	vst v63  }
0xf5: {  	s7 =	sadd.s32 @!p5 s23, s19;
	_ =	swait.ge @!p1 [sflag:s10], $0x2000  }
0xf6: {  	s8 =	sadd.s32 @!p5 s23, s18;
	s11 =	sadd.s32 @!p5 $0x300, s7;
	[sflag:s10] =	ssyncset.done @!p1 $0x0  }
0xf7: {  	s13 =	simm.s32 @!p5 $0x0;
	s7 =	simm.s32 @!p5 $0x1E400;
	[sflag:s10] =	ssyncadd.s32 @!p1 $0xFFFFE000  }
0xf8: {  	[tilespmem:s7], [sflag:$0xE] =	stream.linear.gather @!p5 [hbm4b:s11+s13], $0x40, $0x38;
	[tilespmem:$0x1E500] =	vst v63  }
0xf9: {  	s12 =	sadd.s32 @!p5 $0x300, s8;
	s10 =	simm.s32 @!p5 $0x14180;
	s11 =	simm.s32 @!p6 $0xD  }
0xfa: {  	[tilespmem:s10], [sflag:$0x9] =	stream.linear.gather @!p5 [hbm4b:s12+s13], $0x40, $0x38;
	[tilespmem:$0x1E500] =	vst v63  }
0xfb: {  	_ =	swait.ge @!p6 [sflag:s11], $0x40  }
0xfc: {  	[sflag:s11] =	ssyncset.done @!p6 $0x0  }
0xfd: {  	s10 =	simm.s32 @!p6 $0x8;
	[sflag:s11] =	ssyncadd.s32 @!p6 $0xFFFFFFC0  }
0xfe: {  	_ =	swait.ge @!p6 [sflag:s10], $0x40  }
0xff: {  	s12 =	simm.s32 @!p6 $0x18280;
	[sflag:s10] =	ssyncset.done @!p6 $0x0  }
0x100: {  	s11 =	simm.s32 @!p6 $0x40;
	[sflag:s10] =	ssyncadd.s32 @!p6 $0xFFFFFFC0;
	s10 =	simm.s32 @p4 $0x5  }
0x101: {  	[tilespmem:s12], [sflag:$0x3] =	stream.indirect.gather @!p6 [hbm4b:s4+s11], $0x80, s9, s11, $0xb8;
	[tilespmem:$0x1E500] =	vst v63  }
0x102: {  	_ =	swait.ge @p4 [sflag:s10], $0x2000  }
0x103: {  	[sflag:s10] =	ssyncset.done @p4 $0x0  }
0x104: {  	s11 =	simm.s32 @p4 $0x14;
	[sflag:s10] =	ssyncadd.s32 @p4 $0xFFFFE000;
	s10 =	simm.s32 @p4 $0x14200  }
0x105: {  	[spmem:s2] =	stream.indirect.scatter.add.f32 @p4 [tilespmem:s0], [sflag:$0x14], $0x80, s10, s1, $0xb8;
	[tilespmem:$0x1E500] =	vst v63  }
0x106: {  	s13 =	sadd.s32 $0x4, s24;
	_ =	swait.ge @p4 [sflag:s11], $0x2000  }
0x107: {  	p1 =	sge.u32 s13, s5;
	[sflag:s11] =	ssyncset.done @p4 $0x0  }
0x108: {  	p2 =	sne.s32 s31, $0x0;
	s0 =	sadd.s32 @!p1 s23, s19;
	[sflag:s11] =	ssyncadd.s32 @p4 $0xFFFFE000  }
0x109: {  	s11 =	sadd.s32 @!p1 s23, s18;
	s23 =	smov.u32 s31;
	s31 =	sld [smem:$0x7FD]  }
0x10a: {  	_ =	sdelay $0x1  }
0x10b: {  	p4 =	seq.s32 s31, $0x1  }
.Ltmp1:
0x10c: {  	_ = 	snop;
	(pc) =	sbr.rel @p4 .LBB2_4-.Ltmp1, $4  }
0x10d: {  	s8 =	simm.s32 @!p5 $0xE;
	s24 =	smov.u32 s30  }
0x10e: {  	s10 =	simm.s32 @!p1 $0x1E480;
	s9 =	sadd.s32 @!p1 $0x400, s0;
	s0 =	simm.s32 @!p1 $0x0  }
0x10f: {  	[tilespmem:s10], [sflag:$0xF] =	stream.linear.gather @!p1 [hbm4b:s9+s0], $0x40, $0x38;
	[tilespmem:$0x1E500] =	vst v63  }
0x110: {  	s30 =	sadd.s32 $0x5, s30;
	s1 =	simm.s32 @!p1 $0x14200;
	s9 =	sadd.s32 @!p1 $0x400, s11  }
0x111: {  	[tilespmem:s1], [sflag:$0xA] =	stream.linear.gather @!p1 [hbm4b:s9+s0], $0x40, $0x38;
	[tilespmem:$0x1E500] =	vst v63  }
0x112: {  	_ =	swait.ge @!p5 [sflag:s8], $0x40  }
0x113: {  	[sflag:s8] =	ssyncset.done @!p5 $0x0  }
0x114: {  	s0 =	simm.s32 @!p5 $0x9;
	[sflag:s8] =	ssyncadd.s32 @!p5 $0xFFFFFFC0  }
0x115: {  	_ =	swait.ge @!p5 [sflag:s0], $0x40  }
0x116: {  	s1 =	simm.s32 @!p0 $0x1;
	[sflag:s0] =	ssyncset.done @!p5 $0x0  }
0x117: {  	s9 =	simm.s32 @!p5 $0x1A280;
	s8 =	simm.s32 @!p5 $0x40;
	[sflag:s0] =	ssyncadd.s32 @!p5 $0xFFFFFFC0  }
0x118: {  	[tilespmem:s9], [sflag:$0x4] =	stream.indirect.gather @!p5 [hbm4b:s4+s8], $0x80, s7, s8, $0xb8;
	[tilespmem:$0x1E500] =	vst v63  }
0x119: {  	_ =	swait.ge @!p0 [sflag:s1], $0x2000  }
0x11a: {  	p4 =	seq.s32 s23, $0x0;
	[sflag:s1] =	ssyncset.done @!p0 $0x0  }
0x11b: {  	p6 =	sge.u32 s24, s5;
	s0 =	simm.s32 @!p4 $0x10;
	[sflag:s1] =	ssyncadd.s32 @!p0 $0xFFFFE000  }
0x11c: {  	[spmem:s2] =	stream.indirect.scatter.add.f32 @!p0 [tilespmem:s28], [sflag:$0x10], $0x80, s25, s26, $0xb8;
	[tilespmem:$0x1E500] =	vst v63  }
0x11d: {  	p2 =	por !p2, !p3;
	p0 =	por p6, p6;
	_ =	swait.ge @!p4 [sflag:s0], $0x2000  }
0x11e: {  	p1 =	por !p2, !p2;
	s1 =	sadd.s32 @!p0 s23, s19;
	[sflag:s0] =	ssyncset.done @!p4 $0x0  }
0x11f: {  	s7 =	simm.s32 @!p0 $0x0;
	s8 =	simm.s32 @!p0 $0x1E280;
	[sflag:s0] =	ssyncadd.s32 @!p4 $0xFFFFE000  }
0x120: {  	[tilespmem:s8], [sflag:$0xB] =	stream.linear.gather @!p0 [hbm4b:s1+s7], $0x40, $0x38;
	[tilespmem:$0x1E500] =	vst v63  }
0x121: {  	s9 =	simm.s32 @p1 $0xF;
	s0 =	simm.s32 @!p0 $0x14000;
	s1 =	sadd.s32 @!p0 s23, s18  }
0x122: {  	[tilespmem:s0], [sflag:$0x6] =	stream.linear.gather @!p0 [hbm4b:s1+s7], $0x40, $0x38;
	[tilespmem:$0x1E500] =	vst v63  }
0x123: {  	_ =	swait.ge @p1 [sflag:s9], $0x40  }
0x124: {  	[sflag:s9] =	ssyncset.done @p1 $0x0  }
0x125: {  	s7 =	simm.s32 @p1 $0xA;
	[sflag:s9] =	ssyncadd.s32 @p1 $0xFFFFFFC0  }
0x126: {  	s10 =	simm.s32 @p1 $0x1E480;
	_ =	swait.ge @p1 [sflag:s7], $0x40  }
0x127: {  	s1 =	simm.s32 @p1 $0x1C280;
	[sflag:s7] =	ssyncset.done @p1 $0x0;
	s9 =	rddreg [dreg:$0x3]  }
0x128: {  	[sflag:s7] =	ssyncadd.s32 @p1 $0xFFFFFFC0;
	s7 =	simm.s32 @p1 $0x40;
	p2 =	sge.u32 @!p4 s24, s9  }
0x129: {  	[tilespmem:s1], [sflag:$0x5] =	stream.indirect.gather @p1 [hbm4b:s4+s7], $0x80, s10, s7, $0xb8;
	[tilespmem:$0x1E500] =	vst v63  }
0x12a: {  	p3 =	por p2, p4  }
0x12b: {  	s29 =	sadd.s32 $0x1, s24;
	s10 =	simm.s32 @!p3 $0x2  }
0x12c: {  	p2 =	sge.u32 s29, s5;
	_ =	swait.ge @!p3 [sflag:s10], $0x2000  }
0x12d: {  	s9 =	simm.s32 @!p3 $0x11;
	s11 =	simm.s32 @!p3 $0x16280;
	[sflag:s10] =	ssyncset.done @!p3 $0x0  }
0x12e: {  	s12 =	simm.s32 @!p3 $0x14080;
	[sflag:s10] =	ssyncadd.s32 @!p3 $0xFFFFE000;
	s10 =	simm.s32 @!p3 $0x40  }
0x12f: {  	[spmem:s2] =	stream.indirect.scatter.add.f32 @!p3 [tilespmem:s11], [sflag:$0x11], $0x80, s12, s10, $0xb8;
	[tilespmem:$0x1E500] =	vst v63  }
0x130: {  	s10 =	sadd.s32 @!p2 s23, s19;
	_ =	swait.ge @!p3 [sflag:s9], $0x2000  }
0x131: {  	s11 =	sadd.s32 @!p2 s23, s18;
	s12 =	simm.s32 @!p2 $0x1E300;
	[sflag:s9] =	ssyncset.done @!p3 $0x0  }
0x132: {  	s10 =	sadd.s32 @!p2 $0x100, s10;
	[sflag:s9] =	ssyncadd.s32 @!p3 $0xFFFFE000;
	s9 =	simm.s32 @!p2 $0x0  }
0x133: {  	[tilespmem:s12], [sflag:$0xC] =	stream.linear.gather @!p2 [hbm4b:s10+s9], $0x40, $0x38;
	[tilespmem:$0x1E500] =	vst v63  }
0x134: {  	s13 =	simm.s32 @!p0 $0xB;
	s10 =	sadd.s32 @!p2 $0x100, s11;
	s11 =	simm.s32 @!p2 $0x14080  }
0x135: {  	[tilespmem:s11], [sflag:$0x7] =	stream.linear.gather @!p2 [hbm4b:s10+s9], $0x40, $0x38;
	[tilespmem:$0x1E500] =	vst v63  }
0x136: {  	_ =	swait.ge @!p0 [sflag:s13], $0x40  }
0x137: {  	[sflag:s13] =	ssyncset.done @!p0 $0x0  }
0x138: {  	s9 =	simm.s32 @!p0 $0x6;
	[sflag:s13] =	ssyncadd.s32 @!p0 $0xFFFFFFC0  }
0x139: {  	_ =	swait.ge @!p0 [sflag:s9], $0x40  }
0x13a: {  	s25 =	simm.s32 @!p0 $0x40;
	[sflag:s9] =	ssyncset.done @!p0 $0x0;
	s10 =	rddreg [dreg:$0x4]  }
0x13b: {  	s26 =	simm.s32 @!p0 $0x14280;
	[sflag:s9] =	ssyncadd.s32 @!p0 $0xFFFFFFC0;
	p3 =	sge.u32 @!p4 s24, s10  }
0x13c: {  	[tilespmem:s26], [sflag:$0x1] =	stream.indirect.gather @!p0 [hbm4b:s4+s25], $0x80, s8, s25, $0xb8;
	[tilespmem:$0x1E500] =	vst v63  }
0x13d: {  	p5 =	por p3, p4  }
0x13e: {  	s30 =	sadd.s32 $0x2, s24;
	s9 =	simm.s32 @!p5 $0x3  }
0x13f: {  	p3 =	sge.u32 s30, s5;
	_ =	swait.ge @!p5 [sflag:s9], $0x2000  }
0x140: {  	s8 =	simm.s32 @!p5 $0x18280;
	s10 =	simm.s32 @!p5 $0x12;
	[sflag:s9] =	ssyncset.done @!p5 $0x0  }
0x141: {  	s11 =	simm.s32 @!p5 $0x14100;
	[sflag:s9] =	ssyncadd.s32 @!p5 $0xFFFFE000;
	s9 =	simm.s32 @!p5 $0x40  }
0x142: {  	[spmem:s2] =	stream.indirect.scatter.add.f32 @!p5 [tilespmem:s8], [sflag:$0x12], $0x80, s11, s9, $0xb8;
	[tilespmem:$0x1E500] =	vst v63  }
0x143: {  	s8 =	sadd.s32 @!p3 s23, s19;
	_ =	swait.ge @!p5 [sflag:s10], $0x2000  }
0x144: {  	s9 =	sadd.s32 @!p3 s23, s18;
	s11 =	simm.s32 @!p3 $0x1E380;
	[sflag:s10] =	ssyncset.done @!p5 $0x0  }
0x145: {  	s8 =	sadd.s32 @!p3 $0x200, s8;
	[sflag:s10] =	ssyncadd.s32 @!p5 $0xFFFFE000;
	s10 =	simm.s32 @!p3 $0x0  }
0x146: {  	[tilespmem:s11], [sflag:$0xD] =	stream.linear.gather @!p3 [hbm4b:s8+s10], $0x40, $0x38;
	[tilespmem:$0x1E500] =	vst v63  }
0x147: {  	s13 =	simm.s32 @!p2 $0xC;
	s8 =	sadd.s32 @!p3 $0x200, s9;
	s9 =	simm.s32 @!p3 $0x14100  }
0x148: {  	[tilespmem:s9], [sflag:$0x8] =	stream.linear.gather @!p3 [hbm4b:s8+s10], $0x40, $0x38;
	[tilespmem:$0x1E500] =	vst v63  }
0x149: {  	_ =	swait.ge @!p2 [sflag:s13], $0x40  }
0x14a: {  	[sflag:s13] =	ssyncset.done @!p2 $0x0  }
0x14b: {  	s8 =	simm.s32 @!p2 $0x7;
	[sflag:s13] =	ssyncadd.s32 @!p2 $0xFFFFFFC0  }
0x14c: {  	_ =	swait.ge @!p2 [sflag:s8], $0x40  }
0x14d: {  	s10 =	simm.s32 @!p2 $0x16280;
	[sflag:s8] =	ssyncset.done @!p2 $0x0  }
0x14e: {  	s9 =	rddreg [dreg:$0x5];
	[sflag:s8] =	ssyncadd.s32 @!p2 $0xFFFFFFC0;
	s8 =	simm.s32 @!p2 $0x40  }
0x14f: {  	[tilespmem:s10], [sflag:$0x2] =	stream.indirect.gather @!p2 [hbm4b:s4+s8], $0x80, s12, s8, $0xb8;
	[tilespmem:$0x1E500] =	vst v63  }
0x150: {  	p2 =	sge.u32 @!p4 s24, s9  }
0x151: {  	p4 =	por p2, p4  }
0x152: {  	s31 =	sadd.s32 $0x3, s24;
	s8 =	simm.s32 @!p4 $0x4  }
0x153: {  	p2 =	sge.u32 s31, s5;
	_ =	swait.ge @!p4 [sflag:s8], $0x2000  }
0x154: {  	s10 =	simm.s32 @!p4 $0x13;
	s12 =	simm.s32 @!p4 $0x14180;
	[sflag:s8] =	ssyncset.done @!p4 $0x0  }
0x155: {  	s13 =	simm.s32 @!p4 $0x1A280;
	s28 =	simm.s32 @!p4 $0x40;
	[sflag:s8] =	ssyncadd.s32 @!p4 $0xFFFFE000  }
0x156: {  	[spmem:s2] =	stream.indirect.scatter.add.f32 @!p4 [tilespmem:s13], [sflag:$0x13], $0x80, s12, s28, $0xb8;
	[tilespmem:$0x1E500] =	vst v63  }
0x157: {  	s8 =	sadd.s32 @!p2 s23, s19;
	_ =	swait.ge @!p4 [sflag:s10], $0x2000  }
0x158: {  	s9 =	sadd.s32 @!p2 s23, s18;
	s8 =	sadd.s32 @!p2 $0x300, s8;
	[sflag:s10] =	ssyncset.done @!p4 $0x0  }
0x159: {  	s12 =	simm.s32 @!p2 $0x0;
	s13 =	simm.s32 @!p2 $0x1E400;
	[sflag:s10] =	ssyncadd.s32 @!p4 $0xFFFFE000  }
0x15a: {  	[tilespmem:s13], [sflag:$0xE] =	stream.linear.gather @!p2 [hbm4b:s8+s12], $0x40, $0x38;
	[tilespmem:$0x1E500] =	vst v63  }
0x15b: {  	s10 =	simm.s32 @!p3 $0xD;
	s8 =	sadd.s32 @!p2 $0x300, s9;
	s9 =	simm.s32 @!p2 $0x14180  }
0x15c: {  	[tilespmem:s9], [sflag:$0x9] =	stream.linear.gather @!p2 [hbm4b:s8+s12], $0x40, $0x38;
	[tilespmem:$0x1E500] =	vst v63  }
0x15d: {  	_ =	swait.ge @!p3 [sflag:s10], $0x40  }
0x15e: {  	[sflag:s10] =	ssyncset.done @!p3 $0x0  }
0x15f: {  	s8 =	simm.s32 @!p3 $0x8;
	[sflag:s10] =	ssyncadd.s32 @!p3 $0xFFFFFFC0  }
0x160: {  	_ =	swait.ge @!p3 [sflag:s8], $0x40  }
0x161: {  	s9 =	simm.s32 @!p3 $0x40;
	[sflag:s8] =	ssyncset.done @!p3 $0x0  }
0x162: {  	s10 =	simm.s32 @!p3 $0x18280;
	[sflag:s8] =	ssyncadd.s32 @!p3 $0xFFFFFFC0;
	s8 =	simm.s32 @p1 $0x5  }
0x163: {  	[tilespmem:s10], [sflag:$0x3] =	stream.indirect.gather @!p3 [hbm4b:s4+s9], $0x80, s11, s9, $0xb8;
	[tilespmem:$0x1E500] =	vst v63  }
0x164: {  	_ =	swait.ge @p1 [sflag:s8], $0x2000  }
0x165: {  	s29 =	sadd.s32 $0x4, s24;
	s10 =	simm.s32 @p1 $0x14;
	[sflag:s8] =	ssyncset.done @p1 $0x0  }
0x166: {  	p3 =	sge.u32 s29, s5;
	[sflag:s8] =	ssyncadd.s32 @p1 $0xFFFFE000;
	s8 =	simm.s32 @p1 $0x14200  }
0x167: {  	[spmem:s2] =	stream.indirect.scatter.add.f32 @p1 [tilespmem:s1], [sflag:$0x14], $0x80, s8, s7, $0xb8;
	[tilespmem:$0x1E500] =	vst v63  }
0x168: {  	s9 =	sadd.s32 @!p3 s23, s18;
	_ =	swait.ge @p1 [sflag:s10], $0x2000  }
0x169: {  	s1 =	sadd.s32 @!p3 s23, s19;
	s7 =	simm.s32 @!p3 $0x0;
	[sflag:s10] =	ssyncset.done @p1 $0x0  }
0x16a: {  	s8 =	simm.s32 @!p3 $0x1E480;
	s1 =	sadd.s32 @!p3 $0x400, s1;
	[sflag:s10] =	ssyncadd.s32 @p1 $0xFFFFE000  }
0x16b: {  	[tilespmem:s8], [sflag:$0xF] =	stream.linear.gather @!p3 [hbm4b:s1+s7], $0x40, $0x38;
	[tilespmem:$0x1E500] =	vst v63  }
0x16c: {  	s9 =	sadd.s32 @!p3 $0x400, s9;
	s1 =	simm.s32 @!p2 $0xE;
	s8 =	simm.s32 @!p3 $0x14200  }
0x16d: {  	[tilespmem:s8], [sflag:$0xA] =	stream.linear.gather @!p3 [hbm4b:s9+s7], $0x40, $0x38;
	[tilespmem:$0x1E500] =	vst v63  }
0x16e: {  	_ =	swait.ge @!p2 [sflag:s1], $0x40  }
0x16f: {  	[sflag:s1] =	ssyncset.done @!p2 $0x0  }
0x170: {  	s7 =	simm.s32 @!p2 $0x9;
	[sflag:s1] =	ssyncadd.s32 @!p2 $0xFFFFFFC0  }
0x171: {  	_ =	swait.ge @!p2 [sflag:s7], $0x40  }
0x172: {  	s8 =	simm.s32 @!p2 $0x40;
	[sflag:s7] =	ssyncset.done @!p2 $0x0  }
0x173: {  	s9 =	simm.s32 @!p2 $0x1A280;
	s1 =	simm.s32 @!p0 $0x1;
	[sflag:s7] =	ssyncadd.s32 @!p2 $0xFFFFFFC0  }
0x174: {  	[tilespmem:s9], [sflag:$0x4] =	stream.indirect.gather @!p2 [hbm4b:s4+s8], $0x80, s13, s8, $0xb8;
	[tilespmem:$0x1E500] =	vst v63  }
0x175: {  	_ =	swait.ge @!p0 [sflag:s1], $0x2000  }
0x176: {  	[sflag:s1] =	ssyncset.done @!p0 $0x0  }
0x177: {  	s3 =	sadd.s32 $0x1, s3;
	s30 =	stileid.u32;
	[sflag:s1] =	ssyncadd.s32 @!p0 $0xFFFFE000  }
0x178: {  	[spmem:s2] =	stream.indirect.scatter.add.f32 @!p0 [tilespmem:s26], [sflag:$0x10], $0x80, s0, s25, $0xb8;
	[tilespmem:$0x1E500] =	vst v63  }
0x179: {  	s31 =	sshrl.u32 s6, $0x3;
	s0 =	sshll.u32 s30, $0x6;
	p0 =	sne.s32 s3, s17  }
.Ltmp2:
0x17a: {  	[bflag:$0x0] =	sbarrier.arrive $0xFFFF;
	s0 =	sor.u32 $0x1C15, s0;
	(pc) =	sbr.rel @p0 .LBB2_1-.Ltmp2, $4  }
0x17b: {  	[hbm:s16], [sflag:s0] =	dma.local [spmem:s31], $0x2800  }
0x17c: {  	_ =	swait.ge [sflag:s22], $0x2800  }
0x17d: {  	[sflag:s22] =	ssyncset.done $0x0  }
0x17e: {  	[sflag:s22] =	ssyncadd.s32 $0xFFFFD800  }
0x17f: {  	_ =	sfence.sel $0x180000  }
0x180: {  	[bflag:$0x0] =	sbarrier.arrive $0xFFFF  }
0x181: {  	_ =	strace $0x9000004D  }
0x182: {  	s0 =	stileid.u32;
	[bflag:$0x2] =	sbarrier.arrive $0xFFFF  }
0x183: {  	p0 =	sne.s32 s0, $0x0;
	s0 =	rddreg [dreg:$0x2]  }
0x184: {  	s0 =	sadd.s32 @!p0 $0x100000, s0  }
0x185: {  	[sflag:s0] =	ssyncadd.tile.s32 @!p0 $0x1;
	_ =	shalt  }
.Lfunc_end2:
_tile_overlayer_lowered:
.L_overlay_start_2:
0x186: {  	(tag) =	ssettag $0x2  }
0x187: {  	s0 =	rddreg [dreg:$0x0];
	s2 =	stileid.u32  }
0x188: {  	s1 =	rddreg [dreg:$0x1];
	p0 =	sne.s32 s2, $0x0  }
0x189: {  	s3 =	rddreg [dreg:$0x2];
	[bflag:$0x3] =	sbarrier.arrive $0xFFFF;
	s2 =	simm.s32 @!p0 $0x1C15  }
0x18a: {  	[timem:s3], [sflag:s2] =	dma.local @!p0 [hbm:s0], s1  }
0x18b: {  	s0 =	simm.s32 @!p0 $0x15  }
0x18c: {  	_ =	swait.ge @!p0 [sflag:s0], s1  }
0x18d: {  	s1 =	ssub.s32 @!p0 $0x0, s1;
	[sflag:s0] =	ssyncset.done @!p0 $0x0  }
0x18e: {  	[sflag:s0] =	ssyncadd.s32 @!p0 s1  }
0x18f: {  	[bflag:$0x3] =	sbarrier.arrive $0xFFFF  }
0x190: {  	_ =	shalt  }

// kernel: kernel.8.cloned.1.call-start
scs
__scs_entry_jumppad:
0x0: {  	(pc) =	sbr.rel $0x88, $3  }
0x1: {  	(tag) =	ssettag $0x0;
	lr =	simm.s32 $0x1  }
0x2: {  	[smem:$0x3F99] =	sst lr;
	_ =	strace $0xD0000000  }
0x3: {  	_ = 	snop  }
0x4: {  	_ = 	snop  }
0x5: {  	_ = 	snop  }
0x6: {  	_ = 	snop  }
0x7: {  	_ = 	snop  }
__scs_overlays_trampoline_lowered:
0x8: {  	[smem:$0x3FA8] =	sst s0  }
0x9: {  	[smem:$0x3FA9] =	sst s1  }
0xa: {  	[smem:$0x3FAA] =	sst s2  }
0xb: {  	[smem:$0x3FAB] =	sst s3  }
0xc: {  	[smem:$0x3FAC] =	sst s4  }
0xd: {  	[smem:$0x3FAD] =	sst s5  }
0xe: {  	[smem:$0x3FAE] =	sst s6  }
0xf: {  	[smem:$0x3FAF] =	sst s7  }
0x10: {  	[smem:$0x3FB0] =	sst s8  }
0x11: {  	[smem:$0x3FB1] =	sst s9;
	s0 =	simm.s32 @!p0 $0x0  }
0x12: {  	s1 =	sld [smem:$0x3F97];
	s0 =	simm.s32 @p0 $0x1  }
0x13: {  	[smem:$0x3FB2] =	sst s0;
	s0 =	simm.s32 @!p1 $0x0  }
0x14: {  	s2 =	sld [smem:$0x3F96];
	s0 =	simm.s32 @p1 $0x1  }
0x15: {  	[smem:$0x3FB3] =	sst s0;
	s0 =	simm.s32 @!p2 $0x0  }
0x16: {  	s3 =	sld [smem:$0x3FDB];
	s0 =	simm.s32 @p2 $0x1  }
0x17: {  	s4 =	simm.s32 $0x1BF5;
	[smem:$0x3FB5] =	sst s0  }
0x18: {  	s0 =	sld [smem:$0x3F98];
	_ =	swait.ge [sflag:s4], $0x0  }
0x19: {  	s7 =	sld [smem:$0x3F99]  }
0x1a: {  	s8 =	sadd.s32 $0xFFFFE003, lr  }
0x1b: {  	s9 =	sadd.s32 $0xFFFFFEF7, lr;
	s5 =	simm.s32 $0xFFFFFFFF;
	p2 =	slt.u32 s8, $0xFFFFF086  }
0x1c: {  	p1 =	slt.u32 s9, $0xF7A;
	s5 =	simm.s32 @!p2 $0x0  }
0x1d: {  	s5 =	simm.s32 @p1 $0x1;
	p0 =	seq.s32 s7, s2  }
0x1e: {  	s7 =	smul.u32 @!p0 $0xF7A, s2;
	p2 =	seq.s32 @!p0 s5, $0x0  }
0x1f: {  	s9 =	smul.u32 $0xF7A, s1;
	s8 =	simm.s32 @!p0 $0x1BF5;
	p2 =	por !p2, p0  }
0x20: {  	[sflag:s8] =	ssyncset.s32 @!p0 $0xFFFFF086;
	s6 =	sadd.s32 @!p0 s3, s7;
	s7 =	simm.s32 @!p0 $0x108  }
0x21: {  	s3 =	sadd.s32 s3, s9;
	s6 =	sadd.s32 @!p0 $0x88, s6;
	s7 =	simm.s32 @p2 $0x1082  }
0x22: {  	[simem:s7], [sflag:s8] =	dma.local @!p0 [hbm:s6], $0xF7A  }
0x23: {  	s9 =	sor.u32 $0xD0000000, s2;
	s6 =	simm.s32 $0x108;
	_ =	swait.ge @!p0 [sflag:s8], $0x0  }
0x24: {  	s3 =	sadd.s32 $0x88, s3;
	s6 =	simm.s32 @!p1 $0x1082;
	[sflag:s4] =	ssyncset.s32 $0xFFFFF086  }
0x25: {  	[simem:s6], [sflag:s4] =	dma.local [hbm:s3], $0xF7A  }
0x26: {  	[smem:$0x3F99] =	sst s1;
	(tag) =	ssettag s2;
	_ =	strace s9  }
0x27: {  	s1 =	sld [smem:$0x3FA9]  }
0x28: {  	s2 =	sld [smem:$0x3FAA]  }
0x29: {  	s4 =	sld [smem:$0x3FAC]  }
0x2a: {  	p0 =	seq.s32 s5, $0x0;
	s5 =	sld [smem:$0x3FAD]  }
0x2b: {  	s6 =	sld [smem:$0x3FAE]  }
0x2c: {  	s7 =	sld [smem:$0x3FAF]  }
0x2d: {  	s3 =	simm.s32 $0x108;
	s8 =	sld [smem:$0x3FB0]  }
0x2e: {  	s3 =	simm.s32 @!p0 $0x1082;
	s9 =	sld [smem:$0x3FB1]  }
0x2f: {  	lr =	sadd.s32 s0, s3;
	s0 =	sld [smem:$0x3FA8]  }
0x30: {  	s3 =	sld [smem:$0x3FAB]  }
0x31: {  	[smem:$0x3FB4] =	sst s10  }
0x32: {  	s10 =	sld [smem:$0x3FB2];
	_ =	sdelay $0x3  }
0x33: {  	p0 =	seq.s32 s10, $0x1;
	s10 =	sld [smem:$0x3FB4];
	_ =	sdelay $0x3  }
0x34: {  	[smem:$0x3FB4] =	sst s10  }
0x35: {  	s10 =	sld [smem:$0x3FB3];
	_ =	sdelay $0x3  }
0x36: {  	p1 =	seq.s32 s10, $0x1;
	s10 =	sld [smem:$0x3FB4];
	_ =	sdelay $0x3  }
0x37: {  	[smem:$0x3FB4] =	sst s10  }
0x38: {  	s10 =	sld [smem:$0x3FB5]  }
0x39: {  	_ = 	snop;
	(pc) =	sbr.ind lr, $3  }
0x3a: {  	_ = 	snop  }
0x3b: {  	_ = 	snop  }
0x3c: {  	p2 =	seq.s32 s10, $0x1;
	s10 =	sld [smem:$0x3FB4]  }
0x3d: {  	_ =	shalt  }
0x3e: {  	_ =	shalt  }
0x3f: {  	_ =	shalt  }
0x40: {  	_ =	shalt  }
0x41: {  	_ =	shalt  }
0x42: {  	_ =	shalt  }
0x43: {  	_ =	shalt  }
0x44: {  	_ =	shalt  }
0x45: {  	_ =	shalt  }
0x46: {  	_ =	shalt  }
0x47: {  	_ =	shalt  }
0x48: {  	_ =	shalt  }
0x49: {  	_ =	shalt  }
0x4a: {  	_ =	shalt  }
0x4b: {  	_ =	shalt  }
0x4c: {  	_ =	shalt  }
0x4d: {  	_ =	shalt  }
0x4e: {  	_ =	shalt  }
0x4f: {  	_ =	shalt  }
0x50: {  	_ =	shalt  }
0x51: {  	_ =	shalt  }
0x52: {  	_ =	shalt  }
0x53: {  	_ =	shalt  }
0x54: {  	_ =	shalt  }
0x55: {  	_ =	shalt  }
0x56: {  	_ =	shalt  }
0x57: {  	_ =	shalt  }
0x58: {  	_ =	shalt  }
0x59: {  	_ =	shalt  }
0x5a: {  	_ =	shalt  }
0x5b: {  	_ =	shalt  }
0x5c: {  	_ =	shalt  }
0x5d: {  	_ =	shalt  }
0x5e: {  	_ =	shalt  }
0x5f: {  	_ =	shalt  }
0x60: {  	_ =	shalt  }
0x61: {  	_ =	shalt  }
0x62: {  	_ =	shalt  }
0x63: {  	_ =	shalt  }
0x64: {  	_ =	shalt  }
0x65: {  	_ =	shalt  }
0x66: {  	_ =	shalt  }
0x67: {  	_ =	shalt  }
0x68: {  	_ =	shalt  }
0x69: {  	_ =	shalt  }
0x6a: {  	_ =	shalt  }
0x6b: {  	_ =	shalt  }
0x6c: {  	_ =	shalt  }
0x6d: {  	_ =	shalt  }
0x6e: {  	_ =	shalt  }
0x6f: {  	_ =	shalt  }
0x70: {  	_ =	shalt  }
0x71: {  	_ =	shalt  }
0x72: {  	_ =	shalt  }
0x73: {  	_ =	shalt  }
0x74: {  	_ =	shalt  }
0x75: {  	_ =	shalt  }
0x76: {  	_ =	shalt  }
0x77: {  	_ =	shalt  }
0x78: {  	_ =	shalt  }
0x79: {  	_ =	shalt  }
0x7a: {  	_ =	shalt  }
0x7b: {  	_ =	shalt  }
0x7c: {  	_ =	shalt  }
0x7d: {  	_ =	shalt  }
0x7e: {  	_ =	shalt  }
0x7f: {  	_ =	shalt  }
0x80: {  	_ =	shalt  }
0x81: {  	_ =	shalt  }
0x82: {  	_ =	shalt  }
0x83: {  	_ =	shalt  }
0x84: {  	_ =	shalt  }
0x85: {  	_ =	shalt  }
0x86: {  	_ =	shalt  }
0x87: {  	_ =	shalt  }
.Lfunc_end0:
.L_simem_size_0:
called_computation_lowered:
.L_overlay_start_0:
0x88: {  	s2 =	sld [smem:$0x3FD9]  }
0x89: {  	s3 =	sld [smem:$0x3FFE];
	_ =	sdelay $0x1  }
0x8a: {  	s1 =	srdreg.scid  }
0x8b: {  	s0 =	sand.u32 $0x1, s1  }
0x8c: {  	s16 =	sshll.u32 s0, $0xA;
	s2 =	sadd.s32 s3, s2  }
0x8d: {  	s2 =	sadd.s32 s2, s16  }
0x8e: {  	[smem:$0x3FC0] =	sst s2  }
0x8f: {  	_ = 	snop  }
0x90: {  	(tm) =	ssettm $0x1  }
0x91: {  	s17 =	sld [smem:$0x3FFB];
	_ =	sdelay $0x3  }
0x92: {  	_ =	strace s17  }
0x93: {  	s2 =	sld [smem:$0x3FFC];
	_ =	sdelay $0x3  }
0x94: {  	_ =	strace s2  }
0x95: {  	s2 =	sld [smem:$0x3FFD];
	_ =	sdelay $0x3  }
0x96: {  	_ =	strace s2  }
0x97: {  	_ =	strace $0x8FFFFFFF  }
0x98: {  	s18 =	sld [smem:$0x3FDB];
	_ =	sdelay $0x1  }
0x99: {  	s19 =	simm.s32 $_scs_section_size  }
0x9a: {  	s4 =	simm.s32 $_size__tile_overlayer_lowered;
	s5 =	simm.s32 $_tile_overlayer_lowered  }
0x9b: {  	s22 =	simm.s32 $0x1BFF;
	s21 =	sshll.u32 s5, $0x1;
	s2 =	sadd.s32 s19, s18  }
0x9c: {  	s6 =	simm.s32 $0x0;
	s20 =	sshll.u32 s4, $0x1;
	s4 =	sadd.s32 s21, s2  }
0x9d: {  	[timem:s6], [sflag:s22] =	dma.local [hbm:s4], s20  }
0x9e: {  	_ =	swait.ge [sflag:s22], s20  }
0x9f: {  	s3 =	ssub.s32 $0x0, s20;
	[sflag:s22] =	ssyncset.done $0x0  }
0xa0: {  	[sflag:s22] =	ssyncadd.s32 s3;
	_ =	sdelay $0x1  }
0xa1: {  	s23 =	simm.s32 $0x1B8B  }
0xa2: {  	_ =	swait.ge [sflag:s23], $0x1  }
0xa3: {  	[sflag:s23] =	ssyncset.done $0x0  }
0xa4: {  	s25 =	simm.s32 $0x1B8E;
	s24 =	sld [smem:$0x3FFE];
	[sflag:s23] =	ssyncadd.s32 $0xFFFFFFFF  }
0xa5: {  	s26 =	simm.s32 $execute0_lowered;
	[smem:$0x3FD2] =	sst s25  }
0xa6: {  	s4 =	sshll.u32 s26, $0x1;
	_ =	strace $0x80000046;
	[dreg:$0x1] =	wrdreg $0xFFFFFFFF  }
0xa7: {  	s28 =	simm.s32 $_size_execute0_lowered;
	s2 =	sadd.s32 s2, s4;
	[dreg:$0x0] =	wrdreg $0x0  }
0xa8: {  	s4 =	sshll.u32 s28, $0x1;
	[dreg:$0x2] =	wrdreg s2  }
0xa9: {  	[dreg:$0x3] =	wrdreg s4  }
0xaa: {  	[dreg:$0x4] =	wrdreg $0xC0  }
0xab: {  	_ =	task [dreg:s6], $0x5FFFF  }
0xac: {  	[dreg:$0x1] =	wrdreg $0xFFFFFFFF  }
0xad: {  	[dreg:$0x0] =	wrdreg $0x60  }
0xae: {  	[dreg:$0x2] =	wrdreg s24  }
0xaf: {  	[dreg:$0x3] =	wrdreg $0x0  }
0xb0: {  	[dreg:$0x4] =	wrdreg $0x9  }
0xb1: {  	_ =	task.clear_ibuf [dreg:s6], $0x5FFFF;
	_ =	strace $0x90000046  }
0xb2: {  	s29 =	simm.s32 $0x9;
	_ =	strace $0x80000048  }
0xb3: {  	_ =	swait.ge [sflag:s29], $0x1  }
0xb4: {  	[sflag:s29] =	ssyncadd.s32 $0xFFFFFFFF  }
0xb5: {  	_ =	strace $0x90000048  }
0xb6: {  	_ =	sfence  }
0xb7: {  	s30 =	sld [smem:$0x0];
	_ =	sdelay $0x2  }
0xb8: {  	s31 =	sshll.u32 s1, $0xD;
	s1 =	sshrl.u32 s1, $0x2  }
0xb9: {  	s3 =	sand.u32 $0x4000, s31;
	s1 =	sadd.s32 s1, s30  }
0xba: {  	s0 =	sor.u32 s3, s0;
	s1 =	sshll.u32 s1, $0x11  }
0xbb: {  	s0 =	sor.u32 s1, s0  }
0xbc: {  	s0 =	sadd.s32 $0x8F2B, s0  }
0xbd: {  	[sflag:s0] =	ssyncadd.remote.s32 $0x1  }
0xbe: {  	_ =	sfence.sel $0xFFFF  }
0xbf: {  	[dreg:$0x0] =	wrdreg $0xFFFFFFFF;
	(pc) =	sbr.abs _section_cstart, $3  }
0xc0: {  	[dreg:$0x1] =	wrdreg $0xFFFFFFFF  }
0xc1: {  	_ =	task.clear_ibuf [dreg:s6], $0x2FFFF;
	_ =	strace $0x9FFFFFFF  }
0xc2: {  	(tm) =	ssettm $0x7FFFFFFF  }
0xc3: {  	_ =	shalt  }
tec
execute0_lowered:
.L_overlay_start_1:
0x0: {  	(tag) =	ssettag $0x1  }
0x1: {  	s5 =	rddreg [dreg:$0x0]  }
0x2: {  	s1 =	rddreg [dreg:$0x1];
	s2 =	srdreg.scid  }
0x3: {  	s0 =	rddreg [dreg:$0x2];
	s6 =	sand.u32 $0x1, s2  }
0x4: {  	s3 =	simm.s32 $0x0;
	s2 =	stileid.u32;
	s4 =	smul.u32 $0x140000, s6  }
0x5: {  	[smem:$0x7FF] =	sst s3;
	s7 =	smul.u32 $0x14000, s2;
	s8 =	sshll.u32 s6, $0x4  }
0x6: {  	_ =	strace $0x80000047;
	s9 =	sshll.u32 s6, $0x8;
	s22 =	ssub.s32 $0x2, s6  }
0x7: {  	s10 =	smul.u32 $0x50000, s2;
	s31 =	sshll.u32 s2, $0x4;
	s8 =	sor.u32 s2, s8  }
0x8: {  	s7 =	sadd.s32 s7, s4;
	p0 =	slt.u32 s8, $0x4;
	s4 =	simm.s32 $0x4F  }
0x9: {  	s21 =	sadd.s32 s9, s5;
	s24 =	sshrl.u32 s22, $0x1;
	s4 =	simm.s32 @!p0 $0x4E  }
0xa: {  	s9 =	ssub.s32 s22, s24;
	s29 =	sshrl.u32 s10, $0x2;
	s23 =	sadd.s32 $0x6, s4  }
0xb: {  	s8 =	sadd.s32 s31, s21;
	s25 =	sadd.s32 $0x2, s4;
	[dreg:$0x3] =	wrdreg s23  }
0xc: {  	s10 =	simm.s32 $0xD;
	s26 =	sadd.s32 $0x5, s4;
	[dreg:$0x4] =	wrdreg s25  }
0xd: {  	s7 =	sshrl.u32 s7, $0x3;
	s28 =	sadd.s32 $0x4, s4;
	[dreg:$0x5] =	wrdreg s26  }
0xe: {  	s8 =	sadd.s32 $0xBE00, s8;
	s30 =	sadd.s32 $0x3, s4;
	[dreg:$0x6] =	wrdreg s28  }
0xf: {  	s7 =	sadd.s32 s7, s5;
	s5 =	sadd.s32 s29, s1;
	[dreg:$0x7] =	wrdreg s30  }
0x10: {  	v0 =	vimm.f32 $1.000000000e+00;
	v1 =	vimm.f32 $0.0e+00;
	s6 =	sadd.s32 $0x15C00, s7;
	s7 =	smax.u32 s9, $0x1;
	s9 =	simm.s32 $0x6B00  }
.LBB2_1:
0x11: {  	s11 =	simm.s32 $0x0  }
.LBB2_2:
0x12: {  	p0 =	sne.s32 s11, $0xFE00  }
.Ltmp0:
0x13: {  	_ = 	snop;
	(pc) =	sbr.rel @p0 .LBB2_2-.Ltmp0, $3  }
0x14: {  	_ =	sdelay $0x1  }
0x15: {  	s12 =	sshra.s32 s11, $0x2  }
0x16: {  	s11 =	sadd.s32 $0x200, s11;
	[tilespmem:s12+$0x2B00] =	vst v0  }
0x17: {  	s11 =	simm.s32 $0x200;
	s12 =	simm.s32 $0x0  }
.LBB2_4:
0x18: {  	p0 =	sne.s32 s11, $0x4FE00;
	[tilespmem:s12+$0x6B00] =	vst v1;
	s12 =	smov.u32 s11;
	s11 =	sadd.s32 $0x200, s11  }
.Ltmp1:
0x19: {  	(pc) =	sbr.rel @p0 .LBB2_4-.Ltmp1, $2  }
0x1a: {  	_ =	sdelay $0x2  }
0x1b: {  	s12 =	sshra.s32 s12, $0x2  }
0x1c: {  	[tilespmem:s12+$0x6B00] =	vst v1  }
0x1d: {  	[spmem:s5] =	stream.linear.scatter [tilespmem:s9], [sflag:$0xD], $0x14000, $0x38;
	[tilespmem:$0x1AB00] =	vst v63  }
0x1e: {  	_ =	swait.ge [sflag:s10], $0x14000  }
0x1f: {  	[sflag:s10] =	ssyncset.done $0x0  }
0x20: {  	[sflag:s10] =	ssyncadd.s32 $0xFFFEC000  }
0x21: {  	[bflag:$0x0] =	sbarrier.arrive $0xFFFF  }
0x22: {  	p1 =	por $0x1, $0x1;
	s11 =	rddreg [dreg:$0x3]  }
0x23: {  	p0 =	sle.u32 @!p1 s11, $0x0  }
0x24: {  	p0 =	por p0, p1  }
0x25: {  	s11 =	simm.s32 @!p0 $0x7  }
0x26: {  	p3 =	sle.u32 s4, $0x0;
	p2 =	por $0x0, $0x0;
	_ =	swait.ge @!p0 [sflag:s11], $0x800  }
0x27: {  	s13 =	simm.s32 @!p3 $0x0;
	[sflag:s11] =	ssyncset.done @!p0 $0x0;
	s31 =	rddreg [dreg:$0x4]  }
0x28: {  	s14 =	simm.s32 @!p3 $0x2800;
	[sflag:s11] =	ssyncadd.s32 @!p0 $0xFFFFF800;
	p6 =	sgt.u32 s31, $0x0  }
0x29: {  	[tilespmem:s14], [sflag:$0x1] =	stream.linear.gather @!p3 [hbm4b:s8+s13], $0x80, $0x38;
	[tilespmem:$0x1AB00] =	vst v63  }
0x2a: {  	p0 =	por !p2, !p6  }
0x2b: {  	p0 =	por !p0, !p0  }
0x2c: {  	s11 =	simm.s32 @p0 $0x5  }
0x2d: {  	s12 =	simm.s32 @p0 $0x2A00;
	_ =	swait.ge @p0 [sflag:s11], $0x80  }
0x2e: {  	s15 =	simm.s32 @p0 $0x80;
	[sflag:s11] =	ssyncset.done @p0 $0x0;
	s13 =	rddreg [dreg:$0x5]  }
0x2f: {  	s16 =	simm.s32 @p0 $0x2B00;
	[sflag:s11] =	ssyncadd.s32 @p0 $0xFFFFFF80;
	p4 =	sle.u32 @!p1 s13, $0x0  }
0x30: {  	[spmem:s1] =	stream.indirect.scatter.add.f32 @p0 [tilespmem:s16], [sflag:$0xB], $0x10, s12, s15, $0xb8;
	[tilespmem:$0x1AB00] =	vst v63  }
0x31: {  	p6 =	sge.u32 s4, $0x0;
	p5 =	por p4, p1  }
0x32: {  	p2 =	por !p2, !p6;
	s11 =	simm.s32 @!p5 $0x8  }
0x33: {  	p2 =	por !p2, !p2;
	p4 =	sle.u32 s4, $0x1;
	_ =	swait.ge @!p5 [sflag:s11], $0x800  }
0x34: {  	s15 =	simm.s32 @p2 $0x6;
	s12 =	sadd.s32 @!p4 $0x200, s8;
	[sflag:s11] =	ssyncset.done @!p5 $0x0  }
0x35: {  	s13 =	simm.s32 @!p4 $0x0;
	[sflag:s11] =	ssyncadd.s32 @!p5 $0xFFFFF800;
	s11 =	simm.s32 @!p4 $0x2880  }
0x36: {  	[tilespmem:s11], [sflag:$0x2] =	stream.linear.gather @!p4 [hbm4b:s12+s13], $0x80, $0x38;
	[tilespmem:$0x1AB00] =	vst v63  }
0x37: {  	s16 =	simm.s32 @p2 $0x2B00;
	_ =	swait.ge @p2 [sflag:s15], $0x80  }
0x38: {  	s12 =	simm.s32 @p2 $0x80;
	[sflag:s15] =	ssyncset.done @p2 $0x0;
	s13 =	rddreg [dreg:$0x6]  }
0x39: {  	[sflag:s15] =	ssyncadd.s32 @p2 $0xFFFFFF80;
	s15 =	simm.s32 @p2 $0x2A80;
	p5 =	sle.u32 @!p1 s13, $0x0  }
0x3a: {  	[spmem:s1] =	stream.indirect.scatter.add.f32 @p2 [tilespmem:s16], [sflag:$0xC], $0x10, s15, s12, $0xb8;
	[tilespmem:$0x1AB00] =	vst v63  }
0x3b: {  	p6 =	por p5, p1  }
0x3c: {  	s12 =	simm.s32 @!p6 $0x9  }
0x3d: {  	p5 =	sle.u32 s4, $0x2;
	_ =	swait.ge @!p6 [sflag:s12], $0x800  }
0x3e: {  	s15 =	simm.s32 @!p3 $0x1;
	s13 =	sadd.s32 @!p5 $0x400, s8;
	[sflag:s12] =	ssyncset.done @!p6 $0x0  }
0x3f: {  	s16 =	simm.s32 @!p5 $0x2900;
	[sflag:s12] =	ssyncadd.s32 @!p6 $0xFFFFF800;
	s12 =	simm.s32 @!p5 $0x0  }
0x40: {  	[tilespmem:s16], [sflag:$0x3] =	stream.linear.gather @!p5 [hbm4b:s13+s12], $0x80, $0x38;
	[tilespmem:$0x1AB00] =	vst v63  }
0x41: {  	_ =	swait.ge @!p3 [sflag:s15], $0x80  }
0x42: {  	s13 =	simm.s32 @!p3 $0x80;
	[sflag:s15] =	ssyncset.done @!p3 $0x0  }
0x43: {  	s12 =	rddreg [dreg:$0x7];
	[sflag:s15] =	ssyncadd.s32 @!p3 $0xFFFFFF80;
	s15 =	simm.s32 @!p3 $0x2B00  }
0x44: {  	[spmem:s1] =	stream.indirect.scatter.add.f32 @!p3 [tilespmem:s15], [sflag:$0x7], $0x10, s14, s13, $0xb8;
	[tilespmem:$0x1AB00] =	vst v63  }
0x45: {  	p3 =	sle.u32 @!p1 s12, $0x0  }
0x46: {  	p3 =	por p3, p1  }
0x47: {  	s12 =	simm.s32 @!p3 $0xA  }
0x48: {  	p1 =	sle.u32 s4, $0x3;
	_ =	swait.ge @!p3 [sflag:s12], $0x800  }
0x49: {  	s14 =	simm.s32 @!p4 $0x2;
	s13 =	sadd.s32 @!p1 $0x600, s8;
	[sflag:s12] =	ssyncset.done @!p3 $0x0  }
0x4a: {  	s15 =	simm.s32 @!p1 $0x2980;
	[sflag:s12] =	ssyncadd.s32 @!p3 $0xFFFFF800;
	s12 =	simm.s32 @!p1 $0x0  }
0x4b: {  	[tilespmem:s15], [sflag:$0x4] =	stream.linear.gather @!p1 [hbm4b:s13+s12], $0x80, $0x38;
	[tilespmem:$0x1AB00] =	vst v63  }
0x4c: {  	_ =	swait.ge @!p4 [sflag:s14], $0x80  }
0x4d: {  	s17 =	simm.s32 @!p4 $0x2B00;
	[sflag:s14] =	ssyncset.done @!p4 $0x0  }
0x4e: {  	s12 =	simm.s32 @p0 $0xB;
	s13 =	simm.s32 @!p4 $0x80;
	[sflag:s14] =	ssyncadd.s32 @!p4 $0xFFFFFF80  }
0x4f: {  	[spmem:s1] =	stream.indirect.scatter.add.f32 @!p4 [tilespmem:s17], [sflag:$0x8], $0x10, s11, s13, $0xb8;
	[tilespmem:$0x1AB00] =	vst v63  }
0x50: {  	p3 =	sle.u32 s4, $0x4;
	_ =	swait.ge @p0 [sflag:s12], $0x800  }
0x51: {  	s14 =	simm.s32 @!p5 $0x3;
	s11 =	sadd.s32 @!p3 $0x800, s8;
	[sflag:s12] =	ssyncset.done @p0 $0x0  }
0x52: {  	s13 =	simm.s32 @!p3 $0x2A00;
	[sflag:s12] =	ssyncadd.s32 @p0 $0xFFFFF800;
	s12 =	simm.s32 @!p3 $0x0  }
0x53: {  	[tilespmem:s13], [sflag:$0x5] =	stream.linear.gather @!p3 [hbm4b:s11+s12], $0x80, $0x38;
	[tilespmem:$0x1AB00] =	vst v63  }
0x54: {  	s18 =	simm.s32 @!p1 $0x80;
	_ =	swait.ge @!p5 [sflag:s14], $0x80  }
0x55: {  	p0 =	sle.u32 s4, $0x5;
	s11 =	simm.s32 @!p5 $0x80;
	[sflag:s14] =	ssyncset.done @!p5 $0x0  }
0x56: {  	s12 =	simm.s32 @!p5 $0x2B00;
	s13 =	simm.s32 @p2 $0xC;
	[sflag:s14] =	ssyncadd.s32 @!p5 $0xFFFFFF80  }
0x57: {  	[spmem:s1] =	stream.indirect.scatter.add.f32 @!p5 [tilespmem:s12], [sflag:$0x9], $0x10, s16, s11, $0xb8;
	[tilespmem:$0x1AB00] =	vst v63  }
0x58: {  	s19 =	simm.s32 @!p1 $0x2B00;
	s14 =	simm.s32 @!p0 $0x2A80;
	_ =	swait.ge @p2 [sflag:s13], $0x800  }
0x59: {  	s12 =	simm.s32 $0x6;
	s11 =	sadd.s32 @!p0 $0xA00, s8;
	[sflag:s13] =	ssyncset.done @p2 $0x0  }
0x5a: {  	s16 =	simm.s32 @!p1 $0x4;
	[sflag:s13] =	ssyncadd.s32 @p2 $0xFFFFF800;
	s13 =	simm.s32 @!p0 $0x0  }
0x5b: {  	[tilespmem:s14], [sflag:$0x6] =	stream.linear.gather @!p0 [hbm4b:s11+s13], $0x80, $0x38;
	[tilespmem:$0x1AB00] =	vst v63  }
0x5c: {  	s13 =	simm.s32 $0xC;
	s11 =	sadd.s32 $0xC00, s8;
	_ =	swait.ge @!p1 [sflag:s16], $0x80  }
.LBB2_6:
0x5d: {  	s17 =	rddreg [dreg:$0x3]  }
0x5e: {  	[sflag:s16] =	ssyncset.done @!p1 $0x0;
	s14 =	smov.u32 s13;
	s13 =	sadd.s32 $0x6, s13  }
0x5f: {  	p4 =	seq.s32 s12, $0x0;
	p0 =	sne.s32 s13, $0x5A;
	[sflag:s16] =	ssyncadd.s32 @!p1 $0xFFFFFF80  }
0x60: {  	[spmem:s1] =	stream.indirect.scatter.add.f32 @!p1 [tilespmem:s19], [sflag:$0xA], $0x10, s15, s18, $0xb8;
	[tilespmem:$0x1AB00] =	vst v63  }
0x61: {  	s20 =	simm.s32 @!p0 $0x0;
	p1 =	sge.u32 @!p4 s12, s17  }
0x62: {  	s20 =	simm.s32 @p0 $0x1;
	p2 =	por p1, p4  }
0x63: {  	[smem:$0x7FD] =	sst s20;
	s16 =	simm.s32 @!p2 $0x7  }
0x64: {  	p6 =	sne.s32 s12, $0x0;
	p1 =	sge.u32 s12, s4;
	_ =	swait.ge @!p2 [sflag:s16], $0x800  }
0x65: {  	s17 =	simm.s32 @!p1 $0x0;
	[sflag:s16] =	ssyncset.done @!p2 $0x0;
	s24 =	rddreg [dreg:$0x4]  }
0x66: {  	s15 =	simm.s32 @!p1 $0x2800;
	[sflag:s16] =	ssyncadd.s32 @!p2 $0xFFFFF800;
	p5 =	slt.u32 s12, s24  }
0x67: {  	[tilespmem:s15], [sflag:$0x1] =	stream.linear.gather @!p1 [hbm4b:s11+s17], $0x80, $0x38;
	[tilespmem:$0x1AB00] =	vst v63  }
0x68: {  	p2 =	por !p6, !p5  }
0x69: {  	p2 =	por !p2, !p2  }
0x6a: {  	s16 =	simm.s32 @p2 $0x5  }
0x6b: {  	p3 =	sle.u32 s12, s4;
	s17 =	simm.s32 @p2 $0x2A00;
	_ =	swait.ge @p2 [sflag:s16], $0x80  }
0x6c: {  	s18 =	simm.s32 @p2 $0x80;
	[sflag:s16] =	ssyncset.done @p2 $0x0;
	s20 =	rddreg [dreg:$0x5]  }
0x6d: {  	s19 =	simm.s32 @p2 $0x2B00;
	[sflag:s16] =	ssyncadd.s32 @p2 $0xFFFFFF80;
	p5 =	sge.u32 @!p4 s12, s20  }
0x6e: {  	[spmem:s1] =	stream.indirect.scatter.add.f32 @p2 [tilespmem:s19], [sflag:$0xB], $0x10, s17, s18, $0xb8;
	[tilespmem:$0x1AB00] =	vst v63  }
0x6f: {  	p3 =	por !p6, !p3;
	p6 =	por p5, p4  }
0x70: {  	s25 =	sadd.s32 $0x1, s12;
	s17 =	simm.s32 @!p6 $0x8  }
0x71: {  	p3 =	por !p3, !p3;
	p5 =	sge.u32 s25, s4;
	_ =	swait.ge @!p6 [sflag:s17], $0x800  }
0x72: {  	s20 =	simm.s32 @p3 $0x6;
	s18 =	sadd.s32 @!p5 $0x200, s11;
	[sflag:s17] =	ssyncset.done @!p6 $0x0  }
0x73: {  	s19 =	simm.s32 @!p5 $0x0;
	s16 =	simm.s32 @!p5 $0x2880;
	[sflag:s17] =	ssyncadd.s32 @!p6 $0xFFFFF800  }
0x74: {  	[tilespmem:s16], [sflag:$0x2] =	stream.linear.gather @!p5 [hbm4b:s18+s19], $0x80, $0x38;
	[tilespmem:$0x1AB00] =	vst v63  }
0x75: {  	s17 =	simm.s32 @p3 $0x80;
	_ =	swait.ge @p3 [sflag:s20], $0x80  }
0x76: {  	s19 =	simm.s32 @p3 $0x2A80;
	[sflag:s20] =	ssyncset.done @p3 $0x0;
	s18 =	rddreg [dreg:$0x6]  }
0x77: {  	[sflag:s20] =	ssyncadd.s32 @p3 $0xFFFFFF80;
	s20 =	simm.s32 @p3 $0x2B00;
	p6 =	sge.u32 @!p4 s12, s18  }
0x78: {  	[spmem:s1] =	stream.indirect.scatter.add.f32 @p3 [tilespmem:s20], [sflag:$0xC], $0x10, s19, s17, $0xb8;
	[tilespmem:$0x1AB00] =	vst v63  }
0x79: {  	p0 =	por p6, p4  }
0x7a: {  	s26 =	sadd.s32 $0x2, s12;
	s18 =	simm.s32 @!p0 $0x9  }
0x7b: {  	p6 =	sge.u32 s26, s4;
	_ =	swait.ge @!p0 [sflag:s18], $0x800  }
0x7c: {  	s20 =	simm.s32 @!p1 $0x1;
	s19 =	sadd.s32 @!p6 $0x400, s11;
	[sflag:s18] =	ssyncset.done @!p0 $0x0  }
0x7d: {  	s17 =	simm.s32 @!p6 $0x2900;
	[sflag:s18] =	ssyncadd.s32 @!p0 $0xFFFFF800;
	s18 =	simm.s32 @!p6 $0x0  }
0x7e: {  	[tilespmem:s17], [sflag:$0x3] =	stream.linear.gather @!p6 [hbm4b:s19+s18], $0x80, $0x38;
	[tilespmem:$0x1AB00] =	vst v63  }
0x7f: {  	_ =	swait.ge @!p1 [sflag:s20], $0x80  }
0x80: {  	s18 =	simm.s32 @!p1 $0x80;
	[sflag:s20] =	ssyncset.done @!p1 $0x0;
	s19 =	rddreg [dreg:$0x7]  }
0x81: {  	[sflag:s20] =	ssyncadd.s32 @!p1 $0xFFFFFF80;
	s20 =	simm.s32 @!p1 $0x2B00;
	p0 =	sge.u32 @!p4 s12, s19  }
0x82: {  	[spmem:s1] =	stream.indirect.scatter.add.f32 @!p1 [tilespmem:s20], [sflag:$0x7], $0x10, s15, s18, $0xb8;
	[tilespmem:$0x1AB00] =	vst v63  }
0x83: {  	p0 =	por p0, p4  }
0x84: {  	s28 =	sadd.s32 $0x3, s12;
	s18 =	simm.s32 @!p0 $0xA  }
0x85: {  	p1 =	sge.u32 s28, s4;
	_ =	swait.ge @!p0 [sflag:s18], $0x800  }
0x86: {  	s20 =	simm.s32 @!p5 $0x2;
	s19 =	sadd.s32 @!p1 $0x600, s11;
	[sflag:s18] =	ssyncset.done @!p0 $0x0  }
0x87: {  	s15 =	simm.s32 @!p1 $0x2980;
	[sflag:s18] =	ssyncadd.s32 @!p0 $0xFFFFF800;
	s18 =	simm.s32 @!p1 $0x0  }
0x88: {  	[tilespmem:s15], [sflag:$0x4] =	stream.linear.gather @!p1 [hbm4b:s19+s18], $0x80, $0x38;
	[tilespmem:$0x1AB00] =	vst v63  }
0x89: {  	_ =	swait.ge @!p5 [sflag:s20], $0x80  }
0x8a: {  	s29 =	sadd.s32 $0x4, s12;
	s21 =	simm.s32 @p2 $0xB;
	[sflag:s20] =	ssyncset.done @!p5 $0x0  }
0x8b: {  	s22 =	simm.s32 @!p5 $0x80;
	s23 =	simm.s32 @!p5 $0x2B00;
	[sflag:s20] =	ssyncadd.s32 @!p5 $0xFFFFFF80  }
0x8c: {  	[spmem:s1] =	stream.indirect.scatter.add.f32 @!p5 [tilespmem:s23], [sflag:$0x8], $0x10, s16, s22, $0xb8;
	[tilespmem:$0x1AB00] =	vst v63  }
0x8d: {  	p0 =	sge.u32 s29, s4;
	_ =	swait.ge @p2 [sflag:s21], $0x800  }
0x8e: {  	s20 =	simm.s32 @!p0 $0x2A00;
	s16 =	sadd.s32 @!p0 $0x800, s11;
	[sflag:s21] =	ssyncset.done @p2 $0x0  }
0x8f: {  	s22 =	simm.s32 @!p6 $0x3;
	[sflag:s21] =	ssyncadd.s32 @p2 $0xFFFFF800;
	s21 =	simm.s32 @!p0 $0x0  }
0x90: {  	[tilespmem:s20], [sflag:$0x5] =	stream.linear.gather @!p0 [hbm4b:s16+s21], $0x80, $0x38;
	[tilespmem:$0x1AB00] =	vst v63  }
0x91: {  	_ =	swait.ge @!p6 [sflag:s22], $0x80  }
0x92: {  	s30 =	sadd.s32 $0x5, s12;
	s16 =	simm.s32 @!p6 $0x80;
	[sflag:s22] =	ssyncset.done @!p6 $0x0  }
0x93: {  	s20 =	simm.s32 @!p6 $0x2B00;
	s21 =	simm.s32 @p3 $0xC;
	[sflag:s22] =	ssyncadd.s32 @!p6 $0xFFFFFF80  }
0x94: {  	[spmem:s1] =	stream.indirect.scatter.add.f32 @!p6 [tilespmem:s20], [sflag:$0x9], $0x10, s17, s16, $0xb8;
	[tilespmem:$0x1AB00] =	vst v63  }
0x95: {  	p0 =	sge.u32 s30, s4;
	_ =	swait.ge @p3 [sflag:s21], $0x800  }
0x96: {  	s12 =	sadd.s32 @!p0 $0xA00, s11;
	s17 =	simm.s32 @!p0 $0x2A80;
	[sflag:s21] =	ssyncset.done @p3 $0x0  }
0x97: {  	s20 =	simm.s32 @!p0 $0x0;
	s16 =	simm.s32 @!p1 $0x4;
	[sflag:s21] =	ssyncadd.s32 @p3 $0xFFFFF800  }
0x98: {  	[tilespmem:s17], [sflag:$0x6] =	stream.linear.gather @!p0 [hbm4b:s12+s20], $0x80, $0x38;
	[tilespmem:$0x1AB00] =	vst v63  }
0x99: {  	_ =	swait.ge @!p1 [sflag:s16], $0x80  }
0x9a: {  	s31 =	sld [smem:$0x7FD];
	_ =	sdelay $0x2  }
0x9b: {  	p0 =	seq.s32 s31, $0x1  }
.Ltmp2:
0x9c: {  	_ = 	snop;
	(pc) =	sbr.rel @p0 .LBB2_6-.Ltmp2, $3  }
0x9d: {  	_ =	sdelay $0x1  }
0x9e: {  	s18 =	simm.s32 @!p1 $0x80  }
0x9f: {  	s19 =	simm.s32 @!p1 $0x2B00;
	s11 =	sadd.s32 $0xC00, s11;
	s12 =	smov.u32 s14  }
0xa0: {  	s13 =	rddreg [dreg:$0x3];
	[sflag:s16] =	ssyncset.done @!p1 $0x0;
	p2 =	seq.s32 s12, $0x0  }
0xa1: {  	[sflag:s16] =	ssyncadd.s32 @!p1 $0xFFFFFF80;
	p0 =	sge.u32 @!p2 s12, s13  }
0xa2: {  	[spmem:s1] =	stream.indirect.scatter.add.f32 @!p1 [tilespmem:s19], [sflag:$0xA], $0x10, s15, s18, $0xb8;
	[tilespmem:$0x1AB00] =	vst v63  }
0xa3: {  	p0 =	por p0, p2  }
0xa4: {  	p3 =	sge.u32 s12, s4;
	s13 =	simm.s32 @!p0 $0x7  }
0xa5: {  	s16 =	simm.s32 @!p3 $0x2800;
	_ =	swait.ge @!p0 [sflag:s13], $0x800  }
0xa6: {  	s15 =	simm.s32 @!p3 $0x0;
	[sflag:s13] =	ssyncset.done @!p0 $0x0;
	s14 =	rddreg [dreg:$0x4]  }
0xa7: {  	p1 =	sne.s32 s12, $0x0;
	[sflag:s13] =	ssyncadd.s32 @!p0 $0xFFFFF800;
	p6 =	slt.u32 s12, s14  }
0xa8: {  	[tilespmem:s16], [sflag:$0x1] =	stream.linear.gather @!p3 [hbm4b:s11+s15], $0x80, $0x38;
	[tilespmem:$0x1AB00] =	vst v63  }
0xa9: {  	p0 =	por !p1, !p6  }
0xaa: {  	p0 =	por !p0, !p0  }
0xab: {  	s13 =	simm.s32 @p0 $0x5  }
0xac: {  	s14 =	simm.s32 @p0 $0x2A00;
	_ =	swait.ge @p0 [sflag:s13], $0x80  }
0xad: {  	s17 =	simm.s32 @p0 $0x80;
	[sflag:s13] =	ssyncset.done @p0 $0x0;
	s15 =	rddreg [dreg:$0x5]  }
0xae: {  	s18 =	simm.s32 @p0 $0x2B00;
	[sflag:s13] =	ssyncadd.s32 @p0 $0xFFFFFF80;
	p4 =	sge.u32 @!p2 s12, s15  }
0xaf: {  	[spmem:s1] =	stream.indirect.scatter.add.f32 @p0 [tilespmem:s18], [sflag:$0xB], $0x10, s14, s17, $0xb8;
	[tilespmem:$0x1AB00] =	vst v63  }
0xb0: {  	p6 =	sle.u32 s12, s4;
	p5 =	por p4, p2  }
0xb1: {  	s24 =	sadd.s32 $0x1, s12;
	p1 =	por !p1, !p6;
	s14 =	simm.s32 @!p5 $0x8  }
0xb2: {  	p1 =	por !p1, !p1;
	p4 =	sge.u32 s24, s4;
	_ =	swait.ge @!p5 [sflag:s14], $0x800  }
0xb3: {  	s17 =	simm.s32 @p1 $0x6;
	s13 =	sadd.s32 @!p4 $0x200, s11;
	[sflag:s14] =	ssyncset.done @!p5 $0x0  }
0xb4: {  	s15 =	simm.s32 @!p4 $0x0;
	[sflag:s14] =	ssyncadd.s32 @!p5 $0xFFFFF800;
	s14 =	simm.s32 @!p4 $0x2880  }
0xb5: {  	[tilespmem:s14], [sflag:$0x2] =	stream.linear.gather @!p4 [hbm4b:s13+s15], $0x80, $0x38;
	[tilespmem:$0x1AB00] =	vst v63  }
0xb6: {  	s18 =	simm.s32 @p1 $0x2B00;
	_ =	swait.ge @p1 [sflag:s17], $0x80  }
0xb7: {  	s13 =	simm.s32 @p1 $0x80;
	[sflag:s17] =	ssyncset.done @p1 $0x0;
	s15 =	rddreg [dreg:$0x6]  }
0xb8: {  	[sflag:s17] =	ssyncadd.s32 @p1 $0xFFFFFF80;
	s17 =	simm.s32 @p1 $0x2A80;
	p5 =	sge.u32 @!p2 s12, s15  }
0xb9: {  	[spmem:s1] =	stream.indirect.scatter.add.f32 @p1 [tilespmem:s18], [sflag:$0xC], $0x10, s17, s13, $0xb8;
	[tilespmem:$0x1AB00] =	vst v63  }
0xba: {  	p6 =	por p5, p2  }
0xbb: {  	s25 =	sadd.s32 $0x2, s12;
	s15 =	simm.s32 @!p6 $0x9  }
0xbc: {  	p5 =	sge.u32 s25, s4;
	_ =	swait.ge @!p6 [sflag:s15], $0x800  }
0xbd: {  	s18 =	simm.s32 @!p3 $0x1;
	s13 =	sadd.s32 @!p5 $0x400, s11;
	[sflag:s15] =	ssyncset.done @!p6 $0x0  }
0xbe: {  	s17 =	simm.s32 @!p5 $0x2900;
	[sflag:s15] =	ssyncadd.s32 @!p6 $0xFFFFF800;
	s15 =	simm.s32 @!p5 $0x0  }
0xbf: {  	[tilespmem:s17], [sflag:$0x3] =	stream.linear.gather @!p5 [hbm4b:s13+s15], $0x80, $0x38;
	[tilespmem:$0x1AB00] =	vst v63  }
0xc0: {  	_ =	swait.ge @!p3 [sflag:s18], $0x80  }
0xc1: {  	s15 =	simm.s32 @!p3 $0x80;
	[sflag:s18] =	ssyncset.done @!p3 $0x0  }
0xc2: {  	s13 =	rddreg [dreg:$0x7];
	[sflag:s18] =	ssyncadd.s32 @!p3 $0xFFFFFF80;
	s18 =	simm.s32 @!p3 $0x2B00  }
0xc3: {  	[spmem:s1] =	stream.indirect.scatter.add.f32 @!p3 [tilespmem:s18], [sflag:$0x7], $0x10, s16, s15, $0xb8;
	[tilespmem:$0x1AB00] =	vst v63  }
0xc4: {  	p3 =	sge.u32 @!p2 s12, s13  }
0xc5: {  	p3 =	por p3, p2  }
0xc6: {  	s26 =	sadd.s32 $0x3, s12;
	s15 =	simm.s32 @!p3 $0xA  }
0xc7: {  	p2 =	sge.u32 s26, s4;
	_ =	swait.ge @!p3 [sflag:s15], $0x800  }
0xc8: {  	s18 =	simm.s32 @!p4 $0x2;
	s13 =	sadd.s32 @!p2 $0x600, s11;
	[sflag:s15] =	ssyncset.done @!p3 $0x0  }
0xc9: {  	s16 =	simm.s32 @!p2 $0x2980;
	[sflag:s15] =	ssyncadd.s32 @!p3 $0xFFFFF800;
	s15 =	simm.s32 @!p2 $0x0  }
0xca: {  	[tilespmem:s16], [sflag:$0x4] =	stream.linear.gather @!p2 [hbm4b:s13+s15], $0x80, $0x38;
	[tilespmem:$0x1AB00] =	vst v63  }
0xcb: {  	_ =	swait.ge @!p4 [sflag:s18], $0x80  }
0xcc: {  	s28 =	sadd.s32 $0x4, s12;
	s19 =	simm.s32 @!p4 $0x2B00;
	[sflag:s18] =	ssyncset.done @!p4 $0x0  }
0xcd: {  	s13 =	simm.s32 @p0 $0xB;
	s15 =	simm.s32 @!p4 $0x80;
	[sflag:s18] =	ssyncadd.s32 @!p4 $0xFFFFFF80  }
0xce: {  	[spmem:s1] =	stream.indirect.scatter.add.f32 @!p4 [tilespmem:s19], [sflag:$0x8], $0x10, s14, s15, $0xb8;
	[tilespmem:$0x1AB00] =	vst v63  }
0xcf: {  	p3 =	sge.u32 s28, s4;
	_ =	swait.ge @p0 [sflag:s13], $0x800  }
0xd0: {  	s18 =	simm.s32 @!p5 $0x3;
	s14 =	sadd.s32 @!p3 $0x800, s11;
	[sflag:s13] =	ssyncset.done @p0 $0x0  }
0xd1: {  	s15 =	simm.s32 @!p3 $0x2A00;
	[sflag:s13] =	ssyncadd.s32 @p0 $0xFFFFF800;
	s13 =	simm.s32 @!p3 $0x0  }
0xd2: {  	[tilespmem:s15], [sflag:$0x5] =	stream.linear.gather @!p3 [hbm4b:s14+s13], $0x80, $0x38;
	[tilespmem:$0x1AB00] =	vst v63  }
0xd3: {  	_ =	swait.ge @!p5 [sflag:s18], $0x80  }
0xd4: {  	s29 =	sadd.s32 $0x5, s12;
	s13 =	simm.s32 @!p5 $0x80;
	[sflag:s18] =	ssyncset.done @!p5 $0x0  }
0xd5: {  	s14 =	simm.s32 @!p5 $0x2B00;
	s15 =	simm.s32 @p1 $0xC;
	[sflag:s18] =	ssyncadd.s32 @!p5 $0xFFFFFF80  }
0xd6: {  	[spmem:s1] =	stream.indirect.scatter.add.f32 @!p5 [tilespmem:s14], [sflag:$0x9], $0x10, s17, s13, $0xb8;
	[tilespmem:$0x1AB00] =	vst v63  }
0xd7: {  	p0 =	sge.u32 s29, s4;
	_ =	swait.ge @p1 [sflag:s15], $0x800  }
0xd8: {  	s11 =	sadd.s32 @!p0 $0xA00, s11;
	s12 =	simm.s32 @!p0 $0x2A80;
	[sflag:s15] =	ssyncset.done @p1 $0x0  }
0xd9: {  	s13 =	simm.s32 @!p0 $0x0;
	s14 =	simm.s32 @!p2 $0x4;
	[sflag:s15] =	ssyncadd.s32 @p1 $0xFFFFF800  }
0xda: {  	[tilespmem:s12], [sflag:$0x6] =	stream.linear.gather @!p0 [hbm4b:s11+s13], $0x80, $0x38;
	[tilespmem:$0x1AB00] =	vst v63  }
0xdb: {  	s30 =	sshll.u32 s2, $0x6;
	s31 =	sshrl.u32 s5, $0x3;
	_ =	swait.ge @!p2 [sflag:s14], $0x80  }
0xdc: {  	s3 =	sadd.s32 $0x1, s3;
	s11 =	simm.s32 @!p2 $0x80;
	[sflag:s14] =	ssyncset.done @!p2 $0x0  }
0xdd: {  	s12 =	simm.s32 @!p2 $0x2B00;
	p0 =	sne.s32 s3, s7;
	[sflag:s14] =	ssyncadd.s32 @!p2 $0xFFFFFF80  }
0xde: {  	[spmem:s1] =	stream.indirect.scatter.add.f32 @!p2 [tilespmem:s12], [sflag:$0xA], $0x10, s16, s11, $0xb8;
	[tilespmem:$0x1AB00] =	vst v63  }
.Ltmp3:
0xdf: {  	s11 =	sor.u32 $0x1C0D, s30;
	[bflag:$0x0] =	sbarrier.arrive $0xFFFF;
	(pc) =	sbr.rel @p0 .LBB2_1-.Ltmp3, $4  }
0xe0: {  	[hbm:s6], [sflag:s11] =	dma.local [spmem:s31], $0x2800  }
0xe1: {  	_ =	swait.ge [sflag:s10], $0x2800  }
0xe2: {  	[sflag:s10] =	ssyncset.done $0x0  }
0xe3: {  	[sflag:s10] =	ssyncadd.s32 $0xFFFFD800  }
0xe4: {  	_ =	sfence.sel $0x180000  }
0xe5: {  	[bflag:$0x0] =	sbarrier.arrive $0xFFFF  }
0xe6: {  	p0 =	sne.s32 s2, $0x0;
	_ =	strace $0x90000047  }
0xe7: {  	s0 =	sadd.s32 @!p0 $0x100000, s0;
	[bflag:$0x2] =	sbarrier.arrive $0xFFFF  }
0xe8: {  	[sflag:s0] =	ssyncadd.tile.s32 @!p0 $0x1;
	_ =	shalt  }
.Lfunc_end2:
_tile_overlayer_lowered:
.L_overlay_start_2:
0xe9: {  	(tag) =	ssettag $0x2  }
0xea: {  	s0 =	rddreg [dreg:$0x0];
	s2 =	stileid.u32  }
0xeb: {  	s1 =	rddreg [dreg:$0x1];
	p0 =	sne.s32 s2, $0x0  }
0xec: {  	s3 =	rddreg [dreg:$0x2];
	[bflag:$0x3] =	sbarrier.arrive $0xFFFF;
	s2 =	simm.s32 @!p0 $0x1C0D  }
0xed: {  	[timem:s3], [sflag:s2] =	dma.local @!p0 [hbm:s0], s1  }
0xee: {  	s0 =	simm.s32 @!p0 $0xD  }
0xef: {  	_ =	swait.ge @!p0 [sflag:s0], s1  }
0xf0: {  	s1 =	ssub.s32 @!p0 $0x0, s1;
	[sflag:s0] =	ssyncset.done @!p0 $0x0  }
0xf1: {  	[sflag:s0] =	ssyncadd.s32 @!p0 s1  }
0xf2: {  	[bflag:$0x3] =	sbarrier.arrive $0xFFFF  }
0xf3: {  	_ =	shalt  }

</sc_bundles>
